<compile_context>
chip_gen: v7x
topology: tpu7x:2x2x1
jax: 0.10.2.dev20260603
libtpu: 0.0.44.dev20260713+nightly
codegen_flags: <defaults>
</compile_context>

<pallas_src>
import functools

import numpy as np
import jax
import jax.numpy as jnp
from jax import lax
from jax.experimental import pallas as pl
from jax.experimental.pallas import tpu as pltpu
from jax.experimental.pallas import tpu_sc as plsc

NGH = 7
SUBQ = -8
SUBD = 1
POS_D = 3
NEG_D = 5
BORDER = 16
SUBD_NEG = -8
B, C, H, W = 2, 128, 384, 384
HW = H * W

def _make_offsets():
    pos, neg = [], []
    pos_d2, neg_d2, rad2 = POS_D ** 2, NEG_D ** 2, NGH ** 2
    rad = (NGH // SUBD) * NGH
    for j in range(-rad, rad + 1, SUBD):
        for i in range(-rad, rad + 1, SUBD):
            d2 = i * i + j * j
            if d2 <= pos_d2:
                pos.append((i, j))
            elif neg_d2 <= d2 <= rad2:
                neg.append((i, j))
    return (np.array(pos, dtype=np.int32).T, np.array(neg, dtype=np.int32).T)

_POS_OFF, _NEG_OFF = _make_offsets()
NPOS = _POS_OFF.shape[1]
NNEG = _NEG_OFF.shape[1]
NOFF = NPOS + NNEG
NOFF_PAD = 112
_ALL_OFF = np.concatenate(
    [_POS_OFF, _NEG_OFF, np.zeros((2, NOFF_PAD - NOFF), np.int32)], axis=1)

_CPERM = np.concatenate([
    np.concatenate([np.arange(32 * p, 32 * p + 32, 2),
                    np.arange(32 * p + 1, 32 * p + 32, 2)])
    for p in range(4)])

NQ = (H - 2 * BORDER) * (W - 2 * BORDER) // (SUBQ * SUBQ)
N = B * NQ
NPAD = 4096

_NC, _NS = 2, 16
_NW = _NC * _NS
_QPW = N // _NW
_GPW = NPAD // _NW

_sc_mesh = plsc.VectorSubcoreMesh(
    core_axis_name="c", subcore_axis_name="s", num_cores=_NC, num_subcores=_NS)


def _rand_grid(key):
    kx, ky = jax.random.split(key)
    x = jax.random.randint(kx, (NQ,), BORDER, W - BORDER)
    y = jax.random.randint(ky, (NQ,), BORDER, H - BORDER)
    x = jnp.broadcast_to(x[None, :], (B, NQ)).reshape(-1)
    y = jnp.broadcast_to(y[None, :], (B, NQ)).reshape(-1)
    b = jnp.broadcast_to(jnp.arange(B)[:, None], (B, NQ)).reshape(-1)
    return b, y, x


@functools.partial(
    pl.kernel,
    out_type=jax.ShapeDtypeStruct((N * NOFF_PAD,), jnp.float32),
    mesh=_sc_mesh,
    compiler_params=pltpu.CompilerParams(needs_layout_passes=False),
    scratch_types=[
        pltpu.VMEM((_QPW * NOFF_PAD,), jnp.int32),
        pltpu.VMEM((_QPW * C,), jnp.float32),
        pltpu.VMEM((NOFF_PAD, C), jnp.float32),
        pltpu.VMEM((NOFF_PAD, C), jnp.float32),
        pltpu.VMEM((NOFF_PAD * 16,), jnp.float32),
        pltpu.VMEM((_QPW * NOFF_PAD,), jnp.float32),
        pltpu.SemaphoreType.DMA,
        pltpu.SemaphoreType.DMA,
    ],
)
def _sc_ngh_scores(f2t_hbm, f1g_hbm, nidx_hbm, ns_hbm,
                   nidx_v, f1_v, rows0_v, rows1_v, accs_v, out_v, sem0, sem1):
    wid = lax.axis_index("s") * _NC + lax.axis_index("c")

    pltpu.sync_copy(nidx_hbm.at[pl.ds(wid * (_QPW * NOFF_PAD), _QPW * NOFF_PAD)],
                    nidx_v)
    pltpu.sync_copy(f1g_hbm.at[pl.ds(wid * (_QPW * C), _QPW * C)], f1_v)

    rows = (rows0_v, rows1_v)
    sems = (sem0, sem1)
    lane = lax.broadcasted_iota(jnp.int32, (16,), 0)
    ngroup = NOFF_PAD // 16
    row_ids16 = [(lane + g * 16) * 16 for g in range(ngroup)]
    nchunk = C // 16

    def start(q, b):
        idx = nidx_v.at[pl.ds(q * NOFF_PAD, NOFF_PAD)]
        pltpu.async_copy(f2t_hbm.at[idx], rows[b], sems[b])

    def wait(b):
        idx = nidx_v.at[pl.ds(0, NOFF_PAD)]
        pltpu.make_async_copy(f2t_hbm.at[idx], rows[b], sems[b]).wait()

    def compute(q, b):
        rv = rows[b]
        f1c = [f1_v[pl.ds(q * C + k * 16, 16)] for k in range(nchunk)]

        def obody(i4, c2):
            for u in range(4):
                i = i4 * 4 + u
                acc = f1c[0] * rv[i, pl.ds(0, 16)]
                for k in range(1, nchunk):
                    acc = acc + f1c[k] * rv[i, pl.ds(k * 16, 16)]
                accs_v[pl.ds(i * 16, 16)] = acc
            return c2

        lax.fori_loop(0, NOFF_PAD // 4, obody, 0)
        sums = [jnp.zeros((16,), jnp.float32) for _ in range(ngroup)]
        for l in range(16):
            for g in range(ngroup):
                sums[g] = sums[g] + plsc.load_gather(accs_v, [row_ids16[g] + l])
        for g in range(ngroup):
            out_v[pl.ds(q * NOFF_PAD + g * 16, 16)] = sums[g]

    start(0, 0)

    def pbody(p, c2):
        q0 = 2 * p
        start(q0 + 1, 1)
        wait(0)
        compute(q0, 0)
        start(q0 + 2, 0)
        wait(1)
        compute(q0 + 1, 1)
        return c2

    lax.fori_loop(0, (_QPW - 1) // 2, pbody, 0)
    wait(0)
    compute(_QPW - 1, 0)
    pltpu.sync_copy(out_v,
                    ns_hbm.at[pl.ds(wid * (_QPW * NOFF_PAD), _QPW * NOFF_PAD)])


_TM, _TN = 128, 512
NSCORE = NOFF + N
_GR = (N + _TM - 1) // _TM
_GC = (NSCORE + _TN - 1) // _TN
_NCPAD = _GC * _TN

def _tc_scores_body(f1_ref, dT_ref, a_ref, b_ref, ns_ref, o_ref):
    dots = jnp.dot(f1_ref[...], dT_ref[...],
                   preferred_element_type=jnp.float32)
    ax = a_ref[:, 0:1]
    ay = a_ref[:, 1:2]
    bx = b_ref[0:1, :]
    by = b_ref[1:2, :]
    dx = ax - bx
    dy = ay - by
    d2 = dx * dx + dy * dy
    val = jnp.where(d2 < float(NEG_D * NEG_D), 0.0, dots)
    col = lax.broadcasted_iota(jnp.int32, (_TM, _TN), 1)
    o_ref[:, : _TN] = jnp.where(col < NOFF, ns_ref[...], val[:, : _TN])
    o_ref[:, _TN:] = val[:, _TN:]


_tc_scores = pl.pallas_call(
    _tc_scores_body,
    grid=(_GR,),
    in_specs=[
        pl.BlockSpec((_TM, C), lambda i: (i, 0)),
        pl.BlockSpec((C, _NCPAD), lambda i: (0, 0)),
        pl.BlockSpec((_TM, 8), lambda i: (i, 0)),
        pl.BlockSpec((8, _NCPAD), lambda i: (0, 0)),
        pl.BlockSpec((_TM, _TN), lambda i: (i, 0)),
    ],
    out_specs=pl.BlockSpec((_TM, _NCPAD), lambda i: (i, 0)),
    out_shape=jax.ShapeDtypeStruct((N, NSCORE), jnp.float32),
)


def kernel(feat1, feat2, conf1, conf2, aflow):
    k1, k2 = jax.random.split(jax.random.key(42))
    b1, y1, x1 = _rand_grid(k1)
    b3, y3, x3 = _rand_grid(k2)
    b1 = b1.astype(jnp.int32)
    b3 = b3.astype(jnp.int32)

    f2t = feat2.transpose(0, 2, 3, 1).reshape(B * HW, C)

    f1g = feat1[b1, :, y1, x1]
    dg = feat2[b3, :, y3, x3]

    af = aflow[b1, :, y1, x1]
    xy2 = (af + 0.5).astype(jnp.int32)
    x2, y2 = xy2[:, 0], xy2[:, 1]
    mask = ((0 <= x2) & (0 <= y2) & (x2 < W) & (y2 < H)).reshape(B, NQ)
    qconf = conf1[b1, 0, y1, x1].reshape(B, NQ)

    offx = jnp.asarray(_ALL_OFF[0])[None, :]
    offy = jnp.asarray(_ALL_OFF[1])[None, :]
    xo = jnp.clip(x2[:, None] + offx, 0, W - 1)
    yo = jnp.clip(y2[:, None] + offy, 0, H - 1)
    nidx = (b1[:, None] * HW + yo * W + xo).astype(jnp.int32)

    ns = _sc_ngh_scores(f2t, f1g.reshape(-1), nidx.reshape(-1))
    ns = ns.reshape(N, NOFF_PAD)

    ax = x2.astype(jnp.float32) + b1.astype(jnp.float32) * 512.0
    ay = y2.astype(jnp.float32) + b1.astype(jnp.float32) * 512.0
    bxv = x3.astype(jnp.float32) + b3.astype(jnp.float32) * 512.0
    byv = y3.astype(jnp.float32) + b3.astype(jnp.float32) * 512.0
    a_pts = jnp.zeros((_GR * _TM, 8), jnp.float32)
    a_pts = a_pts.at[:N, 0].set(ax).at[:N, 1].set(ay)
    b_pts = jnp.full((8, _NCPAD), 1e9, jnp.float32)
    b_pts = b_pts.at[0, NOFF:NOFF + N].set(bxv).at[1, NOFF:NOFF + N].set(byv)

    dTpad = jnp.zeros((C, _NCPAD), jnp.float32)
    dTpad = dTpad.at[:, NOFF:NOFF + N].set(dg.T)
    ns_pad = jnp.pad(ns, ((0, 0), (0, _TN - NOFF_PAD)))

    scores = _tc_scores(f1g, dTpad, a_pts, b_pts, ns_pad)
    gt = jnp.concatenate([
        jnp.ones((N, NPOS), jnp.uint8),
        jnp.zeros((N, NOFF - NPOS + N), jnp.uint8),
    ], axis=1)
    return (scores, gt, mask, qconf)

# --- scband reference (transcript-rebuilt; emitter-appended) ---
"""Pipeline reference for scband-ngh-sampler-43954695307638 (READ-ONLY COPY).

The authoritative reference and input builder live on the scoring server;
editing this copy changes nothing except your own understanding.
"""

import jax, jax.numpy as jnp
import numpy as np

NGH = 7
SUBQ = -8
SUBD = 1
POS_D = 3
NEG_D = 5
BORDER = 16
SUBD_NEG = -8
B, C, H, W = 2, 128, 384, 384


def _offsets():
    pos, neg = [], []
    pos_d2, neg_d2, rad2 = POS_D ** 2, NEG_D ** 2, NGH ** 2
    rad = (NGH // SUBD) * NGH
    for j in range(-rad, rad + 1, SUBD):
        for i in range(-rad, rad + 1, SUBD):
            d2 = i * i + j * j
            if d2 <= pos_d2:
                pos.append((i, j))
            elif neg_d2 <= d2 <= rad2:
                neg.append((i, j))
    pos = np.array(pos, dtype=np.int64).reshape(-1, 2).T
    neg = np.array(neg, dtype=np.int64).reshape(-1, 2).T
    return jnp.asarray(pos), jnp.asarray(neg)


def _gen_grid(key, step):
    # step < 0 -> random query points (matches torch branch)
    n = (H - 2 * BORDER) * (W - 2 * BORDER) // (step * step)
    kx, ky = jax.random.split(key)
    x1 = jax.random.randint(kx, (n,), BORDER, W - BORDER)
    y1 = jax.random.randint(ky, (n,), BORDER, H - BORDER)
    x1 = jnp.broadcast_to(x1[None, :], (B, n)).reshape(-1)
    y1 = jnp.broadcast_to(y1[None, :], (B, n)).reshape(-1)
    b1 = jnp.broadcast_to(jnp.arange(B)[:, None], (B, n)).reshape(-1)
    return b1, y1, x1, (B, n)


def setup_inputs(seed: int = 0):
    key = jax.random.key(seed)
    ks = jax.random.split(key, 5)
    feat1 = jax.random.normal(ks[0], (B, C, H, W), jnp.float32)
    feat2 = jax.random.normal(ks[1], (B, C, H, W), jnp.float32)
    feat1 = feat1 / (jnp.linalg.norm(feat1, axis=1, keepdims=True) + 1e-8)
    feat2 = feat2 / (jnp.linalg.norm(feat2, axis=1, keepdims=True) + 1e-8)
    conf1 = jax.random.uniform(ks[2], (B, 1, H, W), jnp.float32)
    conf2 = jax.random.uniform(ks[3], (B, 1, H, W), jnp.float32)
    aflow = jax.random.uniform(ks[4], (B, 2, H, W), jnp.float32) * W
    return {"feat1": feat1, "feat2": feat2, "conf1": conf1, "conf2": conf2, "aflow": aflow}


def reference(feat1, feat2, conf1, conf2, aflow):
    pos_off, neg_off = _offsets()
    k1, k2 = jax.random.split(jax.random.key(42))
    b_, y1, x1, shape = _gen_grid(k1, SUBQ)
    f1 = feat1[b_, :, y1, x1]  # [N, C]
    qconf = conf1[b_, :, y1, x1].reshape(shape)
    xy2 = (aflow[b_, :, y1, x1] + 0.5).astype(jnp.int64).T  # [2, N]
    mask = ((0 <= xy2[0]) & (0 <= xy2[1]) & (xy2[0] < W) & (xy2[1] < H)).reshape(shape)

    def clamp(xy):
        return jnp.stack([jnp.clip(xy[0], 0, W - 1), jnp.clip(xy[1], 0, H - 1)])

    xy2p = clamp(xy2[:, None, :] + pos_off[:, :, None])  # [2, P, N]
    pscores = jnp.einsum('nk,ink->ni', f1, feat2[b_, :, xy2p[1], xy2p[0]])
    xy2n = clamp(xy2[:, None, :] + neg_off[:, :, None])  # [2, Nn, N]
    nscores = jnp.einsum('nk,ink->ni', f1, feat2[b_, :, xy2n[1], xy2n[0]])

    b3, y3, x3, _ = _gen_grid(k2, SUBD_NEG)
    distractors = feat2[b3, :, y3, x3]  # [N3, C]
    dscores = jnp.einsum('nk,ik->ni', f1, distractors)
    a = (xy2.astype(jnp.float32) + b_.astype(jnp.float32) * 512).T  # [N, 2]
    bpts = (jnp.stack((x3, y3)).astype(jnp.float32) + b3.astype(jnp.float32) * 512).T  # [N3, 2]
    dis2 = jnp.sqrt(jnp.sum((a[:, None, :] - bpts[None, :, :]) ** 2, axis=-1))
    dscores = jnp.where(dis2 < NEG_D, 0.0, dscores)

    scores = jnp.concatenate((pscores, nscores, dscores), axis=1)
    npos = pscores.shape[1]
    gt = jnp.concatenate([
        jnp.ones((scores.shape[0], npos), jnp.uint8),
        jnp.zeros((scores.shape[0], scores.shape[1] - npos), jnp.uint8),
    ], axis=1)
    return (scores, gt, mask, qconf)

if __name__ == "__main__":
    import jax
    _d = setup_inputs()
    print(jax.jit(kernel)(*tuple(_d.values())))

</pallas_src>

<mosaic_0001>
#map = affine_map<(d0, d1) -> (0, 0)>
#map1 = affine_map<(d0, d1) -> (0)>
module attributes {stable_mosaic.version = 14 : i64} {
  func.func @_sc_ngh_scores(%arg0: i32, %arg1: i32, %arg2: memref<294912x128xf32, #tpu.memory_space<hbm>>, %arg3: memref<495616xf32, #tpu.memory_space<hbm>>, %arg4: memref<433664xi32, #tpu.memory_space<hbm>>, %arg5: memref<433664xf32, #tpu.memory_space<hbm>>, %arg6: memref<13552xi32, #tpu.memory_space<vmem>>, %arg7: memref<15488xf32, #tpu.memory_space<vmem>>, %arg8: memref<112x128xf32, #tpu.memory_space<vmem>>, %arg9: memref<112x128xf32, #tpu.memory_space<vmem>>, %arg10: memref<1792xf32, #tpu.memory_space<vmem>>, %arg11: memref<13552xf32, #tpu.memory_space<vmem>>, %arg12: memref<!tpu.dma_semaphore, #tpu.memory_space<semaphore_mem>>, %arg13: memref<!tpu.dma_semaphore, #tpu.memory_space<semaphore_mem>>) attributes {dimension_semantics = [#tpu.dimension_semantics<core_parallel>, #tpu.dimension_semantics<subcore_parallel>], iteration_bounds = array<i64: 2, 16>, scalar_prefetch = 0 : i64, scratch_operands = 8 : i64, tpu.core_type = #tpu.core_type<sc_vector_subcore>, window_params = [{transform_indices = #map}, {transform_indices = #map1}, {transform_indices = #map1}, {transform_indices = #map1}]} {
    %mul3A = arith.constant 2 : i32
    %mul3A_0 = arith.muli %arg1, %mul3A : i32
    %add3A = arith.addi %mul3A_0, %arg0 : i32
    %mul3A_1 = arith.constant 13552 : i32
    %mul3A_2 = arith.muli %add3A, %mul3A_1 : i32
    "tpu.region"() ({
      %run_scoped3A = tpu.sem_alloc : memref<!tpu.dma_semaphore, #tpu.memory_space<semaphore_mem>>
      %dma_start3A_668 = tpu.memref_slice %arg4[%mul3A_2] : memref<433664xi32, #tpu.memory_space<hbm>> -> memref<13552xi32, #tpu.memory_space<hbm>>
      %dma_start3A_669 = tpu.memref_slice %arg4[%mul3A_2] : memref<433664xi32, #tpu.memory_space<hbm>> -> memref<13552xi32, #tpu.memory_space<hbm>>
      tpu.enqueue_dma source(%dma_start3A_669 : memref<13552xi32, #tpu.memory_space<hbm>>) target(%arg6 : memref<13552xi32, #tpu.memory_space<vmem>>) target_semaphore(%run_scoped3A : memref<!tpu.dma_semaphore, #tpu.memory_space<semaphore_mem>>)
      %dma_wait3A_670 = tpu.memref_slice %arg4[%mul3A_2] : memref<433664xi32, #tpu.memory_space<hbm>> -> memref<13552xi32, #tpu.memory_space<hbm>>
      %dma_wait3A_671 = tpu.memref_slice %arg4[%mul3A_2] : memref<433664xi32, #tpu.memory_space<hbm>> -> memref<13552xi32, #tpu.memory_space<hbm>>
      tpu.wait_dma2 semaphore(%run_scoped3A : memref<!tpu.dma_semaphore, #tpu.memory_space<semaphore_mem>>) src(%dma_wait3A_671 : memref<13552xi32, #tpu.memory_space<hbm>>) dst(%arg6 : memref<13552xi32, #tpu.memory_space<vmem>>)
      tpu.yield
    }) : () -> ()
    %mul3A_3 = arith.constant 15488 : i32
    %mul3A_4 = arith.muli %add3A, %mul3A_3 : i32
    "tpu.region"() ({
      %run_scoped3A = tpu.sem_alloc : memref<!tpu.dma_semaphore, #tpu.memory_space<semaphore_mem>>
      %dma_start3A_668 = tpu.memref_slice %arg3[%mul3A_4] : memref<495616xf32, #tpu.memory_space<hbm>> -> memref<15488xf32, #tpu.memory_space<hbm>>
      %dma_start3A_669 = tpu.memref_slice %arg3[%mul3A_4] : memref<495616xf32, #tpu.memory_space<hbm>> -> memref<15488xf32, #tpu.memory_space<hbm>>
      tpu.enqueue_dma source(%dma_start3A_669 : memref<15488xf32, #tpu.memory_space<hbm>>) target(%arg7 : memref<15488xf32, #tpu.memory_space<vmem>>) target_semaphore(%run_scoped3A : memref<!tpu.dma_semaphore, #tpu.memory_space<semaphore_mem>>)
      %dma_wait3A_670 = tpu.memref_slice %arg3[%mul3A_4] : memref<495616xf32, #tpu.memory_space<hbm>> -> memref<15488xf32, #tpu.memory_space<hbm>>
      %dma_wait3A_671 = tpu.memref_slice %arg3[%mul3A_4] : memref<495616xf32, #tpu.memory_space<hbm>> -> memref<15488xf32, #tpu.memory_space<hbm>>
      tpu.wait_dma2 semaphore(%run_scoped3A : memref<!tpu.dma_semaphore, #tpu.memory_space<semaphore_mem>>) src(%dma_wait3A_671 : memref<15488xf32, #tpu.memory_space<hbm>>) dst(%arg7 : memref<15488xf32, #tpu.memory_space<vmem>>)
      tpu.yield
    }) : () -> ()
    %iota3A = tpu.iota {dimensions = array<i32: 0>} : vector<16xi32>
    %add3A_5 = arith.constant 0 : i32
    %add3A_6 = vector.broadcast %add3A_5 : i32 to vector<16xi32>
    %add3A_7 = arith.addi %iota3A, %add3A_6 : vector<16xi32>
    %mul3A_8 = arith.constant 16 : i32
    %mul3A_9 = vector.broadcast %mul3A_8 : i32 to vector<16xi32>
    %mul3A_10 = arith.muli %add3A_7, %mul3A_9 : vector<16xi32>
    %add3A_11 = arith.constant 16 : i32
    %add3A_12 = vector.broadcast %add3A_11 : i32 to vector<16xi32>
    %add3A_13 = arith.addi %iota3A, %add3A_12 : vector<16xi32>
    %mul3A_14 = arith.constant 16 : i32
    %mul3A_15 = vector.broadcast %mul3A_14 : i32 to vector<16xi32>
    %mul3A_16 = arith.muli %add3A_13, %mul3A_15 : vector<16xi32>
    %add3A_17 = arith.constant 32 : i32
    %add3A_18 = vector.broadcast %add3A_17 : i32 to vector<16xi32>
    %add3A_19 = arith.addi %iota3A, %add3A_18 : vector<16xi32>
    %mul3A_20 = arith.constant 16 : i32
    %mul3A_21 = vector.broadcast %mul3A_20 : i32 to vector<16xi32>
    %mul3A_22 = arith.muli %add3A_19, %mul3A_21 : vector<16xi32>
    %add3A_23 = arith.constant 48 : i32
    %add3A_24 = vector.broadcast %add3A_23 : i32 to vector<16xi32>
    %add3A_25 = arith.addi %iota3A, %add3A_24 : vector<16xi32>
    %mul3A_26 = arith.constant 16 : i32
    %mul3A_27 = vector.broadcast %mul3A_26 : i32 to vector<16xi32>
    %mul3A_28 = arith.muli %add3A_25, %mul3A_27 : vector<16xi32>
    %add3A_29 = arith.constant 64 : i32
    %add3A_30 = vector.broadcast %add3A_29 : i32 to vector<16xi32>
    %add3A_31 = arith.addi %iota3A, %add3A_30 : vector<16xi32>
    %mul3A_32 = arith.constant 16 : i32
    %mul3A_33 = vector.broadcast %mul3A_32 : i32 to vector<16xi32>
    %mul3A_34 = arith.muli %add3A_31, %mul3A_33 : vector<16xi32>
    %add3A_35 = arith.constant 80 : i32
    %add3A_36 = vector.broadcast %add3A_35 : i32 to vector<16xi32>
    %add3A_37 = arith.addi %iota3A, %add3A_36 : vector<16xi32>
    %mul3A_38 = arith.constant 16 : i32
    %mul3A_39 = vector.broadcast %mul3A_38 : i32 to vector<16xi32>
    %mul3A_40 = arith.muli %add3A_37, %mul3A_39 : vector<16xi32>
    %add3A_41 = arith.constant 96 : i32
    %add3A_42 = vector.broadcast %add3A_41 : i32 to vector<16xi32>
    %add3A_43 = arith.addi %iota3A, %add3A_42 : vector<16xi32>
    %mul3A_44 = arith.constant 16 : i32
    %mul3A_45 = vector.broadcast %mul3A_44 : i32 to vector<16xi32>
    %mul3A_46 = arith.muli %add3A_43, %mul3A_45 : vector<16xi32>
    %dma_start3A = arith.constant 0 : i32
    %dma_start3A_47 = tpu.memref_slice %arg6[%dma_start3A] : memref<13552xi32, #tpu.memory_space<vmem>> -> memref<112xi32, #tpu.memory_space<vmem>>
    %dma_start3A_48 = arith.constant 0 : i32
    %dma_start3A_49 = arith.constant 0 : i32
    %dma_start3A_50 = tpu.memref_slice %arg2[%dma_start3A_48, %dma_start3A_49] : memref<294912x128xf32, #tpu.memory_space<hbm>> -> memref<294912x128xf32, #tpu.memory_space<hbm>>
    tpu.enqueue_indirect_dma source(%dma_start3A_50 : memref<294912x128xf32, #tpu.memory_space<hbm>>) target(%arg8 : memref<112x128xf32, #tpu.memory_space<vmem>>) offsets(%dma_start3A_47 : memref<112xi32, #tpu.memory_space<vmem>>) semaphore(%arg12 : memref<!tpu.dma_semaphore, #tpu.memory_space<semaphore_mem>>)
    %scan3A = arith.constant 0 : i32
    %scan3A_51 = arith.constant 0 : i32
    %scan3A_52 = arith.constant 60 : i32
    %scan3A_53 = arith.addi %scan3A_51, %scan3A_52 : i32
    %scan3A_54 = arith.constant 1 : i32
    scf.for %scan3A_668 = %scan3A_51 to %scan3A_53 step %scan3A_54  : i32 {
      %mul3A_669 = arith.constant 2 : i32
      %mul3A_670 = arith.muli %mul3A_669, %scan3A_668 : i32
      %add3A_671 = arith.constant 1 : i32
      %add3A_672 = arith.addi %mul3A_670, %add3A_671 : i32
      %mul3A_673 = arith.constant 112 : i32
      %mul3A_674 = arith.muli %add3A_672, %mul3A_673 : i32
      %dma_start3A_675 = tpu.memref_slice %arg6[%mul3A_674] : memref<13552xi32, #tpu.memory_space<vmem>> -> memref<112xi32, #tpu.memory_space<vmem>>
      %dma_start3A_676 = arith.constant 0 : i32
      %dma_start3A_677 = arith.constant 0 : i32
      %dma_start3A_678 = tpu.memref_slice %arg2[%dma_start3A_676, %dma_start3A_677] : memref<294912x128xf32, #tpu.memory_space<hbm>> -> memref<294912x128xf32, #tpu.memory_space<hbm>>
      tpu.enqueue_indirect_dma source(%dma_start3A_678 : memref<294912x128xf32, #tpu.memory_space<hbm>>) target(%arg9 : memref<112x128xf32, #tpu.memory_space<vmem>>) offsets(%dma_start3A_675 : memref<112xi32, #tpu.memory_space<vmem>>) semaphore(%arg13 : memref<!tpu.dma_semaphore, #tpu.memory_space<semaphore_mem>>)
      %dma_wait3A_679 = arith.constant 0 : i32
      %dma_wait3A_680 = tpu.memref_slice %arg6[%dma_wait3A_679] : memref<13552xi32, #tpu.memory_space<vmem>> -> memref<112xi32, #tpu.memory_space<vmem>>
      %dma_wait3A_681 = arith.constant 0 : i32
      %dma_wait3A_682 = arith.constant 0 : i32
      %dma_wait3A_683 = tpu.memref_slice %arg2[%dma_wait3A_681, %dma_wait3A_682] : memref<294912x128xf32, #tpu.memory_space<hbm>> -> memref<294912x128xf32, #tpu.memory_space<hbm>>
      tpu.wait_indirect_dma semaphore(%arg12 : memref<!tpu.dma_semaphore, #tpu.memory_space<semaphore_mem>>) src(%dma_wait3A_683 : memref<294912x128xf32, #tpu.memory_space<hbm>>) dst(%arg8 : memref<112x128xf32, #tpu.memory_space<vmem>>)
      %mul3A_684 = arith.constant 128 : i32
      %mul3A_685 = arith.muli %mul3A_670, %mul3A_684 : i32
      %add3A_686 = arith.constant 0 : i32
      %add3A_687 = arith.addi %mul3A_685, %add3A_686 : i32
      %get3A_688 = arith.index_cast %add3A_687 : i32 to index
      %get3A_689 = tpu.vector_load %arg7[%get3A_688] {strides = array<i32>} : memref<15488xf32, #tpu.memory_space<vmem>>, vector<16xf32>,
      %mul3A_690 = arith.constant 128 : i32
      %mul3A_691 = arith.muli %mul3A_670, %mul3A_690 : i32
      %add3A_692 = arith.constant 16 : i32
      %add3A_693 = arith.addi %mul3A_691, %add3A_692 : i32
      %get3A_694 = arith.index_cast %add3A_693 : i32 to index
      %get3A_695 = tpu.vector_load %arg7[%get3A_694] {strides = array<i32>} : memref<15488xf32, #tpu.memory_space<vmem>>, vector<16xf32>,
      %mul3A_696 = arith.constant 128 : i32
      %mul3A_697 = arith.muli %mul3A_670, %mul3A_696 : i32
      %add3A_698 = arith.constant 32 : i32
      %add3A_699 = arith.addi %mul3A_697, %add3A_698 : i32
      %get3A_700 = arith.index_cast %add3A_699 : i32 to index
      %get3A_701 = tpu.vector_load %arg7[%get3A_700] {strides = array<i32>} : memref<15488xf32, #tpu.memory_space<vmem>>, vector<16xf32>,
      %mul3A_702 = arith.constant 128 : i32
      %mul3A_703 = arith.muli %mul3A_670, %mul3A_702 : i32
      %add3A_704 = arith.constant 48 : i32
      %add3A_705 = arith.addi %mul3A_703, %add3A_704 : i32
      %get3A_706 = arith.index_cast %add3A_705 : i32 to index
      %get3A_707 = tpu.vector_load %arg7[%get3A_706] {strides = array<i32>} : memref<15488xf32, #tpu.memory_space<vmem>>, vector<16xf32>,
      %mul3A_708 = arith.constant 128 : i32
      %mul3A_709 = arith.muli %mul3A_670, %mul3A_708 : i32
      %add3A_710 = arith.constant 64 : i32
      %add3A_711 = arith.addi %mul3A_709, %add3A_710 : i32
      %get3A_712 = arith.index_cast %add3A_711 : i32 to index
      %get3A_713 = tpu.vector_load %arg7[%get3A_712] {strides = array<i32>} : memref<15488xf32, #tpu.memory_space<vmem>>, vector<16xf32>,
      %mul3A_714 = arith.constant 128 : i32
      %mul3A_715 = arith.muli %mul3A_670, %mul3A_714 : i32
      %add3A_716 = arith.constant 80 : i32
      %add3A_717 = arith.addi %mul3A_715, %add3A_716 : i32
      %get3A_718 = arith.index_cast %add3A_717 : i32 to index
      %get3A_719 = tpu.vector_load %arg7[%get3A_718] {strides = array<i32>} : memref<15488xf32, #tpu.memory_space<vmem>>, vector<16xf32>,
      %mul3A_720 = arith.constant 128 : i32
      %mul3A_721 = arith.muli %mul3A_670, %mul3A_720 : i32
      %add3A_722 = arith.constant 96 : i32
      %add3A_723 = arith.addi %mul3A_721, %add3A_722 : i32
      %get3A_724 = arith.index_cast %add3A_723 : i32 to index
      %get3A_725 = tpu.vector_load %arg7[%get3A_724] {strides = array<i32>} : memref<15488xf32, #tpu.memory_space<vmem>>, vector<16xf32>,
      %mul3A_726 = arith.constant 128 : i32
      %mul3A_727 = arith.muli %mul3A_670, %mul3A_726 : i32
      %add3A_728 = arith.constant 112 : i32
      %add3A_729 = arith.addi %mul3A_727, %add3A_728 : i32
      %get3A_730 = arith.index_cast %add3A_729 : i32 to index
      %get3A_731 = tpu.vector_load %arg7[%get3A_730] {strides = array<i32>} : memref<15488xf32, #tpu.memory_space<vmem>>, vector<16xf32>,
      %scan3A_732 = arith.constant 0 : i32
      %scan3A_733 = arith.constant 0 : i32
      %scan3A_734 = arith.constant 28 : i32
      %scan3A_735 = arith.addi %scan3A_733, %scan3A_734 : i32
      %scan3A_736 = arith.constant 1 : i32
      scf.for %scan3A_2039 = %scan3A_733 to %scan3A_735 step %scan3A_736  : i32 {
        %mul3A_2040 = arith.constant 4 : i32
        %mul3A_2041 = arith.muli %scan3A_2039, %mul3A_2040 : i32
        %add3A_2042 = arith.constant 0 : i32
        %add3A_2043 = arith.addi %mul3A_2041, %add3A_2042 : i32
        %get3A_2044 = arith.index_cast %add3A_2043 : i32 to index
        %get3A_2045 = arith.constant 0 : index
        %get3A_2046 = tpu.vector_load %arg8[%get3A_2044, %get3A_2045] {strides = array<i32>} : memref<112x128xf32, #tpu.memory_space<vmem>>, vector<16xf32>,
        %mul3A_2047 = arith.mulf %get3A_689, %get3A_2046 : vector<16xf32>
        %get3A_2048 = arith.index_cast %add3A_2043 : i32 to index
        %get3A_2049 = arith.constant 16 : index
        %get3A_2050 = tpu.vector_load %arg8[%get3A_2048, %get3A_2049] {strides = array<i32>} : memref<112x128xf32, #tpu.memory_space<vmem>>, vector<16xf32>,
        %mul3A_2051 = arith.mulf %get3A_695, %get3A_2050 : vector<16xf32>
        %add3A_2052 = arith.addf %mul3A_2047, %mul3A_2051 : vector<16xf32>
        %get3A_2053 = arith.index_cast %add3A_2043 : i32 to index
        %get3A_2054 = arith.constant 32 : index
        %get3A_2055 = tpu.vector_load %arg8[%get3A_2053, %get3A_2054] {strides = array<i32>} : memref<112x128xf32, #tpu.memory_space<vmem>>, vector<16xf32>,
        %mul3A_2056 = arith.mulf %get3A_701, %get3A_2055 : vector<16xf32>
        %add3A_2057 = arith.addf %add3A_2052, %mul3A_2056 : vector<16xf32>
        %get3A_2058 = arith.index_cast %add3A_2043 : i32 to index
        %get3A_2059 = arith.constant 48 : index
        %get3A_2060 = tpu.vector_load %arg8[%get3A_2058, %get3A_2059] {strides = array<i32>} : memref<112x128xf32, #tpu.memory_space<vmem>>, vector<16xf32>,
        %mul3A_2061 = arith.mulf %get3A_707, %get3A_2060 : vector<16xf32>
        %add3A_2062 = arith.addf %add3A_2057, %mul3A_2061 : vector<16xf32>
        %get3A_2063 = arith.index_cast %add3A_2043 : i32 to index
        %get3A_2064 = arith.constant 64 : index
        %get3A_2065 = tpu.vector_load %arg8[%get3A_2063, %get3A_2064] {strides = array<i32>} : memref<112x128xf32, #tpu.memory_space<vmem>>, vector<16xf32>,
        %mul3A_2066 = arith.mulf %get3A_713, %get3A_2065 : vector<16xf32>
        %add3A_2067 = arith.addf %add3A_2062, %mul3A_2066 : vector<16xf32>
        %get3A_2068 = arith.index_cast %add3A_2043 : i32 to index
        %get3A_2069 = arith.constant 80 : index
        %get3A_2070 = tpu.vector_load %arg8[%get3A_2068, %get3A_2069] {strides = array<i32>} : memref<112x128xf32, #tpu.memory_space<vmem>>, vector<16xf32>,
        %mul3A_2071 = arith.mulf %get3A_719, %get3A_2070 : vector<16xf32>
        %add3A_2072 = arith.addf %add3A_2067, %mul3A_2071 : vector<16xf32>
        %get3A_2073 = arith.index_cast %add3A_2043 : i32 to index
        %get3A_2074 = arith.constant 96 : index
        %get3A_2075 = tpu.vector_load %arg8[%get3A_2073, %get3A_2074] {strides = array<i32>} : memref<112x128xf32, #tpu.memory_space<vmem>>, vector<16xf32>,
        %mul3A_2076 = arith.mulf %get3A_725, %get3A_2075 : vector<16xf32>
        %add3A_2077 = arith.addf %add3A_2072, %mul3A_2076 : vector<16xf32>
        %get3A_2078 = arith.index_cast %add3A_2043 : i32 to index
        %get3A_2079 = arith.constant 112 : index
        %get3A_2080 = tpu.vector_load %arg8[%get3A_2078, %get3A_2079] {strides = array<i32>} : memref<112x128xf32, #tpu.memory_space<vmem>>, vector<16xf32>,
        %mul3A_2081 = arith.mulf %get3A_731, %get3A_2080 : vector<16xf32>
        %add3A_2082 = arith.addf %add3A_2077, %mul3A_2081 : vector<16xf32>
        %mul3A_2083 = arith.constant 16 : i32
        %mul3A_2084 = arith.muli %add3A_2043, %mul3A_2083 : i32
        %swap3A_2085 = arith.index_cast %mul3A_2084 : i32 to index
        %swap3A_2086 = tpu.vector_load %arg10[%swap3A_2085] {strides = array<i32>} : memref<1792xf32, #tpu.memory_space<vmem>>, vector<16xf32>,
        tpu.vector_store %arg10[%swap3A_2085], %add3A_2082 {strides = array<i32>} : memref<1792xf32, #tpu.memory_space<vmem>>, vector<16xf32>,
        %mul3A_2087 = arith.constant 4 : i32
        %mul3A_2088 = arith.muli %scan3A_2039, %mul3A_2087 : i32
        %add3A_2089 = arith.constant 1 : i32
        %add3A_2090 = arith.addi %mul3A_2088, %add3A_2089 : i32
        %get3A_2091 = arith.index_cast %add3A_2090 : i32 to index
        %get3A_2092 = arith.constant 0 : index
        %get3A_2093 = tpu.vector_load %arg8[%get3A_2091, %get3A_2092] {strides = array<i32>} : memref<112x128xf32, #tpu.memory_space<vmem>>, vector<16xf32>,
        %mul3A_2094 = arith.mulf %get3A_689, %get3A_2093 : vector<16xf32>
        %get3A_2095 = arith.index_cast %add3A_2090 : i32 to index
        %get3A_2096 = arith.constant 16 : index
        %get3A_2097 = tpu.vector_load %arg8[%get3A_2095, %get3A_2096] {strides = array<i32>} : memref<112x128xf32, #tpu.memory_space<vmem>>, vector<16xf32>,
        %mul3A_2098 = arith.mulf %get3A_695, %get3A_2097 : vector<16xf32>
        %add3A_2099 = arith.addf %mul3A_2094, %mul3A_2098 : vector<16xf32>
        %get3A_2100 = arith.index_cast %add3A_2090 : i32 to index
        %get3A_2101 = arith.constant 32 : index
        %get3A_2102 = tpu.vector_load %arg8[%get3A_2100, %get3A_2101] {strides = array<i32>} : memref<112x128xf32, #tpu.memory_space<vmem>>, vector<16xf32>,
        %mul3A_2103 = arith.mulf %get3A_701, %get3A_2102 : vector<16xf32>
        %add3A_2104 = arith.addf %add3A_2099, %mul3A_2103 : vector<16xf32>
        %get3A_2105 = arith.index_cast %add3A_2090 : i32 to index
        %get3A_2106 = arith.constant 48 : index
        %get3A_2107 = tpu.vector_load %arg8[%get3A_2105, %get3A_2106] {strides = array<i32>} : memref<112x128xf32, #tpu.memory_space<vmem>>, vector<16xf32>,
        %mul3A_2108 = arith.mulf %get3A_707, %get3A_2107 : vector<16xf32>
        %add3A_2109 = arith.addf %add3A_2104, %mul3A_2108 : vector<16xf32>
        %get3A_2110 = arith.index_cast %add3A_2090 : i32 to index
        %get3A_2111 = arith.constant 64 : index
        %get3A_2112 = tpu.vector_load %arg8[%get3A_2110, %get3A_2111] {strides = array<i32>} : memref<112x128xf32, #tpu.memory_space<vmem>>, vector<16xf32>,
        %mul3A_2113 = arith.mulf %get3A_713, %get3A_2112 : vector<16xf32>
        %add3A_2114 = arith.addf %add3A_2109, %mul3A_2113 : vector<16xf32>
        %get3A_2115 = arith.index_cast %add3A_2090 : i32 to index
        %get3A_2116 = arith.constant 80 : index
        %get3A_2117 = tpu.vector_load %arg8[%get3A_2115, %get3A_2116] {strides = array<i32>} : memref<112x128xf32, #tpu.memory_space<vmem>>, vector<16xf32>,
        %mul3A_2118 = arith.mulf %get3A_719, %get3A_2117 : vector<16xf32>
        %add3A_2119 = arith.addf %add3A_2114, %mul3A_2118 : vector<16xf32>
        %get3A_2120 = arith.index_cast %add3A_2090 : i32 to index
        %get3A_2121 = arith.constant 96 : index
        %get3A_2122 = tpu.vector_load %arg8[%get3A_2120, %get3A_2121] {strides = array<i32>} : memref<112x128xf32, #tpu.memory_space<vmem>>, vector<16xf32>,
        %mul3A_2123 = arith.mulf %get3A_725, %get3A_2122 : vector<16xf32>
        %add3A_2124 = arith.addf %add3A_2119, %mul3A_2123 : vector<16xf32>
        %get3A_2125 = arith.index_cast %add3A_2090 : i32 to index
        %get3A_2126 = arith.constant 112 : index
        %get3A_2127 = tpu.vector_load %arg8[%get3A_2125, %get3A_2126] {strides = array<i32>} : memref<112x128xf32, #tpu.memory_space<vmem>>, vector<16xf32>,
        %mul3A_2128 = arith.mulf %get3A_731, %get3A_2127 : vector<16xf32>
        %add3A_2129 = arith.addf %add3A_2124, %mul3A_2128 : vector<16xf32>
        %mul3A_2130 = arith.constant 16 : i32
        %mul3A_2131 = arith.muli %add3A_2090, %mul3A_2130 : i32
        %swap3A_2132 = arith.index_cast %mul3A_2131 : i32 to index
        %swap3A_2133 = tpu.vector_load %arg10[%swap3A_2132] {strides = array<i32>} : memref<1792xf32, #tpu.memory_space<vmem>>, vector<16xf32>,
        tpu.vector_store %arg10[%swap3A_2132], %add3A_2129 {strides = array<i32>} : memref<1792xf32, #tpu.memory_space<vmem>>, vector<16xf32>,
        %mul3A_2134 = arith.constant 4 : i32
        %mul3A_2135 = arith.muli %scan3A_2039, %mul3A_2134 : i32
        %add3A_2136 = arith.constant 2 : i32
        %add3A_2137 = arith.addi %mul3A_2135, %add3A_2136 : i32
        %get3A_2138 = arith.index_cast %add3A_2137 : i32 to index
        %get3A_2139 = arith.constant 0 : index
        %get3A_2140 = tpu.vector_load %arg8[%get3A_2138, %get3A_2139] {strides = array<i32>} : memref<112x128xf32, #tpu.memory_space<vmem>>, vector<16xf32>,
        %mul3A_2141 = arith.mulf %get3A_689, %get3A_2140 : vector<16xf32>
        %get3A_2142 = arith.index_cast %add3A_2137 : i32 to index
        %get3A_2143 = arith.constant 16 : index
        %get3A_2144 = tpu.vector_load %arg8[%get3A_2142, %get3A_2143] {strides = array<i32>} : memref<112x128xf32, #tpu.memory_space<vmem>>, vector<16xf32>,
        %mul3A_2145 = arith.mulf %get3A_695, %get3A_2144 : vector<16xf32>
        %add3A_2146 = arith.addf %mul3A_2141, %mul3A_2145 : vector<16xf32>
        %get3A_2147 = arith.index_cast %add3A_2137 : i32 to index
        %get3A_2148 = arith.constant 32 : index
        %get3A_2149 = tpu.vector_load %arg8[%get3A_2147, %get3A_2148] {strides = array<i32>} : memref<112x128xf32, #tpu.memory_space<vmem>>, vector<16xf32>,
        %mul3A_2150 = arith.mulf %get3A_701, %get3A_2149 : vector<16xf32>
        %add3A_2151 = arith.addf %add3A_2146, %mul3A_2150 : vector<16xf32>
        %get3A_2152 = arith.index_cast %add3A_2137 : i32 to index
        %get3A_2153 = arith.constant 48 : index
        %get3A_2154 = tpu.vector_load %arg8[%get3A_2152, %get3A_2153] {strides = array<i32>} : memref<112x128xf32, #tpu.memory_space<vmem>>, vector<16xf32>,
        %mul3A_2155 = arith.mulf %get3A_707, %get3A_2154 : vector<16xf32>
        %add3A_2156 = arith.addf %add3A_2151, %mul3A_2155 : vector<16xf32>
        %get3A_2157 = arith.index_cast %add3A_2137 : i32 to index
        %get3A_2158 = arith.constant 64 : index
        %get3A_2159 = tpu.vector_load %arg8[%get3A_2157, %get3A_2158] {strides = array<i32>} : memref<112x128xf32, #tpu.memory_space<vmem>>, vector<16xf32>,
        %mul3A_2160 = arith.mulf %get3A_713, %get3A_2159 : vector<16xf32>
        %add3A_2161 = arith.addf %add3A_2156, %mul3A_2160 : vector<16xf32>
        %get3A_2162 = arith.index_cast %add3A_2137 : i32 to index
        %get3A_2163 = arith.constant 80 : index
        %get3A_2164 = tpu.vector_load %arg8[%get3A_2162, %get3A_2163] {strides = array<i32>} : memref<112x128xf32, #tpu.memory_space<vmem>>, vector<16xf32>,
        %mul3A_2165 = arith.mulf %get3A_719, %get3A_2164 : vector<16xf32>
        %add3A_2166 = arith.addf %add3A_2161, %mul3A_2165 : vector<16xf32>
        %get3A_2167 = arith.index_cast %add3A_2137 : i32 to index
        %get3A_2168 = arith.constant 96 : index
        %get3A_2169 = tpu.vector_load %arg8[%get3A_2167, %get3A_2168] {strides = array<i32>} : memref<112x128xf32, #tpu.memory_space<vmem>>, vector<16xf32>,
        %mul3A_2170 = arith.mulf %get3A_725, %get3A_2169 : vector<16xf32>
        %add3A_2171 = arith.addf %add3A_2166, %mul3A_2170 : vector<16xf32>
        %get3A_2172 = arith.index_cast %add3A_2137 : i32 to index
        %get3A_2173 = arith.constant 112 : index
        %get3A_2174 = tpu.vector_load %arg8[%get3A_2172, %get3A_2173] {strides = array<i32>} : memref<112x128xf32, #tpu.memory_space<vmem>>, vector<16xf32>,
        %mul3A_2175 = arith.mulf %get3A_731, %get3A_2174 : vector<16xf32>
        %add3A_2176 = arith.addf %add3A_2171, %mul3A_2175 : vector<16xf32>
        %mul3A_2177 = arith.constant 16 : i32
        %mul3A_2178 = arith.muli %add3A_2137, %mul3A_2177 : i32
        %swap3A_2179 = arith.index_cast %mul3A_2178 : i32 to index
        %swap3A_2180 = tpu.vector_load %arg10[%swap3A_2179] {strides = array<i32>} : memref<1792xf32, #tpu.memory_space<vmem>>, vector<16xf32>,
        tpu.vector_store %arg10[%swap3A_2179], %add3A_2176 {strides = array<i32>} : memref<1792xf32, #tpu.memory_space<vmem>>, vector<16xf32>,
        %mul3A_2181 = arith.constant 4 : i32
        %mul3A_2182 = arith.muli %scan3A_2039, %mul3A_2181 : i32
        %add3A_2183 = arith.constant 3 : i32
        %add3A_2184 = arith.addi %mul3A_2182, %add3A_2183 : i32
        %get3A_2185 = arith.index_cast %add3A_2184 : i32 to index
        %get3A_2186 = arith.constant 0 : index
        %get3A_2187 = tpu.vector_load %arg8[%get3A_2185, %get3A_2186] {strides = array<i32>} : memref<112x128xf32, #tpu.memory_space<vmem>>, vector<16xf32>,
        %mul3A_2188 = arith.mulf %get3A_689, %get3A_2187 : vector<16xf32>
        %get3A_2189 = arith.index_cast %add3A_2184 : i32 to index
        %get3A_2190 = arith.constant 16 : index
        %get3A_2191 = tpu.vector_load %arg8[%get3A_2189, %get3A_2190] {strides = array<i32>} : memref<112x128xf32, #tpu.memory_space<vmem>>, vector<16xf32>,
        %mul3A_2192 = arith.mulf %get3A_695, %get3A_2191 : vector<16xf32>
        %add3A_2193 = arith.addf %mul3A_2188, %mul3A_2192 : vector<16xf32>
        %get3A_2194 = arith.index_cast %add3A_2184 : i32 to index
        %get3A_2195 = arith.constant 32 : index
        %get3A_2196 = tpu.vector_load %arg8[%get3A_2194, %get3A_2195] {strides = array<i32>} : memref<112x128xf32, #tpu.memory_space<vmem>>, vector<16xf32>,
        %mul3A_2197 = arith.mulf %get3A_701, %get3A_2196 : vector<16xf32>
        %add3A_2198 = arith.addf %add3A_2193, %mul3A_2197 : vector<16xf32>
        %get3A_2199 = arith.index_cast %add3A_2184 : i32 to index
        %get3A_2200 = arith.constant 48 : index
        %get3A_2201 = tpu.vector_load %arg8[%get3A_2199, %get3A_2200] {strides = array<i32>} : memref<112x128xf32, #tpu.memory_space<vmem>>, vector<16xf32>,
        %mul3A_2202 = arith.mulf %get3A_707, %get3A_2201 : vector<16xf32>
        %add3A_2203 = arith.addf %add3A_2198, %mul3A_2202 : vector<16xf32>
        %get3A_2204 = arith.index_cast %add3A_2184 : i32 to index
        %get3A_2205 = arith.constant 64 : index
        %get3A_2206 = tpu.vector_load %arg8[%get3A_2204, %get3A_2205] {strides = array<i32>} : memref<112x128xf32, #tpu.memory_space<vmem>>, vector<16xf32>,
        %mul3A_2207 = arith.mulf %get3A_713, %get3A_2206 : vector<16xf32>
        %add3A_2208 = arith.addf %add3A_2203, %mul3A_2207 : vector<16xf32>
        %get3A_2209 = arith.index_cast %add3A_2184 : i32 to index
        %get3A_2210 = arith.constant 80 : index
        %get3A_2211 = tpu.vector_load %arg8[%get3A_2209, %get3A_2210] {strides = array<i32>} : memref<112x128xf32, #tpu.memory_space<vmem>>, vector<16xf32>,
        %mul3A_2212 = arith.mulf %get3A_719, %get3A_2211 : vector<16xf32>
        %add3A_2213 = arith.addf %add3A_2208, %mul3A_2212 : vector<16xf32>
        %get3A_2214 = arith.index_cast %add3A_2184 : i32 to index
        %get3A_2215 = arith.constant 96 : index
        %get3A_2216 = tpu.vector_load %arg8[%get3A_2214, %get3A_2215] {strides = array<i32>} : memref<112x128xf32, #tpu.memory_space<vmem>>, vector<16xf32>,
        %mul3A_2217 = arith.mulf %get3A_725, %get3A_2216 : vector<16xf32>
        %add3A_2218 = arith.addf %add3A_2213, %mul3A_2217 : vector<16xf32>
        %get3A_2219 = arith.index_cast %add3A_2184 : i32 to index
        %get3A_2220 = arith.constant 112 : index
        %get3A_2221 = tpu.vector_load %arg8[%get3A_2219, %get3A_2220] {strides = array<i32>} : memref<112x128xf32, #tpu.memory_space<vmem>>, vector<16xf32>,
        %mul3A_2222 = arith.mulf %get3A_731, %get3A_2221 : vector<16xf32>
        %add3A_2223 = arith.addf %add3A_2218, %mul3A_2222 : vector<16xf32>
        %mul3A_2224 = arith.constant 16 : i32
        %mul3A_2225 = arith.muli %add3A_2184, %mul3A_2224 : i32
        %swap3A_2226 = arith.index_cast %mul3A_2225 : i32 to index
        %swap3A_2227 = tpu.vector_load %arg10[%swap3A_2226] {strides = array<i32>} : memref<1792xf32, #tpu.memory_space<vmem>>, vector<16xf32>,
        tpu.vector_store %arg10[%swap3A_2226], %add3A_2223 {strides = array<i32>} : memref<1792xf32, #tpu.memory_space<vmem>>, vector<16xf32>,
      }
      %scan3A_737 = arith.constant 28 : i32
      %broadcast_in_dim3A_738 = arith.constant 0.000000e+00 : f32
      %broadcast_in_dim3A_739 = vector.broadcast %broadcast_in_dim3A_738 : f32 to vector<16xf32>
      %broadcast_in_dim3A_740 = arith.constant 0.000000e+00 : f32
      %broadcast_in_dim3A_741 = vector.broadcast %broadcast_in_dim3A_740 : f32 to vector<16xf32>
      %broadcast_in_dim3A_742 = arith.constant 0.000000e+00 : f32
      %broadcast_in_dim3A_743 = vector.broadcast %broadcast_in_dim3A_742 : f32 to vector<16xf32>
      %broadcast_in_dim3A_744 = arith.constant 0.000000e+00 : f32
      %broadcast_in_dim3A_745 = vector.broadcast %broadcast_in_dim3A_744 : f32 to vector<16xf32>
      %broadcast_in_dim3A_746 = arith.constant 0.000000e+00 : f32
      %broadcast_in_dim3A_747 = vector.broadcast %broadcast_in_dim3A_746 : f32 to vector<16xf32>
      %broadcast_in_dim3A_748 = arith.constant 0.000000e+00 : f32
      %broadcast_in_dim3A_749 = vector.broadcast %broadcast_in_dim3A_748 : f32 to vector<16xf32>
      %broadcast_in_dim3A_750 = arith.constant 0.000000e+00 : f32
      %broadcast_in_dim3A_751 = vector.broadcast %broadcast_in_dim3A_750 : f32 to vector<16xf32>
      %add3A_752 = arith.constant 0 : i32
      %add3A_753 = vector.broadcast %add3A_752 : i32 to vector<16xi32>
      %add3A_754 = arith.addi %mul3A_10, %add3A_753 : vector<16xi32>
      %gather3A_755 = tpu.vector_load_idx %arg10[%add3A_754] : memref<1792xf32, #tpu.memory_space<vmem>>[vector<16xi32>], vector<16xf32>,
      %add3A_756 = arith.addf %broadcast_in_dim3A_739, %gather3A_755 : vector<16xf32>
      %add3A_757 = arith.constant 0 : i32
      %add3A_758 = vector.broadcast %add3A_757 : i32 to vector<16xi32>
      %add3A_759 = arith.addi %mul3A_16, %add3A_758 : vector<16xi32>
      %gather3A_760 = tpu.vector_load_idx %arg10[%add3A_759] : memref<1792xf32, #tpu.memory_space<vmem>>[vector<16xi32>], vector<16xf32>,
      %add3A_761 = arith.addf %broadcast_in_dim3A_741, %gather3A_760 : vector<16xf32>
      %add3A_762 = arith.constant 0 : i32
      %add3A_763 = vector.broadcast %add3A_762 : i32 to vector<16xi32>
      %add3A_764 = arith.addi %mul3A_22, %add3A_763 : vector<16xi32>
      %gather3A_765 = tpu.vector_load_idx %arg10[%add3A_764] : memref<1792xf32, #tpu.memory_space<vmem>>[vector<16xi32>], vector<16xf32>,
      %add3A_766 = arith.addf %broadcast_in_dim3A_743, %gather3A_765 : vector<16xf32>
      %add3A_767 = arith.constant 0 : i32
      %add3A_768 = vector.broadcast %add3A_767 : i32 to vector<16xi32>
      %add3A_769 = arith.addi %mul3A_28, %add3A_768 : vector<16xi32>
      %gather3A_770 = tpu.vector_load_idx %arg10[%add3A_769] : memref<1792xf32, #tpu.memory_space<vmem>>[vector<16xi32>], vector<16xf32>,
      %add3A_771 = arith.addf %broadcast_in_dim3A_745, %gather3A_770 : vector<16xf32>
      %add3A_772 = arith.constant 0 : i32
      %add3A_773 = vector.broadcast %add3A_772 : i32 to vector<16xi32>
      %add3A_774 = arith.addi %mul3A_34, %add3A_773 : vector<16xi32>
      %gather3A_775 = tpu.vector_load_idx %arg10[%add3A_774] : memref<1792xf32, #tpu.memory_space<vmem>>[vector<16xi32>], vector<16xf32>,
      %add3A_776 = arith.addf %broadcast_in_dim3A_747, %gather3A_775 : vector<16xf32>
      %add3A_777 = arith.constant 0 : i32
      %add3A_778 = vector.broadcast %add3A_777 : i32 to vector<16xi32>
      %add3A_779 = arith.addi %mul3A_40, %add3A_778 : vector<16xi32>
      %gather3A_780 = tpu.vector_load_idx %arg10[%add3A_779] : memref<1792xf32, #tpu.memory_space<vmem>>[vector<16xi32>], vector<16xf32>,
      %add3A_781 = arith.addf %broadcast_in_dim3A_749, %gather3A_780 : vector<16xf32>
      %add3A_782 = arith.constant 0 : i32
      %add3A_783 = vector.broadcast %add3A_782 : i32 to vector<16xi32>
      %add3A_784 = arith.addi %mul3A_46, %add3A_783 : vector<16xi32>
      %gather3A_785 = tpu.vector_load_idx %arg10[%add3A_784] : memref<1792xf32, #tpu.memory_space<vmem>>[vector<16xi32>], vector<16xf32>,
      %add3A_786 = arith.addf %broadcast_in_dim3A_751, %gather3A_785 : vector<16xf32>
      %add3A_787 = arith.constant 1 : i32
      %add3A_788 = vector.broadcast %add3A_787 : i32 to vector<16xi32>
      %add3A_789 = arith.addi %mul3A_10, %add3A_788 : vector<16xi32>
      %gather3A_790 = tpu.vector_load_idx %arg10[%add3A_789] : memref<1792xf32, #tpu.memory_space<vmem>>[vector<16xi32>], vector<16xf32>,
      %add3A_791 = arith.addf %add3A_756, %gather3A_790 : vector<16xf32>
      %add3A_792 = arith.constant 1 : i32
      %add3A_793 = vector.broadcast %add3A_792 : i32 to vector<16xi32>
      %add3A_794 = arith.addi %mul3A_16, %add3A_793 : vector<16xi32>
      %gather3A_795 = tpu.vector_load_idx %arg10[%add3A_794] : memref<1792xf32, #tpu.memory_space<vmem>>[vector<16xi32>], vector<16xf32>,
      %add3A_796 = arith.addf %add3A_761, %gather3A_795 : vector<16xf32>
      %add3A_797 = arith.constant 1 : i32
      %add3A_798 = vector.broadcast %add3A_797 : i32 to vector<16xi32>
      %add3A_799 = arith.addi %mul3A_22, %add3A_798 : vector<16xi32>
      %gather3A_800 = tpu.vector_load_idx %arg10[%add3A_799] : memref<1792xf32, #tpu.memory_space<vmem>>[vector<16xi32>], vector<16xf32>,
      %add3A_801 = arith.addf %add3A_766, %gather3A_800 : vector<16xf32>
      %add3A_802 = arith.constant 1 : i32
      %add3A_803 = vector.broadcast %add3A_802 : i32 to vector<16xi32>
      %add3A_804 = arith.addi %mul3A_28, %add3A_803 : vector<16xi32>
      %gather3A_805 = tpu.vector_load_idx %arg10[%add3A_804] : memref<1792xf32, #tpu.memory_space<vmem>>[vector<16xi32>], vector<16xf32>,
      %add3A_806 = arith.addf %add3A_771, %gather3A_805 : vector<16xf32>
      %add3A_807 = arith.constant 1 : i32
      %add3A_808 = vector.broadcast %add3A_807 : i32 to vector<16xi32>
      %add3A_809 = arith.addi %mul3A_34, %add3A_808 : vector<16xi32>
      %gather3A_810 = tpu.vector_load_idx %arg10[%add3A_809] : memref<1792xf32, #tpu.memory_space<vmem>>[vector<16xi32>], vector<16xf32>,
      %add3A_811 = arith.addf %add3A_776, %gather3A_810 : vector<16xf32>
      %add3A_812 = arith.constant 1 : i32
      %add3A_813 = vector.broadcast %add3A_812 : i32 to vector<16xi32>
      %add3A_814 = arith.addi %mul3A_40, %add3A_813 : vector<16xi32>
      %gather3A_815 = tpu.vector_load_idx %arg10[%add3A_814] : memref<1792xf32, #tpu.memory_space<vmem>>[vector<16xi32>], vector<16xf32>,
      %add3A_816 = arith.addf %add3A_781, %gather3A_815 : vector<16xf32>
      %add3A_817 = arith.constant 1 : i32
      %add3A_818 = vector.broadcast %add3A_817 : i32 to vector<16xi32>
      %add3A_819 = arith.addi %mul3A_46, %add3A_818 : vector<16xi32>
      %gather3A_820 = tpu.vector_load_idx %arg10[%add3A_819] : memref<1792xf32, #tpu.memory_space<vmem>>[vector<16xi32>], vector<16xf32>,
      %add3A_821 = arith.addf %add3A_786, %gather3A_820 : vector<16xf32>
      %add3A_822 = arith.constant 2 : i32
      %add3A_823 = vector.broadcast %add3A_822 : i32 to vector<16xi32>
      %add3A_824 = arith.addi %mul3A_10, %add3A_823 : vector<16xi32>
      %gather3A_825 = tpu.vector_load_idx %arg10[%add3A_824] : memref<1792xf32, #tpu.memory_space<vmem>>[vector<16xi32>], vector<16xf32>,
      %add3A_826 = arith.addf %add3A_791, %gather3A_825 : vector<16xf32>
      %add3A_827 = arith.constant 2 : i32
      %add3A_828 = vector.broadcast %add3A_827 : i32 to vector<16xi32>
      %add3A_829 = arith.addi %mul3A_16, %add3A_828 : vector<16xi32>
      %gather3A_830 = tpu.vector_load_idx %arg10[%add3A_829] : memref<1792xf32, #tpu.memory_space<vmem>>[vector<16xi32>], vector<16xf32>,
      %add3A_831 = arith.addf %add3A_796, %gather3A_830 : vector<16xf32>
      %add3A_832 = arith.constant 2 : i32
      %add3A_833 = vector.broadcast %add3A_832 : i32 to vector<16xi32>
      %add3A_834 = arith.addi %mul3A_22, %add3A_833 : vector<16xi32>
      %gather3A_835 = tpu.vector_load_idx %arg10[%add3A_834] : memref<1792xf32, #tpu.memory_space<vmem>>[vector<16xi32>], vector<16xf32>,
      %add3A_836 = arith.addf %add3A_801, %gather3A_835 : vector<16xf32>
      %add3A_837 = arith.constant 2 : i32
      %add3A_838 = vector.broadcast %add3A_837 : i32 to vector<16xi32>
      %add3A_839 = arith.addi %mul3A_28, %add3A_838 : vector<16xi32>
      %gather3A_840 = tpu.vector_load_idx %arg10[%add3A_839] : memref<1792xf32, #tpu.memory_space<vmem>>[vector<16xi32>], vector<16xf32>,
      %add3A_841 = arith.addf %add3A_806, %gather3A_840 : vector<16xf32>
      %add3A_842 = arith.constant 2 : i32
      %add3A_843 = vector.broadcast %add3A_842 : i32 to vector<16xi32>
      %add3A_844 = arith.addi %mul3A_34, %add3A_843 : vector<16xi32>
      %gather3A_845 = tpu.vector_load_idx %arg10[%add3A_844] : memref<1792xf32, #tpu.memory_space<vmem>>[vector<16xi32>], vector<16xf32>,
      %add3A_846 = arith.addf %add3A_811, %gather3A_845 : vector<16xf32>
      %add3A_847 = arith.constant 2 : i32
      %add3A_848 = vector.broadcast %add3A_847 : i32 to vector<16xi32>
      %add3A_849 = arith.addi %mul3A_40, %add3A_848 : vector<16xi32>
      %gather3A_850 = tpu.vector_load_idx %arg10[%add3A_849] : memref<1792xf32, #tpu.memory_space<vmem>>[vector<16xi32>], vector<16xf32>,
      %add3A_851 = arith.addf %add3A_816, %gather3A_850 : vector<16xf32>
      %add3A_852 = arith.constant 2 : i32
      %add3A_853 = vector.broadcast %add3A_852 : i32 to vector<16xi32>
      %add3A_854 = arith.addi %mul3A_46, %add3A_853 : vector<16xi32>
      %gather3A_855 = tpu.vector_load_idx %arg10[%add3A_854] : memref<1792xf32, #tpu.memory_space<vmem>>[vector<16xi32>], vector<16xf32>,
      %add3A_856 = arith.addf %add3A_821, %gather3A_855 : vector<16xf32>
      %add3A_857 = arith.constant 3 : i32
      %add3A_858 = vector.broadcast %add3A_857 : i32 to vector<16xi32>
      %add3A_859 = arith.addi %mul3A_10, %add3A_858 : vector<16xi32>
      %gather3A_860 = tpu.vector_load_idx %arg10[%add3A_859] : memref<1792xf32, #tpu.memory_space<vmem>>[vector<16xi32>], vector<16xf32>,
      %add3A_861 = arith.addf %add3A_826, %gather3A_860 : vector<16xf32>
      %add3A_862 = arith.constant 3 : i32
      %add3A_863 = vector.broadcast %add3A_862 : i32 to vector<16xi32>
      %add3A_864 = arith.addi %mul3A_16, %add3A_863 : vector<16xi32>
      %gather3A_865 = tpu.vector_load_idx %arg10[%add3A_864] : memref<1792xf32, #tpu.memory_space<vmem>>[vector<16xi32>], vector<16xf32>,
      %add3A_866 = arith.addf %add3A_831, %gather3A_865 : vector<16xf32>
      %add3A_867 = arith.constant 3 : i32
      %add3A_868 = vector.broadcast %add3A_867 : i32 to vector<16xi32>
      %add3A_869 = arith.addi %mul3A_22, %add3A_868 : vector<16xi32>
      %gather3A_870 = tpu.vector_load_idx %arg10[%add3A_869] : memref<1792xf32, #tpu.memory_space<vmem>>[vector<16xi32>], vector<16xf32>,
      %add3A_871 = arith.addf %add3A_836, %gather3A_870 : vector<16xf32>
      %add3A_872 = arith.constant 3 : i32
      %add3A_873 = vector.broadcast %add3A_872 : i32 to vector<16xi32>
      %add3A_874 = arith.addi %mul3A_28, %add3A_873 : vector<16xi32>
      %gather3A_875 = tpu.vector_load_idx %arg10[%add3A_874] : memref<1792xf32, #tpu.memory_space<vmem>>[vector<16xi32>], vector<16xf32>,
      %add3A_876 = arith.addf %add3A_841, %gather3A_875 : vector<16xf32>
      %add3A_877 = arith.constant 3 : i32
      %add3A_878 = vector.broadcast %add3A_877 : i32 to vector<16xi32>
      %add3A_879 = arith.addi %mul3A_34, %add3A_878 : vector<16xi32>
      %gather3A_880 = tpu.vector_load_idx %arg10[%add3A_879] : memref<1792xf32, #tpu.memory_space<vmem>>[vector<16xi32>], vector<16xf32>,
      %add3A_881 = arith.addf %add3A_846, %gather3A_880 : vector<16xf32>
      %add3A_882 = arith.constant 3 : i32
      %add3A_883 = vector.broadcast %add3A_882 : i32 to vector<16xi32>
      %add3A_884 = arith.addi %mul3A_40, %add3A_883 : vector<16xi32>
      %gather3A_885 = tpu.vector_load_idx %arg10[%add3A_884] : memref<1792xf32, #tpu.memory_space<vmem>>[vector<16xi32>], vector<16xf32>,
      %add3A_886 = arith.addf %add3A_851, %gather3A_885 : vector<16xf32>
      %add3A_887 = arith.constant 3 : i32
      %add3A_888 = vector.broadcast %add3A_887 : i32 to vector<16xi32>
      %add3A_889 = arith.addi %mul3A_46, %add3A_888 : vector<16xi32>
      %gather3A_890 = tpu.vector_load_idx %arg10[%add3A_889] : memref<1792xf32, #tpu.memory_space<vmem>>[vector<16xi32>], vector<16xf32>,
      %add3A_891 = arith.addf %add3A_856, %gather3A_890 : vector<16xf32>
      %add3A_892 = arith.constant 4 : i32
      %add3A_893 = vector.broadcast %add3A_892 : i32 to vector<16xi32>
      %add3A_894 = arith.addi %mul3A_10, %add3A_893 : vector<16xi32>
      %gather3A_895 = tpu.vector_load_idx %arg10[%add3A_894] : memref<1792xf32, #tpu.memory_space<vmem>>[vector<16xi32>], vector<16xf32>,
      %add3A_896 = arith.addf %add3A_861, %gather3A_895 : vector<16xf32>
      %add3A_897 = arith.constant 4 : i32
      %add3A_898 = vector.broadcast %add3A_897 : i32 to vector<16xi32>
      %add3A_899 = arith.addi %mul3A_16, %add3A_898 : vector<16xi32>
      %gather3A_900 = tpu.vector_load_idx %arg10[%add3A_899] : memref<1792xf32, #tpu.memory_space<vmem>>[vector<16xi32>], vector<16xf32>,
      %add3A_901 = arith.addf %add3A_866, %gather3A_900 : vector<16xf32>
      %add3A_902 = arith.constant 4 : i32
      %add3A_903 = vector.broadcast %add3A_902 : i32 to vector<16xi32>
      %add3A_904 = arith.addi %mul3A_22, %add3A_903 : vector<16xi32>
      %gather3A_905 = tpu.vector_load_idx %arg10[%add3A_904] : memref<1792xf32, #tpu.memory_space<vmem>>[vector<16xi32>], vector<16xf32>,
      %add3A_906 = arith.addf %add3A_871, %gather3A_905 : vector<16xf32>
      %add3A_907 = arith.constant 4 : i32
      %add3A_908 = vector.broadcast %add3A_907 : i32 to vector<16xi32>
      %add3A_909 = arith.addi %mul3A_28, %add3A_908 : vector<16xi32>
      %gather3A_910 = tpu.vector_load_idx %arg10[%add3A_909] : memref<1792xf32, #tpu.memory_space<vmem>>[vector<16xi32>], vector<16xf32>,
      %add3A_911 = arith.addf %add3A_876, %gather3A_910 : vector<16xf32>
      %add3A_912 = arith.constant 4 : i32
      %add3A_913 = vector.broadcast %add3A_912 : i32 to vector<16xi32>
      %add3A_914 = arith.addi %mul3A_34, %add3A_913 : vector<16xi32>
      %gather3A_915 = tpu.vector_load_idx %arg10[%add3A_914] : memref<1792xf32, #tpu.memory_space<vmem>>[vector<16xi32>], vector<16xf32>,
      %add3A_916 = arith.addf %add3A_881, %gather3A_915 : vector<16xf32>
      %add3A_917 = arith.constant 4 : i32
      %add3A_918 = vector.broadcast %add3A_917 : i32 to vector<16xi32>
      %add3A_919 = arith.addi %mul3A_40, %add3A_918 : vector<16xi32>
      %gather3A_920 = tpu.vector_load_idx %arg10[%add3A_919] : memref<1792xf32, #tpu.memory_space<vmem>>[vector<16xi32>], vector<16xf32>,
      %add3A_921 = arith.addf %add3A_886, %gather3A_920 : vector<16xf32>
      %add3A_922 = arith.constant 4 : i32
      %add3A_923 = vector.broadcast %add3A_922 : i32 to vector<16xi32>
      %add3A_924 = arith.addi %mul3A_46, %add3A_923 : vector<16xi32>
      %gather3A_925 = tpu.vector_load_idx %arg10[%add3A_924] : memref<1792xf32, #tpu.memory_space<vmem>>[vector<16xi32>], vector<16xf32>,
      %add3A_926 = arith.addf %add3A_891, %gather3A_925 : vector<16xf32>
      %add3A_927 = arith.constant 5 : i32
      %add3A_928 = vector.broadcast %add3A_927 : i32 to vector<16xi32>
      %add3A_929 = arith.addi %mul3A_10, %add3A_928 : vector<16xi32>
      %gather3A_930 = tpu.vector_load_idx %arg10[%add3A_929] : memref<1792xf32, #tpu.memory_space<vmem>>[vector<16xi32>], vector<16xf32>,
      %add3A_931 = arith.addf %add3A_896, %gather3A_930 : vector<16xf32>
      %add3A_932 = arith.constant 5 : i32
      %add3A_933 = vector.broadcast %add3A_932 : i32 to vector<16xi32>
      %add3A_934 = arith.addi %mul3A_16, %add3A_933 : vector<16xi32>
      %gather3A_935 = tpu.vector_load_idx %arg10[%add3A_934] : memref<1792xf32, #tpu.memory_space<vmem>>[vector<16xi32>], vector<16xf32>,
      %add3A_936 = arith.addf %add3A_901, %gather3A_935 : vector<16xf32>
      %add3A_937 = arith.constant 5 : i32
      %add3A_938 = vector.broadcast %add3A_937 : i32 to vector<16xi32>
      %add3A_939 = arith.addi %mul3A_22, %add3A_938 : vector<16xi32>
      %gather3A_940 = tpu.vector_load_idx %arg10[%add3A_939] : memref<1792xf32, #tpu.memory_space<vmem>>[vector<16xi32>], vector<16xf32>,
      %add3A_941 = arith.addf %add3A_906, %gather3A_940 : vector<16xf32>
      %add3A_942 = arith.constant 5 : i32
      %add3A_943 = vector.broadcast %add3A_942 : i32 to vector<16xi32>
      %add3A_944 = arith.addi %mul3A_28, %add3A_943 : vector<16xi32>
      %gather3A_945 = tpu.vector_load_idx %arg10[%add3A_944] : memref<1792xf32, #tpu.memory_space<vmem>>[vector<16xi32>], vector<16xf32>,
      %add3A_946 = arith.addf %add3A_911, %gather3A_945 : vector<16xf32>
      %add3A_947 = arith.constant 5 : i32
      %add3A_948 = vector.broadcast %add3A_947 : i32 to vector<16xi32>
      %add3A_949 = arith.addi %mul3A_34, %add3A_948 : vector<16xi32>
      %gather3A_950 = tpu.vector_load_idx %arg10[%add3A_949] : memref<1792xf32, #tpu.memory_space<vmem>>[vector<16xi32>], vector<16xf32>,
      %add3A_951 = arith.addf %add3A_916, %gather3A_950 : vector<16xf32>
      %add3A_952 = arith.constant 5 : i32
      %add3A_953 = vector.broadcast %add3A_952 : i32 to vector<16xi32>
      %add3A_954 = arith.addi %mul3A_40, %add3A_953 : vector<16xi32>
      %gather3A_955 = tpu.vector_load_idx %arg10[%add3A_954] : memref<1792xf32, #tpu.memory_space<vmem>>[vector<16xi32>], vector<16xf32>,
      %add3A_956 = arith.addf %add3A_921, %gather3A_955 : vector<16xf32>
      %add3A_957 = arith.constant 5 : i32
      %add3A_958 = vector.broadcast %add3A_957 : i32 to vector<16xi32>
      %add3A_959 = arith.addi %mul3A_46, %add3A_958 : vector<16xi32>
      %gather3A_960 = tpu.vector_load_idx %arg10[%add3A_959] : memref<1792xf32, #tpu.memory_space<vmem>>[vector<16xi32>], vector<16xf32>,
      %add3A_961 = arith.addf %add3A_926, %gather3A_960 : vector<16xf32>
      %add3A_962 = arith.constant 6 : i32
      %add3A_963 = vector.broadcast %add3A_962 : i32 to vector<16xi32>
      %add3A_964 = arith.addi %mul3A_10, %add3A_963 : vector<16xi32>
      %gather3A_965 = tpu.vector_load_idx %arg10[%add3A_964] : memref<1792xf32, #tpu.memory_space<vmem>>[vector<16xi32>], vector<16xf32>,
      %add3A_966 = arith.addf %add3A_931, %gather3A_965 : vector<16xf32>
      %add3A_967 = arith.constant 6 : i32
      %add3A_968 = vector.broadcast %add3A_967 : i32 to vector<16xi32>
      %add3A_969 = arith.addi %mul3A_16, %add3A_968 : vector<16xi32>
      %gather3A_970 = tpu.vector_load_idx %arg10[%add3A_969] : memref<1792xf32, #tpu.memory_space<vmem>>[vector<16xi32>], vector<16xf32>,
      %add3A_971 = arith.addf %add3A_936, %gather3A_970 : vector<16xf32>
      %add3A_972 = arith.constant 6 : i32
      %add3A_973 = vector.broadcast %add3A_972 : i32 to vector<16xi32>
      %add3A_974 = arith.addi %mul3A_22, %add3A_973 : vector<16xi32>
      %gather3A_975 = tpu.vector_load_idx %arg10[%add3A_974] : memref<1792xf32, #tpu.memory_space<vmem>>[vector<16xi32>], vector<16xf32>,
      %add3A_976 = arith.addf %add3A_941, %gather3A_975 : vector<16xf32>
      %add3A_977 = arith.constant 6 : i32
      %add3A_978 = vector.broadcast %add3A_977 : i32 to vector<16xi32>
      %add3A_979 = arith.addi %mul3A_28, %add3A_978 : vector<16xi32>
      %gather3A_980 = tpu.vector_load_idx %arg10[%add3A_979] : memref<1792xf32, #tpu.memory_space<vmem>>[vector<16xi32>], vector<16xf32>,
      %add3A_981 = arith.addf %add3A_946, %gather3A_980 : vector<16xf32>
      %add3A_982 = arith.constant 6 : i32
      %add3A_983 = vector.broadcast %add3A_982 : i32 to vector<16xi32>
      %add3A_984 = arith.addi %mul3A_34, %add3A_983 : vector<16xi32>
      %gather3A_985 = tpu.vector_load_idx %arg10[%add3A_984] : memref<1792xf32, #tpu.memory_space<vmem>>[vector<16xi32>], vector<16xf32>,
      %add3A_986 = arith.addf %add3A_951, %gather3A_985 : vector<16xf32>
      %add3A_987 = arith.constant 6 : i32
      %add3A_988 = vector.broadcast %add3A_987 : i32 to vector<16xi32>
      %add3A_989 = arith.addi %mul3A_40, %add3A_988 : vector<16xi32>
      %gather3A_990 = tpu.vector_load_idx %arg10[%add3A_989] : memref<1792xf32, #tpu.memory_space<vmem>>[vector<16xi32>], vector<16xf32>,
      %add3A_991 = arith.addf %add3A_956, %gather3A_990 : vector<16xf32>
      %add3A_992 = arith.constant 6 : i32
      %add3A_993 = vector.broadcast %add3A_992 : i32 to vector<16xi32>
      %add3A_994 = arith.addi %mul3A_46, %add3A_993 : vector<16xi32>
      %gather3A_995 = tpu.vector_load_idx %arg10[%add3A_994] : memref<1792xf32, #tpu.memory_space<vmem>>[vector<16xi32>], vector<16xf32>,
      %add3A_996 = arith.addf %add3A_961, %gather3A_995 : vector<16xf32>
      %add3A_997 = arith.constant 7 : i32
      %add3A_998 = vector.broadcast %add3A_997 : i32 to vector<16xi32>
      %add3A_999 = arith.addi %mul3A_10, %add3A_998 : vector<16xi32>
      %gather3A_1000 = tpu.vector_load_idx %arg10[%add3A_999] : memref<1792xf32, #tpu.memory_space<vmem>>[vector<16xi32>], vector<16xf32>,
      %add3A_1001 = arith.addf %add3A_966, %gather3A_1000 : vector<16xf32>
      %add3A_1002 = arith.constant 7 : i32
      %add3A_1003 = vector.broadcast %add3A_1002 : i32 to vector<16xi32>
      %add3A_1004 = arith.addi %mul3A_16, %add3A_1003 : vector<16xi32>
      %gather3A_1005 = tpu.vector_load_idx %arg10[%add3A_1004] : memref<1792xf32, #tpu.memory_space<vmem>>[vector<16xi32>], vector<16xf32>,
      %add3A_1006 = arith.addf %add3A_971, %gather3A_1005 : vector<16xf32>
      %add3A_1007 = arith.constant 7 : i32
      %add3A_1008 = vector.broadcast %add3A_1007 : i32 to vector<16xi32>
      %add3A_1009 = arith.addi %mul3A_22, %add3A_1008 : vector<16xi32>
      %gather3A_1010 = tpu.vector_load_idx %arg10[%add3A_1009] : memref<1792xf32, #tpu.memory_space<vmem>>[vector<16xi32>], vector<16xf32>,
      %add3A_1011 = arith.addf %add3A_976, %gather3A_1010 : vector<16xf32>
      %add3A_1012 = arith.constant 7 : i32
      %add3A_1013 = vector.broadcast %add3A_1012 : i32 to vector<16xi32>
      %add3A_1014 = arith.addi %mul3A_28, %add3A_1013 : vector<16xi32>
      %gather3A_1015 = tpu.vector_load_idx %arg10[%add3A_1014] : memref<1792xf32, #tpu.memory_space<vmem>>[vector<16xi32>], vector<16xf32>,
      %add3A_1016 = arith.addf %add3A_981, %gather3A_1015 : vector<16xf32>
      %add3A_1017 = arith.constant 7 : i32
      %add3A_1018 = vector.broadcast %add3A_1017 : i32 to vector<16xi32>
      %add3A_1019 = arith.addi %mul3A_34, %add3A_1018 : vector<16xi32>
      %gather3A_1020 = tpu.vector_load_idx %arg10[%add3A_1019] : memref<1792xf32, #tpu.memory_space<vmem>>[vector<16xi32>], vector<16xf32>,
      %add3A_1021 = arith.addf %add3A_986, %gather3A_1020 : vector<16xf32>
      %add3A_1022 = arith.constant 7 : i32
      %add3A_1023 = vector.broadcast %add3A_1022 : i32 to vector<16xi32>
      %add3A_1024 = arith.addi %mul3A_40, %add3A_1023 : vector<16xi32>
      %gather3A_1025 = tpu.vector_load_idx %arg10[%add3A_1024] : memref<1792xf32, #tpu.memory_space<vmem>>[vector<16xi32>], vector<16xf32>,
      %add3A_1026 = arith.addf %add3A_991, %gather3A_1025 : vector<16xf32>
      %add3A_1027 = arith.constant 7 : i32
      %add3A_1028 = vector.broadcast %add3A_1027 : i32 to vector<16xi32>
      %add3A_1029 = arith.addi %mul3A_46, %add3A_1028 : vector<16xi32>
      %gather3A_1030 = tpu.vector_load_idx %arg10[%add3A_1029] : memref<1792xf32, #tpu.memory_space<vmem>>[vector<16xi32>], vector<16xf32>,
      %add3A_1031 = arith.addf %add3A_996, %gather3A_1030 : vector<16xf32>
      %add3A_1032 = arith.constant 8 : i32
      %add3A_1033 = vector.broadcast %add3A_1032 : i32 to vector<16xi32>
      %add3A_1034 = arith.addi %mul3A_10, %add3A_1033 : vector<16xi32>
      %gather3A_1035 = tpu.vector_load_idx %arg10[%add3A_1034] : memref<1792xf32, #tpu.memory_space<vmem>>[vector<16xi32>], vector<16xf32>,
      %add3A_1036 = arith.addf %add3A_1001, %gather3A_1035 : vector<16xf32>
      %add3A_1037 = arith.constant 8 : i32
      %add3A_1038 = vector.broadcast %add3A_1037 : i32 to vector<16xi32>
      %add3A_1039 = arith.addi %mul3A_16, %add3A_1038 : vector<16xi32>
      %gather3A_1040 = tpu.vector_load_idx %arg10[%add3A_1039] : memref<1792xf32, #tpu.memory_space<vmem>>[vector<16xi32>], vector<16xf32>,
      %add3A_1041 = arith.addf %add3A_1006, %gather3A_1040 : vector<16xf32>
      %add3A_1042 = arith.constant 8 : i32
      %add3A_1043 = vector.broadcast %add3A_1042 : i32 to vector<16xi32>
      %add3A_1044 = arith.addi %mul3A_22, %add3A_1043 : vector<16xi32>
      %gather3A_1045 = tpu.vector_load_idx %arg10[%add3A_1044] : memref<1792xf32, #tpu.memory_space<vmem>>[vector<16xi32>], vector<16xf32>,
      %add3A_1046 = arith.addf %add3A_1011, %gather3A_1045 : vector<16xf32>
      %add3A_1047 = arith.constant 8 : i32
      %add3A_1048 = vector.broadcast %add3A_1047 : i32 to vector<16xi32>
      %add3A_1049 = arith.addi %mul3A_28, %add3A_1048 : vector<16xi32>
      %gather3A_1050 = tpu.vector_load_idx %arg10[%add3A_1049] : memref<1792xf32, #tpu.memory_space<vmem>>[vector<16xi32>], vector<16xf32>,
      %add3A_1051 = arith.addf %add3A_1016, %gather3A_1050 : vector<16xf32>
      %add3A_1052 = arith.constant 8 : i32
      %add3A_1053 = vector.broadcast %add3A_1052 : i32 to vector<16xi32>
      %add3A_1054 = arith.addi %mul3A_34, %add3A_1053 : vector<16xi32>
      %gather3A_1055 = tpu.vector_load_idx %arg10[%add3A_1054] : memref<1792xf32, #tpu.memory_space<vmem>>[vector<16xi32>], vector<16xf32>,
      %add3A_1056 = arith.addf %add3A_1021, %gather3A_1055 : vector<16xf32>
      %add3A_1057 = arith.constant 8 : i32
      %add3A_1058 = vector.broadcast %add3A_1057 : i32 to vector<16xi32>
      %add3A_1059 = arith.addi %mul3A_40, %add3A_1058 : vector<16xi32>
      %gather3A_1060 = tpu.vector_load_idx %arg10[%add3A_1059] : memref<1792xf32, #tpu.memory_space<vmem>>[vector<16xi32>], vector<16xf32>,
      %add3A_1061 = arith.addf %add3A_1026, %gather3A_1060 : vector<16xf32>
      %add3A_1062 = arith.constant 8 : i32
      %add3A_1063 = vector.broadcast %add3A_1062 : i32 to vector<16xi32>
      %add3A_1064 = arith.addi %mul3A_46, %add3A_1063 : vector<16xi32>
      %gather3A_1065 = tpu.vector_load_idx %arg10[%add3A_1064] : memref<1792xf32, #tpu.memory_space<vmem>>[vector<16xi32>], vector<16xf32>,
      %add3A_1066 = arith.addf %add3A_1031, %gather3A_1065 : vector<16xf32>
      %add3A_1067 = arith.constant 9 : i32
      %add3A_1068 = vector.broadcast %add3A_1067 : i32 to vector<16xi32>
      %add3A_1069 = arith.addi %mul3A_10, %add3A_1068 : vector<16xi32>
      %gather3A_1070 = tpu.vector_load_idx %arg10[%add3A_1069] : memref<1792xf32, #tpu.memory_space<vmem>>[vector<16xi32>], vector<16xf32>,
      %add3A_1071 = arith.addf %add3A_1036, %gather3A_1070 : vector<16xf32>
      %add3A_1072 = arith.constant 9 : i32
      %add3A_1073 = vector.broadcast %add3A_1072 : i32 to vector<16xi32>
      %add3A_1074 = arith.addi %mul3A_16, %add3A_1073 : vector<16xi32>
      %gather3A_1075 = tpu.vector_load_idx %arg10[%add3A_1074] : memref<1792xf32, #tpu.memory_space<vmem>>[vector<16xi32>], vector<16xf32>,
      %add3A_1076 = arith.addf %add3A_1041, %gather3A_1075 : vector<16xf32>
      %add3A_1077 = arith.constant 9 : i32
      %add3A_1078 = vector.broadcast %add3A_1077 : i32 to vector<16xi32>
      %add3A_1079 = arith.addi %mul3A_22, %add3A_1078 : vector<16xi32>
      %gather3A_1080 = tpu.vector_load_idx %arg10[%add3A_1079] : memref<1792xf32, #tpu.memory_space<vmem>>[vector<16xi32>], vector<16xf32>,
      %add3A_1081 = arith.addf %add3A_1046, %gather3A_1080 : vector<16xf32>
      %add3A_1082 = arith.constant 9 : i32
      %add3A_1083 = vector.broadcast %add3A_1082 : i32 to vector<16xi32>
      %add3A_1084 = arith.addi %mul3A_28, %add3A_1083 : vector<16xi32>
      %gather3A_1085 = tpu.vector_load_idx %arg10[%add3A_1084] : memref<1792xf32, #tpu.memory_space<vmem>>[vector<16xi32>], vector<16xf32>,
      %add3A_1086 = arith.addf %add3A_1051, %gather3A_1085 : vector<16xf32>
      %add3A_1087 = arith.constant 9 : i32
      %add3A_1088 = vector.broadcast %add3A_1087 : i32 to vector<16xi32>
      %add3A_1089 = arith.addi %mul3A_34, %add3A_1088 : vector<16xi32>
      %gather3A_1090 = tpu.vector_load_idx %arg10[%add3A_1089] : memref<1792xf32, #tpu.memory_space<vmem>>[vector<16xi32>], vector<16xf32>,
      %add3A_1091 = arith.addf %add3A_1056, %gather3A_1090 : vector<16xf32>
      %add3A_1092 = arith.constant 9 : i32
      %add3A_1093 = vector.broadcast %add3A_1092 : i32 to vector<16xi32>
      %add3A_1094 = arith.addi %mul3A_40, %add3A_1093 : vector<16xi32>
      %gather3A_1095 = tpu.vector_load_idx %arg10[%add3A_1094] : memref<1792xf32, #tpu.memory_space<vmem>>[vector<16xi32>], vector<16xf32>,
      %add3A_1096 = arith.addf %add3A_1061, %gather3A_1095 : vector<16xf32>
      %add3A_1097 = arith.constant 9 : i32
      %add3A_1098 = vector.broadcast %add3A_1097 : i32 to vector<16xi32>
      %add3A_1099 = arith.addi %mul3A_46, %add3A_1098 : vector<16xi32>
      %gather3A_1100 = tpu.vector_load_idx %arg10[%add3A_1099] : memref<1792xf32, #tpu.memory_space<vmem>>[vector<16xi32>], vector<16xf32>,
      %add3A_1101 = arith.addf %add3A_1066, %gather3A_1100 : vector<16xf32>
      %add3A_1102 = arith.constant 10 : i32
      %add3A_1103 = vector.broadcast %add3A_1102 : i32 to vector<16xi32>
      %add3A_1104 = arith.addi %mul3A_10, %add3A_1103 : vector<16xi32>
      %gather3A_1105 = tpu.vector_load_idx %arg10[%add3A_1104] : memref<1792xf32, #tpu.memory_space<vmem>>[vector<16xi32>], vector<16xf32>,
      %add3A_1106 = arith.addf %add3A_1071, %gather3A_1105 : vector<16xf32>
      %add3A_1107 = arith.constant 10 : i32
      %add3A_1108 = vector.broadcast %add3A_1107 : i32 to vector<16xi32>
      %add3A_1109 = arith.addi %mul3A_16, %add3A_1108 : vector<16xi32>
      %gather3A_1110 = tpu.vector_load_idx %arg10[%add3A_1109] : memref<1792xf32, #tpu.memory_space<vmem>>[vector<16xi32>], vector<16xf32>,
      %add3A_1111 = arith.addf %add3A_1076, %gather3A_1110 : vector<16xf32>
      %add3A_1112 = arith.constant 10 : i32
      %add3A_1113 = vector.broadcast %add3A_1112 : i32 to vector<16xi32>
      %add3A_1114 = arith.addi %mul3A_22, %add3A_1113 : vector<16xi32>
      %gather3A_1115 = tpu.vector_load_idx %arg10[%add3A_1114] : memref<1792xf32, #tpu.memory_space<vmem>>[vector<16xi32>], vector<16xf32>,
      %add3A_1116 = arith.addf %add3A_1081, %gather3A_1115 : vector<16xf32>
      %add3A_1117 = arith.constant 10 : i32
      %add3A_1118 = vector.broadcast %add3A_1117 : i32 to vector<16xi32>
      %add3A_1119 = arith.addi %mul3A_28, %add3A_1118 : vector<16xi32>
      %gather3A_1120 = tpu.vector_load_idx %arg10[%add3A_1119] : memref<1792xf32, #tpu.memory_space<vmem>>[vector<16xi32>], vector<16xf32>,
      %add3A_1121 = arith.addf %add3A_1086, %gather3A_1120 : vector<16xf32>
      %add3A_1122 = arith.constant 10 : i32
      %add3A_1123 = vector.broadcast %add3A_1122 : i32 to vector<16xi32>
      %add3A_1124 = arith.addi %mul3A_34, %add3A_1123 : vector<16xi32>
      %gather3A_1125 = tpu.vector_load_idx %arg10[%add3A_1124] : memref<1792xf32, #tpu.memory_space<vmem>>[vector<16xi32>], vector<16xf32>,
      %add3A_1126 = arith.addf %add3A_1091, %gather3A_1125 : vector<16xf32>
      %add3A_1127 = arith.constant 10 : i32
      %add3A_1128 = vector.broadcast %add3A_1127 : i32 to vector<16xi32>
      %add3A_1129 = arith.addi %mul3A_40, %add3A_1128 : vector<16xi32>
      %gather3A_1130 = tpu.vector_load_idx %arg10[%add3A_1129] : memref<1792xf32, #tpu.memory_space<vmem>>[vector<16xi32>], vector<16xf32>,
      %add3A_1131 = arith.addf %add3A_1096, %gather3A_1130 : vector<16xf32>
      %add3A_1132 = arith.constant 10 : i32
      %add3A_1133 = vector.broadcast %add3A_1132 : i32 to vector<16xi32>
      %add3A_1134 = arith.addi %mul3A_46, %add3A_1133 : vector<16xi32>
      %gather3A_1135 = tpu.vector_load_idx %arg10[%add3A_1134] : memref<1792xf32, #tpu.memory_space<vmem>>[vector<16xi32>], vector<16xf32>,
      %add3A_1136 = arith.addf %add3A_1101, %gather3A_1135 : vector<16xf32>
      %add3A_1137 = arith.constant 11 : i32
      %add3A_1138 = vector.broadcast %add3A_1137 : i32 to vector<16xi32>
      %add3A_1139 = arith.addi %mul3A_10, %add3A_1138 : vector<16xi32>
      %gather3A_1140 = tpu.vector_load_idx %arg10[%add3A_1139] : memref<1792xf32, #tpu.memory_space<vmem>>[vector<16xi32>], vector<16xf32>,
      %add3A_1141 = arith.addf %add3A_1106, %gather3A_1140 : vector<16xf32>
      %add3A_1142 = arith.constant 11 : i32
      %add3A_1143 = vector.broadcast %add3A_1142 : i32 to vector<16xi32>
      %add3A_1144 = arith.addi %mul3A_16, %add3A_1143 : vector<16xi32>
      %gather3A_1145 = tpu.vector_load_idx %arg10[%add3A_1144] : memref<1792xf32, #tpu.memory_space<vmem>>[vector<16xi32>], vector<16xf32>,
      %add3A_1146 = arith.addf %add3A_1111, %gather3A_1145 : vector<16xf32>
      %add3A_1147 = arith.constant 11 : i32
      %add3A_1148 = vector.broadcast %add3A_1147 : i32 to vector<16xi32>
      %add3A_1149 = arith.addi %mul3A_22, %add3A_1148 : vector<16xi32>
      %gather3A_1150 = tpu.vector_load_idx %arg10[%add3A_1149] : memref<1792xf32, #tpu.memory_space<vmem>>[vector<16xi32>], vector<16xf32>,
      %add3A_1151 = arith.addf %add3A_1116, %gather3A_1150 : vector<16xf32>
      %add3A_1152 = arith.constant 11 : i32
      %add3A_1153 = vector.broadcast %add3A_1152 : i32 to vector<16xi32>
      %add3A_1154 = arith.addi %mul3A_28, %add3A_1153 : vector<16xi32>
      %gather3A_1155 = tpu.vector_load_idx %arg10[%add3A_1154] : memref<1792xf32, #tpu.memory_space<vmem>>[vector<16xi32>], vector<16xf32>,
      %add3A_1156 = arith.addf %add3A_1121, %gather3A_1155 : vector<16xf32>
      %add3A_1157 = arith.constant 11 : i32
      %add3A_1158 = vector.broadcast %add3A_1157 : i32 to vector<16xi32>
      %add3A_1159 = arith.addi %mul3A_34, %add3A_1158 : vector<16xi32>
      %gather3A_1160 = tpu.vector_load_idx %arg10[%add3A_1159] : memref<1792xf32, #tpu.memory_space<vmem>>[vector<16xi32>], vector<16xf32>,
      %add3A_1161 = arith.addf %add3A_1126, %gather3A_1160 : vector<16xf32>
      %add3A_1162 = arith.constant 11 : i32
      %add3A_1163 = vector.broadcast %add3A_1162 : i32 to vector<16xi32>
      %add3A_1164 = arith.addi %mul3A_40, %add3A_1163 : vector<16xi32>
      %gather3A_1165 = tpu.vector_load_idx %arg10[%add3A_1164] : memref<1792xf32, #tpu.memory_space<vmem>>[vector<16xi32>], vector<16xf32>,
      %add3A_1166 = arith.addf %add3A_1131, %gather3A_1165 : vector<16xf32>
      %add3A_1167 = arith.constant 11 : i32
      %add3A_1168 = vector.broadcast %add3A_1167 : i32 to vector<16xi32>
      %add3A_1169 = arith.addi %mul3A_46, %add3A_1168 : vector<16xi32>
      %gather3A_1170 = tpu.vector_load_idx %arg10[%add3A_1169] : memref<1792xf32, #tpu.memory_space<vmem>>[vector<16xi32>], vector<16xf32>,
      %add3A_1171 = arith.addf %add3A_1136, %gather3A_1170 : vector<16xf32>
      %add3A_1172 = arith.constant 12 : i32
      %add3A_1173 = vector.broadcast %add3A_1172 : i32 to vector<16xi32>
      %add3A_1174 = arith.addi %mul3A_10, %add3A_1173 : vector<16xi32>
      %gather3A_1175 = tpu.vector_load_idx %arg10[%add3A_1174] : memref<1792xf32, #tpu.memory_space<vmem>>[vector<16xi32>], vector<16xf32>,
      %add3A_1176 = arith.addf %add3A_1141, %gather3A_1175 : vector<16xf32>
      %add3A_1177 = arith.constant 12 : i32
      %add3A_1178 = vector.broadcast %add3A_1177 : i32 to vector<16xi32>
      %add3A_1179 = arith.addi %mul3A_16, %add3A_1178 : vector<16xi32>
      %gather3A_1180 = tpu.vector_load_idx %arg10[%add3A_1179] : memref<1792xf32, #tpu.memory_space<vmem>>[vector<16xi32>], vector<16xf32>,
      %add3A_1181 = arith.addf %add3A_1146, %gather3A_1180 : vector<16xf32>
      %add3A_1182 = arith.constant 12 : i32
      %add3A_1183 = vector.broadcast %add3A_1182 : i32 to vector<16xi32>
      %add3A_1184 = arith.addi %mul3A_22, %add3A_1183 : vector<16xi32>
      %gather3A_1185 = tpu.vector_load_idx %arg10[%add3A_1184] : memref<1792xf32, #tpu.memory_space<vmem>>[vector<16xi32>], vector<16xf32>,
      %add3A_1186 = arith.addf %add3A_1151, %gather3A_1185 : vector<16xf32>
      %add3A_1187 = arith.constant 12 : i32
      %add3A_1188 = vector.broadcast %add3A_1187 : i32 to vector<16xi32>
      %add3A_1189 = arith.addi %mul3A_28, %add3A_1188 : vector<16xi32>
      %gather3A_1190 = tpu.vector_load_idx %arg10[%add3A_1189] : memref<1792xf32, #tpu.memory_space<vmem>>[vector<16xi32>], vector<16xf32>,
      %add3A_1191 = arith.addf %add3A_1156, %gather3A_1190 : vector<16xf32>
      %add3A_1192 = arith.constant 12 : i32
      %add3A_1193 = vector.broadcast %add3A_1192 : i32 to vector<16xi32>
      %add3A_1194 = arith.addi %mul3A_34, %add3A_1193 : vector<16xi32>
      %gather3A_1195 = tpu.vector_load_idx %arg10[%add3A_1194] : memref<1792xf32, #tpu.memory_space<vmem>>[vector<16xi32>], vector<16xf32>,
      %add3A_1196 = arith.addf %add3A_1161, %gather3A_1195 : vector<16xf32>
      %add3A_1197 = arith.constant 12 : i32
      %add3A_1198 = vector.broadcast %add3A_1197 : i32 to vector<16xi32>
      %add3A_1199 = arith.addi %mul3A_40, %add3A_1198 : vector<16xi32>
      %gather3A_1200 = tpu.vector_load_idx %arg10[%add3A_1199] : memref<1792xf32, #tpu.memory_space<vmem>>[vector<16xi32>], vector<16xf32>,
      %add3A_1201 = arith.addf %add3A_1166, %gather3A_1200 : vector<16xf32>
      %add3A_1202 = arith.constant 12 : i32
      %add3A_1203 = vector.broadcast %add3A_1202 : i32 to vector<16xi32>
      %add3A_1204 = arith.addi %mul3A_46, %add3A_1203 : vector<16xi32>
      %gather3A_1205 = tpu.vector_load_idx %arg10[%add3A_1204] : memref<1792xf32, #tpu.memory_space<vmem>>[vector<16xi32>], vector<16xf32>,
      %add3A_1206 = arith.addf %add3A_1171, %gather3A_1205 : vector<16xf32>
      %add3A_1207 = arith.constant 13 : i32
      %add3A_1208 = vector.broadcast %add3A_1207 : i32 to vector<16xi32>
      %add3A_1209 = arith.addi %mul3A_10, %add3A_1208 : vector<16xi32>
      %gather3A_1210 = tpu.vector_load_idx %arg10[%add3A_1209] : memref<1792xf32, #tpu.memory_space<vmem>>[vector<16xi32>], vector<16xf32>,
      %add3A_1211 = arith.addf %add3A_1176, %gather3A_1210 : vector<16xf32>
      %add3A_1212 = arith.constant 13 : i32
      %add3A_1213 = vector.broadcast %add3A_1212 : i32 to vector<16xi32>
      %add3A_1214 = arith.addi %mul3A_16, %add3A_1213 : vector<16xi32>
      %gather3A_1215 = tpu.vector_load_idx %arg10[%add3A_1214] : memref<1792xf32, #tpu.memory_space<vmem>>[vector<16xi32>], vector<16xf32>,
      %add3A_1216 = arith.addf %add3A_1181, %gather3A_1215 : vector<16xf32>
      %add3A_1217 = arith.constant 13 : i32
      %add3A_1218 = vector.broadcast %add3A_1217 : i32 to vector<16xi32>
      %add3A_1219 = arith.addi %mul3A_22, %add3A_1218 : vector<16xi32>
      %gather3A_1220 = tpu.vector_load_idx %arg10[%add3A_1219] : memref<1792xf32, #tpu.memory_space<vmem>>[vector<16xi32>], vector<16xf32>,
      %add3A_1221 = arith.addf %add3A_1186, %gather3A_1220 : vector<16xf32>
      %add3A_1222 = arith.constant 13 : i32
      %add3A_1223 = vector.broadcast %add3A_1222 : i32 to vector<16xi32>
      %add3A_1224 = arith.addi %mul3A_28, %add3A_1223 : vector<16xi32>
      %gather3A_1225 = tpu.vector_load_idx %arg10[%add3A_1224] : memref<1792xf32, #tpu.memory_space<vmem>>[vector<16xi32>], vector<16xf32>,
      %add3A_1226 = arith.addf %add3A_1191, %gather3A_1225 : vector<16xf32>
      %add3A_1227 = arith.constant 13 : i32
      %add3A_1228 = vector.broadcast %add3A_1227 : i32 to vector<16xi32>
      %add3A_1229 = arith.addi %mul3A_34, %add3A_1228 : vector<16xi32>
      %gather3A_1230 = tpu.vector_load_idx %arg10[%add3A_1229] : memref<1792xf32, #tpu.memory_space<vmem>>[vector<16xi32>], vector<16xf32>,
      %add3A_1231 = arith.addf %add3A_1196, %gather3A_1230 : vector<16xf32>
      %add3A_1232 = arith.constant 13 : i32
      %add3A_1233 = vector.broadcast %add3A_1232 : i32 to vector<16xi32>
      %add3A_1234 = arith.addi %mul3A_40, %add3A_1233 : vector<16xi32>
      %gather3A_1235 = tpu.vector_load_idx %arg10[%add3A_1234] : memref<1792xf32, #tpu.memory_space<vmem>>[vector<16xi32>], vector<16xf32>,
      %add3A_1236 = arith.addf %add3A_1201, %gather3A_1235 : vector<16xf32>
      %add3A_1237 = arith.constant 13 : i32
      %add3A_1238 = vector.broadcast %add3A_1237 : i32 to vector<16xi32>
      %add3A_1239 = arith.addi %mul3A_46, %add3A_1238 : vector<16xi32>
      %gather3A_1240 = tpu.vector_load_idx %arg10[%add3A_1239] : memref<1792xf32, #tpu.memory_space<vmem>>[vector<16xi32>], vector<16xf32>,
      %add3A_1241 = arith.addf %add3A_1206, %gather3A_1240 : vector<16xf32>
      %add3A_1242 = arith.constant 14 : i32
      %add3A_1243 = vector.broadcast %add3A_1242 : i32 to vector<16xi32>
      %add3A_1244 = arith.addi %mul3A_10, %add3A_1243 : vector<16xi32>
      %gather3A_1245 = tpu.vector_load_idx %arg10[%add3A_1244] : memref<1792xf32, #tpu.memory_space<vmem>>[vector<16xi32>], vector<16xf32>,
      %add3A_1246 = arith.addf %add3A_1211, %gather3A_1245 : vector<16xf32>
      %add3A_1247 = arith.constant 14 : i32
      %add3A_1248 = vector.broadcast %add3A_1247 : i32 to vector<16xi32>
      %add3A_1249 = arith.addi %mul3A_16, %add3A_1248 : vector<16xi32>
      %gather3A_1250 = tpu.vector_load_idx %arg10[%add3A_1249] : memref<1792xf32, #tpu.memory_space<vmem>>[vector<16xi32>], vector<16xf32>,
      %add3A_1251 = arith.addf %add3A_1216, %gather3A_1250 : vector<16xf32>
      %add3A_1252 = arith.constant 14 : i32
      %add3A_1253 = vector.broadcast %add3A_1252 : i32 to vector<16xi32>
      %add3A_1254 = arith.addi %mul3A_22, %add3A_1253 : vector<16xi32>
      %gather3A_1255 = tpu.vector_load_idx %arg10[%add3A_1254] : memref<1792xf32, #tpu.memory_space<vmem>>[vector<16xi32>], vector<16xf32>,
      %add3A_1256 = arith.addf %add3A_1221, %gather3A_1255 : vector<16xf32>
      %add3A_1257 = arith.constant 14 : i32
      %add3A_1258 = vector.broadcast %add3A_1257 : i32 to vector<16xi32>
      %add3A_1259 = arith.addi %mul3A_28, %add3A_1258 : vector<16xi32>
      %gather3A_1260 = tpu.vector_load_idx %arg10[%add3A_1259] : memref<1792xf32, #tpu.memory_space<vmem>>[vector<16xi32>], vector<16xf32>,
      %add3A_1261 = arith.addf %add3A_1226, %gather3A_1260 : vector<16xf32>
      %add3A_1262 = arith.constant 14 : i32
      %add3A_1263 = vector.broadcast %add3A_1262 : i32 to vector<16xi32>
      %add3A_1264 = arith.addi %mul3A_34, %add3A_1263 : vector<16xi32>
      %gather3A_1265 = tpu.vector_load_idx %arg10[%add3A_1264] : memref<1792xf32, #tpu.memory_space<vmem>>[vector<16xi32>], vector<16xf32>,
      %add3A_1266 = arith.addf %add3A_1231, %gather3A_1265 : vector<16xf32>
      %add3A_1267 = arith.constant 14 : i32
      %add3A_1268 = vector.broadcast %add3A_1267 : i32 to vector<16xi32>
      %add3A_1269 = arith.addi %mul3A_40, %add3A_1268 : vector<16xi32>
      %gather3A_1270 = tpu.vector_load_idx %arg10[%add3A_1269] : memref<1792xf32, #tpu.memory_space<vmem>>[vector<16xi32>], vector<16xf32>,
      %add3A_1271 = arith.addf %add3A_1236, %gather3A_1270 : vector<16xf32>
      %add3A_1272 = arith.constant 14 : i32
      %add3A_1273 = vector.broadcast %add3A_1272 : i32 to vector<16xi32>
      %add3A_1274 = arith.addi %mul3A_46, %add3A_1273 : vector<16xi32>
      %gather3A_1275 = tpu.vector_load_idx %arg10[%add3A_1274] : memref<1792xf32, #tpu.memory_space<vmem>>[vector<16xi32>], vector<16xf32>,
      %add3A_1276 = arith.addf %add3A_1241, %gather3A_1275 : vector<16xf32>
      %add3A_1277 = arith.constant 15 : i32
      %add3A_1278 = vector.broadcast %add3A_1277 : i32 to vector<16xi32>
      %add3A_1279 = arith.addi %mul3A_10, %add3A_1278 : vector<16xi32>
      %gather3A_1280 = tpu.vector_load_idx %arg10[%add3A_1279] : memref<1792xf32, #tpu.memory_space<vmem>>[vector<16xi32>], vector<16xf32>,
      %add3A_1281 = arith.addf %add3A_1246, %gather3A_1280 : vector<16xf32>
      %add3A_1282 = arith.constant 15 : i32
      %add3A_1283 = vector.broadcast %add3A_1282 : i32 to vector<16xi32>
      %add3A_1284 = arith.addi %mul3A_16, %add3A_1283 : vector<16xi32>
      %gather3A_1285 = tpu.vector_load_idx %arg10[%add3A_1284] : memref<1792xf32, #tpu.memory_space<vmem>>[vector<16xi32>], vector<16xf32>,
      %add3A_1286 = arith.addf %add3A_1251, %gather3A_1285 : vector<16xf32>
      %add3A_1287 = arith.constant 15 : i32
      %add3A_1288 = vector.broadcast %add3A_1287 : i32 to vector<16xi32>
      %add3A_1289 = arith.addi %mul3A_22, %add3A_1288 : vector<16xi32>
      %gather3A_1290 = tpu.vector_load_idx %arg10[%add3A_1289] : memref<1792xf32, #tpu.memory_space<vmem>>[vector<16xi32>], vector<16xf32>,
      %add3A_1291 = arith.addf %add3A_1256, %gather3A_1290 : vector<16xf32>
      %add3A_1292 = arith.constant 15 : i32
      %add3A_1293 = vector.broadcast %add3A_1292 : i32 to vector<16xi32>
      %add3A_1294 = arith.addi %mul3A_28, %add3A_1293 : vector<16xi32>
      %gather3A_1295 = tpu.vector_load_idx %arg10[%add3A_1294] : memref<1792xf32, #tpu.memory_space<vmem>>[vector<16xi32>], vector<16xf32>,
      %add3A_1296 = arith.addf %add3A_1261, %gather3A_1295 : vector<16xf32>
      %add3A_1297 = arith.constant 15 : i32
      %add3A_1298 = vector.broadcast %add3A_1297 : i32 to vector<16xi32>
      %add3A_1299 = arith.addi %mul3A_34, %add3A_1298 : vector<16xi32>
      %gather3A_1300 = tpu.vector_load_idx %arg10[%add3A_1299] : memref<1792xf32, #tpu.memory_space<vmem>>[vector<16xi32>], vector<16xf32>,
      %add3A_1301 = arith.addf %add3A_1266, %gather3A_1300 : vector<16xf32>
      %add3A_1302 = arith.constant 15 : i32
      %add3A_1303 = vector.broadcast %add3A_1302 : i32 to vector<16xi32>
      %add3A_1304 = arith.addi %mul3A_40, %add3A_1303 : vector<16xi32>
      %gather3A_1305 = tpu.vector_load_idx %arg10[%add3A_1304] : memref<1792xf32, #tpu.memory_space<vmem>>[vector<16xi32>], vector<16xf32>,
      %add3A_1306 = arith.addf %add3A_1271, %gather3A_1305 : vector<16xf32>
      %add3A_1307 = arith.constant 15 : i32
      %add3A_1308 = vector.broadcast %add3A_1307 : i32 to vector<16xi32>
      %add3A_1309 = arith.addi %mul3A_46, %add3A_1308 : vector<16xi32>
      %gather3A_1310 = tpu.vector_load_idx %arg10[%add3A_1309] : memref<1792xf32, #tpu.memory_space<vmem>>[vector<16xi32>], vector<16xf32>,
      %add3A_1311 = arith.addf %add3A_1276, %gather3A_1310 : vector<16xf32>
      %mul3A_1312 = arith.constant 112 : i32
      %mul3A_1313 = arith.muli %mul3A_670, %mul3A_1312 : i32
      %add3A_1314 = arith.constant 0 : i32
      %add3A_1315 = arith.addi %mul3A_1313, %add3A_1314 : i32
      %swap3A_1316 = arith.index_cast %add3A_1315 : i32 to index
      %swap3A_1317 = tpu.vector_load %arg11[%swap3A_1316] {strides = array<i32>} : memref<13552xf32, #tpu.memory_space<vmem>>, vector<16xf32>,
      tpu.vector_store %arg11[%swap3A_1316], %add3A_1281 {strides = array<i32>} : memref<13552xf32, #tpu.memory_space<vmem>>, vector<16xf32>,
      %mul3A_1318 = arith.constant 112 : i32
      %mul3A_1319 = arith.muli %mul3A_670, %mul3A_1318 : i32
      %add3A_1320 = arith.constant 16 : i32
      %add3A_1321 = arith.addi %mul3A_1319, %add3A_1320 : i32
      %swap3A_1322 = arith.index_cast %add3A_1321 : i32 to index
      %swap3A_1323 = tpu.vector_load %arg11[%swap3A_1322] {strides = array<i32>} : memref<13552xf32, #tpu.memory_space<vmem>>, vector<16xf32>,
      tpu.vector_store %arg11[%swap3A_1322], %add3A_1286 {strides = array<i32>} : memref<13552xf32, #tpu.memory_space<vmem>>, vector<16xf32>,
      %mul3A_1324 = arith.constant 112 : i32
      %mul3A_1325 = arith.muli %mul3A_670, %mul3A_1324 : i32
      %add3A_1326 = arith.constant 32 : i32
      %add3A_1327 = arith.addi %mul3A_1325, %add3A_1326 : i32
      %swap3A_1328 = arith.index_cast %add3A_1327 : i32 to index
      %swap3A_1329 = tpu.vector_load %arg11[%swap3A_1328] {strides = array<i32>} : memref<13552xf32, #tpu.memory_space<vmem>>, vector<16xf32>,
      tpu.vector_store %arg11[%swap3A_1328], %add3A_1291 {strides = array<i32>} : memref<13552xf32, #tpu.memory_space<vmem>>, vector<16xf32>,
      %mul3A_1330 = arith.constant 112 : i32
      %mul3A_1331 = arith.muli %mul3A_670, %mul3A_1330 : i32
      %add3A_1332 = arith.constant 48 : i32
      %add3A_1333 = arith.addi %mul3A_1331, %add3A_1332 : i32
      %swap3A_1334 = arith.index_cast %add3A_1333 : i32 to index
      %swap3A_1335 = tpu.vector_load %arg11[%swap3A_1334] {strides = array<i32>} : memref<13552xf32, #tpu.memory_space<vmem>>, vector<16xf32>,
      tpu.vector_store %arg11[%swap3A_1334], %add3A_1296 {strides = array<i32>} : memref<13552xf32, #tpu.memory_space<vmem>>, vector<16xf32>,
      %mul3A_1336 = arith.constant 112 : i32
      %mul3A_1337 = arith.muli %mul3A_670, %mul3A_1336 : i32
      %add3A_1338 = arith.constant 64 : i32
      %add3A_1339 = arith.addi %mul3A_1337, %add3A_1338 : i32
      %swap3A_1340 = arith.index_cast %add3A_1339 : i32 to index
      %swap3A_1341 = tpu.vector_load %arg11[%swap3A_1340] {strides = array<i32>} : memref<13552xf32, #tpu.memory_space<vmem>>, vector<16xf32>,
      tpu.vector_store %arg11[%swap3A_1340], %add3A_1301 {strides = array<i32>} : memref<13552xf32, #tpu.memory_space<vmem>>, vector<16xf32>,
      %mul3A_1342 = arith.constant 112 : i32
      %mul3A_1343 = arith.muli %mul3A_670, %mul3A_1342 : i32
      %add3A_1344 = arith.constant 80 : i32
      %add3A_1345 = arith.addi %mul3A_1343, %add3A_1344 : i32
      %swap3A_1346 = arith.index_cast %add3A_1345 : i32 to index
      %swap3A_1347 = tpu.vector_load %arg11[%swap3A_1346] {strides = array<i32>} : memref<13552xf32, #tpu.memory_space<vmem>>, vector<16xf32>,
      tpu.vector_store %arg11[%swap3A_1346], %add3A_1306 {strides = array<i32>} : memref<13552xf32, #tpu.memory_space<vmem>>, vector<16xf32>,
      %mul3A_1348 = arith.constant 112 : i32
      %mul3A_1349 = arith.muli %mul3A_670, %mul3A_1348 : i32
      %add3A_1350 = arith.constant 96 : i32
      %add3A_1351 = arith.addi %mul3A_1349, %add3A_1350 : i32
      %swap3A_1352 = arith.index_cast %add3A_1351 : i32 to index
      %swap3A_1353 = tpu.vector_load %arg11[%swap3A_1352] {strides = array<i32>} : memref<13552xf32, #tpu.memory_space<vmem>>, vector<16xf32>,
      tpu.vector_store %arg11[%swap3A_1352], %add3A_1311 {strides = array<i32>} : memref<13552xf32, #tpu.memory_space<vmem>>, vector<16xf32>,
      %add3A_1354 = arith.constant 2 : i32
      %add3A_1355 = arith.addi %mul3A_670, %add3A_1354 : i32
      %mul3A_1356 = arith.constant 112 : i32
      %mul3A_1357 = arith.muli %add3A_1355, %mul3A_1356 : i32
      %dma_start3A_1358 = tpu.memref_slice %arg6[%mul3A_1357] : memref<13552xi32, #tpu.memory_space<vmem>> -> memref<112xi32, #tpu.memory_space<vmem>>
      %dma_start3A_1359 = arith.constant 0 : i32
      %dma_start3A_1360 = arith.constant 0 : i32
      %dma_start3A_1361 = tpu.memref_slice %arg2[%dma_start3A_1359, %dma_start3A_1360] : memref<294912x128xf32, #tpu.memory_space<hbm>> -> memref<294912x128xf32, #tpu.memory_space<hbm>>
      tpu.enqueue_indirect_dma source(%dma_start3A_1361 : memref<294912x128xf32, #tpu.memory_space<hbm>>) target(%arg8 : memref<112x128xf32, #tpu.memory_space<vmem>>) offsets(%dma_start3A_1358 : memref<112xi32, #tpu.memory_space<vmem>>) semaphore(%arg12 : memref<!tpu.dma_semaphore, #tpu.memory_space<semaphore_mem>>)
      %dma_wait3A_1362 = arith.constant 0 : i32
      %dma_wait3A_1363 = tpu.memref_slice %arg6[%dma_wait3A_1362] : memref<13552xi32, #tpu.memory_space<vmem>> -> memref<112xi32, #tpu.memory_space<vmem>>
      %dma_wait3A_1364 = arith.constant 0 : i32
      %dma_wait3A_1365 = arith.constant 0 : i32
      %dma_wait3A_1366 = tpu.memref_slice %arg2[%dma_wait3A_1364, %dma_wait3A_1365] : memref<294912x128xf32, #tpu.memory_space<hbm>> -> memref<294912x128xf32, #tpu.memory_space<hbm>>
      tpu.wait_indirect_dma semaphore(%arg13 : memref<!tpu.dma_semaphore, #tpu.memory_space<semaphore_mem>>) src(%dma_wait3A_1366 : memref<294912x128xf32, #tpu.memory_space<hbm>>) dst(%arg9 : memref<112x128xf32, #tpu.memory_space<vmem>>)
      %add3A_1367 = arith.constant 1 : i32
      %add3A_1368 = arith.addi %mul3A_670, %add3A_1367 : i32
      %mul3A_1369 = arith.constant 128 : i32
      %mul3A_1370 = arith.muli %add3A_1368, %mul3A_1369 : i32
      %add3A_1371 = arith.constant 0 : i32
      %add3A_1372 = arith.addi %mul3A_1370, %add3A_1371 : i32
      %get3A_1373 = arith.index_cast %add3A_1372 : i32 to index
      %get3A_1374 = tpu.vector_load %arg7[%get3A_1373] {strides = array<i32>} : memref<15488xf32, #tpu.memory_space<vmem>>, vector<16xf32>,
      %mul3A_1375 = arith.constant 128 : i32
      %mul3A_1376 = arith.muli %add3A_1368, %mul3A_1375 : i32
      %add3A_1377 = arith.constant 16 : i32
      %add3A_1378 = arith.addi %mul3A_1376, %add3A_1377 : i32
      %get3A_1379 = arith.index_cast %add3A_1378 : i32 to index
      %get3A_1380 = tpu.vector_load %arg7[%get3A_1379] {strides = array<i32>} : memref<15488xf32, #tpu.memory_space<vmem>>, vector<16xf32>,
      %mul3A_1381 = arith.constant 128 : i32
      %mul3A_1382 = arith.muli %add3A_1368, %mul3A_1381 : i32
      %add3A_1383 = arith.constant 32 : i32
      %add3A_1384 = arith.addi %mul3A_1382, %add3A_1383 : i32
      %get3A_1385 = arith.index_cast %add3A_1384 : i32 to index
      %get3A_1386 = tpu.vector_load %arg7[%get3A_1385] {strides = array<i32>} : memref<15488xf32, #tpu.memory_space<vmem>>, vector<16xf32>,
      %mul3A_1387 = arith.constant 128 : i32
      %mul3A_1388 = arith.muli %add3A_1368, %mul3A_1387 : i32
      %add3A_1389 = arith.constant 48 : i32
      %add3A_1390 = arith.addi %mul3A_1388, %add3A_1389 : i32
      %get3A_1391 = arith.index_cast %add3A_1390 : i32 to index
      %get3A_1392 = tpu.vector_load %arg7[%get3A_1391] {strides = array<i32>} : memref<15488xf32, #tpu.memory_space<vmem>>, vector<16xf32>,
      %mul3A_1393 = arith.constant 128 : i32
      %mul3A_1394 = arith.muli %add3A_1368, %mul3A_1393 : i32
      %add3A_1395 = arith.constant 64 : i32
      %add3A_1396 = arith.addi %mul3A_1394, %add3A_1395 : i32
      %get3A_1397 = arith.index_cast %add3A_1396 : i32 to index
      %get3A_1398 = tpu.vector_load %arg7[%get3A_1397] {strides = array<i32>} : memref<15488xf32, #tpu.memory_space<vmem>>, vector<16xf32>,
      %mul3A_1399 = arith.constant 128 : i32
      %mul3A_1400 = arith.muli %add3A_1368, %mul3A_1399 : i32
      %add3A_1401 = arith.constant 80 : i32
      %add3A_1402 = arith.addi %mul3A_1400, %add3A_1401 : i32
      %get3A_1403 = arith.index_cast %add3A_1402 : i32 to index
      %get3A_1404 = tpu.vector_load %arg7[%get3A_1403] {strides = array<i32>} : memref<15488xf32, #tpu.memory_space<vmem>>, vector<16xf32>,
      %mul3A_1405 = arith.constant 128 : i32
      %mul3A_1406 = arith.muli %add3A_1368, %mul3A_1405 : i32
      %add3A_1407 = arith.constant 96 : i32
      %add3A_1408 = arith.addi %mul3A_1406, %add3A_1407 : i32
      %get3A_1409 = arith.index_cast %add3A_1408 : i32 to index
      %get3A_1410 = tpu.vector_load %arg7[%get3A_1409] {strides = array<i32>} : memref<15488xf32, #tpu.memory_space<vmem>>, vector<16xf32>,
      %mul3A_1411 = arith.constant 128 : i32
      %mul3A_1412 = arith.muli %add3A_1368, %mul3A_1411 : i32
      %add3A_1413 = arith.constant 112 : i32
      %add3A_1414 = arith.addi %mul3A_1412, %add3A_1413 : i32
      %get3A_1415 = arith.index_cast %add3A_1414 : i32 to index
      %get3A_1416 = tpu.vector_load %arg7[%get3A_1415] {strides = array<i32>} : memref<15488xf32, #tpu.memory_space<vmem>>, vector<16xf32>,
      %scan3A_1417 = arith.constant 0 : i32
      %scan3A_1418 = arith.constant 0 : i32
      %scan3A_1419 = arith.constant 28 : i32
      %scan3A_1420 = arith.addi %scan3A_1418, %scan3A_1419 : i32
      %scan3A_1421 = arith.constant 1 : i32
      scf.for %scan3A_2039 = %scan3A_1418 to %scan3A_1420 step %scan3A_1421  : i32 {
        %mul3A_2040 = arith.constant 4 : i32
        %mul3A_2041 = arith.muli %scan3A_2039, %mul3A_2040 : i32
        %add3A_2042 = arith.constant 0 : i32
        %add3A_2043 = arith.addi %mul3A_2041, %add3A_2042 : i32
        %get3A_2044 = arith.index_cast %add3A_2043 : i32 to index
        %get3A_2045 = arith.constant 0 : index
        %get3A_2046 = tpu.vector_load %arg9[%get3A_2044, %get3A_2045] {strides = array<i32>} : memref<112x128xf32, #tpu.memory_space<vmem>>, vector<16xf32>,
        %mul3A_2047 = arith.mulf %get3A_1374, %get3A_2046 : vector<16xf32>
        %get3A_2048 = arith.index_cast %add3A_2043 : i32 to index
        %get3A_2049 = arith.constant 16 : index
        %get3A_2050 = tpu.vector_load %arg9[%get3A_2048, %get3A_2049] {strides = array<i32>} : memref<112x128xf32, #tpu.memory_space<vmem>>, vector<16xf32>,
        %mul3A_2051 = arith.mulf %get3A_1380, %get3A_2050 : vector<16xf32>
        %add3A_2052 = arith.addf %mul3A_2047, %mul3A_2051 : vector<16xf32>
        %get3A_2053 = arith.index_cast %add3A_2043 : i32 to index
        %get3A_2054 = arith.constant 32 : index
        %get3A_2055 = tpu.vector_load %arg9[%get3A_2053, %get3A_2054] {strides = array<i32>} : memref<112x128xf32, #tpu.memory_space<vmem>>, vector<16xf32>,
        %mul3A_2056 = arith.mulf %get3A_1386, %get3A_2055 : vector<16xf32>
        %add3A_2057 = arith.addf %add3A_2052, %mul3A_2056 : vector<16xf32>
        %get3A_2058 = arith.index_cast %add3A_2043 : i32 to index
        %get3A_2059 = arith.constant 48 : index
        %get3A_2060 = tpu.vector_load %arg9[%get3A_2058, %get3A_2059] {strides = array<i32>} : memref<112x128xf32, #tpu.memory_space<vmem>>, vector<16xf32>,
        %mul3A_2061 = arith.mulf %get3A_1392, %get3A_2060 : vector<16xf32>
        %add3A_2062 = arith.addf %add3A_2057, %mul3A_2061 : vector<16xf32>
        %get3A_2063 = arith.index_cast %add3A_2043 : i32 to index
        %get3A_2064 = arith.constant 64 : index
        %get3A_2065 = tpu.vector_load %arg9[%get3A_2063, %get3A_2064] {strides = array<i32>} : memref<112x128xf32, #tpu.memory_space<vmem>>, vector<16xf32>,
        %mul3A_2066 = arith.mulf %get3A_1398, %get3A_2065 : vector<16xf32>
        %add3A_2067 = arith.addf %add3A_2062, %mul3A_2066 : vector<16xf32>
        %get3A_2068 = arith.index_cast %add3A_2043 : i32 to index
        %get3A_2069 = arith.constant 80 : index
        %get3A_2070 = tpu.vector_load %arg9[%get3A_2068, %get3A_2069] {strides = array<i32>} : memref<112x128xf32, #tpu.memory_space<vmem>>, vector<16xf32>,
        %mul3A_2071 = arith.mulf %get3A_1404, %get3A_2070 : vector<16xf32>
        %add3A_2072 = arith.addf %add3A_2067, %mul3A_2071 : vector<16xf32>
        %get3A_2073 = arith.index_cast %add3A_2043 : i32 to index
        %get3A_2074 = arith.constant 96 : index
        %get3A_2075 = tpu.vector_load %arg9[%get3A_2073, %get3A_2074] {strides = array<i32>} : memref<112x128xf32, #tpu.memory_space<vmem>>, vector<16xf32>,
        %mul3A_2076 = arith.mulf %get3A_1410, %get3A_2075 : vector<16xf32>
        %add3A_2077 = arith.addf %add3A_2072, %mul3A_2076 : vector<16xf32>
        %get3A_2078 = arith.index_cast %add3A_2043 : i32 to index
        %get3A_2079 = arith.constant 112 : index
        %get3A_2080 = tpu.vector_load %arg9[%get3A_2078, %get3A_2079] {strides = array<i32>} : memref<112x128xf32, #tpu.memory_space<vmem>>, vector<16xf32>,
        %mul3A_2081 = arith.mulf %get3A_1416, %get3A_2080 : vector<16xf32>
        %add3A_2082 = arith.addf %add3A_2077, %mul3A_2081 : vector<16xf32>
        %mul3A_2083 = arith.constant 16 : i32
        %mul3A_2084 = arith.muli %add3A_2043, %mul3A_2083 : i32
        %swap3A_2085 = arith.index_cast %mul3A_2084 : i32 to index
        %swap3A_2086 = tpu.vector_load %arg10[%swap3A_2085] {strides = array<i32>} : memref<1792xf32, #tpu.memory_space<vmem>>, vector<16xf32>,
        tpu.vector_store %arg10[%swap3A_2085], %add3A_2082 {strides = array<i32>} : memref<1792xf32, #tpu.memory_space<vmem>>, vector<16xf32>,
        %mul3A_2087 = arith.constant 4 : i32
        %mul3A_2088 = arith.muli %scan3A_2039, %mul3A_2087 : i32
        %add3A_2089 = arith.constant 1 : i32
        %add3A_2090 = arith.addi %mul3A_2088, %add3A_2089 : i32
        %get3A_2091 = arith.index_cast %add3A_2090 : i32 to index
        %get3A_2092 = arith.constant 0 : index
        %get3A_2093 = tpu.vector_load %arg9[%get3A_2091, %get3A_2092] {strides = array<i32>} : memref<112x128xf32, #tpu.memory_space<vmem>>, vector<16xf32>,
        %mul3A_2094 = arith.mulf %get3A_1374, %get3A_2093 : vector<16xf32>
        %get3A_2095 = arith.index_cast %add3A_2090 : i32 to index
        %get3A_2096 = arith.constant 16 : index
        %get3A_2097 = tpu.vector_load %arg9[%get3A_2095, %get3A_2096] {strides = array<i32>} : memref<112x128xf32, #tpu.memory_space<vmem>>, vector<16xf32>,
        %mul3A_2098 = arith.mulf %get3A_1380, %get3A_2097 : vector<16xf32>
        %add3A_2099 = arith.addf %mul3A_2094, %mul3A_2098 : vector<16xf32>
        %get3A_2100 = arith.index_cast %add3A_2090 : i32 to index
        %get3A_2101 = arith.constant 32 : index
        %get3A_2102 = tpu.vector_load %arg9[%get3A_2100, %get3A_2101] {strides = array<i32>} : memref<112x128xf32, #tpu.memory_space<vmem>>, vector<16xf32>,
        %mul3A_2103 = arith.mulf %get3A_1386, %get3A_2102 : vector<16xf32>
        %add3A_2104 = arith.addf %add3A_2099, %mul3A_2103 : vector<16xf32>
        %get3A_2105 = arith.index_cast %add3A_2090 : i32 to index
        %get3A_2106 = arith.constant 48 : index
        %get3A_2107 = tpu.vector_load %arg9[%get3A_2105, %get3A_2106] {strides = array<i32>} : memref<112x128xf32, #tpu.memory_space<vmem>>, vector<16xf32>,
        %mul3A_2108 = arith.mulf %get3A_1392, %get3A_2107 : vector<16xf32>
        %add3A_2109 = arith.addf %add3A_2104, %mul3A_2108 : vector<16xf32>
        %get3A_2110 = arith.index_cast %add3A_2090 : i32 to index
        %get3A_2111 = arith.constant 64 : index
        %get3A_2112 = tpu.vector_load %arg9[%get3A_2110, %get3A_2111] {strides = array<i32>} : memref<112x128xf32, #tpu.memory_space<vmem>>, vector<16xf32>,
        %mul3A_2113 = arith.mulf %get3A_1398, %get3A_2112 : vector<16xf32>
        %add3A_2114 = arith.addf %add3A_2109, %mul3A_2113 : vector<16xf32>
        %get3A_2115 = arith.index_cast %add3A_2090 : i32 to index
        %get3A_2116 = arith.constant 80 : index
        %get3A_2117 = tpu.vector_load %arg9[%get3A_2115, %get3A_2116] {strides = array<i32>} : memref<112x128xf32, #tpu.memory_space<vmem>>, vector<16xf32>,
        %mul3A_2118 = arith.mulf %get3A_1404, %get3A_2117 : vector<16xf32>
        %add3A_2119 = arith.addf %add3A_2114, %mul3A_2118 : vector<16xf32>
        %get3A_2120 = arith.index_cast %add3A_2090 : i32 to index
        %get3A_2121 = arith.constant 96 : index
        %get3A_2122 = tpu.vector_load %arg9[%get3A_2120, %get3A_2121] {strides = array<i32>} : memref<112x128xf32, #tpu.memory_space<vmem>>, vector<16xf32>,
        %mul3A_2123 = arith.mulf %get3A_1410, %get3A_2122 : vector<16xf32>
        %add3A_2124 = arith.addf %add3A_2119, %mul3A_2123 : vector<16xf32>
        %get3A_2125 = arith.index_cast %add3A_2090 : i32 to index
        %get3A_2126 = arith.constant 112 : index
        %get3A_2127 = tpu.vector_load %arg9[%get3A_2125, %get3A_2126] {strides = array<i32>} : memref<112x128xf32, #tpu.memory_space<vmem>>, vector<16xf32>,
        %mul3A_2128 = arith.mulf %get3A_1416, %get3A_2127 : vector<16xf32>
        %add3A_2129 = arith.addf %add3A_2124, %mul3A_2128 : vector<16xf32>
        %mul3A_2130 = arith.constant 16 : i32
        %mul3A_2131 = arith.muli %add3A_2090, %mul3A_2130 : i32
        %swap3A_2132 = arith.index_cast %mul3A_2131 : i32 to index
        %swap3A_2133 = tpu.vector_load %arg10[%swap3A_2132] {strides = array<i32>} : memref<1792xf32, #tpu.memory_space<vmem>>, vector<16xf32>,
        tpu.vector_store %arg10[%swap3A_2132], %add3A_2129 {strides = array<i32>} : memref<1792xf32, #tpu.memory_space<vmem>>, vector<16xf32>,
        %mul3A_2134 = arith.constant 4 : i32
        %mul3A_2135 = arith.muli %scan3A_2039, %mul3A_2134 : i32
        %add3A_2136 = arith.constant 2 : i32
        %add3A_2137 = arith.addi %mul3A_2135, %add3A_2136 : i32
        %get3A_2138 = arith.index_cast %add3A_2137 : i32 to index
        %get3A_2139 = arith.constant 0 : index
        %get3A_2140 = tpu.vector_load %arg9[%get3A_2138, %get3A_2139] {strides = array<i32>} : memref<112x128xf32, #tpu.memory_space<vmem>>, vector<16xf32>,
        %mul3A_2141 = arith.mulf %get3A_1374, %get3A_2140 : vector<16xf32>
        %get3A_2142 = arith.index_cast %add3A_2137 : i32 to index
        %get3A_2143 = arith.constant 16 : index
        %get3A_2144 = tpu.vector_load %arg9[%get3A_2142, %get3A_2143] {strides = array<i32>} : memref<112x128xf32, #tpu.memory_space<vmem>>, vector<16xf32>,
        %mul3A_2145 = arith.mulf %get3A_1380, %get3A_2144 : vector<16xf32>
        %add3A_2146 = arith.addf %mul3A_2141, %mul3A_2145 : vector<16xf32>
        %get3A_2147 = arith.index_cast %add3A_2137 : i32 to index
        %get3A_2148 = arith.constant 32 : index
        %get3A_2149 = tpu.vector_load %arg9[%get3A_2147, %get3A_2148] {strides = array<i32>} : memref<112x128xf32, #tpu.memory_space<vmem>>, vector<16xf32>,
        %mul3A_2150 = arith.mulf %get3A_1386, %get3A_2149 : vector<16xf32>
        %add3A_2151 = arith.addf %add3A_2146, %mul3A_2150 : vector<16xf32>
        %get3A_2152 = arith.index_cast %add3A_2137 : i32 to index
        %get3A_2153 = arith.constant 48 : index
        %get3A_2154 = tpu.vector_load %arg9[%get3A_2152, %get3A_2153] {strides = array<i32>} : memref<112x128xf32, #tpu.memory_space<vmem>>, vector<16xf32>,
        %mul3A_2155 = arith.mulf %get3A_1392, %get3A_2154 : vector<16xf32>
        %add3A_2156 = arith.addf %add3A_2151, %mul3A_2155 : vector<16xf32>
        %get3A_2157 = arith.index_cast %add3A_2137 : i32 to index
        %get3A_2158 = arith.constant 64 : index
        %get3A_2159 = tpu.vector_load %arg9[%get3A_2157, %get3A_2158] {strides = array<i32>} : memref<112x128xf32, #tpu.memory_space<vmem>>, vector<16xf32>,
        %mul3A_2160 = arith.mulf %get3A_1398, %get3A_2159 : vector<16xf32>
        %add3A_2161 = arith.addf %add3A_2156, %mul3A_2160 : vector<16xf32>
        %get3A_2162 = arith.index_cast %add3A_2137 : i32 to index
        %get3A_2163 = arith.constant 80 : index
        %get3A_2164 = tpu.vector_load %arg9[%get3A_2162, %get3A_2163] {strides = array<i32>} : memref<112x128xf32, #tpu.memory_space<vmem>>, vector<16xf32>,
        %mul3A_2165 = arith.mulf %get3A_1404, %get3A_2164 : vector<16xf32>
        %add3A_2166 = arith.addf %add3A_2161, %mul3A_2165 : vector<16xf32>
        %get3A_2167 = arith.index_cast %add3A_2137 : i32 to index
        %get3A_2168 = arith.constant 96 : index
        %get3A_2169 = tpu.vector_load %arg9[%get3A_2167, %get3A_2168] {strides = array<i32>} : memref<112x128xf32, #tpu.memory_space<vmem>>, vector<16xf32>,
        %mul3A_2170 = arith.mulf %get3A_1410, %get3A_2169 : vector<16xf32>
        %add3A_2171 = arith.addf %add3A_2166, %mul3A_2170 : vector<16xf32>
        %get3A_2172 = arith.index_cast %add3A_2137 : i32 to index
        %get3A_2173 = arith.constant 112 : index
        %get3A_2174 = tpu.vector_load %arg9[%get3A_2172, %get3A_2173] {strides = array<i32>} : memref<112x128xf32, #tpu.memory_space<vmem>>, vector<16xf32>,
        %mul3A_2175 = arith.mulf %get3A_1416, %get3A_2174 : vector<16xf32>
        %add3A_2176 = arith.addf %add3A_2171, %mul3A_2175 : vector<16xf32>
        %mul3A_2177 = arith.constant 16 : i32
        %mul3A_2178 = arith.muli %add3A_2137, %mul3A_2177 : i32
        %swap3A_2179 = arith.index_cast %mul3A_2178 : i32 to index
        %swap3A_2180 = tpu.vector_load %arg10[%swap3A_2179] {strides = array<i32>} : memref<1792xf32, #tpu.memory_space<vmem>>, vector<16xf32>,
        tpu.vector_store %arg10[%swap3A_2179], %add3A_2176 {strides = array<i32>} : memref<1792xf32, #tpu.memory_space<vmem>>, vector<16xf32>,
        %mul3A_2181 = arith.constant 4 : i32
        %mul3A_2182 = arith.muli %scan3A_2039, %mul3A_2181 : i32
        %add3A_2183 = arith.constant 3 : i32
        %add3A_2184 = arith.addi %mul3A_2182, %add3A_2183 : i32
        %get3A_2185 = arith.index_cast %add3A_2184 : i32 to index
        %get3A_2186 = arith.constant 0 : index
        %get3A_2187 = tpu.vector_load %arg9[%get3A_2185, %get3A_2186] {strides = array<i32>} : memref<112x128xf32, #tpu.memory_space<vmem>>, vector<16xf32>,
        %mul3A_2188 = arith.mulf %get3A_1374, %get3A_2187 : vector<16xf32>
        %get3A_2189 = arith.index_cast %add3A_2184 : i32 to index
        %get3A_2190 = arith.constant 16 : index
        %get3A_2191 = tpu.vector_load %arg9[%get3A_2189, %get3A_2190] {strides = array<i32>} : memref<112x128xf32, #tpu.memory_space<vmem>>, vector<16xf32>,
        %mul3A_2192 = arith.mulf %get3A_1380, %get3A_2191 : vector<16xf32>
        %add3A_2193 = arith.addf %mul3A_2188, %mul3A_2192 : vector<16xf32>
        %get3A_2194 = arith.index_cast %add3A_2184 : i32 to index
        %get3A_2195 = arith.constant 32 : index
        %get3A_2196 = tpu.vector_load %arg9[%get3A_2194, %get3A_2195] {strides = array<i32>} : memref<112x128xf32, #tpu.memory_space<vmem>>, vector<16xf32>,
        %mul3A_2197 = arith.mulf %get3A_1386, %get3A_2196 : vector<16xf32>
        %add3A_2198 = arith.addf %add3A_2193, %mul3A_2197 : vector<16xf32>
        %get3A_2199 = arith.index_cast %add3A_2184 : i32 to index
        %get3A_2200 = arith.constant 48 : index
        %get3A_2201 = tpu.vector_load %arg9[%get3A_2199, %get3A_2200] {strides = array<i32>} : memref<112x128xf32, #tpu.memory_space<vmem>>, vector<16xf32>,
        %mul3A_2202 = arith.mulf %get3A_1392, %get3A_2201 : vector<16xf32>
        %add3A_2203 = arith.addf %add3A_2198, %mul3A_2202 : vector<16xf32>
        %get3A_2204 = arith.index_cast %add3A_2184 : i32 to index
        %get3A_2205 = arith.constant 64 : index
        %get3A_2206 = tpu.vector_load %arg9[%get3A_2204, %get3A_2205] {strides = array<i32>} : memref<112x128xf32, #tpu.memory_space<vmem>>, vector<16xf32>,
        %mul3A_2207 = arith.mulf %get3A_1398, %get3A_2206 : vector<16xf32>
        %add3A_2208 = arith.addf %add3A_2203, %mul3A_2207 : vector<16xf32>
        %get3A_2209 = arith.index_cast %add3A_2184 : i32 to index
        %get3A_2210 = arith.constant 80 : index
        %get3A_2211 = tpu.vector_load %arg9[%get3A_2209, %get3A_2210] {strides = array<i32>} : memref<112x128xf32, #tpu.memory_space<vmem>>, vector<16xf32>,
        %mul3A_2212 = arith.mulf %get3A_1404, %get3A_2211 : vector<16xf32>
        %add3A_2213 = arith.addf %add3A_2208, %mul3A_2212 : vector<16xf32>
        %get3A_2214 = arith.index_cast %add3A_2184 : i32 to index
        %get3A_2215 = arith.constant 96 : index
        %get3A_2216 = tpu.vector_load %arg9[%get3A_2214, %get3A_2215] {strides = array<i32>} : memref<112x128xf32, #tpu.memory_space<vmem>>, vector<16xf32>,
        %mul3A_2217 = arith.mulf %get3A_1410, %get3A_2216 : vector<16xf32>
        %add3A_2218 = arith.addf %add3A_2213, %mul3A_2217 : vector<16xf32>
        %get3A_2219 = arith.index_cast %add3A_2184 : i32 to index
        %get3A_2220 = arith.constant 112 : index
        %get3A_2221 = tpu.vector_load %arg9[%get3A_2219, %get3A_2220] {strides = array<i32>} : memref<112x128xf32, #tpu.memory_space<vmem>>, vector<16xf32>,
        %mul3A_2222 = arith.mulf %get3A_1416, %get3A_2221 : vector<16xf32>
        %add3A_2223 = arith.addf %add3A_2218, %mul3A_2222 : vector<16xf32>
        %mul3A_2224 = arith.constant 16 : i32
        %mul3A_2225 = arith.muli %add3A_2184, %mul3A_2224 : i32
        %swap3A_2226 = arith.index_cast %mul3A_2225 : i32 to index
        %swap3A_2227 = tpu.vector_load %arg10[%swap3A_2226] {strides = array<i32>} : memref<1792xf32, #tpu.memory_space<vmem>>, vector<16xf32>,
        tpu.vector_store %arg10[%swap3A_2226], %add3A_2223 {strides = array<i32>} : memref<1792xf32, #tpu.memory_space<vmem>>, vector<16xf32>,
      }
      %scan3A_1422 = arith.constant 28 : i32
      %broadcast_in_dim3A_1423 = arith.constant 0.000000e+00 : f32
      %broadcast_in_dim3A_1424 = vector.broadcast %broadcast_in_dim3A_1423 : f32 to vector<16xf32>
      %broadcast_in_dim3A_1425 = arith.constant 0.000000e+00 : f32
      %broadcast_in_dim3A_1426 = vector.broadcast %broadcast_in_dim3A_1425 : f32 to vector<16xf32>
      %broadcast_in_dim3A_1427 = arith.constant 0.000000e+00 : f32
      %broadcast_in_dim3A_1428 = vector.broadcast %broadcast_in_dim3A_1427 : f32 to vector<16xf32>
      %broadcast_in_dim3A_1429 = arith.constant 0.000000e+00 : f32
      %broadcast_in_dim3A_1430 = vector.broadcast %broadcast_in_dim3A_1429 : f32 to vector<16xf32>
      %broadcast_in_dim3A_1431 = arith.constant 0.000000e+00 : f32
      %broadcast_in_dim3A_1432 = vector.broadcast %broadcast_in_dim3A_1431 : f32 to vector<16xf32>
      %broadcast_in_dim3A_1433 = arith.constant 0.000000e+00 : f32
      %broadcast_in_dim3A_1434 = vector.broadcast %broadcast_in_dim3A_1433 : f32 to vector<16xf32>
      %broadcast_in_dim3A_1435 = arith.constant 0.000000e+00 : f32
      %broadcast_in_dim3A_1436 = vector.broadcast %broadcast_in_dim3A_1435 : f32 to vector<16xf32>
      %add3A_1437 = arith.constant 0 : i32
      %add3A_1438 = vector.broadcast %add3A_1437 : i32 to vector<16xi32>
      %add3A_1439 = arith.addi %mul3A_10, %add3A_1438 : vector<16xi32>
      %gather3A_1440 = tpu.vector_load_idx %arg10[%add3A_1439] : memref<1792xf32, #tpu.memory_space<vmem>>[vector<16xi32>], vector<16xf32>,
      %add3A_1441 = arith.addf %broadcast_in_dim3A_1424, %gather3A_1440 : vector<16xf32>
      %add3A_1442 = arith.constant 0 : i32
      %add3A_1443 = vector.broadcast %add3A_1442 : i32 to vector<16xi32>
      %add3A_1444 = arith.addi %mul3A_16, %add3A_1443 : vector<16xi32>
      %gather3A_1445 = tpu.vector_load_idx %arg10[%add3A_1444] : memref<1792xf32, #tpu.memory_space<vmem>>[vector<16xi32>], vector<16xf32>,
      %add3A_1446 = arith.addf %broadcast_in_dim3A_1426, %gather3A_1445 : vector<16xf32>
      %add3A_1447 = arith.constant 0 : i32
      %add3A_1448 = vector.broadcast %add3A_1447 : i32 to vector<16xi32>
      %add3A_1449 = arith.addi %mul3A_22, %add3A_1448 : vector<16xi32>
      %gather3A_1450 = tpu.vector_load_idx %arg10[%add3A_1449] : memref<1792xf32, #tpu.memory_space<vmem>>[vector<16xi32>], vector<16xf32>,
      %add3A_1451 = arith.addf %broadcast_in_dim3A_1428, %gather3A_1450 : vector<16xf32>
      %add3A_1452 = arith.constant 0 : i32
      %add3A_1453 = vector.broadcast %add3A_1452 : i32 to vector<16xi32>
      %add3A_1454 = arith.addi %mul3A_28, %add3A_1453 : vector<16xi32>
      %gather3A_1455 = tpu.vector_load_idx %arg10[%add3A_1454] : memref<1792xf32, #tpu.memory_space<vmem>>[vector<16xi32>], vector<16xf32>,
      %add3A_1456 = arith.addf %broadcast_in_dim3A_1430, %gather3A_1455 : vector<16xf32>
      %add3A_1457 = arith.constant 0 : i32
      %add3A_1458 = vector.broadcast %add3A_1457 : i32 to vector<16xi32>
      %add3A_1459 = arith.addi %mul3A_34, %add3A_1458 : vector<16xi32>
      %gather3A_1460 = tpu.vector_load_idx %arg10[%add3A_1459] : memref<1792xf32, #tpu.memory_space<vmem>>[vector<16xi32>], vector<16xf32>,
      %add3A_1461 = arith.addf %broadcast_in_dim3A_1432, %gather3A_1460 : vector<16xf32>
      %add3A_1462 = arith.constant 0 : i32
      %add3A_1463 = vector.broadcast %add3A_1462 : i32 to vector<16xi32>
      %add3A_1464 = arith.addi %mul3A_40, %add3A_1463 : vector<16xi32>
      %gather3A_1465 = tpu.vector_load_idx %arg10[%add3A_1464] : memref<1792xf32, #tpu.memory_space<vmem>>[vector<16xi32>], vector<16xf32>,
      %add3A_1466 = arith.addf %broadcast_in_dim3A_1434, %gather3A_1465 : vector<16xf32>
      %add3A_1467 = arith.constant 0 : i32
      %add3A_1468 = vector.broadcast %add3A_1467 : i32 to vector<16xi32>
      %add3A_1469 = arith.addi %mul3A_46, %add3A_1468 : vector<16xi32>
      %gather3A_1470 = tpu.vector_load_idx %arg10[%add3A_1469] : memref<1792xf32, #tpu.memory_space<vmem>>[vector<16xi32>], vector<16xf32>,
      %add3A_1471 = arith.addf %broadcast_in_dim3A_1436, %gather3A_1470 : vector<16xf32>
      %add3A_1472 = arith.constant 1 : i32
      %add3A_1473 = vector.broadcast %add3A_1472 : i32 to vector<16xi32>
      %add3A_1474 = arith.addi %mul3A_10, %add3A_1473 : vector<16xi32>
      %gather3A_1475 = tpu.vector_load_idx %arg10[%add3A_1474] : memref<1792xf32, #tpu.memory_space<vmem>>[vector<16xi32>], vector<16xf32>,
      %add3A_1476 = arith.addf %add3A_1441, %gather3A_1475 : vector<16xf32>
      %add3A_1477 = arith.constant 1 : i32
      %add3A_1478 = vector.broadcast %add3A_1477 : i32 to vector<16xi32>
      %add3A_1479 = arith.addi %mul3A_16, %add3A_1478 : vector<16xi32>
      %gather3A_1480 = tpu.vector_load_idx %arg10[%add3A_1479] : memref<1792xf32, #tpu.memory_space<vmem>>[vector<16xi32>], vector<16xf32>,
      %add3A_1481 = arith.addf %add3A_1446, %gather3A_1480 : vector<16xf32>
      %add3A_1482 = arith.constant 1 : i32
      %add3A_1483 = vector.broadcast %add3A_1482 : i32 to vector<16xi32>
      %add3A_1484 = arith.addi %mul3A_22, %add3A_1483 : vector<16xi32>
      %gather3A_1485 = tpu.vector_load_idx %arg10[%add3A_1484] : memref<1792xf32, #tpu.memory_space<vmem>>[vector<16xi32>], vector<16xf32>,
      %add3A_1486 = arith.addf %add3A_1451, %gather3A_1485 : vector<16xf32>
      %add3A_1487 = arith.constant 1 : i32
      %add3A_1488 = vector.broadcast %add3A_1487 : i32 to vector<16xi32>
      %add3A_1489 = arith.addi %mul3A_28, %add3A_1488 : vector<16xi32>
      %gather3A_1490 = tpu.vector_load_idx %arg10[%add3A_1489] : memref<1792xf32, #tpu.memory_space<vmem>>[vector<16xi32>], vector<16xf32>,
      %add3A_1491 = arith.addf %add3A_1456, %gather3A_1490 : vector<16xf32>
      %add3A_1492 = arith.constant 1 : i32
      %add3A_1493 = vector.broadcast %add3A_1492 : i32 to vector<16xi32>
      %add3A_1494 = arith.addi %mul3A_34, %add3A_1493 : vector<16xi32>
      %gather3A_1495 = tpu.vector_load_idx %arg10[%add3A_1494] : memref<1792xf32, #tpu.memory_space<vmem>>[vector<16xi32>], vector<16xf32>,
      %add3A_1496 = arith.addf %add3A_1461, %gather3A_1495 : vector<16xf32>
      %add3A_1497 = arith.constant 1 : i32
      %add3A_1498 = vector.broadcast %add3A_1497 : i32 to vector<16xi32>
      %add3A_1499 = arith.addi %mul3A_40, %add3A_1498 : vector<16xi32>
      %gather3A_1500 = tpu.vector_load_idx %arg10[%add3A_1499] : memref<1792xf32, #tpu.memory_space<vmem>>[vector<16xi32>], vector<16xf32>,
      %add3A_1501 = arith.addf %add3A_1466, %gather3A_1500 : vector<16xf32>
      %add3A_1502 = arith.constant 1 : i32
      %add3A_1503 = vector.broadcast %add3A_1502 : i32 to vector<16xi32>
      %add3A_1504 = arith.addi %mul3A_46, %add3A_1503 : vector<16xi32>
      %gather3A_1505 = tpu.vector_load_idx %arg10[%add3A_1504] : memref<1792xf32, #tpu.memory_space<vmem>>[vector<16xi32>], vector<16xf32>,
      %add3A_1506 = arith.addf %add3A_1471, %gather3A_1505 : vector<16xf32>
      %add3A_1507 = arith.constant 2 : i32
      %add3A_1508 = vector.broadcast %add3A_1507 : i32 to vector<16xi32>
      %add3A_1509 = arith.addi %mul3A_10, %add3A_1508 : vector<16xi32>
      %gather3A_1510 = tpu.vector_load_idx %arg10[%add3A_1509] : memref<1792xf32, #tpu.memory_space<vmem>>[vector<16xi32>], vector<16xf32>,
      %add3A_1511 = arith.addf %add3A_1476, %gather3A_1510 : vector<16xf32>
      %add3A_1512 = arith.constant 2 : i32
      %add3A_1513 = vector.broadcast %add3A_1512 : i32 to vector<16xi32>
      %add3A_1514 = arith.addi %mul3A_16, %add3A_1513 : vector<16xi32>
      %gather3A_1515 = tpu.vector_load_idx %arg10[%add3A_1514] : memref<1792xf32, #tpu.memory_space<vmem>>[vector<16xi32>], vector<16xf32>,
      %add3A_1516 = arith.addf %add3A_1481, %gather3A_1515 : vector<16xf32>
      %add3A_1517 = arith.constant 2 : i32
      %add3A_1518 = vector.broadcast %add3A_1517 : i32 to vector<16xi32>
      %add3A_1519 = arith.addi %mul3A_22, %add3A_1518 : vector<16xi32>
      %gather3A_1520 = tpu.vector_load_idx %arg10[%add3A_1519] : memref<1792xf32, #tpu.memory_space<vmem>>[vector<16xi32>], vector<16xf32>,
      %add3A_1521 = arith.addf %add3A_1486, %gather3A_1520 : vector<16xf32>
      %add3A_1522 = arith.constant 2 : i32
      %add3A_1523 = vector.broadcast %add3A_1522 : i32 to vector<16xi32>
      %add3A_1524 = arith.addi %mul3A_28, %add3A_1523 : vector<16xi32>
      %gather3A_1525 = tpu.vector_load_idx %arg10[%add3A_1524] : memref<1792xf32, #tpu.memory_space<vmem>>[vector<16xi32>], vector<16xf32>,
      %add3A_1526 = arith.addf %add3A_1491, %gather3A_1525 : vector<16xf32>
      %add3A_1527 = arith.constant 2 : i32
      %add3A_1528 = vector.broadcast %add3A_1527 : i32 to vector<16xi32>
      %add3A_1529 = arith.addi %mul3A_34, %add3A_1528 : vector<16xi32>
      %gather3A_1530 = tpu.vector_load_idx %arg10[%add3A_1529] : memref<1792xf32, #tpu.memory_space<vmem>>[vector<16xi32>], vector<16xf32>,
      %add3A_1531 = arith.addf %add3A_1496, %gather3A_1530 : vector<16xf32>
      %add3A_1532 = arith.constant 2 : i32
      %add3A_1533 = vector.broadcast %add3A_1532 : i32 to vector<16xi32>
      %add3A_1534 = arith.addi %mul3A_40, %add3A_1533 : vector<16xi32>
      %gather3A_1535 = tpu.vector_load_idx %arg10[%add3A_1534] : memref<1792xf32, #tpu.memory_space<vmem>>[vector<16xi32>], vector<16xf32>,
      %add3A_1536 = arith.addf %add3A_1501, %gather3A_1535 : vector<16xf32>
      %add3A_1537 = arith.constant 2 : i32
      %add3A_1538 = vector.broadcast %add3A_1537 : i32 to vector<16xi32>
      %add3A_1539 = arith.addi %mul3A_46, %add3A_1538 : vector<16xi32>
      %gather3A_1540 = tpu.vector_load_idx %arg10[%add3A_1539] : memref<1792xf32, #tpu.memory_space<vmem>>[vector<16xi32>], vector<16xf32>,
      %add3A_1541 = arith.addf %add3A_1506, %gather3A_1540 : vector<16xf32>
      %add3A_1542 = arith.constant 3 : i32
      %add3A_1543 = vector.broadcast %add3A_1542 : i32 to vector<16xi32>
      %add3A_1544 = arith.addi %mul3A_10, %add3A_1543 : vector<16xi32>
      %gather3A_1545 = tpu.vector_load_idx %arg10[%add3A_1544] : memref<1792xf32, #tpu.memory_space<vmem>>[vector<16xi32>], vector<16xf32>,
      %add3A_1546 = arith.addf %add3A_1511, %gather3A_1545 : vector<16xf32>
      %add3A_1547 = arith.constant 3 : i32
      %add3A_1548 = vector.broadcast %add3A_1547 : i32 to vector<16xi32>
      %add3A_1549 = arith.addi %mul3A_16, %add3A_1548 : vector<16xi32>
      %gather3A_1550 = tpu.vector_load_idx %arg10[%add3A_1549] : memref<1792xf32, #tpu.memory_space<vmem>>[vector<16xi32>], vector<16xf32>,
      %add3A_1551 = arith.addf %add3A_1516, %gather3A_1550 : vector<16xf32>
      %add3A_1552 = arith.constant 3 : i32
      %add3A_1553 = vector.broadcast %add3A_1552 : i32 to vector<16xi32>
      %add3A_1554 = arith.addi %mul3A_22, %add3A_1553 : vector<16xi32>
      %gather3A_1555 = tpu.vector_load_idx %arg10[%add3A_1554] : memref<1792xf32, #tpu.memory_space<vmem>>[vector<16xi32>], vector<16xf32>,
      %add3A_1556 = arith.addf %add3A_1521, %gather3A_1555 : vector<16xf32>
      %add3A_1557 = arith.constant 3 : i32
      %add3A_1558 = vector.broadcast %add3A_1557 : i32 to vector<16xi32>
      %add3A_1559 = arith.addi %mul3A_28, %add3A_1558 : vector<16xi32>
      %gather3A_1560 = tpu.vector_load_idx %arg10[%add3A_1559] : memref<1792xf32, #tpu.memory_space<vmem>>[vector<16xi32>], vector<16xf32>,
      %add3A_1561 = arith.addf %add3A_1526, %gather3A_1560 : vector<16xf32>
      %add3A_1562 = arith.constant 3 : i32
      %add3A_1563 = vector.broadcast %add3A_1562 : i32 to vector<16xi32>
      %add3A_1564 = arith.addi %mul3A_34, %add3A_1563 : vector<16xi32>
      %gather3A_1565 = tpu.vector_load_idx %arg10[%add3A_1564] : memref<1792xf32, #tpu.memory_space<vmem>>[vector<16xi32>], vector<16xf32>,
      %add3A_1566 = arith.addf %add3A_1531, %gather3A_1565 : vector<16xf32>
      %add3A_1567 = arith.constant 3 : i32
      %add3A_1568 = vector.broadcast %add3A_1567 : i32 to vector<16xi32>
      %add3A_1569 = arith.addi %mul3A_40, %add3A_1568 : vector<16xi32>
      %gather3A_1570 = tpu.vector_load_idx %arg10[%add3A_1569] : memref<1792xf32, #tpu.memory_space<vmem>>[vector<16xi32>], vector<16xf32>,
      %add3A_1571 = arith.addf %add3A_1536, %gather3A_1570 : vector<16xf32>
      %add3A_1572 = arith.constant 3 : i32
      %add3A_1573 = vector.broadcast %add3A_1572 : i32 to vector<16xi32>
      %add3A_1574 = arith.addi %mul3A_46, %add3A_1573 : vector<16xi32>
      %gather3A_1575 = tpu.vector_load_idx %arg10[%add3A_1574] : memref<1792xf32, #tpu.memory_space<vmem>>[vector<16xi32>], vector<16xf32>,
      %add3A_1576 = arith.addf %add3A_1541, %gather3A_1575 : vector<16xf32>
      %add3A_1577 = arith.constant 4 : i32
      %add3A_1578 = vector.broadcast %add3A_1577 : i32 to vector<16xi32>
      %add3A_1579 = arith.addi %mul3A_10, %add3A_1578 : vector<16xi32>
      %gather3A_1580 = tpu.vector_load_idx %arg10[%add3A_1579] : memref<1792xf32, #tpu.memory_space<vmem>>[vector<16xi32>], vector<16xf32>,
      %add3A_1581 = arith.addf %add3A_1546, %gather3A_1580 : vector<16xf32>
      %add3A_1582 = arith.constant 4 : i32
      %add3A_1583 = vector.broadcast %add3A_1582 : i32 to vector<16xi32>
      %add3A_1584 = arith.addi %mul3A_16, %add3A_1583 : vector<16xi32>
      %gather3A_1585 = tpu.vector_load_idx %arg10[%add3A_1584] : memref<1792xf32, #tpu.memory_space<vmem>>[vector<16xi32>], vector<16xf32>,
      %add3A_1586 = arith.addf %add3A_1551, %gather3A_1585 : vector<16xf32>
      %add3A_1587 = arith.constant 4 : i32
      %add3A_1588 = vector.broadcast %add3A_1587 : i32 to vector<16xi32>
      %add3A_1589 = arith.addi %mul3A_22, %add3A_1588 : vector<16xi32>
      %gather3A_1590 = tpu.vector_load_idx %arg10[%add3A_1589] : memref<1792xf32, #tpu.memory_space<vmem>>[vector<16xi32>], vector<16xf32>,
      %add3A_1591 = arith.addf %add3A_1556, %gather3A_1590 : vector<16xf32>
      %add3A_1592 = arith.constant 4 : i32
      %add3A_1593 = vector.broadcast %add3A_1592 : i32 to vector<16xi32>
      %add3A_1594 = arith.addi %mul3A_28, %add3A_1593 : vector<16xi32>
      %gather3A_1595 = tpu.vector_load_idx %arg10[%add3A_1594] : memref<1792xf32, #tpu.memory_space<vmem>>[vector<16xi32>], vector<16xf32>,
      %add3A_1596 = arith.addf %add3A_1561, %gather3A_1595 : vector<16xf32>
      %add3A_1597 = arith.constant 4 : i32
      %add3A_1598 = vector.broadcast %add3A_1597 : i32 to vector<16xi32>
      %add3A_1599 = arith.addi %mul3A_34, %add3A_1598 : vector<16xi32>
      %gather3A_1600 = tpu.vector_load_idx %arg10[%add3A_1599] : memref<1792xf32, #tpu.memory_space<vmem>>[vector<16xi32>], vector<16xf32>,
      %add3A_1601 = arith.addf %add3A_1566, %gather3A_1600 : vector<16xf32>
      %add3A_1602 = arith.constant 4 : i32
      %add3A_1603 = vector.broadcast %add3A_1602 : i32 to vector<16xi32>
      %add3A_1604 = arith.addi %mul3A_40, %add3A_1603 : vector<16xi32>
      %gather3A_1605 = tpu.vector_load_idx %arg10[%add3A_1604] : memref<1792xf32, #tpu.memory_space<vmem>>[vector<16xi32>], vector<16xf32>,
      %add3A_1606 = arith.addf %add3A_1571, %gather3A_1605 : vector<16xf32>
      %add3A_1607 = arith.constant 4 : i32
      %add3A_1608 = vector.broadcast %add3A_1607 : i32 to vector<16xi32>
      %add3A_1609 = arith.addi %mul3A_46, %add3A_1608 : vector<16xi32>
      %gather3A_1610 = tpu.vector_load_idx %arg10[%add3A_1609] : memref<1792xf32, #tpu.memory_space<vmem>>[vector<16xi32>], vector<16xf32>,
      %add3A_1611 = arith.addf %add3A_1576, %gather3A_1610 : vector<16xf32>
      %add3A_1612 = arith.constant 5 : i32
      %add3A_1613 = vector.broadcast %add3A_1612 : i32 to vector<16xi32>
      %add3A_1614 = arith.addi %mul3A_10, %add3A_1613 : vector<16xi32>
      %gather3A_1615 = tpu.vector_load_idx %arg10[%add3A_1614] : memref<1792xf32, #tpu.memory_space<vmem>>[vector<16xi32>], vector<16xf32>,
      %add3A_1616 = arith.addf %add3A_1581, %gather3A_1615 : vector<16xf32>
      %add3A_1617 = arith.constant 5 : i32
      %add3A_1618 = vector.broadcast %add3A_1617 : i32 to vector<16xi32>
      %add3A_1619 = arith.addi %mul3A_16, %add3A_1618 : vector<16xi32>
      %gather3A_1620 = tpu.vector_load_idx %arg10[%add3A_1619] : memref<1792xf32, #tpu.memory_space<vmem>>[vector<16xi32>], vector<16xf32>,
      %add3A_1621 = arith.addf %add3A_1586, %gather3A_1620 : vector<16xf32>
      %add3A_1622 = arith.constant 5 : i32
      %add3A_1623 = vector.broadcast %add3A_1622 : i32 to vector<16xi32>
      %add3A_1624 = arith.addi %mul3A_22, %add3A_1623 : vector<16xi32>
      %gather3A_1625 = tpu.vector_load_idx %arg10[%add3A_1624] : memref<1792xf32, #tpu.memory_space<vmem>>[vector<16xi32>], vector<16xf32>,
      %add3A_1626 = arith.addf %add3A_1591, %gather3A_1625 : vector<16xf32>
      %add3A_1627 = arith.constant 5 : i32
      %add3A_1628 = vector.broadcast %add3A_1627 : i32 to vector<16xi32>
      %add3A_1629 = arith.addi %mul3A_28, %add3A_1628 : vector<16xi32>
      %gather3A_1630 = tpu.vector_load_idx %arg10[%add3A_1629] : memref<1792xf32, #tpu.memory_space<vmem>>[vector<16xi32>], vector<16xf32>,
      %add3A_1631 = arith.addf %add3A_1596, %gather3A_1630 : vector<16xf32>
      %add3A_1632 = arith.constant 5 : i32
      %add3A_1633 = vector.broadcast %add3A_1632 : i32 to vector<16xi32>
      %add3A_1634 = arith.addi %mul3A_34, %add3A_1633 : vector<16xi32>
      %gather3A_1635 = tpu.vector_load_idx %arg10[%add3A_1634] : memref<1792xf32, #tpu.memory_space<vmem>>[vector<16xi32>], vector<16xf32>,
      %add3A_1636 = arith.addf %add3A_1601, %gather3A_1635 : vector<16xf32>
      %add3A_1637 = arith.constant 5 : i32
      %add3A_1638 = vector.broadcast %add3A_1637 : i32 to vector<16xi32>
      %add3A_1639 = arith.addi %mul3A_40, %add3A_1638 : vector<16xi32>
      %gather3A_1640 = tpu.vector_load_idx %arg10[%add3A_1639] : memref<1792xf32, #tpu.memory_space<vmem>>[vector<16xi32>], vector<16xf32>,
      %add3A_1641 = arith.addf %add3A_1606, %gather3A_1640 : vector<16xf32>
      %add3A_1642 = arith.constant 5 : i32
      %add3A_1643 = vector.broadcast %add3A_1642 : i32 to vector<16xi32>
      %add3A_1644 = arith.addi %mul3A_46, %add3A_1643 : vector<16xi32>
      %gather3A_1645 = tpu.vector_load_idx %arg10[%add3A_1644] : memref<1792xf32, #tpu.memory_space<vmem>>[vector<16xi32>], vector<16xf32>,
      %add3A_1646 = arith.addf %add3A_1611, %gather3A_1645 : vector<16xf32>
      %add3A_1647 = arith.constant 6 : i32
      %add3A_1648 = vector.broadcast %add3A_1647 : i32 to vector<16xi32>
      %add3A_1649 = arith.addi %mul3A_10, %add3A_1648 : vector<16xi32>
      %gather3A_1650 = tpu.vector_load_idx %arg10[%add3A_1649] : memref<1792xf32, #tpu.memory_space<vmem>>[vector<16xi32>], vector<16xf32>,
      %add3A_1651 = arith.addf %add3A_1616, %gather3A_1650 : vector<16xf32>
      %add3A_1652 = arith.constant 6 : i32
      %add3A_1653 = vector.broadcast %add3A_1652 : i32 to vector<16xi32>
      %add3A_1654 = arith.addi %mul3A_16, %add3A_1653 : vector<16xi32>
      %gather3A_1655 = tpu.vector_load_idx %arg10[%add3A_1654] : memref<1792xf32, #tpu.memory_space<vmem>>[vector<16xi32>], vector<16xf32>,
      %add3A_1656 = arith.addf %add3A_1621, %gather3A_1655 : vector<16xf32>
      %add3A_1657 = arith.constant 6 : i32
      %add3A_1658 = vector.broadcast %add3A_1657 : i32 to vector<16xi32>
      %add3A_1659 = arith.addi %mul3A_22, %add3A_1658 : vector<16xi32>
      %gather3A_1660 = tpu.vector_load_idx %arg10[%add3A_1659] : memref<1792xf32, #tpu.memory_space<vmem>>[vector<16xi32>], vector<16xf32>,
      %add3A_1661 = arith.addf %add3A_1626, %gather3A_1660 : vector<16xf32>
      %add3A_1662 = arith.constant 6 : i32
      %add3A_1663 = vector.broadcast %add3A_1662 : i32 to vector<16xi32>
      %add3A_1664 = arith.addi %mul3A_28, %add3A_1663 : vector<16xi32>
      %gather3A_1665 = tpu.vector_load_idx %arg10[%add3A_1664] : memref<1792xf32, #tpu.memory_space<vmem>>[vector<16xi32>], vector<16xf32>,
      %add3A_1666 = arith.addf %add3A_1631, %gather3A_1665 : vector<16xf32>
      %add3A_1667 = arith.constant 6 : i32
      %add3A_1668 = vector.broadcast %add3A_1667 : i32 to vector<16xi32>
      %add3A_1669 = arith.addi %mul3A_34, %add3A_1668 : vector<16xi32>
      %gather3A_1670 = tpu.vector_load_idx %arg10[%add3A_1669] : memref<1792xf32, #tpu.memory_space<vmem>>[vector<16xi32>], vector<16xf32>,
      %add3A_1671 = arith.addf %add3A_1636, %gather3A_1670 : vector<16xf32>
      %add3A_1672 = arith.constant 6 : i32
      %add3A_1673 = vector.broadcast %add3A_1672 : i32 to vector<16xi32>
      %add3A_1674 = arith.addi %mul3A_40, %add3A_1673 : vector<16xi32>
      %gather3A_1675 = tpu.vector_load_idx %arg10[%add3A_1674] : memref<1792xf32, #tpu.memory_space<vmem>>[vector<16xi32>], vector<16xf32>,
      %add3A_1676 = arith.addf %add3A_1641, %gather3A_1675 : vector<16xf32>
      %add3A_1677 = arith.constant 6 : i32
      %add3A_1678 = vector.broadcast %add3A_1677 : i32 to vector<16xi32>
      %add3A_1679 = arith.addi %mul3A_46, %add3A_1678 : vector<16xi32>
      %gather3A_1680 = tpu.vector_load_idx %arg10[%add3A_1679] : memref<1792xf32, #tpu.memory_space<vmem>>[vector<16xi32>], vector<16xf32>,
      %add3A_1681 = arith.addf %add3A_1646, %gather3A_1680 : vector<16xf32>
      %add3A_1682 = arith.constant 7 : i32
      %add3A_1683 = vector.broadcast %add3A_1682 : i32 to vector<16xi32>
      %add3A_1684 = arith.addi %mul3A_10, %add3A_1683 : vector<16xi32>
      %gather3A_1685 = tpu.vector_load_idx %arg10[%add3A_1684] : memref<1792xf32, #tpu.memory_space<vmem>>[vector<16xi32>], vector<16xf32>,
      %add3A_1686 = arith.addf %add3A_1651, %gather3A_1685 : vector<16xf32>
      %add3A_1687 = arith.constant 7 : i32
      %add3A_1688 = vector.broadcast %add3A_1687 : i32 to vector<16xi32>
      %add3A_1689 = arith.addi %mul3A_16, %add3A_1688 : vector<16xi32>
      %gather3A_1690 = tpu.vector_load_idx %arg10[%add3A_1689] : memref<1792xf32, #tpu.memory_space<vmem>>[vector<16xi32>], vector<16xf32>,
      %add3A_1691 = arith.addf %add3A_1656, %gather3A_1690 : vector<16xf32>
      %add3A_1692 = arith.constant 7 : i32
      %add3A_1693 = vector.broadcast %add3A_1692 : i32 to vector<16xi32>
      %add3A_1694 = arith.addi %mul3A_22, %add3A_1693 : vector<16xi32>
      %gather3A_1695 = tpu.vector_load_idx %arg10[%add3A_1694] : memref<1792xf32, #tpu.memory_space<vmem>>[vector<16xi32>], vector<16xf32>,
      %add3A_1696 = arith.addf %add3A_1661, %gather3A_1695 : vector<16xf32>
      %add3A_1697 = arith.constant 7 : i32
      %add3A_1698 = vector.broadcast %add3A_1697 : i32 to vector<16xi32>
      %add3A_1699 = arith.addi %mul3A_28, %add3A_1698 : vector<16xi32>
      %gather3A_1700 = tpu.vector_load_idx %arg10[%add3A_1699] : memref<1792xf32, #tpu.memory_space<vmem>>[vector<16xi32>], vector<16xf32>,
      %add3A_1701 = arith.addf %add3A_1666, %gather3A_1700 : vector<16xf32>
      %add3A_1702 = arith.constant 7 : i32
      %add3A_1703 = vector.broadcast %add3A_1702 : i32 to vector<16xi32>
      %add3A_1704 = arith.addi %mul3A_34, %add3A_1703 : vector<16xi32>
      %gather3A_1705 = tpu.vector_load_idx %arg10[%add3A_1704] : memref<1792xf32, #tpu.memory_space<vmem>>[vector<16xi32>], vector<16xf32>,
      %add3A_1706 = arith.addf %add3A_1671, %gather3A_1705 : vector<16xf32>
      %add3A_1707 = arith.constant 7 : i32
      %add3A_1708 = vector.broadcast %add3A_1707 : i32 to vector<16xi32>
      %add3A_1709 = arith.addi %mul3A_40, %add3A_1708 : vector<16xi32>
      %gather3A_1710 = tpu.vector_load_idx %arg10[%add3A_1709] : memref<1792xf32, #tpu.memory_space<vmem>>[vector<16xi32>], vector<16xf32>,
      %add3A_1711 = arith.addf %add3A_1676, %gather3A_1710 : vector<16xf32>
      %add3A_1712 = arith.constant 7 : i32
      %add3A_1713 = vector.broadcast %add3A_1712 : i32 to vector<16xi32>
      %add3A_1714 = arith.addi %mul3A_46, %add3A_1713 : vector<16xi32>
      %gather3A_1715 = tpu.vector_load_idx %arg10[%add3A_1714] : memref<1792xf32, #tpu.memory_space<vmem>>[vector<16xi32>], vector<16xf32>,
      %add3A_1716 = arith.addf %add3A_1681, %gather3A_1715 : vector<16xf32>
      %add3A_1717 = arith.constant 8 : i32
      %add3A_1718 = vector.broadcast %add3A_1717 : i32 to vector<16xi32>
      %add3A_1719 = arith.addi %mul3A_10, %add3A_1718 : vector<16xi32>
      %gather3A_1720 = tpu.vector_load_idx %arg10[%add3A_1719] : memref<1792xf32, #tpu.memory_space<vmem>>[vector<16xi32>], vector<16xf32>,
      %add3A_1721 = arith.addf %add3A_1686, %gather3A_1720 : vector<16xf32>
      %add3A_1722 = arith.constant 8 : i32
      %add3A_1723 = vector.broadcast %add3A_1722 : i32 to vector<16xi32>
      %add3A_1724 = arith.addi %mul3A_16, %add3A_1723 : vector<16xi32>
      %gather3A_1725 = tpu.vector_load_idx %arg10[%add3A_1724] : memref<1792xf32, #tpu.memory_space<vmem>>[vector<16xi32>], vector<16xf32>,
      %add3A_1726 = arith.addf %add3A_1691, %gather3A_1725 : vector<16xf32>
      %add3A_1727 = arith.constant 8 : i32
      %add3A_1728 = vector.broadcast %add3A_1727 : i32 to vector<16xi32>
      %add3A_1729 = arith.addi %mul3A_22, %add3A_1728 : vector<16xi32>
      %gather3A_1730 = tpu.vector_load_idx %arg10[%add3A_1729] : memref<1792xf32, #tpu.memory_space<vmem>>[vector<16xi32>], vector<16xf32>,
      %add3A_1731 = arith.addf %add3A_1696, %gather3A_1730 : vector<16xf32>
      %add3A_1732 = arith.constant 8 : i32
      %add3A_1733 = vector.broadcast %add3A_1732 : i32 to vector<16xi32>
      %add3A_1734 = arith.addi %mul3A_28, %add3A_1733 : vector<16xi32>
      %gather3A_1735 = tpu.vector_load_idx %arg10[%add3A_1734] : memref<1792xf32, #tpu.memory_space<vmem>>[vector<16xi32>], vector<16xf32>,
      %add3A_1736 = arith.addf %add3A_1701, %gather3A_1735 : vector<16xf32>
      %add3A_1737 = arith.constant 8 : i32
      %add3A_1738 = vector.broadcast %add3A_1737 : i32 to vector<16xi32>
      %add3A_1739 = arith.addi %mul3A_34, %add3A_1738 : vector<16xi32>
      %gather3A_1740 = tpu.vector_load_idx %arg10[%add3A_1739] : memref<1792xf32, #tpu.memory_space<vmem>>[vector<16xi32>], vector<16xf32>,
      %add3A_1741 = arith.addf %add3A_1706, %gather3A_1740 : vector<16xf32>
      %add3A_1742 = arith.constant 8 : i32
      %add3A_1743 = vector.broadcast %add3A_1742 : i32 to vector<16xi32>
      %add3A_1744 = arith.addi %mul3A_40, %add3A_1743 : vector<16xi32>
      %gather3A_1745 = tpu.vector_load_idx %arg10[%add3A_1744] : memref<1792xf32, #tpu.memory_space<vmem>>[vector<16xi32>], vector<16xf32>,
      %add3A_1746 = arith.addf %add3A_1711, %gather3A_1745 : vector<16xf32>
      %add3A_1747 = arith.constant 8 : i32
      %add3A_1748 = vector.broadcast %add3A_1747 : i32 to vector<16xi32>
      %add3A_1749 = arith.addi %mul3A_46, %add3A_1748 : vector<16xi32>
      %gather3A_1750 = tpu.vector_load_idx %arg10[%add3A_1749] : memref<1792xf32, #tpu.memory_space<vmem>>[vector<16xi32>], vector<16xf32>,
      %add3A_1751 = arith.addf %add3A_1716, %gather3A_1750 : vector<16xf32>
      %add3A_1752 = arith.constant 9 : i32
      %add3A_1753 = vector.broadcast %add3A_1752 : i32 to vector<16xi32>
      %add3A_1754 = arith.addi %mul3A_10, %add3A_1753 : vector<16xi32>
      %gather3A_1755 = tpu.vector_load_idx %arg10[%add3A_1754] : memref<1792xf32, #tpu.memory_space<vmem>>[vector<16xi32>], vector<16xf32>,
      %add3A_1756 = arith.addf %add3A_1721, %gather3A_1755 : vector<16xf32>
      %add3A_1757 = arith.constant 9 : i32
      %add3A_1758 = vector.broadcast %add3A_1757 : i32 to vector<16xi32>
      %add3A_1759 = arith.addi %mul3A_16, %add3A_1758 : vector<16xi32>
      %gather3A_1760 = tpu.vector_load_idx %arg10[%add3A_1759] : memref<1792xf32, #tpu.memory_space<vmem>>[vector<16xi32>], vector<16xf32>,
      %add3A_1761 = arith.addf %add3A_1726, %gather3A_1760 : vector<16xf32>
      %add3A_1762 = arith.constant 9 : i32
      %add3A_1763 = vector.broadcast %add3A_1762 : i32 to vector<16xi32>
      %add3A_1764 = arith.addi %mul3A_22, %add3A_1763 : vector<16xi32>
      %gather3A_1765 = tpu.vector_load_idx %arg10[%add3A_1764] : memref<1792xf32, #tpu.memory_space<vmem>>[vector<16xi32>], vector<16xf32>,
      %add3A_1766 = arith.addf %add3A_1731, %gather3A_1765 : vector<16xf32>
      %add3A_1767 = arith.constant 9 : i32
      %add3A_1768 = vector.broadcast %add3A_1767 : i32 to vector<16xi32>
      %add3A_1769 = arith.addi %mul3A_28, %add3A_1768 : vector<16xi32>
      %gather3A_1770 = tpu.vector_load_idx %arg10[%add3A_1769] : memref<1792xf32, #tpu.memory_space<vmem>>[vector<16xi32>], vector<16xf32>,
      %add3A_1771 = arith.addf %add3A_1736, %gather3A_1770 : vector<16xf32>
      %add3A_1772 = arith.constant 9 : i32
      %add3A_1773 = vector.broadcast %add3A_1772 : i32 to vector<16xi32>
      %add3A_1774 = arith.addi %mul3A_34, %add3A_1773 : vector<16xi32>
      %gather3A_1775 = tpu.vector_load_idx %arg10[%add3A_1774] : memref<1792xf32, #tpu.memory_space<vmem>>[vector<16xi32>], vector<16xf32>,
      %add3A_1776 = arith.addf %add3A_1741, %gather3A_1775 : vector<16xf32>
      %add3A_1777 = arith.constant 9 : i32
      %add3A_1778 = vector.broadcast %add3A_1777 : i32 to vector<16xi32>
      %add3A_1779 = arith.addi %mul3A_40, %add3A_1778 : vector<16xi32>
      %gather3A_1780 = tpu.vector_load_idx %arg10[%add3A_1779] : memref<1792xf32, #tpu.memory_space<vmem>>[vector<16xi32>], vector<16xf32>,
      %add3A_1781 = arith.addf %add3A_1746, %gather3A_1780 : vector<16xf32>
      %add3A_1782 = arith.constant 9 : i32
      %add3A_1783 = vector.broadcast %add3A_1782 : i32 to vector<16xi32>
      %add3A_1784 = arith.addi %mul3A_46, %add3A_1783 : vector<16xi32>
      %gather3A_1785 = tpu.vector_load_idx %arg10[%add3A_1784] : memref<1792xf32, #tpu.memory_space<vmem>>[vector<16xi32>], vector<16xf32>,
      %add3A_1786 = arith.addf %add3A_1751, %gather3A_1785 : vector<16xf32>
      %add3A_1787 = arith.constant 10 : i32
      %add3A_1788 = vector.broadcast %add3A_1787 : i32 to vector<16xi32>
      %add3A_1789 = arith.addi %mul3A_10, %add3A_1788 : vector<16xi32>
      %gather3A_1790 = tpu.vector_load_idx %arg10[%add3A_1789] : memref<1792xf32, #tpu.memory_space<vmem>>[vector<16xi32>], vector<16xf32>,
      %add3A_1791 = arith.addf %add3A_1756, %gather3A_1790 : vector<16xf32>
      %add3A_1792 = arith.constant 10 : i32
      %add3A_1793 = vector.broadcast %add3A_1792 : i32 to vector<16xi32>
      %add3A_1794 = arith.addi %mul3A_16, %add3A_1793 : vector<16xi32>
      %gather3A_1795 = tpu.vector_load_idx %arg10[%add3A_1794] : memref<1792xf32, #tpu.memory_space<vmem>>[vector<16xi32>], vector<16xf32>,
      %add3A_1796 = arith.addf %add3A_1761, %gather3A_1795 : vector<16xf32>
      %add3A_1797 = arith.constant 10 : i32
      %add3A_1798 = vector.broadcast %add3A_1797 : i32 to vector<16xi32>
      %add3A_1799 = arith.addi %mul3A_22, %add3A_1798 : vector<16xi32>
      %gather3A_1800 = tpu.vector_load_idx %arg10[%add3A_1799] : memref<1792xf32, #tpu.memory_space<vmem>>[vector<16xi32>], vector<16xf32>,
      %add3A_1801 = arith.addf %add3A_1766, %gather3A_1800 : vector<16xf32>
      %add3A_1802 = arith.constant 10 : i32
      %add3A_1803 = vector.broadcast %add3A_1802 : i32 to vector<16xi32>
      %add3A_1804 = arith.addi %mul3A_28, %add3A_1803 : vector<16xi32>
      %gather3A_1805 = tpu.vector_load_idx %arg10[%add3A_1804] : memref<1792xf32, #tpu.memory_space<vmem>>[vector<16xi32>], vector<16xf32>,
      %add3A_1806 = arith.addf %add3A_1771, %gather3A_1805 : vector<16xf32>
      %add3A_1807 = arith.constant 10 : i32
      %add3A_1808 = vector.broadcast %add3A_1807 : i32 to vector<16xi32>
      %add3A_1809 = arith.addi %mul3A_34, %add3A_1808 : vector<16xi32>
      %gather3A_1810 = tpu.vector_load_idx %arg10[%add3A_1809] : memref<1792xf32, #tpu.memory_space<vmem>>[vector<16xi32>], vector<16xf32>,
      %add3A_1811 = arith.addf %add3A_1776, %gather3A_1810 : vector<16xf32>
      %add3A_1812 = arith.constant 10 : i32
      %add3A_1813 = vector.broadcast %add3A_1812 : i32 to vector<16xi32>
      %add3A_1814 = arith.addi %mul3A_40, %add3A_1813 : vector<16xi32>
      %gather3A_1815 = tpu.vector_load_idx %arg10[%add3A_1814] : memref<1792xf32, #tpu.memory_space<vmem>>[vector<16xi32>], vector<16xf32>,
      %add3A_1816 = arith.addf %add3A_1781, %gather3A_1815 : vector<16xf32>
      %add3A_1817 = arith.constant 10 : i32
      %add3A_1818 = vector.broadcast %add3A_1817 : i32 to vector<16xi32>
      %add3A_1819 = arith.addi %mul3A_46, %add3A_1818 : vector<16xi32>
      %gather3A_1820 = tpu.vector_load_idx %arg10[%add3A_1819] : memref<1792xf32, #tpu.memory_space<vmem>>[vector<16xi32>], vector<16xf32>,
      %add3A_1821 = arith.addf %add3A_1786, %gather3A_1820 : vector<16xf32>
      %add3A_1822 = arith.constant 11 : i32
      %add3A_1823 = vector.broadcast %add3A_1822 : i32 to vector<16xi32>
      %add3A_1824 = arith.addi %mul3A_10, %add3A_1823 : vector<16xi32>
      %gather3A_1825 = tpu.vector_load_idx %arg10[%add3A_1824] : memref<1792xf32, #tpu.memory_space<vmem>>[vector<16xi32>], vector<16xf32>,
      %add3A_1826 = arith.addf %add3A_1791, %gather3A_1825 : vector<16xf32>
      %add3A_1827 = arith.constant 11 : i32
      %add3A_1828 = vector.broadcast %add3A_1827 : i32 to vector<16xi32>
      %add3A_1829 = arith.addi %mul3A_16, %add3A_1828 : vector<16xi32>
      %gather3A_1830 = tpu.vector_load_idx %arg10[%add3A_1829] : memref<1792xf32, #tpu.memory_space<vmem>>[vector<16xi32>], vector<16xf32>,
      %add3A_1831 = arith.addf %add3A_1796, %gather3A_1830 : vector<16xf32>
      %add3A_1832 = arith.constant 11 : i32
      %add3A_1833 = vector.broadcast %add3A_1832 : i32 to vector<16xi32>
      %add3A_1834 = arith.addi %mul3A_22, %add3A_1833 : vector<16xi32>
      %gather3A_1835 = tpu.vector_load_idx %arg10[%add3A_1834] : memref<1792xf32, #tpu.memory_space<vmem>>[vector<16xi32>], vector<16xf32>,
      %add3A_1836 = arith.addf %add3A_1801, %gather3A_1835 : vector<16xf32>
      %add3A_1837 = arith.constant 11 : i32
      %add3A_1838 = vector.broadcast %add3A_1837 : i32 to vector<16xi32>
      %add3A_1839 = arith.addi %mul3A_28, %add3A_1838 : vector<16xi32>
      %gather3A_1840 = tpu.vector_load_idx %arg10[%add3A_1839] : memref<1792xf32, #tpu.memory_space<vmem>>[vector<16xi32>], vector<16xf32>,
      %add3A_1841 = arith.addf %add3A_1806, %gather3A_1840 : vector<16xf32>
      %add3A_1842 = arith.constant 11 : i32
      %add3A_1843 = vector.broadcast %add3A_1842 : i32 to vector<16xi32>
      %add3A_1844 = arith.addi %mul3A_34, %add3A_1843 : vector<16xi32>
      %gather3A_1845 = tpu.vector_load_idx %arg10[%add3A_1844] : memref<1792xf32, #tpu.memory_space<vmem>>[vector<16xi32>], vector<16xf32>,
      %add3A_1846 = arith.addf %add3A_1811, %gather3A_1845 : vector<16xf32>
      %add3A_1847 = arith.constant 11 : i32
      %add3A_1848 = vector.broadcast %add3A_1847 : i32 to vector<16xi32>
      %add3A_1849 = arith.addi %mul3A_40, %add3A_1848 : vector<16xi32>
      %gather3A_1850 = tpu.vector_load_idx %arg10[%add3A_1849] : memref<1792xf32, #tpu.memory_space<vmem>>[vector<16xi32>], vector<16xf32>,
      %add3A_1851 = arith.addf %add3A_1816, %gather3A_1850 : vector<16xf32>
      %add3A_1852 = arith.constant 11 : i32
      %add3A_1853 = vector.broadcast %add3A_1852 : i32 to vector<16xi32>
      %add3A_1854 = arith.addi %mul3A_46, %add3A_1853 : vector<16xi32>
      %gather3A_1855 = tpu.vector_load_idx %arg10[%add3A_1854] : memref<1792xf32, #tpu.memory_space<vmem>>[vector<16xi32>], vector<16xf32>,
      %add3A_1856 = arith.addf %add3A_1821, %gather3A_1855 : vector<16xf32>
      %add3A_1857 = arith.constant 12 : i32
      %add3A_1858 = vector.broadcast %add3A_1857 : i32 to vector<16xi32>
      %add3A_1859 = arith.addi %mul3A_10, %add3A_1858 : vector<16xi32>
      %gather3A_1860 = tpu.vector_load_idx %arg10[%add3A_1859] : memref<1792xf32, #tpu.memory_space<vmem>>[vector<16xi32>], vector<16xf32>,
      %add3A_1861 = arith.addf %add3A_1826, %gather3A_1860 : vector<16xf32>
      %add3A_1862 = arith.constant 12 : i32
      %add3A_1863 = vector.broadcast %add3A_1862 : i32 to vector<16xi32>
      %add3A_1864 = arith.addi %mul3A_16, %add3A_1863 : vector<16xi32>
      %gather3A_1865 = tpu.vector_load_idx %arg10[%add3A_1864] : memref<1792xf32, #tpu.memory_space<vmem>>[vector<16xi32>], vector<16xf32>,
      %add3A_1866 = arith.addf %add3A_1831, %gather3A_1865 : vector<16xf32>
      %add3A_1867 = arith.constant 12 : i32
      %add3A_1868 = vector.broadcast %add3A_1867 : i32 to vector<16xi32>
      %add3A_1869 = arith.addi %mul3A_22, %add3A_1868 : vector<16xi32>
      %gather3A_1870 = tpu.vector_load_idx %arg10[%add3A_1869] : memref<1792xf32, #tpu.memory_space<vmem>>[vector<16xi32>], vector<16xf32>,
      %add3A_1871 = arith.addf %add3A_1836, %gather3A_1870 : vector<16xf32>
      %add3A_1872 = arith.constant 12 : i32
      %add3A_1873 = vector.broadcast %add3A_1872 : i32 to vector<16xi32>
      %add3A_1874 = arith.addi %mul3A_28, %add3A_1873 : vector<16xi32>
      %gather3A_1875 = tpu.vector_load_idx %arg10[%add3A_1874] : memref<1792xf32, #tpu.memory_space<vmem>>[vector<16xi32>], vector<16xf32>,
      %add3A_1876 = arith.addf %add3A_1841, %gather3A_1875 : vector<16xf32>
      %add3A_1877 = arith.constant 12 : i32
      %add3A_1878 = vector.broadcast %add3A_1877 : i32 to vector<16xi32>
      %add3A_1879 = arith.addi %mul3A_34, %add3A_1878 : vector<16xi32>
      %gather3A_1880 = tpu.vector_load_idx %arg10[%add3A_1879] : memref<1792xf32, #tpu.memory_space<vmem>>[vector<16xi32>], vector<16xf32>,
      %add3A_1881 = arith.addf %add3A_1846, %gather3A_1880 : vector<16xf32>
      %add3A_1882 = arith.constant 12 : i32
      %add3A_1883 = vector.broadcast %add3A_1882 : i32 to vector<16xi32>
      %add3A_1884 = arith.addi %mul3A_40, %add3A_1883 : vector<16xi32>
      %gather3A_1885 = tpu.vector_load_idx %arg10[%add3A_1884] : memref<1792xf32, #tpu.memory_space<vmem>>[vector<16xi32>], vector<16xf32>,
      %add3A_1886 = arith.addf %add3A_1851, %gather3A_1885 : vector<16xf32>
      %add3A_1887 = arith.constant 12 : i32
      %add3A_1888 = vector.broadcast %add3A_1887 : i32 to vector<16xi32>
      %add3A_1889 = arith.addi %mul3A_46, %add3A_1888 : vector<16xi32>
      %gather3A_1890 = tpu.vector_load_idx %arg10[%add3A_1889] : memref<1792xf32, #tpu.memory_space<vmem>>[vector<16xi32>], vector<16xf32>,
      %add3A_1891 = arith.addf %add3A_1856, %gather3A_1890 : vector<16xf32>
      %add3A_1892 = arith.constant 13 : i32
      %add3A_1893 = vector.broadcast %add3A_1892 : i32 to vector<16xi32>
      %add3A_1894 = arith.addi %mul3A_10, %add3A_1893 : vector<16xi32>
      %gather3A_1895 = tpu.vector_load_idx %arg10[%add3A_1894] : memref<1792xf32, #tpu.memory_space<vmem>>[vector<16xi32>], vector<16xf32>,
      %add3A_1896 = arith.addf %add3A_1861, %gather3A_1895 : vector<16xf32>
      %add3A_1897 = arith.constant 13 : i32
      %add3A_1898 = vector.broadcast %add3A_1897 : i32 to vector<16xi32>
      %add3A_1899 = arith.addi %mul3A_16, %add3A_1898 : vector<16xi32>
      %gather3A_1900 = tpu.vector_load_idx %arg10[%add3A_1899] : memref<1792xf32, #tpu.memory_space<vmem>>[vector<16xi32>], vector<16xf32>,
      %add3A_1901 = arith.addf %add3A_1866, %gather3A_1900 : vector<16xf32>
      %add3A_1902 = arith.constant 13 : i32
      %add3A_1903 = vector.broadcast %add3A_1902 : i32 to vector<16xi32>
      %add3A_1904 = arith.addi %mul3A_22, %add3A_1903 : vector<16xi32>
      %gather3A_1905 = tpu.vector_load_idx %arg10[%add3A_1904] : memref<1792xf32, #tpu.memory_space<vmem>>[vector<16xi32>], vector<16xf32>,
      %add3A_1906 = arith.addf %add3A_1871, %gather3A_1905 : vector<16xf32>
      %add3A_1907 = arith.constant 13 : i32
      %add3A_1908 = vector.broadcast %add3A_1907 : i32 to vector<16xi32>
      %add3A_1909 = arith.addi %mul3A_28, %add3A_1908 : vector<16xi32>
      %gather3A_1910 = tpu.vector_load_idx %arg10[%add3A_1909] : memref<1792xf32, #tpu.memory_space<vmem>>[vector<16xi32>], vector<16xf32>,
      %add3A_1911 = arith.addf %add3A_1876, %gather3A_1910 : vector<16xf32>
      %add3A_1912 = arith.constant 13 : i32
      %add3A_1913 = vector.broadcast %add3A_1912 : i32 to vector<16xi32>
      %add3A_1914 = arith.addi %mul3A_34, %add3A_1913 : vector<16xi32>
      %gather3A_1915 = tpu.vector_load_idx %arg10[%add3A_1914] : memref<1792xf32, #tpu.memory_space<vmem>>[vector<16xi32>], vector<16xf32>,
      %add3A_1916 = arith.addf %add3A_1881, %gather3A_1915 : vector<16xf32>
      %add3A_1917 = arith.constant 13 : i32
      %add3A_1918 = vector.broadcast %add3A_1917 : i32 to vector<16xi32>
      %add3A_1919 = arith.addi %mul3A_40, %add3A_1918 : vector<16xi32>
      %gather3A_1920 = tpu.vector_load_idx %arg10[%add3A_1919] : memref<1792xf32, #tpu.memory_space<vmem>>[vector<16xi32>], vector<16xf32>,
      %add3A_1921 = arith.addf %add3A_1886, %gather3A_1920 : vector<16xf32>
      %add3A_1922 = arith.constant 13 : i32
      %add3A_1923 = vector.broadcast %add3A_1922 : i32 to vector<16xi32>
      %add3A_1924 = arith.addi %mul3A_46, %add3A_1923 : vector<16xi32>
      %gather3A_1925 = tpu.vector_load_idx %arg10[%add3A_1924] : memref<1792xf32, #tpu.memory_space<vmem>>[vector<16xi32>], vector<16xf32>,
      %add3A_1926 = arith.addf %add3A_1891, %gather3A_1925 : vector<16xf32>
      %add3A_1927 = arith.constant 14 : i32
      %add3A_1928 = vector.broadcast %add3A_1927 : i32 to vector<16xi32>
      %add3A_1929 = arith.addi %mul3A_10, %add3A_1928 : vector<16xi32>
      %gather3A_1930 = tpu.vector_load_idx %arg10[%add3A_1929] : memref<1792xf32, #tpu.memory_space<vmem>>[vector<16xi32>], vector<16xf32>,
      %add3A_1931 = arith.addf %add3A_1896, %gather3A_1930 : vector<16xf32>
      %add3A_1932 = arith.constant 14 : i32
      %add3A_1933 = vector.broadcast %add3A_1932 : i32 to vector<16xi32>
      %add3A_1934 = arith.addi %mul3A_16, %add3A_1933 : vector<16xi32>
      %gather3A_1935 = tpu.vector_load_idx %arg10[%add3A_1934] : memref<1792xf32, #tpu.memory_space<vmem>>[vector<16xi32>], vector<16xf32>,
      %add3A_1936 = arith.addf %add3A_1901, %gather3A_1935 : vector<16xf32>
      %add3A_1937 = arith.constant 14 : i32
      %add3A_1938 = vector.broadcast %add3A_1937 : i32 to vector<16xi32>
      %add3A_1939 = arith.addi %mul3A_22, %add3A_1938 : vector<16xi32>
      %gather3A_1940 = tpu.vector_load_idx %arg10[%add3A_1939] : memref<1792xf32, #tpu.memory_space<vmem>>[vector<16xi32>], vector<16xf32>,
      %add3A_1941 = arith.addf %add3A_1906, %gather3A_1940 : vector<16xf32>
      %add3A_1942 = arith.constant 14 : i32
      %add3A_1943 = vector.broadcast %add3A_1942 : i32 to vector<16xi32>
      %add3A_1944 = arith.addi %mul3A_28, %add3A_1943 : vector<16xi32>
      %gather3A_1945 = tpu.vector_load_idx %arg10[%add3A_1944] : memref<1792xf32, #tpu.memory_space<vmem>>[vector<16xi32>], vector<16xf32>,
      %add3A_1946 = arith.addf %add3A_1911, %gather3A_1945 : vector<16xf32>
      %add3A_1947 = arith.constant 14 : i32
      %add3A_1948 = vector.broadcast %add3A_1947 : i32 to vector<16xi32>
      %add3A_1949 = arith.addi %mul3A_34, %add3A_1948 : vector<16xi32>
      %gather3A_1950 = tpu.vector_load_idx %arg10[%add3A_1949] : memref<1792xf32, #tpu.memory_space<vmem>>[vector<16xi32>], vector<16xf32>,
      %add3A_1951 = arith.addf %add3A_1916, %gather3A_1950 : vector<16xf32>
      %add3A_1952 = arith.constant 14 : i32
      %add3A_1953 = vector.broadcast %add3A_1952 : i32 to vector<16xi32>
      %add3A_1954 = arith.addi %mul3A_40, %add3A_1953 : vector<16xi32>
      %gather3A_1955 = tpu.vector_load_idx %arg10[%add3A_1954] : memref<1792xf32, #tpu.memory_space<vmem>>[vector<16xi32>], vector<16xf32>,
      %add3A_1956 = arith.addf %add3A_1921, %gather3A_1955 : vector<16xf32>
      %add3A_1957 = arith.constant 14 : i32
      %add3A_1958 = vector.broadcast %add3A_1957 : i32 to vector<16xi32>
      %add3A_1959 = arith.addi %mul3A_46, %add3A_1958 : vector<16xi32>
      %gather3A_1960 = tpu.vector_load_idx %arg10[%add3A_1959] : memref<1792xf32, #tpu.memory_space<vmem>>[vector<16xi32>], vector<16xf32>,
      %add3A_1961 = arith.addf %add3A_1926, %gather3A_1960 : vector<16xf32>
      %add3A_1962 = arith.constant 15 : i32
      %add3A_1963 = vector.broadcast %add3A_1962 : i32 to vector<16xi32>
      %add3A_1964 = arith.addi %mul3A_10, %add3A_1963 : vector<16xi32>
      %gather3A_1965 = tpu.vector_load_idx %arg10[%add3A_1964] : memref<1792xf32, #tpu.memory_space<vmem>>[vector<16xi32>], vector<16xf32>,
      %add3A_1966 = arith.addf %add3A_1931, %gather3A_1965 : vector<16xf32>
      %add3A_1967 = arith.constant 15 : i32
      %add3A_1968 = vector.broadcast %add3A_1967 : i32 to vector<16xi32>
      %add3A_1969 = arith.addi %mul3A_16, %add3A_1968 : vector<16xi32>
      %gather3A_1970 = tpu.vector_load_idx %arg10[%add3A_1969] : memref<1792xf32, #tpu.memory_space<vmem>>[vector<16xi32>], vector<16xf32>,
      %add3A_1971 = arith.addf %add3A_1936, %gather3A_1970 : vector<16xf32>
      %add3A_1972 = arith.constant 15 : i32
      %add3A_1973 = vector.broadcast %add3A_1972 : i32 to vector<16xi32>
      %add3A_1974 = arith.addi %mul3A_22, %add3A_1973 : vector<16xi32>
      %gather3A_1975 = tpu.vector_load_idx %arg10[%add3A_1974] : memref<1792xf32, #tpu.memory_space<vmem>>[vector<16xi32>], vector<16xf32>,
      %add3A_1976 = arith.addf %add3A_1941, %gather3A_1975 : vector<16xf32>
      %add3A_1977 = arith.constant 15 : i32
      %add3A_1978 = vector.broadcast %add3A_1977 : i32 to vector<16xi32>
      %add3A_1979 = arith.addi %mul3A_28, %add3A_1978 : vector<16xi32>
      %gather3A_1980 = tpu.vector_load_idx %arg10[%add3A_1979] : memref<1792xf32, #tpu.memory_space<vmem>>[vector<16xi32>], vector<16xf32>,
      %add3A_1981 = arith.addf %add3A_1946, %gather3A_1980 : vector<16xf32>
      %add3A_1982 = arith.constant 15 : i32
      %add3A_1983 = vector.broadcast %add3A_1982 : i32 to vector<16xi32>
      %add3A_1984 = arith.addi %mul3A_34, %add3A_1983 : vector<16xi32>
      %gather3A_1985 = tpu.vector_load_idx %arg10[%add3A_1984] : memref<1792xf32, #tpu.memory_space<vmem>>[vector<16xi32>], vector<16xf32>,
      %add3A_1986 = arith.addf %add3A_1951, %gather3A_1985 : vector<16xf32>
      %add3A_1987 = arith.constant 15 : i32
      %add3A_1988 = vector.broadcast %add3A_1987 : i32 to vector<16xi32>
      %add3A_1989 = arith.addi %mul3A_40, %add3A_1988 : vector<16xi32>
      %gather3A_1990 = tpu.vector_load_idx %arg10[%add3A_1989] : memref<1792xf32, #tpu.memory_space<vmem>>[vector<16xi32>], vector<16xf32>,
      %add3A_1991 = arith.addf %add3A_1956, %gather3A_1990 : vector<16xf32>
      %add3A_1992 = arith.constant 15 : i32
      %add3A_1993 = vector.broadcast %add3A_1992 : i32 to vector<16xi32>
      %add3A_1994 = arith.addi %mul3A_46, %add3A_1993 : vector<16xi32>
      %gather3A_1995 = tpu.vector_load_idx %arg10[%add3A_1994] : memref<1792xf32, #tpu.memory_space<vmem>>[vector<16xi32>], vector<16xf32>,
      %add3A_1996 = arith.addf %add3A_1961, %gather3A_1995 : vector<16xf32>
      %mul3A_1997 = arith.constant 112 : i32
      %mul3A_1998 = arith.muli %add3A_1368, %mul3A_1997 : i32
      %add3A_1999 = arith.constant 0 : i32
      %add3A_2000 = arith.addi %mul3A_1998, %add3A_1999 : i32
      %swap3A_2001 = arith.index_cast %add3A_2000 : i32 to index
      %swap3A_2002 = tpu.vector_load %arg11[%swap3A_2001] {strides = array<i32>} : memref<13552xf32, #tpu.memory_space<vmem>>, vector<16xf32>,
      tpu.vector_store %arg11[%swap3A_2001], %add3A_1966 {strides = array<i32>} : memref<13552xf32, #tpu.memory_space<vmem>>, vector<16xf32>,
      %mul3A_2003 = arith.constant 112 : i32
      %mul3A_2004 = arith.muli %add3A_1368, %mul3A_2003 : i32
      %add3A_2005 = arith.constant 16 : i32
      %add3A_2006 = arith.addi %mul3A_2004, %add3A_2005 : i32
      %swap3A_2007 = arith.index_cast %add3A_2006 : i32 to index
      %swap3A_2008 = tpu.vector_load %arg11[%swap3A_2007] {strides = array<i32>} : memref<13552xf32, #tpu.memory_space<vmem>>, vector<16xf32>,
      tpu.vector_store %arg11[%swap3A_2007], %add3A_1971 {strides = array<i32>} : memref<13552xf32, #tpu.memory_space<vmem>>, vector<16xf32>,
      %mul3A_2009 = arith.constant 112 : i32
      %mul3A_2010 = arith.muli %add3A_1368, %mul3A_2009 : i32
      %add3A_2011 = arith.constant 32 : i32
      %add3A_2012 = arith.addi %mul3A_2010, %add3A_2011 : i32
      %swap3A_2013 = arith.index_cast %add3A_2012 : i32 to index
      %swap3A_2014 = tpu.vector_load %arg11[%swap3A_2013] {strides = array<i32>} : memref<13552xf32, #tpu.memory_space<vmem>>, vector<16xf32>,
      tpu.vector_store %arg11[%swap3A_2013], %add3A_1976 {strides = array<i32>} : memref<13552xf32, #tpu.memory_space<vmem>>, vector<16xf32>,
      %mul3A_2015 = arith.constant 112 : i32
      %mul3A_2016 = arith.muli %add3A_1368, %mul3A_2015 : i32
      %add3A_2017 = arith.constant 48 : i32
      %add3A_2018 = arith.addi %mul3A_2016, %add3A_2017 : i32
      %swap3A_2019 = arith.index_cast %add3A_2018 : i32 to index
      %swap3A_2020 = tpu.vector_load %arg11[%swap3A_2019] {strides = array<i32>} : memref<13552xf32, #tpu.memory_space<vmem>>, vector<16xf32>,
      tpu.vector_store %arg11[%swap3A_2019], %add3A_1981 {strides = array<i32>} : memref<13552xf32, #tpu.memory_space<vmem>>, vector<16xf32>,
      %mul3A_2021 = arith.constant 112 : i32
      %mul3A_2022 = arith.muli %add3A_1368, %mul3A_2021 : i32
      %add3A_2023 = arith.constant 64 : i32
      %add3A_2024 = arith.addi %mul3A_2022, %add3A_2023 : i32
      %swap3A_2025 = arith.index_cast %add3A_2024 : i32 to index
      %swap3A_2026 = tpu.vector_load %arg11[%swap3A_2025] {strides = array<i32>} : memref<13552xf32, #tpu.memory_space<vmem>>, vector<16xf32>,
      tpu.vector_store %arg11[%swap3A_2025], %add3A_1986 {strides = array<i32>} : memref<13552xf32, #tpu.memory_space<vmem>>, vector<16xf32>,
      %mul3A_2027 = arith.constant 112 : i32
      %mul3A_2028 = arith.muli %add3A_1368, %mul3A_2027 : i32
      %add3A_2029 = arith.constant 80 : i32
      %add3A_2030 = arith.addi %mul3A_2028, %add3A_2029 : i32
      %swap3A_2031 = arith.index_cast %add3A_2030 : i32 to index
      %swap3A_2032 = tpu.vector_load %arg11[%swap3A_2031] {strides = array<i32>} : memref<13552xf32, #tpu.memory_space<vmem>>, vector<16xf32>,
      tpu.vector_store %arg11[%swap3A_2031], %add3A_1991 {strides = array<i32>} : memref<13552xf32, #tpu.memory_space<vmem>>, vector<16xf32>,
      %mul3A_2033 = arith.constant 112 : i32
      %mul3A_2034 = arith.muli %add3A_1368, %mul3A_2033 : i32
      %add3A_2035 = arith.constant 96 : i32
      %add3A_2036 = arith.addi %mul3A_2034, %add3A_2035 : i32
      %swap3A_2037 = arith.index_cast %add3A_2036 : i32 to index
      %swap3A_2038 = tpu.vector_load %arg11[%swap3A_2037] {strides = array<i32>} : memref<13552xf32, #tpu.memory_space<vmem>>, vector<16xf32>,
      tpu.vector_store %arg11[%swap3A_2037], %add3A_1996 {strides = array<i32>} : memref<13552xf32, #tpu.memory_space<vmem>>, vector<16xf32>,
    }
    %scan3A_55 = arith.constant 60 : i32
    %dma_wait3A = arith.constant 0 : i32
    %dma_wait3A_56 = tpu.memref_slice %arg6[%dma_wait3A] : memref<13552xi32, #tpu.memory_space<vmem>> -> memref<112xi32, #tpu.memory_space<vmem>>
    %dma_wait3A_57 = arith.constant 0 : i32
    %dma_wait3A_58 = arith.constant 0 : i32
    %dma_wait3A_59 = tpu.memref_slice %arg2[%dma_wait3A_57, %dma_wait3A_58] : memref<294912x128xf32, #tpu.memory_space<hbm>> -> memref<294912x128xf32, #tpu.memory_space<hbm>>
    tpu.wait_indirect_dma semaphore(%arg12 : memref<!tpu.dma_semaphore, #tpu.memory_space<semaphore_mem>>) src(%dma_wait3A_59 : memref<294912x128xf32, #tpu.memory_space<hbm>>) dst(%arg8 : memref<112x128xf32, #tpu.memory_space<vmem>>)
    %get3A = arith.constant 15360 : index
    %get3A_60 = tpu.vector_load %arg7[%get3A] {strides = array<i32>} : memref<15488xf32, #tpu.memory_space<vmem>>, vector<16xf32>,
    %get3A_61 = arith.constant 15376 : index
    %get3A_62 = tpu.vector_load %arg7[%get3A_61] {strides = array<i32>} : memref<15488xf32, #tpu.memory_space<vmem>>, vector<16xf32>,
    %get3A_63 = arith.constant 15392 : index
    %get3A_64 = tpu.vector_load %arg7[%get3A_63] {strides = array<i32>} : memref<15488xf32, #tpu.memory_space<vmem>>, vector<16xf32>,
    %get3A_65 = arith.constant 15408 : index
    %get3A_66 = tpu.vector_load %arg7[%get3A_65] {strides = array<i32>} : memref<15488xf32, #tpu.memory_space<vmem>>, vector<16xf32>,
    %get3A_67 = arith.constant 15424 : index
    %get3A_68 = tpu.vector_load %arg7[%get3A_67] {strides = array<i32>} : memref<15488xf32, #tpu.memory_space<vmem>>, vector<16xf32>,
    %get3A_69 = arith.constant 15440 : index
    %get3A_70 = tpu.vector_load %arg7[%get3A_69] {strides = array<i32>} : memref<15488xf32, #tpu.memory_space<vmem>>, vector<16xf32>,
    %get3A_71 = arith.constant 15456 : index
    %get3A_72 = tpu.vector_load %arg7[%get3A_71] {strides = array<i32>} : memref<15488xf32, #tpu.memory_space<vmem>>, vector<16xf32>,
    %get3A_73 = arith.constant 15472 : index
    %get3A_74 = tpu.vector_load %arg7[%get3A_73] {strides = array<i32>} : memref<15488xf32, #tpu.memory_space<vmem>>, vector<16xf32>,
    %scan3A_75 = arith.constant 0 : i32
    %scan3A_76 = arith.constant 0 : i32
    %scan3A_77 = arith.constant 28 : i32
    %scan3A_78 = arith.addi %scan3A_76, %scan3A_77 : i32
    %scan3A_79 = arith.constant 1 : i32
    scf.for %scan3A_668 = %scan3A_76 to %scan3A_78 step %scan3A_79  : i32 {
      %mul3A_669 = arith.constant 4 : i32
      %mul3A_670 = arith.muli %scan3A_668, %mul3A_669 : i32
      %add3A_671 = arith.constant 0 : i32
      %add3A_672 = arith.addi %mul3A_670, %add3A_671 : i32
      %get3A_673 = arith.index_cast %add3A_672 : i32 to index
      %get3A_674 = arith.constant 0 : index
      %get3A_675 = tpu.vector_load %arg8[%get3A_673, %get3A_674] {strides = array<i32>} : memref<112x128xf32, #tpu.memory_space<vmem>>, vector<16xf32>,
      %mul3A_676 = arith.mulf %get3A_60, %get3A_675 : vector<16xf32>
      %get3A_677 = arith.index_cast %add3A_672 : i32 to index
      %get3A_678 = arith.constant 16 : index
      %get3A_679 = tpu.vector_load %arg8[%get3A_677, %get3A_678] {strides = array<i32>} : memref<112x128xf32, #tpu.memory_space<vmem>>, vector<16xf32>,
      %mul3A_680 = arith.mulf %get3A_62, %get3A_679 : vector<16xf32>
      %add3A_681 = arith.addf %mul3A_676, %mul3A_680 : vector<16xf32>
      %get3A_682 = arith.index_cast %add3A_672 : i32 to index
      %get3A_683 = arith.constant 32 : index
      %get3A_684 = tpu.vector_load %arg8[%get3A_682, %get3A_683] {strides = array<i32>} : memref<112x128xf32, #tpu.memory_space<vmem>>, vector<16xf32>,
      %mul3A_685 = arith.mulf %get3A_64, %get3A_684 : vector<16xf32>
      %add3A_686 = arith.addf %add3A_681, %mul3A_685 : vector<16xf32>
      %get3A_687 = arith.index_cast %add3A_672 : i32 to index
      %get3A_688 = arith.constant 48 : index
      %get3A_689 = tpu.vector_load %arg8[%get3A_687, %get3A_688] {strides = array<i32>} : memref<112x128xf32, #tpu.memory_space<vmem>>, vector<16xf32>,
      %mul3A_690 = arith.mulf %get3A_66, %get3A_689 : vector<16xf32>
      %add3A_691 = arith.addf %add3A_686, %mul3A_690 : vector<16xf32>
      %get3A_692 = arith.index_cast %add3A_672 : i32 to index
      %get3A_693 = arith.constant 64 : index
      %get3A_694 = tpu.vector_load %arg8[%get3A_692, %get3A_693] {strides = array<i32>} : memref<112x128xf32, #tpu.memory_space<vmem>>, vector<16xf32>,
      %mul3A_695 = arith.mulf %get3A_68, %get3A_694 : vector<16xf32>
      %add3A_696 = arith.addf %add3A_691, %mul3A_695 : vector<16xf32>
      %get3A_697 = arith.index_cast %add3A_672 : i32 to index
      %get3A_698 = arith.constant 80 : index
      %get3A_699 = tpu.vector_load %arg8[%get3A_697, %get3A_698] {strides = array<i32>} : memref<112x128xf32, #tpu.memory_space<vmem>>, vector<16xf32>,
      %mul3A_700 = arith.mulf %get3A_70, %get3A_699 : vector<16xf32>
      %add3A_701 = arith.addf %add3A_696, %mul3A_700 : vector<16xf32>
      %get3A_702 = arith.index_cast %add3A_672 : i32 to index
      %get3A_703 = arith.constant 96 : index
      %get3A_704 = tpu.vector_load %arg8[%get3A_702, %get3A_703] {strides = array<i32>} : memref<112x128xf32, #tpu.memory_space<vmem>>, vector<16xf32>,
      %mul3A_705 = arith.mulf %get3A_72, %get3A_704 : vector<16xf32>
      %add3A_706 = arith.addf %add3A_701, %mul3A_705 : vector<16xf32>
      %get3A_707 = arith.index_cast %add3A_672 : i32 to index
      %get3A_708 = arith.constant 112 : index
      %get3A_709 = tpu.vector_load %arg8[%get3A_707, %get3A_708] {strides = array<i32>} : memref<112x128xf32, #tpu.memory_space<vmem>>, vector<16xf32>,
      %mul3A_710 = arith.mulf %get3A_74, %get3A_709 : vector<16xf32>
      %add3A_711 = arith.addf %add3A_706, %mul3A_710 : vector<16xf32>
      %mul3A_712 = arith.constant 16 : i32
      %mul3A_713 = arith.muli %add3A_672, %mul3A_712 : i32
      %swap3A_714 = arith.index_cast %mul3A_713 : i32 to index
      %swap3A_715 = tpu.vector_load %arg10[%swap3A_714] {strides = array<i32>} : memref<1792xf32, #tpu.memory_space<vmem>>, vector<16xf32>,
      tpu.vector_store %arg10[%swap3A_714], %add3A_711 {strides = array<i32>} : memref<1792xf32, #tpu.memory_space<vmem>>, vector<16xf32>,
      %mul3A_716 = arith.constant 4 : i32
      %mul3A_717 = arith.muli %scan3A_668, %mul3A_716 : i32
      %add3A_718 = arith.constant 1 : i32
      %add3A_719 = arith.addi %mul3A_717, %add3A_718 : i32
      %get3A_720 = arith.index_cast %add3A_719 : i32 to index
      %get3A_721 = arith.constant 0 : index
      %get3A_722 = tpu.vector_load %arg8[%get3A_720, %get3A_721] {strides = array<i32>} : memref<112x128xf32, #tpu.memory_space<vmem>>, vector<16xf32>,
      %mul3A_723 = arith.mulf %get3A_60, %get3A_722 : vector<16xf32>
      %get3A_724 = arith.index_cast %add3A_719 : i32 to index
      %get3A_725 = arith.constant 16 : index
      %get3A_726 = tpu.vector_load %arg8[%get3A_724, %get3A_725] {strides = array<i32>} : memref<112x128xf32, #tpu.memory_space<vmem>>, vector<16xf32>,
      %mul3A_727 = arith.mulf %get3A_62, %get3A_726 : vector<16xf32>
      %add3A_728 = arith.addf %mul3A_723, %mul3A_727 : vector<16xf32>
      %get3A_729 = arith.index_cast %add3A_719 : i32 to index
      %get3A_730 = arith.constant 32 : index
      %get3A_731 = tpu.vector_load %arg8[%get3A_729, %get3A_730] {strides = array<i32>} : memref<112x128xf32, #tpu.memory_space<vmem>>, vector<16xf32>,
      %mul3A_732 = arith.mulf %get3A_64, %get3A_731 : vector<16xf32>
      %add3A_733 = arith.addf %add3A_728, %mul3A_732 : vector<16xf32>
      %get3A_734 = arith.index_cast %add3A_719 : i32 to index
      %get3A_735 = arith.constant 48 : index
      %get3A_736 = tpu.vector_load %arg8[%get3A_734, %get3A_735] {strides = array<i32>} : memref<112x128xf32, #tpu.memory_space<vmem>>, vector<16xf32>,
      %mul3A_737 = arith.mulf %get3A_66, %get3A_736 : vector<16xf32>
      %add3A_738 = arith.addf %add3A_733, %mul3A_737 : vector<16xf32>
      %get3A_739 = arith.index_cast %add3A_719 : i32 to index
      %get3A_740 = arith.constant 64 : index
      %get3A_741 = tpu.vector_load %arg8[%get3A_739, %get3A_740] {strides = array<i32>} : memref<112x128xf32, #tpu.memory_space<vmem>>, vector<16xf32>,
      %mul3A_742 = arith.mulf %get3A_68, %get3A_741 : vector<16xf32>
      %add3A_743 = arith.addf %add3A_738, %mul3A_742 : vector<16xf32>
      %get3A_744 = arith.index_cast %add3A_719 : i32 to index
      %get3A_745 = arith.constant 80 : index
      %get3A_746 = tpu.vector_load %arg8[%get3A_744, %get3A_745] {strides = array<i32>} : memref<112x128xf32, #tpu.memory_space<vmem>>, vector<16xf32>,
      %mul3A_747 = arith.mulf %get3A_70, %get3A_746 : vector<16xf32>
      %add3A_748 = arith.addf %add3A_743, %mul3A_747 : vector<16xf32>
      %get3A_749 = arith.index_cast %add3A_719 : i32 to index
      %get3A_750 = arith.constant 96 : index
      %get3A_751 = tpu.vector_load %arg8[%get3A_749, %get3A_750] {strides = array<i32>} : memref<112x128xf32, #tpu.memory_space<vmem>>, vector<16xf32>,
      %mul3A_752 = arith.mulf %get3A_72, %get3A_751 : vector<16xf32>
      %add3A_753 = arith.addf %add3A_748, %mul3A_752 : vector<16xf32>
      %get3A_754 = arith.index_cast %add3A_719 : i32 to index
      %get3A_755 = arith.constant 112 : index
      %get3A_756 = tpu.vector_load %arg8[%get3A_754, %get3A_755] {strides = array<i32>} : memref<112x128xf32, #tpu.memory_space<vmem>>, vector<16xf32>,
      %mul3A_757 = arith.mulf %get3A_74, %get3A_756 : vector<16xf32>
      %add3A_758 = arith.addf %add3A_753, %mul3A_757 : vector<16xf32>
      %mul3A_759 = arith.constant 16 : i32
      %mul3A_760 = arith.muli %add3A_719, %mul3A_759 : i32
      %swap3A_761 = arith.index_cast %mul3A_760 : i32 to index
      %swap3A_762 = tpu.vector_load %arg10[%swap3A_761] {strides = array<i32>} : memref<1792xf32, #tpu.memory_space<vmem>>, vector<16xf32>,
      tpu.vector_store %arg10[%swap3A_761], %add3A_758 {strides = array<i32>} : memref<1792xf32, #tpu.memory_space<vmem>>, vector<16xf32>,
      %mul3A_763 = arith.constant 4 : i32
      %mul3A_764 = arith.muli %scan3A_668, %mul3A_763 : i32
      %add3A_765 = arith.constant 2 : i32
      %add3A_766 = arith.addi %mul3A_764, %add3A_765 : i32
      %get3A_767 = arith.index_cast %add3A_766 : i32 to index
      %get3A_768 = arith.constant 0 : index
      %get3A_769 = tpu.vector_load %arg8[%get3A_767, %get3A_768] {strides = array<i32>} : memref<112x128xf32, #tpu.memory_space<vmem>>, vector<16xf32>,
      %mul3A_770 = arith.mulf %get3A_60, %get3A_769 : vector<16xf32>
      %get3A_771 = arith.index_cast %add3A_766 : i32 to index
      %get3A_772 = arith.constant 16 : index
      %get3A_773 = tpu.vector_load %arg8[%get3A_771, %get3A_772] {strides = array<i32>} : memref<112x128xf32, #tpu.memory_space<vmem>>, vector<16xf32>,
      %mul3A_774 = arith.mulf %get3A_62, %get3A_773 : vector<16xf32>
      %add3A_775 = arith.addf %mul3A_770, %mul3A_774 : vector<16xf32>
      %get3A_776 = arith.index_cast %add3A_766 : i32 to index
      %get3A_777 = arith.constant 32 : index
      %get3A_778 = tpu.vector_load %arg8[%get3A_776, %get3A_777] {strides = array<i32>} : memref<112x128xf32, #tpu.memory_space<vmem>>, vector<16xf32>,
      %mul3A_779 = arith.mulf %get3A_64, %get3A_778 : vector<16xf32>
      %add3A_780 = arith.addf %add3A_775, %mul3A_779 : vector<16xf32>
      %get3A_781 = arith.index_cast %add3A_766 : i32 to index
      %get3A_782 = arith.constant 48 : index
      %get3A_783 = tpu.vector_load %arg8[%get3A_781, %get3A_782] {strides = array<i32>} : memref<112x128xf32, #tpu.memory_space<vmem>>, vector<16xf32>,
      %mul3A_784 = arith.mulf %get3A_66, %get3A_783 : vector<16xf32>
      %add3A_785 = arith.addf %add3A_780, %mul3A_784 : vector<16xf32>
      %get3A_786 = arith.index_cast %add3A_766 : i32 to index
      %get3A_787 = arith.constant 64 : index
      %get3A_788 = tpu.vector_load %arg8[%get3A_786, %get3A_787] {strides = array<i32>} : memref<112x128xf32, #tpu.memory_space<vmem>>, vector<16xf32>,
      %mul3A_789 = arith.mulf %get3A_68, %get3A_788 : vector<16xf32>
      %add3A_790 = arith.addf %add3A_785, %mul3A_789 : vector<16xf32>
      %get3A_791 = arith.index_cast %add3A_766 : i32 to index
      %get3A_792 = arith.constant 80 : index
      %get3A_793 = tpu.vector_load %arg8[%get3A_791, %get3A_792] {strides = array<i32>} : memref<112x128xf32, #tpu.memory_space<vmem>>, vector<16xf32>,
      %mul3A_794 = arith.mulf %get3A_70, %get3A_793 : vector<16xf32>
      %add3A_795 = arith.addf %add3A_790, %mul3A_794 : vector<16xf32>
      %get3A_796 = arith.index_cast %add3A_766 : i32 to index
      %get3A_797 = arith.constant 96 : index
      %get3A_798 = tpu.vector_load %arg8[%get3A_796, %get3A_797] {strides = array<i32>} : memref<112x128xf32, #tpu.memory_space<vmem>>, vector<16xf32>,
      %mul3A_799 = arith.mulf %get3A_72, %get3A_798 : vector<16xf32>
      %add3A_800 = arith.addf %add3A_795, %mul3A_799 : vector<16xf32>
      %get3A_801 = arith.index_cast %add3A_766 : i32 to index
      %get3A_802 = arith.constant 112 : index
      %get3A_803 = tpu.vector_load %arg8[%get3A_801, %get3A_802] {strides = array<i32>} : memref<112x128xf32, #tpu.memory_space<vmem>>, vector<16xf32>,
      %mul3A_804 = arith.mulf %get3A_74, %get3A_803 : vector<16xf32>
      %add3A_805 = arith.addf %add3A_800, %mul3A_804 : vector<16xf32>
      %mul3A_806 = arith.constant 16 : i32
      %mul3A_807 = arith.muli %add3A_766, %mul3A_806 : i32
      %swap3A_808 = arith.index_cast %mul3A_807 : i32 to index
      %swap3A_809 = tpu.vector_load %arg10[%swap3A_808] {strides = array<i32>} : memref<1792xf32, #tpu.memory_space<vmem>>, vector<16xf32>,
      tpu.vector_store %arg10[%swap3A_808], %add3A_805 {strides = array<i32>} : memref<1792xf32, #tpu.memory_space<vmem>>, vector<16xf32>,
      %mul3A_810 = arith.constant 4 : i32
      %mul3A_811 = arith.muli %scan3A_668, %mul3A_810 : i32
      %add3A_812 = arith.constant 3 : i32
      %add3A_813 = arith.addi %mul3A_811, %add3A_812 : i32
      %get3A_814 = arith.index_cast %add3A_813 : i32 to index
      %get3A_815 = arith.constant 0 : index
      %get3A_816 = tpu.vector_load %arg8[%get3A_814, %get3A_815] {strides = array<i32>} : memref<112x128xf32, #tpu.memory_space<vmem>>, vector<16xf32>,
      %mul3A_817 = arith.mulf %get3A_60, %get3A_816 : vector<16xf32>
      %get3A_818 = arith.index_cast %add3A_813 : i32 to index
      %get3A_819 = arith.constant 16 : index
      %get3A_820 = tpu.vector_load %arg8[%get3A_818, %get3A_819] {strides = array<i32>} : memref<112x128xf32, #tpu.memory_space<vmem>>, vector<16xf32>,
      %mul3A_821 = arith.mulf %get3A_62, %get3A_820 : vector<16xf32>
      %add3A_822 = arith.addf %mul3A_817, %mul3A_821 : vector<16xf32>
      %get3A_823 = arith.index_cast %add3A_813 : i32 to index
      %get3A_824 = arith.constant 32 : index
      %get3A_825 = tpu.vector_load %arg8[%get3A_823, %get3A_824] {strides = array<i32>} : memref<112x128xf32, #tpu.memory_space<vmem>>, vector<16xf32>,
      %mul3A_826 = arith.mulf %get3A_64, %get3A_825 : vector<16xf32>
      %add3A_827 = arith.addf %add3A_822, %mul3A_826 : vector<16xf32>
      %get3A_828 = arith.index_cast %add3A_813 : i32 to index
      %get3A_829 = arith.constant 48 : index
      %get3A_830 = tpu.vector_load %arg8[%get3A_828, %get3A_829] {strides = array<i32>} : memref<112x128xf32, #tpu.memory_space<vmem>>, vector<16xf32>,
      %mul3A_831 = arith.mulf %get3A_66, %get3A_830 : vector<16xf32>
      %add3A_832 = arith.addf %add3A_827, %mul3A_831 : vector<16xf32>
      %get3A_833 = arith.index_cast %add3A_813 : i32 to index
      %get3A_834 = arith.constant 64 : index
      %get3A_835 = tpu.vector_load %arg8[%get3A_833, %get3A_834] {strides = array<i32>} : memref<112x128xf32, #tpu.memory_space<vmem>>, vector<16xf32>,
      %mul3A_836 = arith.mulf %get3A_68, %get3A_835 : vector<16xf32>
      %add3A_837 = arith.addf %add3A_832, %mul3A_836 : vector<16xf32>
      %get3A_838 = arith.index_cast %add3A_813 : i32 to index
      %get3A_839 = arith.constant 80 : index
      %get3A_840 = tpu.vector_load %arg8[%get3A_838, %get3A_839] {strides = array<i32>} : memref<112x128xf32, #tpu.memory_space<vmem>>, vector<16xf32>,
      %mul3A_841 = arith.mulf %get3A_70, %get3A_840 : vector<16xf32>
      %add3A_842 = arith.addf %add3A_837, %mul3A_841 : vector<16xf32>
      %get3A_843 = arith.index_cast %add3A_813 : i32 to index
      %get3A_844 = arith.constant 96 : index
      %get3A_845 = tpu.vector_load %arg8[%get3A_843, %get3A_844] {strides = array<i32>} : memref<112x128xf32, #tpu.memory_space<vmem>>, vector<16xf32>,
      %mul3A_846 = arith.mulf %get3A_72, %get3A_845 : vector<16xf32>
      %add3A_847 = arith.addf %add3A_842, %mul3A_846 : vector<16xf32>
      %get3A_848 = arith.index_cast %add3A_813 : i32 to index
      %get3A_849 = arith.constant 112 : index
      %get3A_850 = tpu.vector_load %arg8[%get3A_848, %get3A_849] {strides = array<i32>} : memref<112x128xf32, #tpu.memory_space<vmem>>, vector<16xf32>,
      %mul3A_851 = arith.mulf %get3A_74, %get3A_850 : vector<16xf32>
      %add3A_852 = arith.addf %add3A_847, %mul3A_851 : vector<16xf32>
      %mul3A_853 = arith.constant 16 : i32
      %mul3A_854 = arith.muli %add3A_813, %mul3A_853 : i32
      %swap3A_855 = arith.index_cast %mul3A_854 : i32 to index
      %swap3A_856 = tpu.vector_load %arg10[%swap3A_855] {strides = array<i32>} : memref<1792xf32, #tpu.memory_space<vmem>>, vector<16xf32>,
      tpu.vector_store %arg10[%swap3A_855], %add3A_852 {strides = array<i32>} : memref<1792xf32, #tpu.memory_space<vmem>>, vector<16xf32>,
    }
    %scan3A_80 = arith.constant 28 : i32
    %broadcast_in_dim3A = arith.constant 0.000000e+00 : f32
    %broadcast_in_dim3A_81 = vector.broadcast %broadcast_in_dim3A : f32 to vector<16xf32>
    %broadcast_in_dim3A_82 = arith.constant 0.000000e+00 : f32
    %broadcast_in_dim3A_83 = vector.broadcast %broadcast_in_dim3A_82 : f32 to vector<16xf32>
    %broadcast_in_dim3A_84 = arith.constant 0.000000e+00 : f32
    %broadcast_in_dim3A_85 = vector.broadcast %broadcast_in_dim3A_84 : f32 to vector<16xf32>
    %broadcast_in_dim3A_86 = arith.constant 0.000000e+00 : f32
    %broadcast_in_dim3A_87 = vector.broadcast %broadcast_in_dim3A_86 : f32 to vector<16xf32>
    %broadcast_in_dim3A_88 = arith.constant 0.000000e+00 : f32
    %broadcast_in_dim3A_89 = vector.broadcast %broadcast_in_dim3A_88 : f32 to vector<16xf32>
    %broadcast_in_dim3A_90 = arith.constant 0.000000e+00 : f32
    %broadcast_in_dim3A_91 = vector.broadcast %broadcast_in_dim3A_90 : f32 to vector<16xf32>
    %broadcast_in_dim3A_92 = arith.constant 0.000000e+00 : f32
    %broadcast_in_dim3A_93 = vector.broadcast %broadcast_in_dim3A_92 : f32 to vector<16xf32>
    %add3A_94 = arith.constant 0 : i32
    %add3A_95 = vector.broadcast %add3A_94 : i32 to vector<16xi32>
    %add3A_96 = arith.addi %mul3A_10, %add3A_95 : vector<16xi32>
    %gather3A = tpu.vector_load_idx %arg10[%add3A_96] : memref<1792xf32, #tpu.memory_space<vmem>>[vector<16xi32>], vector<16xf32>,
    %add3A_97 = arith.addf %broadcast_in_dim3A_81, %gather3A : vector<16xf32>
    %add3A_98 = arith.constant 0 : i32
    %add3A_99 = vector.broadcast %add3A_98 : i32 to vector<16xi32>
    %add3A_100 = arith.addi %mul3A_16, %add3A_99 : vector<16xi32>
    %gather3A_101 = tpu.vector_load_idx %arg10[%add3A_100] : memref<1792xf32, #tpu.memory_space<vmem>>[vector<16xi32>], vector<16xf32>,
    %add3A_102 = arith.addf %broadcast_in_dim3A_83, %gather3A_101 : vector<16xf32>
    %add3A_103 = arith.constant 0 : i32
    %add3A_104 = vector.broadcast %add3A_103 : i32 to vector<16xi32>
    %add3A_105 = arith.addi %mul3A_22, %add3A_104 : vector<16xi32>
    %gather3A_106 = tpu.vector_load_idx %arg10[%add3A_105] : memref<1792xf32, #tpu.memory_space<vmem>>[vector<16xi32>], vector<16xf32>,
    %add3A_107 = arith.addf %broadcast_in_dim3A_85, %gather3A_106 : vector<16xf32>
    %add3A_108 = arith.constant 0 : i32
    %add3A_109 = vector.broadcast %add3A_108 : i32 to vector<16xi32>
    %add3A_110 = arith.addi %mul3A_28, %add3A_109 : vector<16xi32>
    %gather3A_111 = tpu.vector_load_idx %arg10[%add3A_110] : memref<1792xf32, #tpu.memory_space<vmem>>[vector<16xi32>], vector<16xf32>,
    %add3A_112 = arith.addf %broadcast_in_dim3A_87, %gather3A_111 : vector<16xf32>
    %add3A_113 = arith.constant 0 : i32
    %add3A_114 = vector.broadcast %add3A_113 : i32 to vector<16xi32>
    %add3A_115 = arith.addi %mul3A_34, %add3A_114 : vector<16xi32>
    %gather3A_116 = tpu.vector_load_idx %arg10[%add3A_115] : memref<1792xf32, #tpu.memory_space<vmem>>[vector<16xi32>], vector<16xf32>,
    %add3A_117 = arith.addf %broadcast_in_dim3A_89, %gather3A_116 : vector<16xf32>
    %add3A_118 = arith.constant 0 : i32
    %add3A_119 = vector.broadcast %add3A_118 : i32 to vector<16xi32>
    %add3A_120 = arith.addi %mul3A_40, %add3A_119 : vector<16xi32>
    %gather3A_121 = tpu.vector_load_idx %arg10[%add3A_120] : memref<1792xf32, #tpu.memory_space<vmem>>[vector<16xi32>], vector<16xf32>,
    %add3A_122 = arith.addf %broadcast_in_dim3A_91, %gather3A_121 : vector<16xf32>
    %add3A_123 = arith.constant 0 : i32
    %add3A_124 = vector.broadcast %add3A_123 : i32 to vector<16xi32>
    %add3A_125 = arith.addi %mul3A_46, %add3A_124 : vector<16xi32>
    %gather3A_126 = tpu.vector_load_idx %arg10[%add3A_125] : memref<1792xf32, #tpu.memory_space<vmem>>[vector<16xi32>], vector<16xf32>,
    %add3A_127 = arith.addf %broadcast_in_dim3A_93, %gather3A_126 : vector<16xf32>
    %add3A_128 = arith.constant 1 : i32
    %add3A_129 = vector.broadcast %add3A_128 : i32 to vector<16xi32>
    %add3A_130 = arith.addi %mul3A_10, %add3A_129 : vector<16xi32>
    %gather3A_131 = tpu.vector_load_idx %arg10[%add3A_130] : memref<1792xf32, #tpu.memory_space<vmem>>[vector<16xi32>], vector<16xf32>,
    %add3A_132 = arith.addf %add3A_97, %gather3A_131 : vector<16xf32>
    %add3A_133 = arith.constant 1 : i32
    %add3A_134 = vector.broadcast %add3A_133 : i32 to vector<16xi32>
    %add3A_135 = arith.addi %mul3A_16, %add3A_134 : vector<16xi32>
    %gather3A_136 = tpu.vector_load_idx %arg10[%add3A_135] : memref<1792xf32, #tpu.memory_space<vmem>>[vector<16xi32>], vector<16xf32>,
    %add3A_137 = arith.addf %add3A_102, %gather3A_136 : vector<16xf32>
    %add3A_138 = arith.constant 1 : i32
    %add3A_139 = vector.broadcast %add3A_138 : i32 to vector<16xi32>
    %add3A_140 = arith.addi %mul3A_22, %add3A_139 : vector<16xi32>
    %gather3A_141 = tpu.vector_load_idx %arg10[%add3A_140] : memref<1792xf32, #tpu.memory_space<vmem>>[vector<16xi32>], vector<16xf32>,
    %add3A_142 = arith.addf %add3A_107, %gather3A_141 : vector<16xf32>
    %add3A_143 = arith.constant 1 : i32
    %add3A_144 = vector.broadcast %add3A_143 : i32 to vector<16xi32>
    %add3A_145 = arith.addi %mul3A_28, %add3A_144 : vector<16xi32>
    %gather3A_146 = tpu.vector_load_idx %arg10[%add3A_145] : memref<1792xf32, #tpu.memory_space<vmem>>[vector<16xi32>], vector<16xf32>,
    %add3A_147 = arith.addf %add3A_112, %gather3A_146 : vector<16xf32>
    %add3A_148 = arith.constant 1 : i32
    %add3A_149 = vector.broadcast %add3A_148 : i32 to vector<16xi32>
    %add3A_150 = arith.addi %mul3A_34, %add3A_149 : vector<16xi32>
    %gather3A_151 = tpu.vector_load_idx %arg10[%add3A_150] : memref<1792xf32, #tpu.memory_space<vmem>>[vector<16xi32>], vector<16xf32>,
    %add3A_152 = arith.addf %add3A_117, %gather3A_151 : vector<16xf32>
    %add3A_153 = arith.constant 1 : i32
    %add3A_154 = vector.broadcast %add3A_153 : i32 to vector<16xi32>
    %add3A_155 = arith.addi %mul3A_40, %add3A_154 : vector<16xi32>
    %gather3A_156 = tpu.vector_load_idx %arg10[%add3A_155] : memref<1792xf32, #tpu.memory_space<vmem>>[vector<16xi32>], vector<16xf32>,
    %add3A_157 = arith.addf %add3A_122, %gather3A_156 : vector<16xf32>
    %add3A_158 = arith.constant 1 : i32
    %add3A_159 = vector.broadcast %add3A_158 : i32 to vector<16xi32>
    %add3A_160 = arith.addi %mul3A_46, %add3A_159 : vector<16xi32>
    %gather3A_161 = tpu.vector_load_idx %arg10[%add3A_160] : memref<1792xf32, #tpu.memory_space<vmem>>[vector<16xi32>], vector<16xf32>,
    %add3A_162 = arith.addf %add3A_127, %gather3A_161 : vector<16xf32>
    %add3A_163 = arith.constant 2 : i32
    %add3A_164 = vector.broadcast %add3A_163 : i32 to vector<16xi32>
    %add3A_165 = arith.addi %mul3A_10, %add3A_164 : vector<16xi32>
    %gather3A_166 = tpu.vector_load_idx %arg10[%add3A_165] : memref<1792xf32, #tpu.memory_space<vmem>>[vector<16xi32>], vector<16xf32>,
    %add3A_167 = arith.addf %add3A_132, %gather3A_166 : vector<16xf32>
    %add3A_168 = arith.constant 2 : i32
    %add3A_169 = vector.broadcast %add3A_168 : i32 to vector<16xi32>
    %add3A_170 = arith.addi %mul3A_16, %add3A_169 : vector<16xi32>
    %gather3A_171 = tpu.vector_load_idx %arg10[%add3A_170] : memref<1792xf32, #tpu.memory_space<vmem>>[vector<16xi32>], vector<16xf32>,
    %add3A_172 = arith.addf %add3A_137, %gather3A_171 : vector<16xf32>
    %add3A_173 = arith.constant 2 : i32
    %add3A_174 = vector.broadcast %add3A_173 : i32 to vector<16xi32>
    %add3A_175 = arith.addi %mul3A_22, %add3A_174 : vector<16xi32>
    %gather3A_176 = tpu.vector_load_idx %arg10[%add3A_175] : memref<1792xf32, #tpu.memory_space<vmem>>[vector<16xi32>], vector<16xf32>,
    %add3A_177 = arith.addf %add3A_142, %gather3A_176 : vector<16xf32>
    %add3A_178 = arith.constant 2 : i32
    %add3A_179 = vector.broadcast %add3A_178 : i32 to vector<16xi32>
    %add3A_180 = arith.addi %mul3A_28, %add3A_179 : vector<16xi32>
    %gather3A_181 = tpu.vector_load_idx %arg10[%add3A_180] : memref<1792xf32, #tpu.memory_space<vmem>>[vector<16xi32>], vector<16xf32>,
    %add3A_182 = arith.addf %add3A_147, %gather3A_181 : vector<16xf32>
    %add3A_183 = arith.constant 2 : i32
    %add3A_184 = vector.broadcast %add3A_183 : i32 to vector<16xi32>
    %add3A_185 = arith.addi %mul3A_34, %add3A_184 : vector<16xi32>
    %gather3A_186 = tpu.vector_load_idx %arg10[%add3A_185] : memref<1792xf32, #tpu.memory_space<vmem>>[vector<16xi32>], vector<16xf32>,
    %add3A_187 = arith.addf %add3A_152, %gather3A_186 : vector<16xf32>
    %add3A_188 = arith.constant 2 : i32
    %add3A_189 = vector.broadcast %add3A_188 : i32 to vector<16xi32>
    %add3A_190 = arith.addi %mul3A_40, %add3A_189 : vector<16xi32>
    %gather3A_191 = tpu.vector_load_idx %arg10[%add3A_190] : memref<1792xf32, #tpu.memory_space<vmem>>[vector<16xi32>], vector<16xf32>,
    %add3A_192 = arith.addf %add3A_157, %gather3A_191 : vector<16xf32>
    %add3A_193 = arith.constant 2 : i32
    %add3A_194 = vector.broadcast %add3A_193 : i32 to vector<16xi32>
    %add3A_195 = arith.addi %mul3A_46, %add3A_194 : vector<16xi32>
    %gather3A_196 = tpu.vector_load_idx %arg10[%add3A_195] : memref<1792xf32, #tpu.memory_space<vmem>>[vector<16xi32>], vector<16xf32>,
    %add3A_197 = arith.addf %add3A_162, %gather3A_196 : vector<16xf32>
    %add3A_198 = arith.constant 3 : i32
    %add3A_199 = vector.broadcast %add3A_198 : i32 to vector<16xi32>
    %add3A_200 = arith.addi %mul3A_10, %add3A_199 : vector<16xi32>
    %gather3A_201 = tpu.vector_load_idx %arg10[%add3A_200] : memref<1792xf32, #tpu.memory_space<vmem>>[vector<16xi32>], vector<16xf32>,
    %add3A_202 = arith.addf %add3A_167, %gather3A_201 : vector<16xf32>
    %add3A_203 = arith.constant 3 : i32
    %add3A_204 = vector.broadcast %add3A_203 : i32 to vector<16xi32>
    %add3A_205 = arith.addi %mul3A_16, %add3A_204 : vector<16xi32>
    %gather3A_206 = tpu.vector_load_idx %arg10[%add3A_205] : memref<1792xf32, #tpu.memory_space<vmem>>[vector<16xi32>], vector<16xf32>,
    %add3A_207 = arith.addf %add3A_172, %gather3A_206 : vector<16xf32>
    %add3A_208 = arith.constant 3 : i32
    %add3A_209 = vector.broadcast %add3A_208 : i32 to vector<16xi32>
    %add3A_210 = arith.addi %mul3A_22, %add3A_209 : vector<16xi32>
    %gather3A_211 = tpu.vector_load_idx %arg10[%add3A_210] : memref<1792xf32, #tpu.memory_space<vmem>>[vector<16xi32>], vector<16xf32>,
    %add3A_212 = arith.addf %add3A_177, %gather3A_211 : vector<16xf32>
    %add3A_213 = arith.constant 3 : i32
    %add3A_214 = vector.broadcast %add3A_213 : i32 to vector<16xi32>
    %add3A_215 = arith.addi %mul3A_28, %add3A_214 : vector<16xi32>
    %gather3A_216 = tpu.vector_load_idx %arg10[%add3A_215] : memref<1792xf32, #tpu.memory_space<vmem>>[vector<16xi32>], vector<16xf32>,
    %add3A_217 = arith.addf %add3A_182, %gather3A_216 : vector<16xf32>
    %add3A_218 = arith.constant 3 : i32
    %add3A_219 = vector.broadcast %add3A_218 : i32 to vector<16xi32>
    %add3A_220 = arith.addi %mul3A_34, %add3A_219 : vector<16xi32>
    %gather3A_221 = tpu.vector_load_idx %arg10[%add3A_220] : memref<1792xf32, #tpu.memory_space<vmem>>[vector<16xi32>], vector<16xf32>,
    %add3A_222 = arith.addf %add3A_187, %gather3A_221 : vector<16xf32>
    %add3A_223 = arith.constant 3 : i32
    %add3A_224 = vector.broadcast %add3A_223 : i32 to vector<16xi32>
    %add3A_225 = arith.addi %mul3A_40, %add3A_224 : vector<16xi32>
    %gather3A_226 = tpu.vector_load_idx %arg10[%add3A_225] : memref<1792xf32, #tpu.memory_space<vmem>>[vector<16xi32>], vector<16xf32>,
    %add3A_227 = arith.addf %add3A_192, %gather3A_226 : vector<16xf32>
    %add3A_228 = arith.constant 3 : i32
    %add3A_229 = vector.broadcast %add3A_228 : i32 to vector<16xi32>
    %add3A_230 = arith.addi %mul3A_46, %add3A_229 : vector<16xi32>
    %gather3A_231 = tpu.vector_load_idx %arg10[%add3A_230] : memref<1792xf32, #tpu.memory_space<vmem>>[vector<16xi32>], vector<16xf32>,
    %add3A_232 = arith.addf %add3A_197, %gather3A_231 : vector<16xf32>
    %add3A_233 = arith.constant 4 : i32
    %add3A_234 = vector.broadcast %add3A_233 : i32 to vector<16xi32>
    %add3A_235 = arith.addi %mul3A_10, %add3A_234 : vector<16xi32>
    %gather3A_236 = tpu.vector_load_idx %arg10[%add3A_235] : memref<1792xf32, #tpu.memory_space<vmem>>[vector<16xi32>], vector<16xf32>,
    %add3A_237 = arith.addf %add3A_202, %gather3A_236 : vector<16xf32>
    %add3A_238 = arith.constant 4 : i32
    %add3A_239 = vector.broadcast %add3A_238 : i32 to vector<16xi32>
    %add3A_240 = arith.addi %mul3A_16, %add3A_239 : vector<16xi32>
    %gather3A_241 = tpu.vector_load_idx %arg10[%add3A_240] : memref<1792xf32, #tpu.memory_space<vmem>>[vector<16xi32>], vector<16xf32>,
    %add3A_242 = arith.addf %add3A_207, %gather3A_241 : vector<16xf32>
    %add3A_243 = arith.constant 4 : i32
    %add3A_244 = vector.broadcast %add3A_243 : i32 to vector<16xi32>
    %add3A_245 = arith.addi %mul3A_22, %add3A_244 : vector<16xi32>
    %gather3A_246 = tpu.vector_load_idx %arg10[%add3A_245] : memref<1792xf32, #tpu.memory_space<vmem>>[vector<16xi32>], vector<16xf32>,
    %add3A_247 = arith.addf %add3A_212, %gather3A_246 : vector<16xf32>
    %add3A_248 = arith.constant 4 : i32
    %add3A_249 = vector.broadcast %add3A_248 : i32 to vector<16xi32>
    %add3A_250 = arith.addi %mul3A_28, %add3A_249 : vector<16xi32>
    %gather3A_251 = tpu.vector_load_idx %arg10[%add3A_250] : memref<1792xf32, #tpu.memory_space<vmem>>[vector<16xi32>], vector<16xf32>,
    %add3A_252 = arith.addf %add3A_217, %gather3A_251 : vector<16xf32>
    %add3A_253 = arith.constant 4 : i32
    %add3A_254 = vector.broadcast %add3A_253 : i32 to vector<16xi32>
    %add3A_255 = arith.addi %mul3A_34, %add3A_254 : vector<16xi32>
    %gather3A_256 = tpu.vector_load_idx %arg10[%add3A_255] : memref<1792xf32, #tpu.memory_space<vmem>>[vector<16xi32>], vector<16xf32>,
    %add3A_257 = arith.addf %add3A_222, %gather3A_256 : vector<16xf32>
    %add3A_258 = arith.constant 4 : i32
    %add3A_259 = vector.broadcast %add3A_258 : i32 to vector<16xi32>
    %add3A_260 = arith.addi %mul3A_40, %add3A_259 : vector<16xi32>
    %gather3A_261 = tpu.vector_load_idx %arg10[%add3A_260] : memref<1792xf32, #tpu.memory_space<vmem>>[vector<16xi32>], vector<16xf32>,
    %add3A_262 = arith.addf %add3A_227, %gather3A_261 : vector<16xf32>
    %add3A_263 = arith.constant 4 : i32
    %add3A_264 = vector.broadcast %add3A_263 : i32 to vector<16xi32>
    %add3A_265 = arith.addi %mul3A_46, %add3A_264 : vector<16xi32>
    %gather3A_266 = tpu.vector_load_idx %arg10[%add3A_265] : memref<1792xf32, #tpu.memory_space<vmem>>[vector<16xi32>], vector<16xf32>,
    %add3A_267 = arith.addf %add3A_232, %gather3A_266 : vector<16xf32>
    %add3A_268 = arith.constant 5 : i32
    %add3A_269 = vector.broadcast %add3A_268 : i32 to vector<16xi32>
    %add3A_270 = arith.addi %mul3A_10, %add3A_269 : vector<16xi32>
    %gather3A_271 = tpu.vector_load_idx %arg10[%add3A_270] : memref<1792xf32, #tpu.memory_space<vmem>>[vector<16xi32>], vector<16xf32>,
    %add3A_272 = arith.addf %add3A_237, %gather3A_271 : vector<16xf32>
    %add3A_273 = arith.constant 5 : i32
    %add3A_274 = vector.broadcast %add3A_273 : i32 to vector<16xi32>
    %add3A_275 = arith.addi %mul3A_16, %add3A_274 : vector<16xi32>
    %gather3A_276 = tpu.vector_load_idx %arg10[%add3A_275] : memref<1792xf32, #tpu.memory_space<vmem>>[vector<16xi32>], vector<16xf32>,
    %add3A_277 = arith.addf %add3A_242, %gather3A_276 : vector<16xf32>
    %add3A_278 = arith.constant 5 : i32
    %add3A_279 = vector.broadcast %add3A_278 : i32 to vector<16xi32>
    %add3A_280 = arith.addi %mul3A_22, %add3A_279 : vector<16xi32>
    %gather3A_281 = tpu.vector_load_idx %arg10[%add3A_280] : memref<1792xf32, #tpu.memory_space<vmem>>[vector<16xi32>], vector<16xf32>,
    %add3A_282 = arith.addf %add3A_247, %gather3A_281 : vector<16xf32>
    %add3A_283 = arith.constant 5 : i32
    %add3A_284 = vector.broadcast %add3A_283 : i32 to vector<16xi32>
    %add3A_285 = arith.addi %mul3A_28, %add3A_284 : vector<16xi32>
    %gather3A_286 = tpu.vector_load_idx %arg10[%add3A_285] : memref<1792xf32, #tpu.memory_space<vmem>>[vector<16xi32>], vector<16xf32>,
    %add3A_287 = arith.addf %add3A_252, %gather3A_286 : vector<16xf32>
    %add3A_288 = arith.constant 5 : i32
    %add3A_289 = vector.broadcast %add3A_288 : i32 to vector<16xi32>
    %add3A_290 = arith.addi %mul3A_34, %add3A_289 : vector<16xi32>
    %gather3A_291 = tpu.vector_load_idx %arg10[%add3A_290] : memref<1792xf32, #tpu.memory_space<vmem>>[vector<16xi32>], vector<16xf32>,
    %add3A_292 = arith.addf %add3A_257, %gather3A_291 : vector<16xf32>
    %add3A_293 = arith.constant 5 : i32
    %add3A_294 = vector.broadcast %add3A_293 : i32 to vector<16xi32>
    %add3A_295 = arith.addi %mul3A_40, %add3A_294 : vector<16xi32>
    %gather3A_296 = tpu.vector_load_idx %arg10[%add3A_295] : memref<1792xf32, #tpu.memory_space<vmem>>[vector<16xi32>], vector<16xf32>,
    %add3A_297 = arith.addf %add3A_262, %gather3A_296 : vector<16xf32>
    %add3A_298 = arith.constant 5 : i32
    %add3A_299 = vector.broadcast %add3A_298 : i32 to vector<16xi32>
    %add3A_300 = arith.addi %mul3A_46, %add3A_299 : vector<16xi32>
    %gather3A_301 = tpu.vector_load_idx %arg10[%add3A_300] : memref<1792xf32, #tpu.memory_space<vmem>>[vector<16xi32>], vector<16xf32>,
    %add3A_302 = arith.addf %add3A_267, %gather3A_301 : vector<16xf32>
    %add3A_303 = arith.constant 6 : i32
    %add3A_304 = vector.broadcast %add3A_303 : i32 to vector<16xi32>
    %add3A_305 = arith.addi %mul3A_10, %add3A_304 : vector<16xi32>
    %gather3A_306 = tpu.vector_load_idx %arg10[%add3A_305] : memref<1792xf32, #tpu.memory_space<vmem>>[vector<16xi32>], vector<16xf32>,
    %add3A_307 = arith.addf %add3A_272, %gather3A_306 : vector<16xf32>
    %add3A_308 = arith.constant 6 : i32
    %add3A_309 = vector.broadcast %add3A_308 : i32 to vector<16xi32>
    %add3A_310 = arith.addi %mul3A_16, %add3A_309 : vector<16xi32>
    %gather3A_311 = tpu.vector_load_idx %arg10[%add3A_310] : memref<1792xf32, #tpu.memory_space<vmem>>[vector<16xi32>], vector<16xf32>,
    %add3A_312 = arith.addf %add3A_277, %gather3A_311 : vector<16xf32>
    %add3A_313 = arith.constant 6 : i32
    %add3A_314 = vector.broadcast %add3A_313 : i32 to vector<16xi32>
    %add3A_315 = arith.addi %mul3A_22, %add3A_314 : vector<16xi32>
    %gather3A_316 = tpu.vector_load_idx %arg10[%add3A_315] : memref<1792xf32, #tpu.memory_space<vmem>>[vector<16xi32>], vector<16xf32>,
    %add3A_317 = arith.addf %add3A_282, %gather3A_316 : vector<16xf32>
    %add3A_318 = arith.constant 6 : i32
    %add3A_319 = vector.broadcast %add3A_318 : i32 to vector<16xi32>
    %add3A_320 = arith.addi %mul3A_28, %add3A_319 : vector<16xi32>
    %gather3A_321 = tpu.vector_load_idx %arg10[%add3A_320] : memref<1792xf32, #tpu.memory_space<vmem>>[vector<16xi32>], vector<16xf32>,
    %add3A_322 = arith.addf %add3A_287, %gather3A_321 : vector<16xf32>
    %add3A_323 = arith.constant 6 : i32
    %add3A_324 = vector.broadcast %add3A_323 : i32 to vector<16xi32>
    %add3A_325 = arith.addi %mul3A_34, %add3A_324 : vector<16xi32>
    %gather3A_326 = tpu.vector_load_idx %arg10[%add3A_325] : memref<1792xf32, #tpu.memory_space<vmem>>[vector<16xi32>], vector<16xf32>,
    %add3A_327 = arith.addf %add3A_292, %gather3A_326 : vector<16xf32>
    %add3A_328 = arith.constant 6 : i32
    %add3A_329 = vector.broadcast %add3A_328 : i32 to vector<16xi32>
    %add3A_330 = arith.addi %mul3A_40, %add3A_329 : vector<16xi32>
    %gather3A_331 = tpu.vector_load_idx %arg10[%add3A_330] : memref<1792xf32, #tpu.memory_space<vmem>>[vector<16xi32>], vector<16xf32>,
    %add3A_332 = arith.addf %add3A_297, %gather3A_331 : vector<16xf32>
    %add3A_333 = arith.constant 6 : i32
    %add3A_334 = vector.broadcast %add3A_333 : i32 to vector<16xi32>
    %add3A_335 = arith.addi %mul3A_46, %add3A_334 : vector<16xi32>
    %gather3A_336 = tpu.vector_load_idx %arg10[%add3A_335] : memref<1792xf32, #tpu.memory_space<vmem>>[vector<16xi32>], vector<16xf32>,
    %add3A_337 = arith.addf %add3A_302, %gather3A_336 : vector<16xf32>
    %add3A_338 = arith.constant 7 : i32
    %add3A_339 = vector.broadcast %add3A_338 : i32 to vector<16xi32>
    %add3A_340 = arith.addi %mul3A_10, %add3A_339 : vector<16xi32>
    %gather3A_341 = tpu.vector_load_idx %arg10[%add3A_340] : memref<1792xf32, #tpu.memory_space<vmem>>[vector<16xi32>], vector<16xf32>,
    %add3A_342 = arith.addf %add3A_307, %gather3A_341 : vector<16xf32>
    %add3A_343 = arith.constant 7 : i32
    %add3A_344 = vector.broadcast %add3A_343 : i32 to vector<16xi32>
    %add3A_345 = arith.addi %mul3A_16, %add3A_344 : vector<16xi32>
    %gather3A_346 = tpu.vector_load_idx %arg10[%add3A_345] : memref<1792xf32, #tpu.memory_space<vmem>>[vector<16xi32>], vector<16xf32>,
    %add3A_347 = arith.addf %add3A_312, %gather3A_346 : vector<16xf32>
    %add3A_348 = arith.constant 7 : i32
    %add3A_349 = vector.broadcast %add3A_348 : i32 to vector<16xi32>
    %add3A_350 = arith.addi %mul3A_22, %add3A_349 : vector<16xi32>
    %gather3A_351 = tpu.vector_load_idx %arg10[%add3A_350] : memref<1792xf32, #tpu.memory_space<vmem>>[vector<16xi32>], vector<16xf32>,
    %add3A_352 = arith.addf %add3A_317, %gather3A_351 : vector<16xf32>
    %add3A_353 = arith.constant 7 : i32
    %add3A_354 = vector.broadcast %add3A_353 : i32 to vector<16xi32>
    %add3A_355 = arith.addi %mul3A_28, %add3A_354 : vector<16xi32>
    %gather3A_356 = tpu.vector_load_idx %arg10[%add3A_355] : memref<1792xf32, #tpu.memory_space<vmem>>[vector<16xi32>], vector<16xf32>,
    %add3A_357 = arith.addf %add3A_322, %gather3A_356 : vector<16xf32>
    %add3A_358 = arith.constant 7 : i32
    %add3A_359 = vector.broadcast %add3A_358 : i32 to vector<16xi32>
    %add3A_360 = arith.addi %mul3A_34, %add3A_359 : vector<16xi32>
    %gather3A_361 = tpu.vector_load_idx %arg10[%add3A_360] : memref<1792xf32, #tpu.memory_space<vmem>>[vector<16xi32>], vector<16xf32>,
    %add3A_362 = arith.addf %add3A_327, %gather3A_361 : vector<16xf32>
    %add3A_363 = arith.constant 7 : i32
    %add3A_364 = vector.broadcast %add3A_363 : i32 to vector<16xi32>
    %add3A_365 = arith.addi %mul3A_40, %add3A_364 : vector<16xi32>
    %gather3A_366 = tpu.vector_load_idx %arg10[%add3A_365] : memref<1792xf32, #tpu.memory_space<vmem>>[vector<16xi32>], vector<16xf32>,
    %add3A_367 = arith.addf %add3A_332, %gather3A_366 : vector<16xf32>
    %add3A_368 = arith.constant 7 : i32
    %add3A_369 = vector.broadcast %add3A_368 : i32 to vector<16xi32>
    %add3A_370 = arith.addi %mul3A_46, %add3A_369 : vector<16xi32>
    %gather3A_371 = tpu.vector_load_idx %arg10[%add3A_370] : memref<1792xf32, #tpu.memory_space<vmem>>[vector<16xi32>], vector<16xf32>,
    %add3A_372 = arith.addf %add3A_337, %gather3A_371 : vector<16xf32>
    %add3A_373 = arith.constant 8 : i32
    %add3A_374 = vector.broadcast %add3A_373 : i32 to vector<16xi32>
    %add3A_375 = arith.addi %mul3A_10, %add3A_374 : vector<16xi32>
    %gather3A_376 = tpu.vector_load_idx %arg10[%add3A_375] : memref<1792xf32, #tpu.memory_space<vmem>>[vector<16xi32>], vector<16xf32>,
    %add3A_377 = arith.addf %add3A_342, %gather3A_376 : vector<16xf32>
    %add3A_378 = arith.constant 8 : i32
    %add3A_379 = vector.broadcast %add3A_378 : i32 to vector<16xi32>
    %add3A_380 = arith.addi %mul3A_16, %add3A_379 : vector<16xi32>
    %gather3A_381 = tpu.vector_load_idx %arg10[%add3A_380] : memref<1792xf32, #tpu.memory_space<vmem>>[vector<16xi32>], vector<16xf32>,
    %add3A_382 = arith.addf %add3A_347, %gather3A_381 : vector<16xf32>
    %add3A_383 = arith.constant 8 : i32
    %add3A_384 = vector.broadcast %add3A_383 : i32 to vector<16xi32>
    %add3A_385 = arith.addi %mul3A_22, %add3A_384 : vector<16xi32>
    %gather3A_386 = tpu.vector_load_idx %arg10[%add3A_385] : memref<1792xf32, #tpu.memory_space<vmem>>[vector<16xi32>], vector<16xf32>,
    %add3A_387 = arith.addf %add3A_352, %gather3A_386 : vector<16xf32>
    %add3A_388 = arith.constant 8 : i32
    %add3A_389 = vector.broadcast %add3A_388 : i32 to vector<16xi32>
    %add3A_390 = arith.addi %mul3A_28, %add3A_389 : vector<16xi32>
    %gather3A_391 = tpu.vector_load_idx %arg10[%add3A_390] : memref<1792xf32, #tpu.memory_space<vmem>>[vector<16xi32>], vector<16xf32>,
    %add3A_392 = arith.addf %add3A_357, %gather3A_391 : vector<16xf32>
    %add3A_393 = arith.constant 8 : i32
    %add3A_394 = vector.broadcast %add3A_393 : i32 to vector<16xi32>
    %add3A_395 = arith.addi %mul3A_34, %add3A_394 : vector<16xi32>
    %gather3A_396 = tpu.vector_load_idx %arg10[%add3A_395] : memref<1792xf32, #tpu.memory_space<vmem>>[vector<16xi32>], vector<16xf32>,
    %add3A_397 = arith.addf %add3A_362, %gather3A_396 : vector<16xf32>
    %add3A_398 = arith.constant 8 : i32
    %add3A_399 = vector.broadcast %add3A_398 : i32 to vector<16xi32>
    %add3A_400 = arith.addi %mul3A_40, %add3A_399 : vector<16xi32>
    %gather3A_401 = tpu.vector_load_idx %arg10[%add3A_400] : memref<1792xf32, #tpu.memory_space<vmem>>[vector<16xi32>], vector<16xf32>,
    %add3A_402 = arith.addf %add3A_367, %gather3A_401 : vector<16xf32>
    %add3A_403 = arith.constant 8 : i32
    %add3A_404 = vector.broadcast %add3A_403 : i32 to vector<16xi32>
    %add3A_405 = arith.addi %mul3A_46, %add3A_404 : vector<16xi32>
    %gather3A_406 = tpu.vector_load_idx %arg10[%add3A_405] : memref<1792xf32, #tpu.memory_space<vmem>>[vector<16xi32>], vector<16xf32>,
    %add3A_407 = arith.addf %add3A_372, %gather3A_406 : vector<16xf32>
    %add3A_408 = arith.constant 9 : i32
    %add3A_409 = vector.broadcast %add3A_408 : i32 to vector<16xi32>
    %add3A_410 = arith.addi %mul3A_10, %add3A_409 : vector<16xi32>
    %gather3A_411 = tpu.vector_load_idx %arg10[%add3A_410] : memref<1792xf32, #tpu.memory_space<vmem>>[vector<16xi32>], vector<16xf32>,
    %add3A_412 = arith.addf %add3A_377, %gather3A_411 : vector<16xf32>
    %add3A_413 = arith.constant 9 : i32
    %add3A_414 = vector.broadcast %add3A_413 : i32 to vector<16xi32>
    %add3A_415 = arith.addi %mul3A_16, %add3A_414 : vector<16xi32>
    %gather3A_416 = tpu.vector_load_idx %arg10[%add3A_415] : memref<1792xf32, #tpu.memory_space<vmem>>[vector<16xi32>], vector<16xf32>,
    %add3A_417 = arith.addf %add3A_382, %gather3A_416 : vector<16xf32>
    %add3A_418 = arith.constant 9 : i32
    %add3A_419 = vector.broadcast %add3A_418 : i32 to vector<16xi32>
    %add3A_420 = arith.addi %mul3A_22, %add3A_419 : vector<16xi32>
    %gather3A_421 = tpu.vector_load_idx %arg10[%add3A_420] : memref<1792xf32, #tpu.memory_space<vmem>>[vector<16xi32>], vector<16xf32>,
    %add3A_422 = arith.addf %add3A_387, %gather3A_421 : vector<16xf32>
    %add3A_423 = arith.constant 9 : i32
    %add3A_424 = vector.broadcast %add3A_423 : i32 to vector<16xi32>
    %add3A_425 = arith.addi %mul3A_28, %add3A_424 : vector<16xi32>
    %gather3A_426 = tpu.vector_load_idx %arg10[%add3A_425] : memref<1792xf32, #tpu.memory_space<vmem>>[vector<16xi32>], vector<16xf32>,
    %add3A_427 = arith.addf %add3A_392, %gather3A_426 : vector<16xf32>
    %add3A_428 = arith.constant 9 : i32
    %add3A_429 = vector.broadcast %add3A_428 : i32 to vector<16xi32>
    %add3A_430 = arith.addi %mul3A_34, %add3A_429 : vector<16xi32>
    %gather3A_431 = tpu.vector_load_idx %arg10[%add3A_430] : memref<1792xf32, #tpu.memory_space<vmem>>[vector<16xi32>], vector<16xf32>,
    %add3A_432 = arith.addf %add3A_397, %gather3A_431 : vector<16xf32>
    %add3A_433 = arith.constant 9 : i32
    %add3A_434 = vector.broadcast %add3A_433 : i32 to vector<16xi32>
    %add3A_435 = arith.addi %mul3A_40, %add3A_434 : vector<16xi32>
    %gather3A_436 = tpu.vector_load_idx %arg10[%add3A_435] : memref<1792xf32, #tpu.memory_space<vmem>>[vector<16xi32>], vector<16xf32>,
    %add3A_437 = arith.addf %add3A_402, %gather3A_436 : vector<16xf32>
    %add3A_438 = arith.constant 9 : i32
    %add3A_439 = vector.broadcast %add3A_438 : i32 to vector<16xi32>
    %add3A_440 = arith.addi %mul3A_46, %add3A_439 : vector<16xi32>
    %gather3A_441 = tpu.vector_load_idx %arg10[%add3A_440] : memref<1792xf32, #tpu.memory_space<vmem>>[vector<16xi32>], vector<16xf32>,
    %add3A_442 = arith.addf %add3A_407, %gather3A_441 : vector<16xf32>
    %add3A_443 = arith.constant 10 : i32
    %add3A_444 = vector.broadcast %add3A_443 : i32 to vector<16xi32>
    %add3A_445 = arith.addi %mul3A_10, %add3A_444 : vector<16xi32>
    %gather3A_446 = tpu.vector_load_idx %arg10[%add3A_445] : memref<1792xf32, #tpu.memory_space<vmem>>[vector<16xi32>], vector<16xf32>,
    %add3A_447 = arith.addf %add3A_412, %gather3A_446 : vector<16xf32>
    %add3A_448 = arith.constant 10 : i32
    %add3A_449 = vector.broadcast %add3A_448 : i32 to vector<16xi32>
    %add3A_450 = arith.addi %mul3A_16, %add3A_449 : vector<16xi32>
    %gather3A_451 = tpu.vector_load_idx %arg10[%add3A_450] : memref<1792xf32, #tpu.memory_space<vmem>>[vector<16xi32>], vector<16xf32>,
    %add3A_452 = arith.addf %add3A_417, %gather3A_451 : vector<16xf32>
    %add3A_453 = arith.constant 10 : i32
    %add3A_454 = vector.broadcast %add3A_453 : i32 to vector<16xi32>
    %add3A_455 = arith.addi %mul3A_22, %add3A_454 : vector<16xi32>
    %gather3A_456 = tpu.vector_load_idx %arg10[%add3A_455] : memref<1792xf32, #tpu.memory_space<vmem>>[vector<16xi32>], vector<16xf32>,
    %add3A_457 = arith.addf %add3A_422, %gather3A_456 : vector<16xf32>
    %add3A_458 = arith.constant 10 : i32
    %add3A_459 = vector.broadcast %add3A_458 : i32 to vector<16xi32>
    %add3A_460 = arith.addi %mul3A_28, %add3A_459 : vector<16xi32>
    %gather3A_461 = tpu.vector_load_idx %arg10[%add3A_460] : memref<1792xf32, #tpu.memory_space<vmem>>[vector<16xi32>], vector<16xf32>,
    %add3A_462 = arith.addf %add3A_427, %gather3A_461 : vector<16xf32>
    %add3A_463 = arith.constant 10 : i32
    %add3A_464 = vector.broadcast %add3A_463 : i32 to vector<16xi32>
    %add3A_465 = arith.addi %mul3A_34, %add3A_464 : vector<16xi32>
    %gather3A_466 = tpu.vector_load_idx %arg10[%add3A_465] : memref<1792xf32, #tpu.memory_space<vmem>>[vector<16xi32>], vector<16xf32>,
    %add3A_467 = arith.addf %add3A_432, %gather3A_466 : vector<16xf32>
    %add3A_468 = arith.constant 10 : i32
    %add3A_469 = vector.broadcast %add3A_468 : i32 to vector<16xi32>
    %add3A_470 = arith.addi %mul3A_40, %add3A_469 : vector<16xi32>
    %gather3A_471 = tpu.vector_load_idx %arg10[%add3A_470] : memref<1792xf32, #tpu.memory_space<vmem>>[vector<16xi32>], vector<16xf32>,
    %add3A_472 = arith.addf %add3A_437, %gather3A_471 : vector<16xf32>
    %add3A_473 = arith.constant 10 : i32
    %add3A_474 = vector.broadcast %add3A_473 : i32 to vector<16xi32>
    %add3A_475 = arith.addi %mul3A_46, %add3A_474 : vector<16xi32>
    %gather3A_476 = tpu.vector_load_idx %arg10[%add3A_475] : memref<1792xf32, #tpu.memory_space<vmem>>[vector<16xi32>], vector<16xf32>,
    %add3A_477 = arith.addf %add3A_442, %gather3A_476 : vector<16xf32>
    %add3A_478 = arith.constant 11 : i32
    %add3A_479 = vector.broadcast %add3A_478 : i32 to vector<16xi32>
    %add3A_480 = arith.addi %mul3A_10, %add3A_479 : vector<16xi32>
    %gather3A_481 = tpu.vector_load_idx %arg10[%add3A_480] : memref<1792xf32, #tpu.memory_space<vmem>>[vector<16xi32>], vector<16xf32>,
    %add3A_482 = arith.addf %add3A_447, %gather3A_481 : vector<16xf32>
    %add3A_483 = arith.constant 11 : i32
    %add3A_484 = vector.broadcast %add3A_483 : i32 to vector<16xi32>
    %add3A_485 = arith.addi %mul3A_16, %add3A_484 : vector<16xi32>
    %gather3A_486 = tpu.vector_load_idx %arg10[%add3A_485] : memref<1792xf32, #tpu.memory_space<vmem>>[vector<16xi32>], vector<16xf32>,
    %add3A_487 = arith.addf %add3A_452, %gather3A_486 : vector<16xf32>
    %add3A_488 = arith.constant 11 : i32
    %add3A_489 = vector.broadcast %add3A_488 : i32 to vector<16xi32>
    %add3A_490 = arith.addi %mul3A_22, %add3A_489 : vector<16xi32>
    %gather3A_491 = tpu.vector_load_idx %arg10[%add3A_490] : memref<1792xf32, #tpu.memory_space<vmem>>[vector<16xi32>], vector<16xf32>,
    %add3A_492 = arith.addf %add3A_457, %gather3A_491 : vector<16xf32>
    %add3A_493 = arith.constant 11 : i32
    %add3A_494 = vector.broadcast %add3A_493 : i32 to vector<16xi32>
    %add3A_495 = arith.addi %mul3A_28, %add3A_494 : vector<16xi32>
    %gather3A_496 = tpu.vector_load_idx %arg10[%add3A_495] : memref<1792xf32, #tpu.memory_space<vmem>>[vector<16xi32>], vector<16xf32>,
    %add3A_497 = arith.addf %add3A_462, %gather3A_496 : vector<16xf32>
    %add3A_498 = arith.constant 11 : i32
    %add3A_499 = vector.broadcast %add3A_498 : i32 to vector<16xi32>
    %add3A_500 = arith.addi %mul3A_34, %add3A_499 : vector<16xi32>
    %gather3A_501 = tpu.vector_load_idx %arg10[%add3A_500] : memref<1792xf32, #tpu.memory_space<vmem>>[vector<16xi32>], vector<16xf32>,
    %add3A_502 = arith.addf %add3A_467, %gather3A_501 : vector<16xf32>
    %add3A_503 = arith.constant 11 : i32
    %add3A_504 = vector.broadcast %add3A_503 : i32 to vector<16xi32>
    %add3A_505 = arith.addi %mul3A_40, %add3A_504 : vector<16xi32>
    %gather3A_506 = tpu.vector_load_idx %arg10[%add3A_505] : memref<1792xf32, #tpu.memory_space<vmem>>[vector<16xi32>], vector<16xf32>,
    %add3A_507 = arith.addf %add3A_472, %gather3A_506 : vector<16xf32>
    %add3A_508 = arith.constant 11 : i32
    %add3A_509 = vector.broadcast %add3A_508 : i32 to vector<16xi32>
    %add3A_510 = arith.addi %mul3A_46, %add3A_509 : vector<16xi32>
    %gather3A_511 = tpu.vector_load_idx %arg10[%add3A_510] : memref<1792xf32, #tpu.memory_space<vmem>>[vector<16xi32>], vector<16xf32>,
    %add3A_512 = arith.addf %add3A_477, %gather3A_511 : vector<16xf32>
    %add3A_513 = arith.constant 12 : i32
    %add3A_514 = vector.broadcast %add3A_513 : i32 to vector<16xi32>
    %add3A_515 = arith.addi %mul3A_10, %add3A_514 : vector<16xi32>
    %gather3A_516 = tpu.vector_load_idx %arg10[%add3A_515] : memref<1792xf32, #tpu.memory_space<vmem>>[vector<16xi32>], vector<16xf32>,
    %add3A_517 = arith.addf %add3A_482, %gather3A_516 : vector<16xf32>
    %add3A_518 = arith.constant 12 : i32
    %add3A_519 = vector.broadcast %add3A_518 : i32 to vector<16xi32>
    %add3A_520 = arith.addi %mul3A_16, %add3A_519 : vector<16xi32>
    %gather3A_521 = tpu.vector_load_idx %arg10[%add3A_520] : memref<1792xf32, #tpu.memory_space<vmem>>[vector<16xi32>], vector<16xf32>,
    %add3A_522 = arith.addf %add3A_487, %gather3A_521 : vector<16xf32>
    %add3A_523 = arith.constant 12 : i32
    %add3A_524 = vector.broadcast %add3A_523 : i32 to vector<16xi32>
    %add3A_525 = arith.addi %mul3A_22, %add3A_524 : vector<16xi32>
    %gather3A_526 = tpu.vector_load_idx %arg10[%add3A_525] : memref<1792xf32, #tpu.memory_space<vmem>>[vector<16xi32>], vector<16xf32>,
    %add3A_527 = arith.addf %add3A_492, %gather3A_526 : vector<16xf32>
    %add3A_528 = arith.constant 12 : i32
    %add3A_529 = vector.broadcast %add3A_528 : i32 to vector<16xi32>
    %add3A_530 = arith.addi %mul3A_28, %add3A_529 : vector<16xi32>
    %gather3A_531 = tpu.vector_load_idx %arg10[%add3A_530] : memref<1792xf32, #tpu.memory_space<vmem>>[vector<16xi32>], vector<16xf32>,
    %add3A_532 = arith.addf %add3A_497, %gather3A_531 : vector<16xf32>
    %add3A_533 = arith.constant 12 : i32
    %add3A_534 = vector.broadcast %add3A_533 : i32 to vector<16xi32>
    %add3A_535 = arith.addi %mul3A_34, %add3A_534 : vector<16xi32>
    %gather3A_536 = tpu.vector_load_idx %arg10[%add3A_535] : memref<1792xf32, #tpu.memory_space<vmem>>[vector<16xi32>], vector<16xf32>,
    %add3A_537 = arith.addf %add3A_502, %gather3A_536 : vector<16xf32>
    %add3A_538 = arith.constant 12 : i32
    %add3A_539 = vector.broadcast %add3A_538 : i32 to vector<16xi32>
    %add3A_540 = arith.addi %mul3A_40, %add3A_539 : vector<16xi32>
    %gather3A_541 = tpu.vector_load_idx %arg10[%add3A_540] : memref<1792xf32, #tpu.memory_space<vmem>>[vector<16xi32>], vector<16xf32>,
    %add3A_542 = arith.addf %add3A_507, %gather3A_541 : vector<16xf32>
    %add3A_543 = arith.constant 12 : i32
    %add3A_544 = vector.broadcast %add3A_543 : i32 to vector<16xi32>
    %add3A_545 = arith.addi %mul3A_46, %add3A_544 : vector<16xi32>
    %gather3A_546 = tpu.vector_load_idx %arg10[%add3A_545] : memref<1792xf32, #tpu.memory_space<vmem>>[vector<16xi32>], vector<16xf32>,
    %add3A_547 = arith.addf %add3A_512, %gather3A_546 : vector<16xf32>
    %add3A_548 = arith.constant 13 : i32
    %add3A_549 = vector.broadcast %add3A_548 : i32 to vector<16xi32>
    %add3A_550 = arith.addi %mul3A_10, %add3A_549 : vector<16xi32>
    %gather3A_551 = tpu.vector_load_idx %arg10[%add3A_550] : memref<1792xf32, #tpu.memory_space<vmem>>[vector<16xi32>], vector<16xf32>,
    %add3A_552 = arith.addf %add3A_517, %gather3A_551 : vector<16xf32>
    %add3A_553 = arith.constant 13 : i32
    %add3A_554 = vector.broadcast %add3A_553 : i32 to vector<16xi32>
    %add3A_555 = arith.addi %mul3A_16, %add3A_554 : vector<16xi32>
    %gather3A_556 = tpu.vector_load_idx %arg10[%add3A_555] : memref<1792xf32, #tpu.memory_space<vmem>>[vector<16xi32>], vector<16xf32>,
    %add3A_557 = arith.addf %add3A_522, %gather3A_556 : vector<16xf32>
    %add3A_558 = arith.constant 13 : i32
    %add3A_559 = vector.broadcast %add3A_558 : i32 to vector<16xi32>
    %add3A_560 = arith.addi %mul3A_22, %add3A_559 : vector<16xi32>
    %gather3A_561 = tpu.vector_load_idx %arg10[%add3A_560] : memref<1792xf32, #tpu.memory_space<vmem>>[vector<16xi32>], vector<16xf32>,
    %add3A_562 = arith.addf %add3A_527, %gather3A_561 : vector<16xf32>
    %add3A_563 = arith.constant 13 : i32
    %add3A_564 = vector.broadcast %add3A_563 : i32 to vector<16xi32>
    %add3A_565 = arith.addi %mul3A_28, %add3A_564 : vector<16xi32>
    %gather3A_566 = tpu.vector_load_idx %arg10[%add3A_565] : memref<1792xf32, #tpu.memory_space<vmem>>[vector<16xi32>], vector<16xf32>,
    %add3A_567 = arith.addf %add3A_532, %gather3A_566 : vector<16xf32>
    %add3A_568 = arith.constant 13 : i32
    %add3A_569 = vector.broadcast %add3A_568 : i32 to vector<16xi32>
    %add3A_570 = arith.addi %mul3A_34, %add3A_569 : vector<16xi32>
    %gather3A_571 = tpu.vector_load_idx %arg10[%add3A_570] : memref<1792xf32, #tpu.memory_space<vmem>>[vector<16xi32>], vector<16xf32>,
    %add3A_572 = arith.addf %add3A_537, %gather3A_571 : vector<16xf32>
    %add3A_573 = arith.constant 13 : i32
    %add3A_574 = vector.broadcast %add3A_573 : i32 to vector<16xi32>
    %add3A_575 = arith.addi %mul3A_40, %add3A_574 : vector<16xi32>
    %gather3A_576 = tpu.vector_load_idx %arg10[%add3A_575] : memref<1792xf32, #tpu.memory_space<vmem>>[vector<16xi32>], vector<16xf32>,
    %add3A_577 = arith.addf %add3A_542, %gather3A_576 : vector<16xf32>
    %add3A_578 = arith.constant 13 : i32
    %add3A_579 = vector.broadcast %add3A_578 : i32 to vector<16xi32>
    %add3A_580 = arith.addi %mul3A_46, %add3A_579 : vector<16xi32>
    %gather3A_581 = tpu.vector_load_idx %arg10[%add3A_580] : memref<1792xf32, #tpu.memory_space<vmem>>[vector<16xi32>], vector<16xf32>,
    %add3A_582 = arith.addf %add3A_547, %gather3A_581 : vector<16xf32>
    %add3A_583 = arith.constant 14 : i32
    %add3A_584 = vector.broadcast %add3A_583 : i32 to vector<16xi32>
    %add3A_585 = arith.addi %mul3A_10, %add3A_584 : vector<16xi32>
    %gather3A_586 = tpu.vector_load_idx %arg10[%add3A_585] : memref<1792xf32, #tpu.memory_space<vmem>>[vector<16xi32>], vector<16xf32>,
    %add3A_587 = arith.addf %add3A_552, %gather3A_586 : vector<16xf32>
    %add3A_588 = arith.constant 14 : i32
    %add3A_589 = vector.broadcast %add3A_588 : i32 to vector<16xi32>
    %add3A_590 = arith.addi %mul3A_16, %add3A_589 : vector<16xi32>
    %gather3A_591 = tpu.vector_load_idx %arg10[%add3A_590] : memref<1792xf32, #tpu.memory_space<vmem>>[vector<16xi32>], vector<16xf32>,
    %add3A_592 = arith.addf %add3A_557, %gather3A_591 : vector<16xf32>
    %add3A_593 = arith.constant 14 : i32
    %add3A_594 = vector.broadcast %add3A_593 : i32 to vector<16xi32>
    %add3A_595 = arith.addi %mul3A_22, %add3A_594 : vector<16xi32>
    %gather3A_596 = tpu.vector_load_idx %arg10[%add3A_595] : memref<1792xf32, #tpu.memory_space<vmem>>[vector<16xi32>], vector<16xf32>,
    %add3A_597 = arith.addf %add3A_562, %gather3A_596 : vector<16xf32>
    %add3A_598 = arith.constant 14 : i32
    %add3A_599 = vector.broadcast %add3A_598 : i32 to vector<16xi32>
    %add3A_600 = arith.addi %mul3A_28, %add3A_599 : vector<16xi32>
    %gather3A_601 = tpu.vector_load_idx %arg10[%add3A_600] : memref<1792xf32, #tpu.memory_space<vmem>>[vector<16xi32>], vector<16xf32>,
    %add3A_602 = arith.addf %add3A_567, %gather3A_601 : vector<16xf32>
    %add3A_603 = arith.constant 14 : i32
    %add3A_604 = vector.broadcast %add3A_603 : i32 to vector<16xi32>
    %add3A_605 = arith.addi %mul3A_34, %add3A_604 : vector<16xi32>
    %gather3A_606 = tpu.vector_load_idx %arg10[%add3A_605] : memref<1792xf32, #tpu.memory_space<vmem>>[vector<16xi32>], vector<16xf32>,
    %add3A_607 = arith.addf %add3A_572, %gather3A_606 : vector<16xf32>
    %add3A_608 = arith.constant 14 : i32
    %add3A_609 = vector.broadcast %add3A_608 : i32 to vector<16xi32>
    %add3A_610 = arith.addi %mul3A_40, %add3A_609 : vector<16xi32>
    %gather3A_611 = tpu.vector_load_idx %arg10[%add3A_610] : memref<1792xf32, #tpu.memory_space<vmem>>[vector<16xi32>], vector<16xf32>,
    %add3A_612 = arith.addf %add3A_577, %gather3A_611 : vector<16xf32>
    %add3A_613 = arith.constant 14 : i32
    %add3A_614 = vector.broadcast %add3A_613 : i32 to vector<16xi32>
    %add3A_615 = arith.addi %mul3A_46, %add3A_614 : vector<16xi32>
    %gather3A_616 = tpu.vector_load_idx %arg10[%add3A_615] : memref<1792xf32, #tpu.memory_space<vmem>>[vector<16xi32>], vector<16xf32>,
    %add3A_617 = arith.addf %add3A_582, %gather3A_616 : vector<16xf32>
    %add3A_618 = arith.constant 15 : i32
    %add3A_619 = vector.broadcast %add3A_618 : i32 to vector<16xi32>
    %add3A_620 = arith.addi %mul3A_10, %add3A_619 : vector<16xi32>
    %gather3A_621 = tpu.vector_load_idx %arg10[%add3A_620] : memref<1792xf32, #tpu.memory_space<vmem>>[vector<16xi32>], vector<16xf32>,
    %add3A_622 = arith.addf %add3A_587, %gather3A_621 : vector<16xf32>
    %add3A_623 = arith.constant 15 : i32
    %add3A_624 = vector.broadcast %add3A_623 : i32 to vector<16xi32>
    %add3A_625 = arith.addi %mul3A_16, %add3A_624 : vector<16xi32>
    %gather3A_626 = tpu.vector_load_idx %arg10[%add3A_625] : memref<1792xf32, #tpu.memory_space<vmem>>[vector<16xi32>], vector<16xf32>,
    %add3A_627 = arith.addf %add3A_592, %gather3A_626 : vector<16xf32>
    %add3A_628 = arith.constant 15 : i32
    %add3A_629 = vector.broadcast %add3A_628 : i32 to vector<16xi32>
    %add3A_630 = arith.addi %mul3A_22, %add3A_629 : vector<16xi32>
    %gather3A_631 = tpu.vector_load_idx %arg10[%add3A_630] : memref<1792xf32, #tpu.memory_space<vmem>>[vector<16xi32>], vector<16xf32>,
    %add3A_632 = arith.addf %add3A_597, %gather3A_631 : vector<16xf32>
    %add3A_633 = arith.constant 15 : i32
    %add3A_634 = vector.broadcast %add3A_633 : i32 to vector<16xi32>
    %add3A_635 = arith.addi %mul3A_28, %add3A_634 : vector<16xi32>
    %gather3A_636 = tpu.vector_load_idx %arg10[%add3A_635] : memref<1792xf32, #tpu.memory_space<vmem>>[vector<16xi32>], vector<16xf32>,
    %add3A_637 = arith.addf %add3A_602, %gather3A_636 : vector<16xf32>
    %add3A_638 = arith.constant 15 : i32
    %add3A_639 = vector.broadcast %add3A_638 : i32 to vector<16xi32>
    %add3A_640 = arith.addi %mul3A_34, %add3A_639 : vector<16xi32>
    %gather3A_641 = tpu.vector_load_idx %arg10[%add3A_640] : memref<1792xf32, #tpu.memory_space<vmem>>[vector<16xi32>], vector<16xf32>,
    %add3A_642 = arith.addf %add3A_607, %gather3A_641 : vector<16xf32>
    %add3A_643 = arith.constant 15 : i32
    %add3A_644 = vector.broadcast %add3A_643 : i32 to vector<16xi32>
    %add3A_645 = arith.addi %mul3A_40, %add3A_644 : vector<16xi32>
    %gather3A_646 = tpu.vector_load_idx %arg10[%add3A_645] : memref<1792xf32, #tpu.memory_space<vmem>>[vector<16xi32>], vector<16xf32>,
    %add3A_647 = arith.addf %add3A_612, %gather3A_646 : vector<16xf32>
    %add3A_648 = arith.constant 15 : i32
    %add3A_649 = vector.broadcast %add3A_648 : i32 to vector<16xi32>
    %add3A_650 = arith.addi %mul3A_46, %add3A_649 : vector<16xi32>
    %gather3A_651 = tpu.vector_load_idx %arg10[%add3A_650] : memref<1792xf32, #tpu.memory_space<vmem>>[vector<16xi32>], vector<16xf32>,
    %add3A_652 = arith.addf %add3A_617, %gather3A_651 : vector<16xf32>
    %swap3A = arith.constant 13440 : index
    %swap3A_653 = tpu.vector_load %arg11[%swap3A] {strides = array<i32>} : memref<13552xf32, #tpu.memory_space<vmem>>, vector<16xf32>,
    tpu.vector_store %arg11[%swap3A], %add3A_622 {strides = array<i32>} : memref<13552xf32, #tpu.memory_space<vmem>>, vector<16xf32>,
    %swap3A_654 = arith.constant 13456 : index
    %swap3A_655 = tpu.vector_load %arg11[%swap3A_654] {strides = array<i32>} : memref<13552xf32, #tpu.memory_space<vmem>>, vector<16xf32>,
    tpu.vector_store %arg11[%swap3A_654], %add3A_627 {strides = array<i32>} : memref<13552xf32, #tpu.memory_space<vmem>>, vector<16xf32>,
    %swap3A_656 = arith.constant 13472 : index
    %swap3A_657 = tpu.vector_load %arg11[%swap3A_656] {strides = array<i32>} : memref<13552xf32, #tpu.memory_space<vmem>>, vector<16xf32>,
    tpu.vector_store %arg11[%swap3A_656], %add3A_632 {strides = array<i32>} : memref<13552xf32, #tpu.memory_space<vmem>>, vector<16xf32>,
    %swap3A_658 = arith.constant 13488 : index
    %swap3A_659 = tpu.vector_load %arg11[%swap3A_658] {strides = array<i32>} : memref<13552xf32, #tpu.memory_space<vmem>>, vector<16xf32>,
    tpu.vector_store %arg11[%swap3A_658], %add3A_637 {strides = array<i32>} : memref<13552xf32, #tpu.memory_space<vmem>>, vector<16xf32>,
    %swap3A_660 = arith.constant 13504 : index
    %swap3A_661 = tpu.vector_load %arg11[%swap3A_660] {strides = array<i32>} : memref<13552xf32, #tpu.memory_space<vmem>>, vector<16xf32>,
    tpu.vector_store %arg11[%swap3A_660], %add3A_642 {strides = array<i32>} : memref<13552xf32, #tpu.memory_space<vmem>>, vector<16xf32>,
    %swap3A_662 = arith.constant 13520 : index
    %swap3A_663 = tpu.vector_load %arg11[%swap3A_662] {strides = array<i32>} : memref<13552xf32, #tpu.memory_space<vmem>>, vector<16xf32>,
    tpu.vector_store %arg11[%swap3A_662], %add3A_647 {strides = array<i32>} : memref<13552xf32, #tpu.memory_space<vmem>>, vector<16xf32>,
    %swap3A_664 = arith.constant 13536 : index
    %swap3A_665 = tpu.vector_load %arg11[%swap3A_664] {strides = array<i32>} : memref<13552xf32, #tpu.memory_space<vmem>>, vector<16xf32>,
    tpu.vector_store %arg11[%swap3A_664], %add3A_652 {strides = array<i32>} : memref<13552xf32, #tpu.memory_space<vmem>>, vector<16xf32>,
    %mul3A_666 = arith.constant 13552 : i32
    %mul3A_667 = arith.muli %add3A, %mul3A_666 : i32
    "tpu.region"() ({
      %run_scoped3A = tpu.sem_alloc : memref<!tpu.dma_semaphore, #tpu.memory_space<semaphore_mem>>
      %dma_start3A_668 = tpu.memref_slice %arg5[%mul3A_667] : memref<433664xf32, #tpu.memory_space<hbm>> -> memref<13552xf32, #tpu.memory_space<hbm>>
      %dma_start3A_669 = tpu.memref_slice %arg5[%mul3A_667] : memref<433664xf32, #tpu.memory_space<hbm>> -> memref<13552xf32, #tpu.memory_space<hbm>>
      tpu.enqueue_dma source(%arg11 : memref<13552xf32, #tpu.memory_space<vmem>>) target(%dma_start3A_669 : memref<13552xf32, #tpu.memory_space<hbm>>) target_semaphore(%run_scoped3A : memref<!tpu.dma_semaphore, #tpu.memory_space<semaphore_mem>>)
      %dma_wait3A_670 = tpu.memref_slice %arg5[%mul3A_667] : memref<433664xf32, #tpu.memory_space<hbm>> -> memref<13552xf32, #tpu.memory_space<hbm>>
      %dma_wait3A_671 = tpu.memref_slice %arg5[%mul3A_667] : memref<433664xf32, #tpu.memory_space<hbm>> -> memref<13552xf32, #tpu.memory_space<hbm>>
      tpu.wait_dma2 semaphore(%run_scoped3A : memref<!tpu.dma_semaphore, #tpu.memory_space<semaphore_mem>>) src(%arg11 : memref<13552xf32, #tpu.memory_space<vmem>>) dst(%dma_wait3A_671 : memref<13552xf32, #tpu.memory_space<hbm>>)
      tpu.yield
    }) : () -> ()
    return
  }
}

module attributes {stable_mosaic.version = 14 : i64} {
  func.func @_tc_scores_body(%arg0: i32, %arg1: memref<128x128xf32, #tpu.memory_space<vmem>>, %arg2: memref<128x4096xf32, #tpu.memory_space<vmem>>, %arg3: memref<128x8xf32, #tpu.memory_space<vmem>>, %arg4: memref<8x4096xf32, #tpu.memory_space<vmem>>, %arg5: memref<128x512xf32, #tpu.memory_space<vmem>>, %arg6: memref<128x4096xf32, #tpu.memory_space<vmem>>) attributes {dimension_semantics = [#tpu.dimension_semantics<arbitrary>], iteration_bounds = array<i64: 31>, scalar_prefetch = 0 : i64, scratch_operands = 0 : i64, tpu.core_type = #tpu.core_type<tc>, window_params = [{transform_indices = @transform_0, window_bounds = array<i64: 128, 128>}, {pipeline_mode = #tpu.pipeline_mode<synchronous>, transform_indices = @transform_1, window_bounds = array<i64: 128, 4096>}, {transform_indices = @transform_2, window_bounds = array<i64: 128, 8>}, {pipeline_mode = #tpu.pipeline_mode<synchronous>, transform_indices = @transform_3, window_bounds = array<i64: 8, 4096>}, {transform_indices = @transform_4, window_bounds = array<i64: 128, 512>}, {transform_indices = @transform_5, window_bounds = array<i64: 128, 4096>}]} {
    %get3A = arith.constant 0 : index
    %get3A_0 = arith.constant 0 : index
    %get3A_1 = vector.load %arg1[%get3A, %get3A_0] : memref<128x128xf32, #tpu.memory_space<vmem>>, vector<128x128xf32>
    %get3A_2 = arith.constant 0 : index
    %get3A_3 = arith.constant 0 : index
    %get3A_4 = vector.load %arg2[%get3A_2, %get3A_3] : memref<128x4096xf32, #tpu.memory_space<vmem>>, vector<128x4096xf32>
    %dot_general3A = arith.constant dense<0.000000e+00> : vector<128x4096xf32>
    %dot_general3A_5 = tpu.matmul %get3A_1, %get3A_4, %dot_general3A {dimension_numbers = #tpu.dot_dimension_numbers<[1], [0], [0], [1], [0, 0, 1, 1], [], []>, transpose_lhs_hint = false} : vector<128x128xf32>, vector<128x4096xf32>, vector<128x4096xf32> -> vector<128x4096xf32>
    %get3A_6 = arith.constant 0 : index
    %get3A_7 = arith.constant 0 : index
    %get3A_8 = vector.load %arg3[%get3A_6, %get3A_7] : memref<128x8xf32, #tpu.memory_space<vmem>>, vector<128x1xf32>
    %get3A_9 = arith.constant 0 : index
    %get3A_10 = arith.constant 1 : index
    %get3A_11 = vector.load %arg3[%get3A_9, %get3A_10] : memref<128x8xf32, #tpu.memory_space<vmem>>, vector<128x1xf32>
    %get3A_12 = arith.constant 0 : index
    %get3A_13 = arith.constant 0 : index
    %get3A_14 = vector.load %arg4[%get3A_12, %get3A_13] : memref<8x4096xf32, #tpu.memory_space<vmem>>, vector<1x4096xf32>
    %get3A_15 = arith.constant 1 : index
    %get3A_16 = arith.constant 0 : index
    %get3A_17 = vector.load %arg4[%get3A_15, %get3A_16] : memref<8x4096xf32, #tpu.memory_space<vmem>>, vector<1x4096xf32>
    %sub3A = vector.broadcast %get3A_8 : vector<128x1xf32> to vector<128x4096xf32>
    %sub3A_18 = vector.broadcast %get3A_14 : vector<1x4096xf32> to vector<128x4096xf32>
    %sub3A_19 = arith.subf %sub3A, %sub3A_18 : vector<128x4096xf32>
    %sub3A_20 = vector.broadcast %get3A_11 : vector<128x1xf32> to vector<128x4096xf32>
    %sub3A_21 = vector.broadcast %get3A_17 : vector<1x4096xf32> to vector<128x4096xf32>
    %sub3A_22 = arith.subf %sub3A_20, %sub3A_21 : vector<128x4096xf32>
    %mul3A = arith.mulf %sub3A_19, %sub3A_19 : vector<128x4096xf32>
    %mul3A_23 = arith.mulf %sub3A_22, %sub3A_22 : vector<128x4096xf32>
    %add3A = arith.addf %mul3A, %mul3A_23 : vector<128x4096xf32>
    %lt3A = arith.constant 2.500000e+01 : f32
    %lt3A_24 = vector.broadcast %lt3A : f32 to vector<128x4096xf32>
    %lt3A_25 = arith.cmpf olt, %add3A, %lt3A_24 : vector<128x4096xf32>
    %jit3A = arith.constant 0.000000e+00 : f32
    %broadcast_in_dim3A = vector.broadcast %jit3A : f32 to vector<128x4096xf32>
    %select_n3A = arith.select %lt3A_25, %broadcast_in_dim3A, %dot_general3A_5 : vector<128x4096xi1>, vector<128x4096xf32>
    %iota3A = tpu.iota {dimensions = array<i32: 1>} : vector<128x512xi32>
    %lt3A_26 = arith.constant 109 : i32
    %lt3A_27 = vector.broadcast %lt3A_26 : i32 to vector<128x512xi32>
    %lt3A_28 = arith.cmpi slt, %iota3A, %lt3A_27 : vector<128x512xi32>
    %get3A_29 = arith.constant 0 : index
    %get3A_30 = arith.constant 0 : index
    %get3A_31 = vector.load %arg5[%get3A_29, %get3A_30] : memref<128x512xf32, #tpu.memory_space<vmem>>, vector<128x512xf32>
    %slice3A = vector.extract_strided_slice %select_n3A {offsets = [0, 0], sizes = [128, 512], strides = [1, 1]} : vector<128x4096xf32> to vector<128x512xf32>
    %select_n3A_32 = arith.select %lt3A_28, %get3A_31, %slice3A : vector<128x512xi1>, vector<128x512xf32>
    %swap3A = arith.constant 0 : index
    %swap3A_33 = arith.constant 0 : index
    %swap3A_34 = vector.load %arg6[%swap3A, %swap3A_33] : memref<128x4096xf32, #tpu.memory_space<vmem>>, vector<128x512xf32>
    tpu.vector_store %arg6[%swap3A, %swap3A_33], %select_n3A_32 {strides = array<i32>} : memref<128x4096xf32, #tpu.memory_space<vmem>>, vector<128x512xf32>,
    %slice3A_35 = vector.extract_strided_slice %select_n3A {offsets = [0, 512], sizes = [128, 3584], strides = [1, 1]} : vector<128x4096xf32> to vector<128x3584xf32>
    %swap3A_36 = arith.constant 0 : index
    %swap3A_37 = arith.constant 512 : index
    %swap3A_38 = vector.load %arg6[%swap3A_36, %swap3A_37] : memref<128x4096xf32, #tpu.memory_space<vmem>>, vector<128x3584xf32>
    tpu.vector_store %arg6[%swap3A_36, %swap3A_37], %slice3A_35 {strides = array<i32>} : memref<128x4096xf32, #tpu.memory_space<vmem>>, vector<128x3584xf32>,
    return
  }
  func.func @transform_0(%arg0: i32) -> (i32, i32) {
    %c0_i32 = arith.constant 0 : i32
    %c0_i32_0 = arith.constant 0 : i32
    return %arg0, %c0_i32 : i32, i32
  }
  func.func @transform_1(%arg0: i32) -> (i32, i32) {
    %c0_i32 = arith.constant 0 : i32
    %c0_i32_0 = arith.constant 0 : i32
    %c0_i32_1 = arith.constant 0 : i32
    return %c0_i32, %c0_i32_0 : i32, i32
  }
  func.func @transform_2(%arg0: i32) -> (i32, i32) {
    %c0_i32 = arith.constant 0 : i32
    %c0_i32_0 = arith.constant 0 : i32
    return %arg0, %c0_i32 : i32, i32
  }
  func.func @transform_3(%arg0: i32) -> (i32, i32) {
    %c0_i32 = arith.constant 0 : i32
    %c0_i32_0 = arith.constant 0 : i32
    %c0_i32_1 = arith.constant 0 : i32
    return %c0_i32, %c0_i32_0 : i32, i32
  }
  func.func @transform_4(%arg0: i32) -> (i32, i32) {
    %c0_i32 = arith.constant 0 : i32
    %c0_i32_0 = arith.constant 0 : i32
    return %arg0, %c0_i32 : i32, i32
  }
  func.func @transform_5(%arg0: i32) -> (i32, i32) {
    %c0_i32 = arith.constant 0 : i32
    %c0_i32_0 = arith.constant 0 : i32
    return %arg0, %c0_i32 : i32, i32
  }
}

</mosaic_0001>

<sc_bundles>
// kernel: gather_offload_async_start.1
scs
__scs_entry_jumppad:
0x0: {  	(pc) =	sbr.rel $0x88, $3  }
0x1: {  	(tag) =	ssettag $0x0;
	lr =	simm.s32 $0x1  }
0x2: {  	[smem:$0x3F9D] =	sst lr;
	_ =	strace $0xD0000000  }
0x3: {  	_ = 	snop  }
0x4: {  	_ = 	snop  }
0x5: {  	_ = 	snop  }
0x6: {  	_ = 	snop  }
0x7: {  	_ = 	snop  }
__scs_overlays_trampoline_lowered:
0x8: {  	[smem:$0x3FAC] =	sst s0  }
0x9: {  	[smem:$0x3FAD] =	sst s1  }
0xa: {  	[smem:$0x3FAE] =	sst s2  }
0xb: {  	[smem:$0x3FAF] =	sst s3  }
0xc: {  	[smem:$0x3FB0] =	sst s4  }
0xd: {  	[smem:$0x3FB1] =	sst s5  }
0xe: {  	[smem:$0x3FB2] =	sst s6  }
0xf: {  	[smem:$0x3FB3] =	sst s7  }
0x10: {  	[smem:$0x3FB4] =	sst s8  }
0x11: {  	[smem:$0x3FB5] =	sst s9;
	s0 =	simm.s32 @!p0 $0x0  }
0x12: {  	s1 =	sld [smem:$0x3F9B];
	s0 =	simm.s32 @p0 $0x1  }
0x13: {  	[smem:$0x3FB6] =	sst s0;
	s0 =	simm.s32 @!p1 $0x0  }
0x14: {  	s2 =	sld [smem:$0x3F9A];
	s0 =	simm.s32 @p1 $0x1  }
0x15: {  	[smem:$0x3FB7] =	sst s0;
	s0 =	simm.s32 @!p2 $0x0  }
0x16: {  	s3 =	sld [smem:$0x3FDB];
	s0 =	simm.s32 @p2 $0x1  }
0x17: {  	s4 =	simm.s32 $0x1BF5;
	[smem:$0x3FB9] =	sst s0  }
0x18: {  	s0 =	sld [smem:$0x3F9C];
	_ =	swait.ge [sflag:s4], $0x0  }
0x19: {  	s7 =	sld [smem:$0x3F9D]  }
0x1a: {  	s8 =	sadd.s32 $0xFFFFE003, lr  }
0x1b: {  	s9 =	sadd.s32 $0xFFFFFEF7, lr;
	s5 =	simm.s32 $0xFFFFFFFF;
	p2 =	slt.u32 s8, $0xFFFFF086  }
0x1c: {  	p1 =	slt.u32 s9, $0xF7A;
	s5 =	simm.s32 @!p2 $0x0  }
0x1d: {  	s5 =	simm.s32 @p1 $0x1;
	p0 =	seq.s32 s7, s2  }
0x1e: {  	s7 =	smul.u32 @!p0 $0xF7A, s2;
	p2 =	seq.s32 @!p0 s5, $0x0  }
0x1f: {  	s9 =	smul.u32 $0xF7A, s1;
	s8 =	simm.s32 @!p0 $0x1BF5;
	p2 =	por !p2, p0  }
0x20: {  	[sflag:s8] =	ssyncset.s32 @!p0 $0xFFFFF086;
	s6 =	sadd.s32 @!p0 s3, s7;
	s7 =	simm.s32 @!p0 $0x108  }
0x21: {  	s3 =	sadd.s32 s3, s9;
	s6 =	sadd.s32 @!p0 $0x88, s6;
	s7 =	simm.s32 @p2 $0x1082  }
0x22: {  	[simem:s7], [sflag:s8] =	dma.local @!p0 [hbm:s6], $0xF7A  }
0x23: {  	s9 =	sor.u32 $0xD0000000, s2;
	s6 =	simm.s32 $0x108;
	_ =	swait.ge @!p0 [sflag:s8], $0x0  }
0x24: {  	s3 =	sadd.s32 $0x88, s3;
	s6 =	simm.s32 @!p1 $0x1082;
	[sflag:s4] =	ssyncset.s32 $0xFFFFF086  }
0x25: {  	[simem:s6], [sflag:s4] =	dma.local [hbm:s3], $0xF7A  }
0x26: {  	[smem:$0x3F9D] =	sst s1;
	(tag) =	ssettag s2;
	_ =	strace s9  }
0x27: {  	s1 =	sld [smem:$0x3FAD]  }
0x28: {  	s2 =	sld [smem:$0x3FAE]  }
0x29: {  	s4 =	sld [smem:$0x3FB0]  }
0x2a: {  	p0 =	seq.s32 s5, $0x0;
	s5 =	sld [smem:$0x3FB1]  }
0x2b: {  	s6 =	sld [smem:$0x3FB2]  }
0x2c: {  	s7 =	sld [smem:$0x3FB3]  }
0x2d: {  	s3 =	simm.s32 $0x108;
	s8 =	sld [smem:$0x3FB4]  }
0x2e: {  	s3 =	simm.s32 @!p0 $0x1082;
	s9 =	sld [smem:$0x3FB5]  }
0x2f: {  	lr =	sadd.s32 s0, s3;
	s0 =	sld [smem:$0x3FAC]  }
0x30: {  	s3 =	sld [smem:$0x3FAF]  }
0x31: {  	[smem:$0x3FB8] =	sst s10  }
0x32: {  	s10 =	sld [smem:$0x3FB6];
	_ =	sdelay $0x3  }
0x33: {  	p0 =	seq.s32 s10, $0x1;
	s10 =	sld [smem:$0x3FB8];
	_ =	sdelay $0x3  }
0x34: {  	[smem:$0x3FB8] =	sst s10  }
0x35: {  	s10 =	sld [smem:$0x3FB7];
	_ =	sdelay $0x3  }
0x36: {  	p1 =	seq.s32 s10, $0x1;
	s10 =	sld [smem:$0x3FB8];
	_ =	sdelay $0x3  }
0x37: {  	[smem:$0x3FB8] =	sst s10  }
0x38: {  	s10 =	sld [smem:$0x3FB9]  }
0x39: {  	_ = 	snop;
	(pc) =	sbr.ind lr, $3  }
0x3a: {  	_ = 	snop  }
0x3b: {  	_ = 	snop  }
0x3c: {  	p2 =	seq.s32 s10, $0x1;
	s10 =	sld [smem:$0x3FB8]  }
0x3d: {  	_ =	shalt  }
0x3e: {  	_ =	shalt  }
0x3f: {  	_ =	shalt  }
0x40: {  	_ =	shalt  }
0x41: {  	_ =	shalt  }
0x42: {  	_ =	shalt  }
0x43: {  	_ =	shalt  }
0x44: {  	_ =	shalt  }
0x45: {  	_ =	shalt  }
0x46: {  	_ =	shalt  }
0x47: {  	_ =	shalt  }
0x48: {  	_ =	shalt  }
0x49: {  	_ =	shalt  }
0x4a: {  	_ =	shalt  }
0x4b: {  	_ =	shalt  }
0x4c: {  	_ =	shalt  }
0x4d: {  	_ =	shalt  }
0x4e: {  	_ =	shalt  }
0x4f: {  	_ =	shalt  }
0x50: {  	_ =	shalt  }
0x51: {  	_ =	shalt  }
0x52: {  	_ =	shalt  }
0x53: {  	_ =	shalt  }
0x54: {  	_ =	shalt  }
0x55: {  	_ =	shalt  }
0x56: {  	_ =	shalt  }
0x57: {  	_ =	shalt  }
0x58: {  	_ =	shalt  }
0x59: {  	_ =	shalt  }
0x5a: {  	_ =	shalt  }
0x5b: {  	_ =	shalt  }
0x5c: {  	_ =	shalt  }
0x5d: {  	_ =	shalt  }
0x5e: {  	_ =	shalt  }
0x5f: {  	_ =	shalt  }
0x60: {  	_ =	shalt  }
0x61: {  	_ =	shalt  }
0x62: {  	_ =	shalt  }
0x63: {  	_ =	shalt  }
0x64: {  	_ =	shalt  }
0x65: {  	_ =	shalt  }
0x66: {  	_ =	shalt  }
0x67: {  	_ =	shalt  }
0x68: {  	_ =	shalt  }
0x69: {  	_ =	shalt  }
0x6a: {  	_ =	shalt  }
0x6b: {  	_ =	shalt  }
0x6c: {  	_ =	shalt  }
0x6d: {  	_ =	shalt  }
0x6e: {  	_ =	shalt  }
0x6f: {  	_ =	shalt  }
0x70: {  	_ =	shalt  }
0x71: {  	_ =	shalt  }
0x72: {  	_ =	shalt  }
0x73: {  	_ =	shalt  }
0x74: {  	_ =	shalt  }
0x75: {  	_ =	shalt  }
0x76: {  	_ =	shalt  }
0x77: {  	_ =	shalt  }
0x78: {  	_ =	shalt  }
0x79: {  	_ =	shalt  }
0x7a: {  	_ =	shalt  }
0x7b: {  	_ =	shalt  }
0x7c: {  	_ =	shalt  }
0x7d: {  	_ =	shalt  }
0x7e: {  	_ =	shalt  }
0x7f: {  	_ =	shalt  }
0x80: {  	_ =	shalt  }
0x81: {  	_ =	shalt  }
0x82: {  	_ =	shalt  }
0x83: {  	_ =	shalt  }
0x84: {  	_ =	shalt  }
0x85: {  	_ =	shalt  }
0x86: {  	_ =	shalt  }
0x87: {  	_ =	shalt  }
.Lfunc_end0:
.L_simem_size_0:
called_computation.2_lowered:
.L_overlay_start_0:
0x88: {  	s2 =	sld [smem:$0x3FD9]  }
0x89: {  	s3 =	sld [smem:$0x3FFE];
	_ =	sdelay $0x1  }
0x8a: {  	s1 =	srdreg.scid  }
0x8b: {  	s0 =	sand.u32 $0x1, s1  }
0x8c: {  	s17 =	sshll.u32 s0, $0xA;
	s2 =	sadd.s32 s3, s2  }
0x8d: {  	s2 =	sadd.s32 s2, s17  }
0x8e: {  	[smem:$0x3FC4] =	sst s2  }
0x8f: {  	_ = 	snop  }
0x90: {  	(tm) =	ssettm $0x1  }
0x91: {  	s18 =	sld [smem:$0x3FFB];
	_ =	sdelay $0x3  }
0x92: {  	_ =	strace s18  }
0x93: {  	s2 =	sld [smem:$0x3FFC];
	_ =	sdelay $0x3  }
0x94: {  	_ =	strace s2  }
0x95: {  	s2 =	sld [smem:$0x3FFD];
	_ =	sdelay $0x3  }
0x96: {  	_ =	strace s2  }
0x97: {  	_ =	strace $0x8FFFFFFF  }
0x98: {  	s19 =	sld [smem:$0x3FDB];
	_ =	sdelay $0x1  }
0x99: {  	s20 =	simm.s32 $_scs_section_size  }
0x9a: {  	s4 =	simm.s32 $_size__tile_overlayer_lowered;
	s5 =	simm.s32 $_tile_overlayer_lowered  }
0x9b: {  	s6 =	simm.s32 $0x1BFF;
	s21 =	sshll.u32 s5, $0x1;
	s3 =	sadd.s32 s20, s19  }
0x9c: {  	s22 =	simm.s32 $0x0;
	s4 =	sshll.u32 s4, $0x1;
	s5 =	sadd.s32 s21, s3  }
0x9d: {  	[timem:s22], [sflag:s6] =	dma.local [hbm:s5], s4  }
0x9e: {  	_ =	swait.ge [sflag:s6], s4  }
0x9f: {  	s4 =	ssub.s32 $0x0, s4;
	[sflag:s6] =	ssyncset.done $0x0  }
0xa0: {  	[sflag:s6] =	ssyncadd.s32 s4;
	_ =	sdelay $0x1  }
0xa1: {  	s23 =	simm.s32 $0x1B8B  }
0xa2: {  	_ =	swait.ge [sflag:s23], $0x1  }
0xa3: {  	[sflag:s23] =	ssyncset.done $0x0  }
0xa4: {  	[sflag:s23] =	ssyncadd.s32 $0xFFFFFFFF  }
0xa5: {  	s4 =	sld [smem:$0x0]  }
0xa6: {  	s5 =	sand.u32 $0xFFFFFFFE, s1  }
0xa7: {  	p0 =	sne.s32 s1, s5  }
0xa8: {  	s5 =	sshll.u32 @p0 s5, $0xE  }
0xa9: {  	s5 =	sadd.s32 @p0 $0x11B8D, s5;
	s6 =	sshll.u32 @p0 s4, $0x11  }
0xaa: {  	s5 =	sor.u32 @p0 s6, s5  }
0xab: {  	[sflag:s5] =	ssyncadd.remote.s32 @p0 $0x1;
	_ =	sdelay $0x1  }
0xac: {  	s5 =	simm.s32 @p0 $0x1B8D  }
0xad: {  	_ =	swait.eq @p0 [sflag:s5], $0x1  }
0xae: {  	[sflag:s5] =	ssyncadd.s32 @p0 $0xFFFFFFFF  }
0xaf: {  	s6 =	sshll.u32 @!p0 s1, $0xE  }
0xb0: {  	s6 =	sor.u32 @!p0 $0x4000, s6;
	s5 =	simm.s32 @!p0 $0x1B8D  }
0xb1: {  	s4 =	sshll.u32 @!p0 s4, $0x11;
	s6 =	sadd.s32 @!p0 $0x11B8D, s6;
	_ =	swait.eq @!p0 [sflag:s5], $0x1  }
0xb2: {  	s4 =	sor.u32 @!p0 s4, s6;
	[sflag:s5] =	ssyncadd.s32 @!p0 $0xFFFFFFFF  }
0xb3: {  	s25 =	simm.s32 $0x1B8E;
	s24 =	sld [smem:$0x3FFE];
	[sflag:s4] =	ssyncadd.remote.s32 @!p0 $0x1  }
0xb4: {  	s26 =	simm.s32 $execute0_lowered;
	[smem:$0x3FD2] =	sst s25  }
0xb5: {  	s5 =	sshll.u32 s26, $0x1;
	_ =	strace $0x80000052;
	[dreg:$0x1] =	wrdreg $0xFFFFFFFF  }
0xb6: {  	s28 =	simm.s32 $_size_execute0_lowered;
	s3 =	sadd.s32 s3, s5;
	[dreg:$0x0] =	wrdreg $0x0  }
0xb7: {  	s5 =	sshll.u32 s28, $0x1;
	[dreg:$0x2] =	wrdreg s3  }
0xb8: {  	[dreg:$0x3] =	wrdreg s5  }
0xb9: {  	[dreg:$0x4] =	wrdreg $0xC0  }
0xba: {  	_ =	task [dreg:s22], $0x5FFFF  }
0xbb: {  	[dreg:$0x1] =	wrdreg $0xFFFFFFFF  }
0xbc: {  	[dreg:$0x0] =	wrdreg $0x60  }
0xbd: {  	[dreg:$0x2] =	wrdreg s24  }
0xbe: {  	[dreg:$0x3] =	wrdreg $0xB  }
0xbf: {  	_ =	task.clear_ibuf [dreg:s22], $0x4FFFF;
	_ =	strace $0x90000052  }
0xc0: {  	s29 =	simm.s32 $0xB;
	_ =	strace $0x80000054  }
0xc1: {  	_ =	swait.ge [sflag:s29], $0x1  }
0xc2: {  	[sflag:s29] =	ssyncadd.s32 $0xFFFFFFFF  }
0xc3: {  	_ =	strace $0x90000054  }
0xc4: {  	_ =	sfence  }
0xc5: {  	s30 =	sld [smem:$0x0];
	_ =	sdelay $0x2  }
0xc6: {  	s31 =	sshll.u32 s1, $0xD;
	s1 =	sshrl.u32 s1, $0x2  }
0xc7: {  	s4 =	sand.u32 $0x4000, s31;
	s1 =	sadd.s32 s1, s30  }
0xc8: {  	s0 =	sor.u32 s4, s0;
	s1 =	sshll.u32 s1, $0x11  }
0xc9: {  	s0 =	sor.u32 s1, s0  }
0xca: {  	s0 =	sadd.s32 $0x8F2B, s0  }
0xcb: {  	[sflag:s0] =	ssyncadd.remote.s32 $0x1  }
0xcc: {  	_ =	sfence.sel $0xFFFF  }
0xcd: {  	[dreg:$0x0] =	wrdreg $0xFFFFFFFF;
	(pc) =	sbr.abs _section_cstart, $3  }
0xce: {  	[dreg:$0x1] =	wrdreg $0xFFFFFFFF  }
0xcf: {  	_ =	task.clear_ibuf [dreg:s22], $0x2FFFF;
	_ =	strace $0x9FFFFFFF  }
0xd0: {  	(tm) =	ssettm $0x7FFFFFFF  }
0xd1: {  	_ =	shalt  }
tec
execute0_lowered:
.L_overlay_start_1:
0x0: {  	(tag) =	ssettag $0x1  }
0x1: {  	s0 =	srdreg.scid  }
0x2: {  	s1 =	sshll.u32 s0, $0x4  }
0x3: {  	s0 =	stileid.u32;
	s1 =	sand.u32 $0x10, s1  }
0x4: {  	s1 =	sor.u32 s0, s1  }
0x5: {  	s2 =	smin.u32 s1, $0xC  }
0x6: {  	s2 =	sadd.s32 s1, s2  }
0x7: {  	p0 =	slt.u32 s1, $0xC;
	s1 =	simm.s32 $0xB0;
	s2 =	smul.u32 $0x58, s2  }
0x8: {  	s1 =	simm.s32 @!p0 $0x58  }
0x9: {  	s1 =	sadd.s32 s1, s2  }
0xa: {  	s3 =	smin.u32 s1, $0xF20  }
0xb: {  	s7 =	ssub.s32 s3, s2  }
0xc: {  	p0 =	sgt.s32 s7, $0x0  }
0xd: {  	s7 =	simm.s32 @!p0 $0x0  }
0xe: {  	s4 =	smul.u32 $0xBA2F, s7  }
0xf: {  	s9 =	rddreg [dreg:$0x0];
	s6 =	simm.s32 $0x1;
	s11 =	simm.s32 $0x3  }
0x10: {  	s13 =	simm.s32 $0x0;
	s12 =	simm.s32 $0x0;
	s8 =	sshrl.u32 s4, $0x16  }
0x11: {  	s1 =	rddreg [dreg:$0x1];
	_ =	strace $0x80000053;
	s10 =	smul.u32 $0x58, s8  }
.Ltmp0:
0x12: {  	s5 =	sadd.s32 $0x3E00, s9;
	[sflag:s6] =	ssyncpa.u1 $0x0;
	(pc) =	sbr.rel .LBB2_1-.Ltmp0, $4  }
0x13: {  	s4 =	sadd.s32 $0x913600, s9;
	p0 =	sne.s32 s7, s10;
	s10 =	simm.s32 $0x1  }
0x14: {  	s9 =	sadd.s32 $0xD93600, s9;
	s7 =	simm.s32 $0x2;
	s10 =	simm.s32 @!p0 $0x0  }
0x15: {  	[sflag:s7] =	ssyncpa.u1 $0x0;
	p0 =	por $0x0, $0x0;
	s8 =	sadd.s32 s8, s10  }
0x16: {  	v0 =	vimm.s32 $0x0;
	vm0 =	vmmov $0xff;
	vm1 =	vcmask $0x3F20;
	[sflag:s11] =	ssyncpa.u1 $0x0;
	s11 =	smov.u32 s2;
	s10 =	sadd.s32 $0x1, s8  }
.LBB2_6:
0x17: {  	[hbm:s17] =	stream.linear.scatter [tilespmem:s14], [sflag:$0x3], $0x400, $0x38;
	[tilespmem:$0x58B0] =	vst v63  }
.LBB2_7:
0x18: {  	s13 =	sadd.s32 $0x58, s11  }
0x19: {  	s15 =	smov.u32 s2;
	p2 =	slt.s32 s13, s3  }
0x1a: {  	s15 =	smov.u32 @p2 s13;
	p2 =	sne.s32 s12, s10  }
.Ltmp1:
0x1b: {  	p1 =	slt.u32 s12, $0x2;
	(pc) =	sbr.rel @!p2 .LBB2_8-.Ltmp1, $4  }
0x1c: {  	s14 =	simm.s32 @!p1 $0x3  }
0x1d: {  	s16 =	sadd.s32 $0x1, s12;
	_ =	swait.ge @!p1 [sflag:s14], $0x2C00  }
0x1e: {  	p0 =	por !p0, !p0;
	s13 =	smov.u32 s11;
	[sflag:s14] =	ssyncset.done @!p1 $0x0  }
0x1f: {  	s12 =	smov.u32 s16;
	s11 =	smov.u32 s15;
	[sflag:s14] =	ssyncadd.s32 @!p1 $0xFFFFD400  }
.LBB2_1:
0x20: {  	p1 =	sge.u32 s12, s8  }
0x21: {  	s14 =	sxor.u32 @!p1 $0xFFFFFFFF, s12  }
0x22: {  	s14 =	sand.u32 @!p1 $0x1, s14  }
0x23: {  	s14 =	smul.u32 @!p1 $0x160, s14  }
0x24: {  	s31 =	sadd.s32 $0xFFFFFFFF, s12;
	s15 =	sshrl.u32 @!p1 s11, $0x3  }
0x25: {  	s16 =	sand.u32 @!p1 $0x7, s11;
	s15 =	sadd.s32 @!p1 s5, s15;
	s14 =	sshrl.u32 @!p1 s14, $0x2  }
0x26: {  	[tilespmem:s14], [sflag:$0x2] =	stream.linear.gather @!p1 [hbm4b:s15+s16], $0x58, $0x38;
	[tilespmem:$0x58B0] =	vst v63  }
0x27: {  	p1 =	sge.u32 s31, s8  }
.Ltmp2:
0x28: {  	_ = 	snop;
	(pc) =	sbr.rel @p1 .LBB2_7-.Ltmp2, $1  }
0x29: {  	_ =	sdelay $0x3  }
0x2a: {  	s14 =	simm.s32 $0x1  }
0x2b: {  	s14 =	simm.s32 @!p0 $0x0  }
0x2c: {  	s15 =	smul.u32 $0x160, s14  }
0x2d: {  	_ =	swait.ge [sflag:s7], $0x58  }
0x2e: {  	[sflag:s7] =	ssyncset.done $0x0;
	s17 =	sshrl.u32 s15, $0x2  }
0x2f: {  	[sflag:s7] =	ssyncadd.s32 $0xFFFFFFA8;
	s15 =	sadd.s32 $0x0, s17  }
0x30: {  	v1 =	vld.msk [tilespmem:s15+$0x0 ss:$0x1], $0xffff;
	_ =	sdelay $0x4  }
0x31: {  	v2 =	vshrl.u32 v1, $0x1  }
0x32: {  	v3 =	vand.u32 $0x1, v1;
	v2 =	vand.u32 $0x1FF, v2  }
0x33: {  	vm2 =	veq.s32 v3, $0x1;
	v3 =	vshrl.u32 v1, $0x3;
	v2 =	vmul.u32 $0xC000, v2  }
0x34: {  	vm3 =	veq.s32 v1, $0x80000000;
	v1 =	vsel vm2, $0x1200000, v0;
	v3 =	vand.u32 $0xFF80, v3  }
0x35: {  	v1 =	vadd.s32 v1, v2;
	v2 =	vsel vm3, $0xFFFFFF80, v3  }
0x36: {  	v1 =	vsel vm3, $0xFEDF4000, v1;
	v3 =	vand.u32 $0xFFFFFC00, v2  }
0x37: {  	v2 =	vand.u32 $0x380, v2;
	v1 =	vadd.s32 v3, v1  }
0x38: {  	v1 =	vor.u32 v2, v1  }
0x39: {  	v1 =	vshrl.u32 v1, $0x3  }
0x3a: {  	s14 =	smul.u32 $0xB000, s14  }
0x3b: {  	s31 =	sand.u32 $0x1, s12  }
0x3c: {  	s16 =	smul.u32 $0x160, s31;
	s14 =	sshrl.u32 s14, $0x2  }
0x3d: {  	s19 =	smul.u32 $0xB000, s31;
	s14 =	sor.u32 $0xB0, s14  }
0x3e: {  	[tilespmem:s14], [sflag:$0x1] =	stream.indirect_vreg.gather [hbm:s4], $0x80, v1, vm0, $0x38;
	[tilespmem:$0x58B0] =	vst v63  }
0x3f: {  	s18 =	sshrl.u32 s16, $0x2;
	s20 =	sadd.s32 $0x10, s17;
	s15 =	sadd.s32 $0x400, s14  }
0x40: {  	[tilespmem:s15], [sflag:$0x1] =	stream.indirect_vreg.gather [hbm:s4], $0x80, v1, vm1, $0x38;
	[tilespmem:$0x58B0] =	vst v63  }
0x41: {  	s16 =	sshrl.u32 s19, $0x2;
	s19 =	smov.u32 s14;
	v1 =	vld.msk [tilespmem:s20+$0x0 ss:$0x1], $0xffff;
	s20 =	simm.s32 $0x80  }
.LBB2_3:
0x42: {  	p1 =	sne.s32 s20, $0x100;
	_ =	sdelay $0x4  }
0x43: {  	v2 =	vshrl.u32 v1, $0x1  }
0x44: {  	v3 =	vand.u32 $0x1, v1;
	v2 =	vand.u32 $0x1FF, v2  }
0x45: {  	vm2 =	veq.s32 v3, $0x1;
	v3 =	vshrl.u32 v1, $0x3;
	v2 =	vmul.u32 $0xC000, v2  }
0x46: {  	vm3 =	veq.s32 v1, $0x80000000;
	v1 =	vsel vm2, $0x1200000, v0;
	v3 =	vand.u32 $0xFF80, v3  }
0x47: {  	v1 =	vadd.s32 v1, v2;
	v2 =	vsel vm3, $0xFFFFFF80, v3  }
0x48: {  	v1 =	vsel vm3, $0xFEDF4000, v1;
	v3 =	vand.u32 $0xFFFFFC00, v2  }
0x49: {  	v2 =	vand.u32 $0x380, v2;
	v1 =	vadd.s32 v3, v1  }
0x4a: {  	v1 =	vor.u32 v2, v1  }
0x4b: {  	v1 =	vshrl.u32 v1, $0x3;
	_ =	sdelay $0x3  }
.Ltmp3:
0x4c: {  	s21 =	sshra.s32 s20, $0x2;
	s19 =	sadd.s32 $0x800, s19;
	(pc) =	sbr.rel @p1 .LBB2_3-.Ltmp3, $4  }
0x4d: {  	[tilespmem:s19], [sflag:$0x1] =	stream.indirect_vreg.gather [hbm:s4], $0x80, v1, vm0, $0x38;
	[tilespmem:$0x58B0] =	vst v63  }
0x4e: {  	s21 =	sadd.s32 s21, s17;
	s22 =	sadd.s32 $0x400, s19  }
0x4f: {  	[tilespmem:s22], [sflag:$0x1] =	stream.indirect_vreg.gather [hbm:s4], $0x80, v1, vm1, $0x38;
	[tilespmem:$0x58B0] =	vst v63  }
0x50: {  	s20 =	sadd.s32 $0x40, s20;
	v1 =	vld.msk [tilespmem:s21+$0x0 ss:$0x1], $0xffff  }
0x51: {  	_ =	sdelay $0x3  }
0x52: {  	v2 =	vshrl.u32 v1, $0x1  }
0x53: {  	v3 =	vand.u32 $0x1, v1;
	v2 =	vand.u32 $0x1FF, v2  }
0x54: {  	vm2 =	veq.s32 v3, $0x1;
	v3 =	vshrl.u32 v1, $0x3;
	v2 =	vmul.u32 $0xC000, v2  }
0x55: {  	vm3 =	veq.s32 v1, $0x80000000;
	v1 =	vsel vm2, $0x1200000, v0;
	v3 =	vand.u32 $0xFF80, v3  }
0x56: {  	v1 =	vadd.s32 v1, v2;
	v2 =	vsel vm3, $0xFFFFFF80, v3  }
0x57: {  	v1 =	vsel vm3, $0xFEDF4000, v1;
	v3 =	vand.u32 $0xFFFFFC00, v2  }
0x58: {  	v2 =	vand.u32 $0x380, v2;
	v1 =	vadd.s32 v3, v1  }
0x59: {  	v1 =	vor.u32 v2, v1  }
0x5a: {  	v1 =	vshrl.u32 v1, $0x3;
	_ =	sdelay $0x3  }
0x5b: {  	s17 =	sadd.s32 $0x800, s19  }
0x5c: {  	[tilespmem:s17], [sflag:$0x1] =	stream.indirect_vreg.gather [hbm:s4], $0x80, v1, vm0, $0x38;
	[tilespmem:$0x58B0] =	vst v63  }
0x5d: {  	s17 =	sadd.s32 $0x400, s17  }
0x5e: {  	[tilespmem:s17], [sflag:$0x1] =	stream.indirect_vreg.gather [hbm:s4], $0x80, v1, vm1, $0x38;
	[tilespmem:$0x58B0] =	vst v63  }
0x5f: {  	v1 =	vld.msk [tilespmem:s18+$0x50 ss:$0x1], $0xff;
	_ =	sdelay $0x4  }
0x60: {  	v2 =	vshrl.u32 v1, $0x1  }
0x61: {  	v3 =	vand.u32 $0x1, v1;
	v2 =	vand.u32 $0x1FF, v2  }
0x62: {  	vm2 =	veq.s32 v3, $0x1;
	v3 =	vshrl.u32 v1, $0x3;
	v2 =	vmul.u32 $0xC000, v2  }
0x63: {  	vm3 =	veq.s32 v1, $0x80000000;
	v1 =	vsel vm2, $0x1200000, v0;
	v3 =	vand.u32 $0xFF80, v3  }
0x64: {  	v1 =	vadd.s32 v1, v2;
	v2 =	vsel vm3, $0xFFFFFF80, v3  }
0x65: {  	v1 =	vsel vm3, $0xFEDF4000, v1;
	v3 =	vand.u32 $0xFFFFFC00, v2  }
0x66: {  	v2 =	vand.u32 $0x380, v2;
	v1 =	vadd.s32 v3, v1  }
0x67: {  	v1 =	vor.u32 v2, v1  }
0x68: {  	v1 =	vshrl.u32 v1, $0x3;
	_ =	sdelay $0x3  }
0x69: {  	s16 =	sadd.s32 $0x28B0, s16  }
0x6a: {  	[tilespmem:s16], [sflag:$0x1] =	stream.indirect_vreg.gather [hbm:s4], $0x80, v1, vm0, $0x38;
	[tilespmem:$0x58B0] =	vst v63  }
0x6b: {  	s13 =	sshll.u32 s13, $0x4;
	_ =	swait.ge [sflag:s6], $0x2C00  }
0x6c: {  	s13 =	sadd.s32 s13, s9;
	[sflag:s6] =	ssyncset.done $0x0  }
0x6d: {  	s17 =	sadd.s32 $0x0, s13;
	s16 =	simm.s32 $0x80;
	[sflag:s6] =	ssyncadd.s32 $0xFFFFD400  }
.LBB2_5:
0x6e: {  	[hbm:s17] =	stream.linear.scatter [tilespmem:s14], [sflag:$0x3], $0x400, $0x38;
	[tilespmem:$0x58B0] =	vst v63  }
0x6f: {  	s17 =	smov.u32 s16;
	s14 =	smov.u32 s15;
	p1 =	sne.s32 s16, $0x500  }
.Ltmp4:
0x70: {  	s16 =	sadd.s32 $0x80, s16;
	(pc) =	sbr.rel @p1 .LBB2_5-.Ltmp4, $2  }
0x71: {  	_ =	sdelay $0x2  }
0x72: {  	s15 =	sadd.s32 $0x400, s15;
	s17 =	sadd.s32 s17, s13  }
.Ltmp5:
0x73: {  	_ = 	snop;
	(pc) =	sbr.rel .LBB2_6-.Ltmp5, $1  }
0x74: {  	_ =	sdelay $0x3  }
.LBB2_8:
0x75: {  	_ =	sfence.sel $0x180000  }
0x76: {  	s2 =	simm.s32 $0x2;
	[bflag:$0x0] =	sbarrier.arrive $0xFFFF  }
0x77: {  	s30 =	simm.s32 $0x3;
	[sflag:s2] =	ssyncpa.u1 $0x1  }
0x78: {  	s31 =	simm.s32 $0x1;
	[sflag:s30] =	ssyncpa.u1 $0x1  }
0x79: {  	[sflag:s31] =	ssyncpa.u1 $0x1  }
0x7a: {  	p0 =	sne.s32 s0, $0x0;
	_ =	strace $0x90000053  }
0x7b: {  	s0 =	sadd.s32 @!p0 $0x100000, s1;
	[bflag:$0x2] =	sbarrier.arrive $0xFFFF  }
0x7c: {  	[sflag:s0] =	ssyncadd.tile.s32 @!p0 $0x1;
	_ =	shalt  }
.Lfunc_end2:
_tile_overlayer_lowered:
.L_overlay_start_2:
0x7d: {  	(tag) =	ssettag $0x2  }
0x7e: {  	s0 =	rddreg [dreg:$0x0];
	s2 =	stileid.u32  }
0x7f: {  	s1 =	rddreg [dreg:$0x1];
	p0 =	sne.s32 s2, $0x0  }
0x80: {  	s3 =	rddreg [dreg:$0x2];
	[bflag:$0x3] =	sbarrier.arrive $0xFFFF;
	s2 =	simm.s32 @!p0 $0x1C01  }
0x81: {  	[timem:s3], [sflag:s2] =	dma.local @!p0 [hbm:s0], s1  }
0x82: {  	s0 =	simm.s32 @!p0 $0x1  }
0x83: {  	_ =	swait.ge @!p0 [sflag:s0], s1  }
0x84: {  	s1 =	ssub.s32 @!p0 $0x0, s1;
	[sflag:s0] =	ssyncset.done @!p0 $0x0  }
0x85: {  	[sflag:s0] =	ssyncadd.s32 @!p0 s1  }
0x86: {  	[bflag:$0x3] =	sbarrier.arrive $0xFFFF  }
0x87: {  	_ =	shalt  }

// kernel: gather_offload_async_start.2
scs
__scs_entry_jumppad:
0x0: {  	(pc) =	sbr.rel $0x88, $3  }
0x1: {  	(tag) =	ssettag $0x0;
	lr =	simm.s32 $0x1  }
0x2: {  	[smem:$0x3F9D] =	sst lr;
	_ =	strace $0xD0000000  }
0x3: {  	_ = 	snop  }
0x4: {  	_ = 	snop  }
0x5: {  	_ = 	snop  }
0x6: {  	_ = 	snop  }
0x7: {  	_ = 	snop  }
__scs_overlays_trampoline_lowered:
0x8: {  	[smem:$0x3FAC] =	sst s0  }
0x9: {  	[smem:$0x3FAD] =	sst s1  }
0xa: {  	[smem:$0x3FAE] =	sst s2  }
0xb: {  	[smem:$0x3FAF] =	sst s3  }
0xc: {  	[smem:$0x3FB0] =	sst s4  }
0xd: {  	[smem:$0x3FB1] =	sst s5  }
0xe: {  	[smem:$0x3FB2] =	sst s6  }
0xf: {  	[smem:$0x3FB3] =	sst s7  }
0x10: {  	[smem:$0x3FB4] =	sst s8  }
0x11: {  	[smem:$0x3FB5] =	sst s9;
	s0 =	simm.s32 @!p0 $0x0  }
0x12: {  	s1 =	sld [smem:$0x3F9B];
	s0 =	simm.s32 @p0 $0x1  }
0x13: {  	[smem:$0x3FB6] =	sst s0;
	s0 =	simm.s32 @!p1 $0x0  }
0x14: {  	s2 =	sld [smem:$0x3F9A];
	s0 =	simm.s32 @p1 $0x1  }
0x15: {  	[smem:$0x3FB7] =	sst s0;
	s0 =	simm.s32 @!p2 $0x0  }
0x16: {  	s3 =	sld [smem:$0x3FDB];
	s0 =	simm.s32 @p2 $0x1  }
0x17: {  	s4 =	simm.s32 $0x1BF5;
	[smem:$0x3FB9] =	sst s0  }
0x18: {  	s0 =	sld [smem:$0x3F9C];
	_ =	swait.ge [sflag:s4], $0x0  }
0x19: {  	s7 =	sld [smem:$0x3F9D]  }
0x1a: {  	s8 =	sadd.s32 $0xFFFFE003, lr  }
0x1b: {  	s9 =	sadd.s32 $0xFFFFFEF7, lr;
	s5 =	simm.s32 $0xFFFFFFFF;
	p2 =	slt.u32 s8, $0xFFFFF086  }
0x1c: {  	p1 =	slt.u32 s9, $0xF7A;
	s5 =	simm.s32 @!p2 $0x0  }
0x1d: {  	s5 =	simm.s32 @p1 $0x1;
	p0 =	seq.s32 s7, s2  }
0x1e: {  	s7 =	smul.u32 @!p0 $0xF7A, s2;
	p2 =	seq.s32 @!p0 s5, $0x0  }
0x1f: {  	s9 =	smul.u32 $0xF7A, s1;
	s8 =	simm.s32 @!p0 $0x1BF5;
	p2 =	por !p2, p0  }
0x20: {  	[sflag:s8] =	ssyncset.s32 @!p0 $0xFFFFF086;
	s6 =	sadd.s32 @!p0 s3, s7;
	s7 =	simm.s32 @!p0 $0x108  }
0x21: {  	s3 =	sadd.s32 s3, s9;
	s6 =	sadd.s32 @!p0 $0x88, s6;
	s7 =	simm.s32 @p2 $0x1082  }
0x22: {  	[simem:s7], [sflag:s8] =	dma.local @!p0 [hbm:s6], $0xF7A  }
0x23: {  	s9 =	sor.u32 $0xD0000000, s2;
	s6 =	simm.s32 $0x108;
	_ =	swait.ge @!p0 [sflag:s8], $0x0  }
0x24: {  	s3 =	sadd.s32 $0x88, s3;
	s6 =	simm.s32 @!p1 $0x1082;
	[sflag:s4] =	ssyncset.s32 $0xFFFFF086  }
0x25: {  	[simem:s6], [sflag:s4] =	dma.local [hbm:s3], $0xF7A  }
0x26: {  	[smem:$0x3F9D] =	sst s1;
	(tag) =	ssettag s2;
	_ =	strace s9  }
0x27: {  	s1 =	sld [smem:$0x3FAD]  }
0x28: {  	s2 =	sld [smem:$0x3FAE]  }
0x29: {  	s4 =	sld [smem:$0x3FB0]  }
0x2a: {  	p0 =	seq.s32 s5, $0x0;
	s5 =	sld [smem:$0x3FB1]  }
0x2b: {  	s6 =	sld [smem:$0x3FB2]  }
0x2c: {  	s7 =	sld [smem:$0x3FB3]  }
0x2d: {  	s3 =	simm.s32 $0x108;
	s8 =	sld [smem:$0x3FB4]  }
0x2e: {  	s3 =	simm.s32 @!p0 $0x1082;
	s9 =	sld [smem:$0x3FB5]  }
0x2f: {  	lr =	sadd.s32 s0, s3;
	s0 =	sld [smem:$0x3FAC]  }
0x30: {  	s3 =	sld [smem:$0x3FAF]  }
0x31: {  	[smem:$0x3FB8] =	sst s10  }
0x32: {  	s10 =	sld [smem:$0x3FB6];
	_ =	sdelay $0x3  }
0x33: {  	p0 =	seq.s32 s10, $0x1;
	s10 =	sld [smem:$0x3FB8];
	_ =	sdelay $0x3  }
0x34: {  	[smem:$0x3FB8] =	sst s10  }
0x35: {  	s10 =	sld [smem:$0x3FB7];
	_ =	sdelay $0x3  }
0x36: {  	p1 =	seq.s32 s10, $0x1;
	s10 =	sld [smem:$0x3FB8];
	_ =	sdelay $0x3  }
0x37: {  	[smem:$0x3FB8] =	sst s10  }
0x38: {  	s10 =	sld [smem:$0x3FB9]  }
0x39: {  	_ = 	snop;
	(pc) =	sbr.ind lr, $3  }
0x3a: {  	_ = 	snop  }
0x3b: {  	_ = 	snop  }
0x3c: {  	p2 =	seq.s32 s10, $0x1;
	s10 =	sld [smem:$0x3FB8]  }
0x3d: {  	_ =	shalt  }
0x3e: {  	_ =	shalt  }
0x3f: {  	_ =	shalt  }
0x40: {  	_ =	shalt  }
0x41: {  	_ =	shalt  }
0x42: {  	_ =	shalt  }
0x43: {  	_ =	shalt  }
0x44: {  	_ =	shalt  }
0x45: {  	_ =	shalt  }
0x46: {  	_ =	shalt  }
0x47: {  	_ =	shalt  }
0x48: {  	_ =	shalt  }
0x49: {  	_ =	shalt  }
0x4a: {  	_ =	shalt  }
0x4b: {  	_ =	shalt  }
0x4c: {  	_ =	shalt  }
0x4d: {  	_ =	shalt  }
0x4e: {  	_ =	shalt  }
0x4f: {  	_ =	shalt  }
0x50: {  	_ =	shalt  }
0x51: {  	_ =	shalt  }
0x52: {  	_ =	shalt  }
0x53: {  	_ =	shalt  }
0x54: {  	_ =	shalt  }
0x55: {  	_ =	shalt  }
0x56: {  	_ =	shalt  }
0x57: {  	_ =	shalt  }
0x58: {  	_ =	shalt  }
0x59: {  	_ =	shalt  }
0x5a: {  	_ =	shalt  }
0x5b: {  	_ =	shalt  }
0x5c: {  	_ =	shalt  }
0x5d: {  	_ =	shalt  }
0x5e: {  	_ =	shalt  }
0x5f: {  	_ =	shalt  }
0x60: {  	_ =	shalt  }
0x61: {  	_ =	shalt  }
0x62: {  	_ =	shalt  }
0x63: {  	_ =	shalt  }
0x64: {  	_ =	shalt  }
0x65: {  	_ =	shalt  }
0x66: {  	_ =	shalt  }
0x67: {  	_ =	shalt  }
0x68: {  	_ =	shalt  }
0x69: {  	_ =	shalt  }
0x6a: {  	_ =	shalt  }
0x6b: {  	_ =	shalt  }
0x6c: {  	_ =	shalt  }
0x6d: {  	_ =	shalt  }
0x6e: {  	_ =	shalt  }
0x6f: {  	_ =	shalt  }
0x70: {  	_ =	shalt  }
0x71: {  	_ =	shalt  }
0x72: {  	_ =	shalt  }
0x73: {  	_ =	shalt  }
0x74: {  	_ =	shalt  }
0x75: {  	_ =	shalt  }
0x76: {  	_ =	shalt  }
0x77: {  	_ =	shalt  }
0x78: {  	_ =	shalt  }
0x79: {  	_ =	shalt  }
0x7a: {  	_ =	shalt  }
0x7b: {  	_ =	shalt  }
0x7c: {  	_ =	shalt  }
0x7d: {  	_ =	shalt  }
0x7e: {  	_ =	shalt  }
0x7f: {  	_ =	shalt  }
0x80: {  	_ =	shalt  }
0x81: {  	_ =	shalt  }
0x82: {  	_ =	shalt  }
0x83: {  	_ =	shalt  }
0x84: {  	_ =	shalt  }
0x85: {  	_ =	shalt  }
0x86: {  	_ =	shalt  }
0x87: {  	_ =	shalt  }
.Lfunc_end0:
.L_simem_size_0:
called_computation.3_lowered:
.L_overlay_start_0:
0x88: {  	s2 =	sld [smem:$0x3FD9]  }
0x89: {  	s3 =	sld [smem:$0x3FFE];
	_ =	sdelay $0x1  }
0x8a: {  	s1 =	srdreg.scid  }
0x8b: {  	s0 =	sand.u32 $0x1, s1  }
0x8c: {  	s14 =	sshll.u32 s0, $0xA;
	s2 =	sadd.s32 s3, s2  }
0x8d: {  	s2 =	sadd.s32 s2, s14  }
0x8e: {  	[smem:$0x3FC4] =	sst s2  }
0x8f: {  	_ = 	snop  }
0x90: {  	s2 =	sld [smem:$0x3FD0];
	_ =	sdelay $0x2  }
0x91: {  	s15 =	simm.s32 $0xD;
	s4 =	simm.s32 $0x10  }
0x92: {  	[smem:s4], [sflag:s15] =	dma.local [hbm:s2], $0x1  }
0x93: {  	_ =	swait.eq [sflag:s15], $0x1  }
0x94: {  	[sflag:s15] =	ssyncset.done $0x0  }
0x95: {  	s16 =	sld [smem:$0x11];
	[sflag:s15] =	ssyncadd.s32 $0xFFFFFFFF  }
0x96: {  	s17 =	sld [smem:$0x13];
	(tm) =	ssettm $0x1  }
0x97: {  	s18 =	sld [smem:$0x3FFB];
	_ =	sdelay $0x3  }
0x98: {  	_ =	strace s18  }
0x99: {  	s4 =	sld [smem:$0x3FFC];
	_ =	sdelay $0x3  }
0x9a: {  	_ =	strace s4  }
0x9b: {  	s4 =	sld [smem:$0x3FFD];
	_ =	sdelay $0x3  }
0x9c: {  	_ =	strace s4  }
0x9d: {  	_ =	strace $0x8FFFFFFF  }
0x9e: {  	s19 =	sld [smem:$0x3FDB];
	_ =	sdelay $0x1  }
0x9f: {  	s5 =	simm.s32 $_scs_section_size  }
0xa0: {  	s6 =	simm.s32 $_size__tile_overlayer_lowered;
	s7 =	simm.s32 $_tile_overlayer_lowered  }
0xa1: {  	s22 =	simm.s32 $0x1BFF;
	s21 =	sshll.u32 s7, $0x1;
	s4 =	sadd.s32 s5, s19  }
0xa2: {  	s8 =	simm.s32 $0x0;
	s20 =	sshll.u32 s6, $0x1;
	s6 =	sadd.s32 s21, s4  }
0xa3: {  	[timem:s8], [sflag:s22] =	dma.local [hbm:s6], s20  }
0xa4: {  	_ =	swait.ge [sflag:s22], s20  }
0xa5: {  	s5 =	ssub.s32 $0x0, s20;
	[sflag:s22] =	ssyncset.done $0x0  }
0xa6: {  	[sflag:s22] =	ssyncadd.s32 s5;
	_ =	sdelay $0x1  }
0xa7: {  	s23 =	simm.s32 $0x1B8B  }
0xa8: {  	_ =	swait.ge [sflag:s23], $0x1  }
0xa9: {  	[sflag:s23] =	ssyncset.done $0x0  }
0xaa: {  	s25 =	simm.s32 $0x1B8E;
	s24 =	sld [smem:$0x3FFE];
	[sflag:s23] =	ssyncadd.s32 $0xFFFFFFFF  }
0xab: {  	s26 =	simm.s32 $execute0_lowered;
	[smem:$0x3FD2] =	sst s25  }
0xac: {  	s6 =	sshll.u32 s26, $0x1;
	_ =	strace $0x80000046;
	[dreg:$0x1] =	wrdreg $0xFFFFFFFF  }
0xad: {  	s28 =	simm.s32 $_size_execute0_lowered;
	s4 =	sadd.s32 s4, s6;
	[dreg:$0x0] =	wrdreg $0x0  }
0xae: {  	s6 =	sshll.u32 s28, $0x1;
	[dreg:$0x2] =	wrdreg s4  }
0xaf: {  	[dreg:$0x3] =	wrdreg s6  }
0xb0: {  	[dreg:$0x4] =	wrdreg $0xC0  }
0xb1: {  	_ =	task [dreg:s8], $0x5FFFF  }
0xb2: {  	[dreg:$0x1] =	wrdreg $0xFFFFFFFF  }
0xb3: {  	[dreg:$0x0] =	wrdreg $0x60  }
0xb4: {  	[dreg:$0x2] =	wrdreg s16  }
0xb5: {  	[dreg:$0x3] =	wrdreg s17  }
0xb6: {  	[dreg:$0x4] =	wrdreg s24  }
0xb7: {  	[dreg:$0x5] =	wrdreg $0xB  }
0xb8: {  	_ =	task.clear_ibuf [dreg:s8], $0x6FFFF;
	_ =	strace $0x90000046  }
0xb9: {  	s29 =	simm.s32 $0xB;
	_ =	strace $0x80000048  }
0xba: {  	_ =	swait.ge [sflag:s29], $0x1  }
0xbb: {  	[sflag:s29] =	ssyncadd.s32 $0xFFFFFFFF  }
0xbc: {  	_ =	strace $0x90000048  }
0xbd: {  	_ =	sfence  }
0xbe: {  	s30 =	sld [smem:$0x0];
	_ =	sdelay $0x2  }
0xbf: {  	s31 =	sshll.u32 s1, $0xD;
	s1 =	sshrl.u32 s1, $0x2  }
0xc0: {  	s3 =	sand.u32 $0x4000, s31;
	s1 =	sadd.s32 s1, s30  }
0xc1: {  	s0 =	sor.u32 s3, s0;
	s1 =	sshll.u32 s1, $0x11  }
0xc2: {  	s0 =	sor.u32 s1, s0  }
0xc3: {  	s0 =	sadd.s32 $0x8F2B, s0  }
0xc4: {  	[sflag:s0] =	ssyncadd.remote.s32 $0x1  }
0xc5: {  	_ =	sfence.sel $0xFFFF  }
0xc6: {  	[dreg:$0x0] =	wrdreg $0xFFFFFFFF;
	(pc) =	sbr.abs _section_cstart, $3  }
0xc7: {  	[dreg:$0x1] =	wrdreg $0xFFFFFFFF  }
0xc8: {  	_ =	task.clear_ibuf [dreg:s8], $0x2FFFF;
	_ =	strace $0x9FFFFFFF  }
0xc9: {  	(tm) =	ssettm $0x7FFFFFFF  }
tec
execute0_lowered:
.L_overlay_start_1:
0x0: {  	(tag) =	ssettag $0x1  }
0x1: {  	s2 =	rddreg [dreg:$0x0]  }
0x2: {  	s9 =	rddreg [dreg:$0x1]  }
0x3: {  	s7 =	rddreg [dreg:$0x2]  }
0x4: {  	s0 =	rddreg [dreg:$0x3];
	_ =	strace $0x80000047  }
0x5: {  	s3 =	simm.s32 $0x1;
	s4 =	srdreg.scid;
	s1 =	stileid.u32  }
0x6: {  	s8 =	simm.s32 $0x2;
	s11 =	simm.s32 $0x100;
	s12 =	simm.s32 $0x80  }
0x7: {  	s13 =	simm.s32 $0x0;
	s15 =	simm.s32 $0x0;
	s14 =	simm.s32 $0x0  }
0x8: {  	[sflag:s3] =	ssyncpa.u1 $0x0;
	s4 =	sshll.u32 s4, $0x7;
	s5 =	sshll.u32 s1, $0x8  }
.Ltmp0:
0x9: {  	s6 =	sand.u32 $0x80, s4;
	s4 =	simm.s32 $0x2;
	(pc) =	sbr.rel .LBB2_1-.Ltmp0, $4  }
0xa: {  	s5 =	sor.u32 s5, s6;
	[sflag:s4] =	ssyncpa.u1 $0x0;
	s6 =	simm.s32 $0x3  }
0xb: {  	s7 =	sadd.s32 $0x4000, s7;
	[sflag:s6] =	ssyncpa.u1 $0x0;
	p0 =	sne.s32 s5, $0xF80  }
0xc: {  	s10 =	sshrl.u32 s5, $0x3;
	s6 =	simm.s32 @!p0 $0x2;
	s8 =	simm.s32 @!p0 $0x1  }
0xd: {  	vm0 =	vmmov $0xffff;
	v0 =	vimm.s32 $0x0;
	v1 =	vlaneseq.u32;
	s9 =	sadd.s32 s9, s10;
	s10 =	simm.s32 $0x0;
	p0 =	seq.s32 s5, $0xF80  }
.LBB2_2:
0xe: {  	[tilespmem:s12], [sflag:$0x2] =	stream.linear.gather [hbm4b:s9+s10], $0x80, $0x38;
	[tilespmem:$0x300] =	vst v63  }
.LBB2_8:
0xf: {  	s14 =	sadd.s32 $0x1, s14  }
0x10: {  	p1 =	sne.s32 s14, s6  }
.Ltmp1:
0x11: {  	_ = 	snop;
	(pc) =	sbr.rel @!p1 .LBB2_9-.Ltmp1, $2  }
0x12: {  	_ =	sdelay $0x2  }
0x13: {  	s11 =	sadd.s32 $0x100, s11;
	s13 =	sadd.s32 $0x80, s13;
	s15 =	smov.u32 s5  }
.LBB2_1:
0x14: {  	p1 =	sne.s32 @!p0 s14, $0x0  }
0x15: {  	p1 =	por p0, p1  }
.Ltmp2:
0x16: {  	_ = 	snop;
	(pc) =	sbr.rel @!p1 .LBB2_2-.Ltmp2, $1  }
0x17: {  	_ =	sdelay $0x3  }
0x18: {  	p1 =	seq.s32 s14, $0x0  }
0x19: {  	p2 =	sge.u32 @!p1 s14, s8  }
0x1a: {  	p1 =	por p1, p2  }
.Ltmp3:
0x1b: {  	_ = 	snop;
	(pc) =	sbr.rel @p1 .LBB2_7-.Ltmp3, $1  }
0x1c: {  	_ =	sdelay $0x3  }
0x1d: {  	_ =	swait.ge [sflag:s4], $0x80  }
0x1e: {  	[sflag:s4] =	ssyncset.done $0x0  }
0x1f: {  	s16 =	sadd.s32 $0x0, s13;
	[sflag:s4] =	ssyncadd.s32 $0xFFFFFF80  }
0x20: {  	v2 =	vld.msk [tilespmem:s16+$0x0 ss:$0x1], $0xffff;
	_ =	sdelay $0x4  }
0x21: {  	s16 =	ssub.s32 $0xF20, s15;
	vm1 =	veq.s32 v2, $0x80000000;
	v3 =	vshrl.u32 v2, $0x1  }
0x22: {  	p1 =	slt.s32 s16, $0x80;
	v4 =	vshrl.u32 v2, $0xA;
	v2 =	vand.u32 $0x1, v2;
	v3 =	vand.u32 $0x1FF, v3  }
0x23: {  	s16 =	simm.s32 @!p1 $0x80;
	v4 =	vand.u32 $0x1FF, v4;
	vm2 =	veq.s32 v2, $0x1;
	v2 =	vmul.u32 $0x300, v3  }
0x24: {  	p1 =	sgt.s32 s16, $0x0;
	s17 =	smov.u32 s16;
	v3 =	vsel vm1, $0xFFFFFFFF, v4;
	v61 =	vsel vm2, $0x48000, v0  }
0x25: {  	s17 =	simm.s32 @!p1 $0x0;
	v62 =	vshll.u32 v3, $0x1;
	v2 =	vadd.s32 v61, v2  }
0x26: {  	s17 =	smin.u32 s17, $0x10;
	v4 =	vand.u32 $0xFFFFFF00, v62;
	v2 =	vsel vm1, $0xFFFB7D00, v2  }
0x27: {  	v63 =	vmov s17;
	v3 =	vand.u32 $0x7F, v3;
	v2 =	vadd.s32 v4, v2  }
0x28: {  	vm1 =	vgt.u32 v63, v1;
	v2 =	vor.u32 v3, v2  }
0x29: {  	v3 =	vnsel vm1, $0x7FFFFFFF, v2;
	_ =	sdelay $0x1  }
0x2a: {  	v2 =	vor.u32 $0x80, v2  }
0x2b: {  	(ifvalue) =	ssetifvalue $0x7FFFFFFF;
	v2 =	vnsel vm1, $0x7FFFFFFF, v2  }
0x2c: {  	s30 =	sadd.s32 $0x0, s11;
	(ifvalue) =	ssetifvalue $0x7FFFFFFF  }
0x2d: {  	[tilespmem:s30], [sflag:$0x1] =	stream.indirect_vreg.gather [hbm4b:s2+s10], $0x1, v3, vm0, $0x4038;
	[tilespmem:$0x300] =	vst v63  }
0x2e: {  	s18 =	sshll.u32 s14, $0xA;
	s19 =	sadd.s32 $0x10, s13;
	(ifvalue) =	ssetifvalue $0x7FFFFFFF  }
0x2f: {  	s31 =	sshra.s32 s18, $0x2;
	s17 =	sadd.s32 $0x80, s30;
	(ifvalue) =	ssetifvalue $0x7FFFFFFF  }
0x30: {  	[tilespmem:s17], [sflag:$0x1] =	stream.indirect_vreg.gather [hbm4b:s2+s10], $0x1, v2, vm0, $0x4038;
	[tilespmem:$0x300] =	vst v63  }
0x31: {  	s18 =	simm.s32 $0x10;
	s17 =	sadd.s32 $0x100, s31;
	v2 =	vld.msk [tilespmem:s19+$0x0 ss:$0x1], $0xffff;
	s19 =	simm.s32 $0x80  }
.LBB2_5:
0x32: {  	p1 =	sne.s32 s19, $0x1C0;
	_ =	sdelay $0x4  }
0x33: {  	vm1 =	veq.s32 v2, $0x80000000;
	v3 =	vshrl.u32 v2, $0x1  }
0x34: {  	v4 =	vshrl.u32 v2, $0xA;
	v2 =	vand.u32 $0x1, v2;
	v3 =	vand.u32 $0x1FF, v3  }
0x35: {  	s16 =	sadd.s32 $0xFFFFFFF0, s16;
	v4 =	vand.u32 $0x1FF, v4;
	vm2 =	veq.s32 v2, $0x1;
	v2 =	vmul.u32 $0x300, v3  }
0x36: {  	p2 =	sgt.s32 s16, $0x0;
	s20 =	smov.u32 s16;
	v3 =	vsel vm1, $0xFFFFFFFF, v4;
	v4 =	vsel vm2, $0x48000, v0  }
0x37: {  	s20 =	simm.s32 @!p2 $0x0;
	v2 =	vadd.s32 v4, v2;
	v4 =	vshll.u32 v3, $0x1  }
0x38: {  	s20 =	smin.u32 s20, $0x10;
	v2 =	vsel vm1, $0xFFFB7D00, v2;
	v4 =	vand.u32 $0xFFFFFF00, v4  }
0x39: {  	v3 =	vand.u32 $0x7F, v3;
	v2 =	vadd.s32 v4, v2;
	v4 =	vmov s20  }
0x3a: {  	v2 =	vor.u32 v3, v2;
	vm1 =	vgt.u32 v4, v1  }
0x3b: {  	v3 =	vnsel vm1, $0x7FFFFFFF, v2;
	_ =	sdelay $0x1  }
0x3c: {  	v2 =	vor.u32 $0x80, v2  }
0x3d: {  	v2 =	vnsel vm1, $0x7FFFFFFF, v2;
	(ifvalue) =	ssetifvalue $0x7FFFFFFF  }
0x3e: {  	s20 =	sadd.s32 s18, s11;
	(ifvalue) =	ssetifvalue $0x7FFFFFFF  }
0x3f: {  	[tilespmem:s20], [sflag:$0x1] =	stream.indirect_vreg.gather [hbm4b:s2+s10], $0x1, v3, vm0, $0x4038;
	[tilespmem:$0x300] =	vst v63  }
.Ltmp4:
0x40: {  	_ = 	snop;
	(pc) =	sbr.rel @p1 .LBB2_5-.Ltmp4, $4  }
0x41: {  	s18 =	sshra.s32 s19, $0x2;
	(ifvalue) =	ssetifvalue $0x7FFFFFFF  }
0x42: {  	s21 =	sadd.s32 s18, s13;
	s20 =	sadd.s32 $0x80, s20;
	(ifvalue) =	ssetifvalue $0x7FFFFFFF  }
0x43: {  	[tilespmem:s20], [sflag:$0x1] =	stream.indirect_vreg.gather [hbm4b:s2+s10], $0x1, v2, vm0, $0x4038;
	[tilespmem:$0x300] =	vst v63  }
0x44: {  	s19 =	sadd.s32 $0x40, s19;
	v2 =	vld.msk [tilespmem:s21+$0x0 ss:$0x1], $0xffff  }
0x45: {  	_ =	sdelay $0x3  }
0x46: {  	vm1 =	veq.s32 v2, $0x80000000;
	v3 =	vshrl.u32 v2, $0x1  }
0x47: {  	v4 =	vshrl.u32 v2, $0xA;
	v2 =	vand.u32 $0x1, v2;
	v3 =	vand.u32 $0x1FF, v3  }
0x48: {  	s16 =	sadd.s32 $0xFFFFFFF0, s16;
	v4 =	vand.u32 $0x1FF, v4;
	vm2 =	veq.s32 v2, $0x1;
	v2 =	vmul.u32 $0x300, v3  }
0x49: {  	p1 =	sgt.s32 s16, $0x0;
	v3 =	vsel vm1, $0xFFFFFFFF, v4;
	v61 =	vsel vm2, $0x48000, v0  }
0x4a: {  	s16 =	simm.s32 @!p1 $0x0;
	v62 =	vshll.u32 v3, $0x1;
	v2 =	vadd.s32 v61, v2  }
0x4b: {  	s16 =	smin.u32 s16, $0x10;
	v4 =	vand.u32 $0xFFFFFF00, v62;
	v2 =	vsel vm1, $0xFFFB7D00, v2  }
0x4c: {  	v63 =	vmov s16;
	v3 =	vand.u32 $0x7F, v3;
	v2 =	vadd.s32 v4, v2  }
0x4d: {  	vm1 =	vgt.u32 v63, v1;
	v2 =	vor.u32 v3, v2  }
0x4e: {  	v3 =	vnsel vm1, $0x7FFFFFFF, v2;
	_ =	sdelay $0x1  }
0x4f: {  	v2 =	vor.u32 $0x80, v2  }
0x50: {  	(ifvalue) =	ssetifvalue $0x7FFFFFFF;
	v2 =	vnsel vm1, $0x7FFFFFFF, v2  }
0x51: {  	s29 =	sadd.s32 s18, s11;
	(ifvalue) =	ssetifvalue $0x7FFFFFFF  }
0x52: {  	[tilespmem:s29], [sflag:$0x1] =	stream.indirect_vreg.gather [hbm4b:s2+s10], $0x1, v3, vm0, $0x4038;
	[tilespmem:$0x300] =	vst v63  }
0x53: {  	(ifvalue) =	ssetifvalue $0x7FFFFFFF  }
0x54: {  	s30 =	sshll.u32 s15, $0x1;
	s16 =	sadd.s32 $0x80, s29;
	(ifvalue) =	ssetifvalue $0x7FFFFFFF  }
0x55: {  	[tilespmem:s16], [sflag:$0x1] =	stream.indirect_vreg.gather [hbm4b:s2+s10], $0x1, v2, vm0, $0x4038;
	[tilespmem:$0x300] =	vst v63  }
0x56: {  	s31 =	sand.u32 $0x78, s15;
	s16 =	sand.u32 $0x7FFFFF00, s30  }
0x57: {  	_ =	swait.ge [sflag:s3], $0x100;
	s15 =	sor.u32 s31, s16  }
0x58: {  	[sflag:s3] =	ssyncset.done $0x0;
	s15 =	sshrl.u32 s15, $0x3  }
0x59: {  	[sflag:s3] =	ssyncadd.s32 $0xFFFFFF00;
	s15 =	sadd.s32 s7, s15  }
0x5a: {  	[hbm:s15] =	stream.linear.scatter [tilespmem:s17], [sflag:$0x3], $0x100, $0x38;
	[tilespmem:$0x300] =	vst v63  }
.LBB2_7:
.Ltmp5:
0x5b: {  	p1 =	slt.u32 s14, $0x2;
	(pc) =	sbr.rel .LBB2_8-.Ltmp5, $4  }
0x5c: {  	s15 =	simm.s32 @!p1 $0x3  }
0x5d: {  	_ =	swait.ge @!p1 [sflag:s15], $0x100  }
0x5e: {  	[sflag:s15] =	ssyncset.done @!p1 $0x0  }
0x5f: {  	[sflag:s15] =	ssyncadd.s32 @!p1 $0xFFFFFF00  }
.LBB2_9:
0x60: {  	_ =	sfence.sel $0x180000  }
0x61: {  	s2 =	simm.s32 $0x2;
	[bflag:$0x0] =	sbarrier.arrive $0xFFFF  }
0x62: {  	s30 =	simm.s32 $0x3;
	[sflag:s2] =	ssyncpa.u1 $0x1  }
0x63: {  	s31 =	simm.s32 $0x1;
	[sflag:s30] =	ssyncpa.u1 $0x1  }
0x64: {  	[sflag:s31] =	ssyncpa.u1 $0x1  }
0x65: {  	p0 =	sne.s32 s1, $0x0;
	_ =	strace $0x90000047  }
0x66: {  	s0 =	sadd.s32 @!p0 $0x100000, s0;
	[bflag:$0x2] =	sbarrier.arrive $0xFFFF  }
0x67: {  	[sflag:s0] =	ssyncadd.tile.s32 @!p0 $0x1;
	_ =	shalt  }
.Lfunc_end2:
_tile_overlayer_lowered:
.L_overlay_start_2:
0x68: {  	(tag) =	ssettag $0x2  }
0x69: {  	s0 =	rddreg [dreg:$0x0];
	s2 =	stileid.u32  }
0x6a: {  	s1 =	rddreg [dreg:$0x1];
	p0 =	sne.s32 s2, $0x0  }
0x6b: {  	s3 =	rddreg [dreg:$0x2];
	[bflag:$0x3] =	sbarrier.arrive $0xFFFF;
	s2 =	simm.s32 @!p0 $0x1C01  }
0x6c: {  	[timem:s3], [sflag:s2] =	dma.local @!p0 [hbm:s0], s1  }
0x6d: {  	s0 =	simm.s32 @!p0 $0x1  }
0x6e: {  	_ =	swait.ge @!p0 [sflag:s0], s1  }
0x6f: {  	s1 =	ssub.s32 @!p0 $0x0, s1;
	[sflag:s0] =	ssyncset.done @!p0 $0x0  }
0x70: {  	[sflag:s0] =	ssyncadd.s32 @!p0 s1  }
0x71: {  	[bflag:$0x3] =	sbarrier.arrive $0xFFFF  }
0x72: {  	_ =	shalt  }

// kernel: gather_offload_async_start.3
scs
__scs_entry_jumppad:
0x0: {  	(pc) =	sbr.rel $0x88, $3  }
0x1: {  	(tag) =	ssettag $0x0;
	lr =	simm.s32 $0x1  }
0x2: {  	[smem:$0x3F9D] =	sst lr;
	_ =	strace $0xD0000000  }
0x3: {  	_ = 	snop  }
0x4: {  	_ = 	snop  }
0x5: {  	_ = 	snop  }
0x6: {  	_ = 	snop  }
0x7: {  	_ = 	snop  }
__scs_overlays_trampoline_lowered:
0x8: {  	[smem:$0x3FAC] =	sst s0  }
0x9: {  	[smem:$0x3FAD] =	sst s1  }
0xa: {  	[smem:$0x3FAE] =	sst s2  }
0xb: {  	[smem:$0x3FAF] =	sst s3  }
0xc: {  	[smem:$0x3FB0] =	sst s4  }
0xd: {  	[smem:$0x3FB1] =	sst s5  }
0xe: {  	[smem:$0x3FB2] =	sst s6  }
0xf: {  	[smem:$0x3FB3] =	sst s7  }
0x10: {  	[smem:$0x3FB4] =	sst s8  }
0x11: {  	[smem:$0x3FB5] =	sst s9;
	s0 =	simm.s32 @!p0 $0x0  }
0x12: {  	s1 =	sld [smem:$0x3F9B];
	s0 =	simm.s32 @p0 $0x1  }
0x13: {  	[smem:$0x3FB6] =	sst s0;
	s0 =	simm.s32 @!p1 $0x0  }
0x14: {  	s2 =	sld [smem:$0x3F9A];
	s0 =	simm.s32 @p1 $0x1  }
0x15: {  	[smem:$0x3FB7] =	sst s0;
	s0 =	simm.s32 @!p2 $0x0  }
0x16: {  	s3 =	sld [smem:$0x3FDB];
	s0 =	simm.s32 @p2 $0x1  }
0x17: {  	s4 =	simm.s32 $0x1BF5;
	[smem:$0x3FB9] =	sst s0  }
0x18: {  	s0 =	sld [smem:$0x3F9C];
	_ =	swait.ge [sflag:s4], $0x0  }
0x19: {  	s7 =	sld [smem:$0x3F9D]  }
0x1a: {  	s8 =	sadd.s32 $0xFFFFE003, lr  }
0x1b: {  	s9 =	sadd.s32 $0xFFFFFEF7, lr;
	s5 =	simm.s32 $0xFFFFFFFF;
	p2 =	slt.u32 s8, $0xFFFFF086  }
0x1c: {  	p1 =	slt.u32 s9, $0xF7A;
	s5 =	simm.s32 @!p2 $0x0  }
0x1d: {  	s5 =	simm.s32 @p1 $0x1;
	p0 =	seq.s32 s7, s2  }
0x1e: {  	s7 =	smul.u32 @!p0 $0xF7A, s2;
	p2 =	seq.s32 @!p0 s5, $0x0  }
0x1f: {  	s9 =	smul.u32 $0xF7A, s1;
	s8 =	simm.s32 @!p0 $0x1BF5;
	p2 =	por !p2, p0  }
0x20: {  	[sflag:s8] =	ssyncset.s32 @!p0 $0xFFFFF086;
	s6 =	sadd.s32 @!p0 s3, s7;
	s7 =	simm.s32 @!p0 $0x108  }
0x21: {  	s3 =	sadd.s32 s3, s9;
	s6 =	sadd.s32 @!p0 $0x88, s6;
	s7 =	simm.s32 @p2 $0x1082  }
0x22: {  	[simem:s7], [sflag:s8] =	dma.local @!p0 [hbm:s6], $0xF7A  }
0x23: {  	s9 =	sor.u32 $0xD0000000, s2;
	s6 =	simm.s32 $0x108;
	_ =	swait.ge @!p0 [sflag:s8], $0x0  }
0x24: {  	s3 =	sadd.s32 $0x88, s3;
	s6 =	simm.s32 @!p1 $0x1082;
	[sflag:s4] =	ssyncset.s32 $0xFFFFF086  }
0x25: {  	[simem:s6], [sflag:s4] =	dma.local [hbm:s3], $0xF7A  }
0x26: {  	[smem:$0x3F9D] =	sst s1;
	(tag) =	ssettag s2;
	_ =	strace s9  }
0x27: {  	s1 =	sld [smem:$0x3FAD]  }
0x28: {  	s2 =	sld [smem:$0x3FAE]  }
0x29: {  	s4 =	sld [smem:$0x3FB0]  }
0x2a: {  	p0 =	seq.s32 s5, $0x0;
	s5 =	sld [smem:$0x3FB1]  }
0x2b: {  	s6 =	sld [smem:$0x3FB2]  }
0x2c: {  	s7 =	sld [smem:$0x3FB3]  }
0x2d: {  	s3 =	simm.s32 $0x108;
	s8 =	sld [smem:$0x3FB4]  }
0x2e: {  	s3 =	simm.s32 @!p0 $0x1082;
	s9 =	sld [smem:$0x3FB5]  }
0x2f: {  	lr =	sadd.s32 s0, s3;
	s0 =	sld [smem:$0x3FAC]  }
0x30: {  	s3 =	sld [smem:$0x3FAF]  }
0x31: {  	[smem:$0x3FB8] =	sst s10  }
0x32: {  	s10 =	sld [smem:$0x3FB6];
	_ =	sdelay $0x3  }
0x33: {  	p0 =	seq.s32 s10, $0x1;
	s10 =	sld [smem:$0x3FB8];
	_ =	sdelay $0x3  }
0x34: {  	[smem:$0x3FB8] =	sst s10  }
0x35: {  	s10 =	sld [smem:$0x3FB7];
	_ =	sdelay $0x3  }
0x36: {  	p1 =	seq.s32 s10, $0x1;
	s10 =	sld [smem:$0x3FB8];
	_ =	sdelay $0x3  }
0x37: {  	[smem:$0x3FB8] =	sst s10  }
0x38: {  	s10 =	sld [smem:$0x3FB9]  }
0x39: {  	_ = 	snop;
	(pc) =	sbr.ind lr, $3  }
0x3a: {  	_ = 	snop  }
0x3b: {  	_ = 	snop  }
0x3c: {  	p2 =	seq.s32 s10, $0x1;
	s10 =	sld [smem:$0x3FB8]  }
0x3d: {  	_ =	shalt  }
0x3e: {  	_ =	shalt  }
0x3f: {  	_ =	shalt  }
0x40: {  	_ =	shalt  }
0x41: {  	_ =	shalt  }
0x42: {  	_ =	shalt  }
0x43: {  	_ =	shalt  }
0x44: {  	_ =	shalt  }
0x45: {  	_ =	shalt  }
0x46: {  	_ =	shalt  }
0x47: {  	_ =	shalt  }
0x48: {  	_ =	shalt  }
0x49: {  	_ =	shalt  }
0x4a: {  	_ =	shalt  }
0x4b: {  	_ =	shalt  }
0x4c: {  	_ =	shalt  }
0x4d: {  	_ =	shalt  }
0x4e: {  	_ =	shalt  }
0x4f: {  	_ =	shalt  }
0x50: {  	_ =	shalt  }
0x51: {  	_ =	shalt  }
0x52: {  	_ =	shalt  }
0x53: {  	_ =	shalt  }
0x54: {  	_ =	shalt  }
0x55: {  	_ =	shalt  }
0x56: {  	_ =	shalt  }
0x57: {  	_ =	shalt  }
0x58: {  	_ =	shalt  }
0x59: {  	_ =	shalt  }
0x5a: {  	_ =	shalt  }
0x5b: {  	_ =	shalt  }
0x5c: {  	_ =	shalt  }
0x5d: {  	_ =	shalt  }
0x5e: {  	_ =	shalt  }
0x5f: {  	_ =	shalt  }
0x60: {  	_ =	shalt  }
0x61: {  	_ =	shalt  }
0x62: {  	_ =	shalt  }
0x63: {  	_ =	shalt  }
0x64: {  	_ =	shalt  }
0x65: {  	_ =	shalt  }
0x66: {  	_ =	shalt  }
0x67: {  	_ =	shalt  }
0x68: {  	_ =	shalt  }
0x69: {  	_ =	shalt  }
0x6a: {  	_ =	shalt  }
0x6b: {  	_ =	shalt  }
0x6c: {  	_ =	shalt  }
0x6d: {  	_ =	shalt  }
0x6e: {  	_ =	shalt  }
0x6f: {  	_ =	shalt  }
0x70: {  	_ =	shalt  }
0x71: {  	_ =	shalt  }
0x72: {  	_ =	shalt  }
0x73: {  	_ =	shalt  }
0x74: {  	_ =	shalt  }
0x75: {  	_ =	shalt  }
0x76: {  	_ =	shalt  }
0x77: {  	_ =	shalt  }
0x78: {  	_ =	shalt  }
0x79: {  	_ =	shalt  }
0x7a: {  	_ =	shalt  }
0x7b: {  	_ =	shalt  }
0x7c: {  	_ =	shalt  }
0x7d: {  	_ =	shalt  }
0x7e: {  	_ =	shalt  }
0x7f: {  	_ =	shalt  }
0x80: {  	_ =	shalt  }
0x81: {  	_ =	shalt  }
0x82: {  	_ =	shalt  }
0x83: {  	_ =	shalt  }
0x84: {  	_ =	shalt  }
0x85: {  	_ =	shalt  }
0x86: {  	_ =	shalt  }
0x87: {  	_ =	shalt  }
.Lfunc_end0:
.L_simem_size_0:
called_computation.4_lowered:
.L_overlay_start_0:
0x88: {  	s2 =	sld [smem:$0x3FD9]  }
0x89: {  	s3 =	sld [smem:$0x3FFE];
	_ =	sdelay $0x1  }
0x8a: {  	s1 =	srdreg.scid  }
0x8b: {  	s0 =	sand.u32 $0x1, s1  }
0x8c: {  	s15 =	sshll.u32 s0, $0xA;
	s2 =	sadd.s32 s3, s2  }
0x8d: {  	s2 =	sadd.s32 s2, s15  }
0x8e: {  	[smem:$0x3FC4] =	sst s2  }
0x8f: {  	_ = 	snop  }
0x90: {  	s16 =	sld [smem:$0x3FD0];
	_ =	sdelay $0x2  }
0x91: {  	s4 =	simm.s32 $0xD;
	s5 =	simm.s32 $0x10;
	s2 =	sld [smem:$0x3FC7]  }
0x92: {  	[smem:s5], [sflag:s4] =	dma.local [hbm:s16], $0x1  }
0x93: {  	_ =	swait.eq [sflag:s4], $0x1  }
0x94: {  	[sflag:s4] =	ssyncset.done $0x0  }
0x95: {  	[sflag:s4] =	ssyncadd.s32 $0xFFFFFFFF  }
0x96: {  	s17 =	sld [smem:$0x13];
	(tm) =	ssettm $0x1  }
0x97: {  	s18 =	sld [smem:$0x3FFB];
	_ =	sdelay $0x3  }
0x98: {  	_ =	strace s18  }
0x99: {  	s3 =	sld [smem:$0x3FFC];
	_ =	sdelay $0x3  }
0x9a: {  	_ =	strace s3  }
0x9b: {  	s3 =	sld [smem:$0x3FFD];
	_ =	sdelay $0x3  }
0x9c: {  	_ =	strace s3  }
0x9d: {  	_ =	strace $0x8FFFFFFF  }
0x9e: {  	s19 =	sld [smem:$0x3FDB];
	_ =	sdelay $0x1  }
0x9f: {  	s20 =	simm.s32 $_scs_section_size  }
0xa0: {  	s6 =	simm.s32 $_size__tile_overlayer_lowered;
	s7 =	simm.s32 $_tile_overlayer_lowered  }
0xa1: {  	s8 =	simm.s32 $0x1BFF;
	s21 =	sshll.u32 s7, $0x1;
	s5 =	sadd.s32 s20, s19  }
0xa2: {  	s22 =	simm.s32 $0x0;
	s6 =	sshll.u32 s6, $0x1;
	s7 =	sadd.s32 s21, s5  }
0xa3: {  	[timem:s22], [sflag:s8] =	dma.local [hbm:s7], s6  }
0xa4: {  	_ =	swait.ge [sflag:s8], s6  }
0xa5: {  	s6 =	ssub.s32 $0x0, s6;
	[sflag:s8] =	ssyncset.done $0x0  }
0xa6: {  	[sflag:s8] =	ssyncadd.s32 s6;
	_ =	sdelay $0x1  }
0xa7: {  	s23 =	simm.s32 $0x1B8B  }
0xa8: {  	_ =	swait.ge [sflag:s23], $0x1  }
0xa9: {  	[sflag:s23] =	ssyncset.done $0x0  }
0xaa: {  	[sflag:s23] =	ssyncadd.s32 $0xFFFFFFFF  }
0xab: {  	s6 =	sld [smem:$0x0]  }
0xac: {  	s7 =	sand.u32 $0xFFFFFFFE, s1  }
0xad: {  	p0 =	sne.s32 s1, s7  }
0xae: {  	s7 =	sshll.u32 @p0 s7, $0xE  }
0xaf: {  	s7 =	sadd.s32 @p0 $0x11B8D, s7;
	s8 =	sshll.u32 @p0 s6, $0x11  }
0xb0: {  	s7 =	sor.u32 @p0 s8, s7  }
0xb1: {  	[sflag:s7] =	ssyncadd.remote.s32 @p0 $0x1;
	_ =	sdelay $0x1  }
0xb2: {  	s7 =	simm.s32 @p0 $0x1B8D  }
0xb3: {  	_ =	swait.eq @p0 [sflag:s7], $0x1  }
0xb4: {  	[sflag:s7] =	ssyncadd.s32 @p0 $0xFFFFFFFF  }
0xb5: {  	s8 =	sshll.u32 @!p0 s1, $0xE  }
0xb6: {  	s8 =	sor.u32 @!p0 $0x4000, s8;
	s7 =	simm.s32 @!p0 $0x1B8D  }
0xb7: {  	s6 =	sshll.u32 @!p0 s6, $0x11;
	s8 =	sadd.s32 @!p0 $0x11B8D, s8;
	_ =	swait.eq @!p0 [sflag:s7], $0x1  }
0xb8: {  	s6 =	sor.u32 @!p0 s6, s8;
	[sflag:s7] =	ssyncadd.s32 @!p0 $0xFFFFFFFF  }
0xb9: {  	s25 =	simm.s32 $0x1B8E;
	s24 =	sld [smem:$0x3FFE];
	[sflag:s6] =	ssyncadd.remote.s32 @!p0 $0x1  }
0xba: {  	s26 =	simm.s32 $execute0_lowered;
	[smem:$0x3FD2] =	sst s25  }
0xbb: {  	s7 =	sshll.u32 s26, $0x1;
	_ =	strace $0x8000004F;
	[dreg:$0x1] =	wrdreg $0xFFFFFFFF  }
0xbc: {  	s28 =	simm.s32 $_size_execute0_lowered;
	s5 =	sadd.s32 s5, s7;
	[dreg:$0x0] =	wrdreg $0x0  }
0xbd: {  	s7 =	sshll.u32 s28, $0x1;
	[dreg:$0x2] =	wrdreg s5  }
0xbe: {  	[dreg:$0x3] =	wrdreg s7  }
0xbf: {  	[dreg:$0x4] =	wrdreg $0xC0  }
0xc0: {  	_ =	task [dreg:s22], $0x5FFFF  }
0xc1: {  	[dreg:$0x1] =	wrdreg $0xFFFFFFFF  }
0xc2: {  	[dreg:$0x0] =	wrdreg $0x60  }
0xc3: {  	[dreg:$0x2] =	wrdreg s2  }
0xc4: {  	[dreg:$0x3] =	wrdreg s17  }
0xc5: {  	[dreg:$0x4] =	wrdreg s24  }
0xc6: {  	[dreg:$0x5] =	wrdreg $0xC  }
0xc7: {  	_ =	task.clear_ibuf [dreg:s22], $0x6FFFF;
	_ =	strace $0x9000004F  }
0xc8: {  	s29 =	simm.s32 $0xC;
	_ =	strace $0x80000051  }
0xc9: {  	_ =	swait.ge [sflag:s29], $0x1  }
0xca: {  	[sflag:s29] =	ssyncadd.s32 $0xFFFFFFFF  }
0xcb: {  	_ =	strace $0x90000051  }
0xcc: {  	_ =	sfence  }
0xcd: {  	s30 =	sld [smem:$0x0];
	_ =	sdelay $0x2  }
0xce: {  	s31 =	sshll.u32 s1, $0xD;
	s1 =	sshrl.u32 s1, $0x2  }
0xcf: {  	s4 =	sand.u32 $0x4000, s31;
	s1 =	sadd.s32 s1, s30  }
0xd0: {  	s0 =	sor.u32 s4, s0;
	s1 =	sshll.u32 s1, $0x11  }
0xd1: {  	s0 =	sor.u32 s1, s0  }
0xd2: {  	s0 =	sadd.s32 $0x8F2B, s0  }
0xd3: {  	[sflag:s0] =	ssyncadd.remote.s32 $0x1  }
0xd4: {  	_ =	sfence.sel $0xFFFF  }
0xd5: {  	[dreg:$0x0] =	wrdreg $0xFFFFFFFF;
	(pc) =	sbr.abs _section_cstart, $3  }
0xd6: {  	[dreg:$0x1] =	wrdreg $0xFFFFFFFF  }
0xd7: {  	_ =	task.clear_ibuf [dreg:s22], $0x2FFFF;
	_ =	strace $0x9FFFFFFF  }
0xd8: {  	(tm) =	ssettm $0x7FFFFFFF  }
0xd9: {  	_ =	shalt  }
tec
execute0_lowered:
.L_overlay_start_1:
0x0: {  	(tag) =	ssettag $0x1  }
0x1: {  	s1 =	srdreg.scid;
	s2 =	rddreg [dreg:$0x0]  }
0x2: {  	s0 =	stileid.u32;
	s3 =	rddreg [dreg:$0x1];
	s1 =	sshll.u32 s1, $0x4  }
0x3: {  	s6 =	rddreg [dreg:$0x2];
	s4 =	sshll.u32 s0, $0x5;
	s1 =	sand.u32 $0x10, s1  }
0x4: {  	s7 =	simm.s32 $0x1;
	s30 =	simm.s32 $0x2;
	s4 =	sor.u32 s4, s1  }
0x5: {  	s31 =	simm.s32 $0x3;
	s11 =	simm.s32 $0x0;
	s5 =	ssub.s32 $0xF20, s4  }
0x6: {  	s9 =	simm.s32 $0x0;
	s6 =	sadd.s32 $0x4000, s6;
	s8 =	sand.u32 $0x1F0, s5  }
0x7: {  	s1 =	rddreg [dreg:$0x3];
	_ =	strace $0x80000050;
	p0 =	sne.s32 s8, $0x0  }
0x8: {  	[sflag:s7] =	ssyncpa.u1 $0x0;
	s5 =	sshrl.u32 s5, $0x9;
	s7 =	simm.s32 @!p0 $0x0  }
0x9: {  	s10 =	smov.u32 s4;
	[sflag:s30] =	ssyncpa.u1 $0x0;
	s5 =	sadd.s32 s7, s5  }
0xa: {  	[sflag:s31] =	ssyncpa.u1 $0x0;
	s8 =	simm.s32 $0x0;
	s7 =	sadd.s32 $0x1, s5  }
.LBB2_1:
0xb: {  	p0 =	sge.u32 s9, s5  }
0xc: {  	s31 =	sadd.s32 $0xFFFFFFFF, s9;
	s12 =	sxor.u32 @!p0 $0xFFFFFFFF, s8;
	s13 =	sshrl.u32 @!p0 s10, $0x3  }
0xd: {  	s14 =	sand.u32 @!p0 $0x7, s10;
	s12 =	sand.u32 @!p0 $0x10, s12;
	s13 =	sadd.s32 @!p0 s3, s13  }
0xe: {  	[tilespmem:s12], [sflag:$0x2] =	stream.linear.gather @!p0 [hbm4b:s13+s14], $0x10, $0x38;
	[tilespmem:$0x40] =	vst v63  }
0xf: {  	p0 =	sge.u32 s31, s5  }
0x10: {  	s12 =	simm.s32 @!p0 $0x2  }
0x11: {  	_ =	swait.ge @!p0 [sflag:s12], $0x10  }
0x12: {  	[sflag:s12] =	ssyncset.done @!p0 $0x0  }
0x13: {  	[sflag:s12] =	ssyncadd.s32 @!p0 $0xFFFFFFF0;
	s12 =	sand.u32 @!p0 $0x10, s8  }
0x14: {  	(ifvalue) =	ssetifvalue @!p0 $0x7FFFFFFF;
	v0 =	vld.msk @!p0 [tilespmem:s12+$0x0 ss:$0x1], $0xffff;
	_ =	sdelay $0x4  }
0x15: {  	v1 =	vshrl.u32 @!p0 v0, $0x1;
	vm0 =	veq.s32 @!p0 v0, $0x80000000;
	v2 =	vshrl.u32 @!p0 v0, $0xA  }
0x16: {  	v0 =	vand.u32 @!p0 $0x1, v0;
	v1 =	vand.u32 @!p0 $0x1FF, v1;
	v2 =	vand.u32 @!p0 $0x1FF, v2  }
0x17: {  	vm1 =	veq.s32 @!p0 v0, $0x1;
	v0 =	vimm.s32 @!p0 $0x0;
	v1 =	vsel @!p0 vm0, $0xFFFFFFFF, v1  }
0x18: {  	v2 =	vsel @!p0 vm0, $0xFFFFFFFF, v2;
	v0 =	vsel @!p0 vm1, $0x24000, v0;
	v3 =	vshrl.u32 @!p0 v1, $0x3  }
0x19: {  	v4 =	vand.u32 @!p0 $0x7F, v2;
	v0 =	vsel @!p0 vm0, $0xFFFB8000, v0;
	v3 =	vmul.u32 @!p0 $0xC00, v3  }
0x1a: {  	v2 =	vshll.u32 @!p0 v2, $0x3;
	v0 =	vor.u32 @!p0 v0, v4  }
0x1b: {  	v1 =	vshll.u32 @!p0 v1, $0x7;
	v2 =	vand.u32 @!p0 $0xFFFFFC00, v2;
	v0 =	vadd.s32 @!p0 v3, v0  }
0x1c: {  	v1 =	vand.u32 @!p0 $0x380, v1;
	v0 =	vadd.s32 @!p0 v2, v0  }
0x1d: {  	v0 =	vor.u32 @!p0 v1, v0;
	_ =	sdelay $0x3  }
0x1e: {  	s13 =	simm.s32 @!p0 $0x0;
	s12 =	sor.u32 @!p0 $0x20, s12;
	(ifvalue) =	ssetifvalue @!p0 $0x7FFFFFFF;
	vm0 =	vmmov @!p0 $0xffff  }
0x1f: {  	[tilespmem:s12], [sflag:$0x1] =	stream.indirect_vreg.gather @!p0 [hbm4b:s2+s13], $0x1, v0, vm0, $0x4038;
	[tilespmem:$0x40] =	vst v63  }
0x20: {  	s13 =	simm.s32 @!p0 $0x1  }
0x21: {  	_ =	swait.ge @!p0 [sflag:s13], $0x10  }
0x22: {  	s14 =	sshrl.u32 @!p0 s11, $0x3;
	[sflag:s13] =	ssyncset.done @!p0 $0x0  }
0x23: {  	s11 =	sand.u32 @!p0 $0x7, s11;
	[sflag:s13] =	ssyncadd.s32 @!p0 $0xFFFFFFF0;
	s13 =	sadd.s32 @!p0 s6, s14  }
0x24: {  	[hbm4b:s13+s11] =	stream.linear.scatter @!p0 [tilespmem:s12], [sflag:$0x3], $0x10, $0x38;
	[tilespmem:$0x40] =	vst v63  }
0x25: {  	s13 =	sadd.s32 $0x200, s10  }
0x26: {  	p1 =	sgt.s32 s13, $0xF1F  }
0x27: {  	s13 =	smov.u32 @p1 s4;
	p1 =	sne.s32 s9, s7  }
.Ltmp0:
0x28: {  	p0 =	slt.u32 s9, $0x2;
	(pc) =	sbr.rel @p1 .LBB2_1-.Ltmp0, $4  }
0x29: {  	s12 =	simm.s32 @!p0 $0x3  }
0x2a: {  	_ =	swait.ge @!p0 [sflag:s12], $0x10  }
0x2b: {  	s8 =	sadd.s32 $0x10, s8;
	s11 =	smov.u32 s10;
	[sflag:s12] =	ssyncset.done @!p0 $0x0  }
0x2c: {  	s9 =	sadd.s32 $0x1, s9;
	s10 =	smov.u32 s13;
	[sflag:s12] =	ssyncadd.s32 @!p0 $0xFFFFFFF0  }
0x2d: {  	_ =	sfence.sel $0x180000  }
0x2e: {  	s2 =	simm.s32 $0x2;
	[bflag:$0x0] =	sbarrier.arrive $0xFFFF  }
0x2f: {  	s30 =	simm.s32 $0x3;
	[sflag:s2] =	ssyncpa.u1 $0x1  }
0x30: {  	s31 =	simm.s32 $0x1;
	[sflag:s30] =	ssyncpa.u1 $0x1  }
0x31: {  	[sflag:s31] =	ssyncpa.u1 $0x1  }
0x32: {  	p0 =	sne.s32 s0, $0x0;
	_ =	strace $0x90000050  }
0x33: {  	s0 =	sadd.s32 @!p0 $0x100000, s1;
	[bflag:$0x2] =	sbarrier.arrive $0xFFFF  }
0x34: {  	[sflag:s0] =	ssyncadd.tile.s32 @!p0 $0x1;
	_ =	shalt  }
.Lfunc_end2:
_tile_overlayer_lowered:
.L_overlay_start_2:
0x35: {  	(tag) =	ssettag $0x2  }
0x36: {  	s0 =	rddreg [dreg:$0x0];
	s2 =	stileid.u32  }
0x37: {  	s1 =	rddreg [dreg:$0x1];
	p0 =	sne.s32 s2, $0x0  }
0x38: {  	s3 =	rddreg [dreg:$0x2];
	[bflag:$0x3] =	sbarrier.arrive $0xFFFF;
	s2 =	simm.s32 @!p0 $0x1C01  }
0x39: {  	[timem:s3], [sflag:s2] =	dma.local @!p0 [hbm:s0], s1  }
0x3a: {  	s0 =	simm.s32 @!p0 $0x1  }
0x3b: {  	_ =	swait.ge @!p0 [sflag:s0], s1  }
0x3c: {  	s1 =	ssub.s32 @!p0 $0x0, s1;
	[sflag:s0] =	ssyncset.done @!p0 $0x0  }
0x3d: {  	[sflag:s0] =	ssyncadd.s32 @!p0 s1  }
0x3e: {  	[bflag:$0x3] =	sbarrier.arrive $0xFFFF  }
0x3f: {  	_ =	shalt  }

// kernel: gather_offload_async_start
scs
__scs_entry_jumppad:
0x0: {  	(pc) =	sbr.rel $0x88, $3  }
0x1: {  	(tag) =	ssettag $0x0;
	lr =	simm.s32 $0x1  }
0x2: {  	[smem:$0x3F9D] =	sst lr;
	_ =	strace $0xD0000000  }
0x3: {  	_ = 	snop  }
0x4: {  	_ = 	snop  }
0x5: {  	_ = 	snop  }
0x6: {  	_ = 	snop  }
0x7: {  	_ = 	snop  }
__scs_overlays_trampoline_lowered:
0x8: {  	[smem:$0x3FAC] =	sst s0  }
0x9: {  	[smem:$0x3FAD] =	sst s1  }
0xa: {  	[smem:$0x3FAE] =	sst s2  }
0xb: {  	[smem:$0x3FAF] =	sst s3  }
0xc: {  	[smem:$0x3FB0] =	sst s4  }
0xd: {  	[smem:$0x3FB1] =	sst s5  }
0xe: {  	[smem:$0x3FB2] =	sst s6  }
0xf: {  	[smem:$0x3FB3] =	sst s7  }
0x10: {  	[smem:$0x3FB4] =	sst s8  }
0x11: {  	[smem:$0x3FB5] =	sst s9;
	s0 =	simm.s32 @!p0 $0x0  }
0x12: {  	s1 =	sld [smem:$0x3F9B];
	s0 =	simm.s32 @p0 $0x1  }
0x13: {  	[smem:$0x3FB6] =	sst s0;
	s0 =	simm.s32 @!p1 $0x0  }
0x14: {  	s2 =	sld [smem:$0x3F9A];
	s0 =	simm.s32 @p1 $0x1  }
0x15: {  	[smem:$0x3FB7] =	sst s0;
	s0 =	simm.s32 @!p2 $0x0  }
0x16: {  	s3 =	sld [smem:$0x3FDB];
	s0 =	simm.s32 @p2 $0x1  }
0x17: {  	s4 =	simm.s32 $0x1BF5;
	[smem:$0x3FB9] =	sst s0  }
0x18: {  	s0 =	sld [smem:$0x3F9C];
	_ =	swait.ge [sflag:s4], $0x0  }
0x19: {  	s7 =	sld [smem:$0x3F9D]  }
0x1a: {  	s8 =	sadd.s32 $0xFFFFE003, lr  }
0x1b: {  	s9 =	sadd.s32 $0xFFFFFEF7, lr;
	s5 =	simm.s32 $0xFFFFFFFF;
	p2 =	slt.u32 s8, $0xFFFFF086  }
0x1c: {  	p1 =	slt.u32 s9, $0xF7A;
	s5 =	simm.s32 @!p2 $0x0  }
0x1d: {  	s5 =	simm.s32 @p1 $0x1;
	p0 =	seq.s32 s7, s2  }
0x1e: {  	s7 =	smul.u32 @!p0 $0xF7A, s2;
	p2 =	seq.s32 @!p0 s5, $0x0  }
0x1f: {  	s9 =	smul.u32 $0xF7A, s1;
	s8 =	simm.s32 @!p0 $0x1BF5;
	p2 =	por !p2, p0  }
0x20: {  	[sflag:s8] =	ssyncset.s32 @!p0 $0xFFFFF086;
	s6 =	sadd.s32 @!p0 s3, s7;
	s7 =	simm.s32 @!p0 $0x108  }
0x21: {  	s3 =	sadd.s32 s3, s9;
	s6 =	sadd.s32 @!p0 $0x88, s6;
	s7 =	simm.s32 @p2 $0x1082  }
0x22: {  	[simem:s7], [sflag:s8] =	dma.local @!p0 [hbm:s6], $0xF7A  }
0x23: {  	s9 =	sor.u32 $0xD0000000, s2;
	s6 =	simm.s32 $0x108;
	_ =	swait.ge @!p0 [sflag:s8], $0x0  }
0x24: {  	s3 =	sadd.s32 $0x88, s3;
	s6 =	simm.s32 @!p1 $0x1082;
	[sflag:s4] =	ssyncset.s32 $0xFFFFF086  }
0x25: {  	[simem:s6], [sflag:s4] =	dma.local [hbm:s3], $0xF7A  }
0x26: {  	[smem:$0x3F9D] =	sst s1;
	(tag) =	ssettag s2;
	_ =	strace s9  }
0x27: {  	s1 =	sld [smem:$0x3FAD]  }
0x28: {  	s2 =	sld [smem:$0x3FAE]  }
0x29: {  	s4 =	sld [smem:$0x3FB0]  }
0x2a: {  	p0 =	seq.s32 s5, $0x0;
	s5 =	sld [smem:$0x3FB1]  }
0x2b: {  	s6 =	sld [smem:$0x3FB2]  }
0x2c: {  	s7 =	sld [smem:$0x3FB3]  }
0x2d: {  	s3 =	simm.s32 $0x108;
	s8 =	sld [smem:$0x3FB4]  }
0x2e: {  	s3 =	simm.s32 @!p0 $0x1082;
	s9 =	sld [smem:$0x3FB5]  }
0x2f: {  	lr =	sadd.s32 s0, s3;
	s0 =	sld [smem:$0x3FAC]  }
0x30: {  	s3 =	sld [smem:$0x3FAF]  }
0x31: {  	[smem:$0x3FB8] =	sst s10  }
0x32: {  	s10 =	sld [smem:$0x3FB6];
	_ =	sdelay $0x3  }
0x33: {  	p0 =	seq.s32 s10, $0x1;
	s10 =	sld [smem:$0x3FB8];
	_ =	sdelay $0x3  }
0x34: {  	[smem:$0x3FB8] =	sst s10  }
0x35: {  	s10 =	sld [smem:$0x3FB7];
	_ =	sdelay $0x3  }
0x36: {  	p1 =	seq.s32 s10, $0x1;
	s10 =	sld [smem:$0x3FB8];
	_ =	sdelay $0x3  }
0x37: {  	[smem:$0x3FB8] =	sst s10  }
0x38: {  	s10 =	sld [smem:$0x3FB9]  }
0x39: {  	_ = 	snop;
	(pc) =	sbr.ind lr, $3  }
0x3a: {  	_ = 	snop  }
0x3b: {  	_ = 	snop  }
0x3c: {  	p2 =	seq.s32 s10, $0x1;
	s10 =	sld [smem:$0x3FB8]  }
0x3d: {  	_ =	shalt  }
0x3e: {  	_ =	shalt  }
0x3f: {  	_ =	shalt  }
0x40: {  	_ =	shalt  }
0x41: {  	_ =	shalt  }
0x42: {  	_ =	shalt  }
0x43: {  	_ =	shalt  }
0x44: {  	_ =	shalt  }
0x45: {  	_ =	shalt  }
0x46: {  	_ =	shalt  }
0x47: {  	_ =	shalt  }
0x48: {  	_ =	shalt  }
0x49: {  	_ =	shalt  }
0x4a: {  	_ =	shalt  }
0x4b: {  	_ =	shalt  }
0x4c: {  	_ =	shalt  }
0x4d: {  	_ =	shalt  }
0x4e: {  	_ =	shalt  }
0x4f: {  	_ =	shalt  }
0x50: {  	_ =	shalt  }
0x51: {  	_ =	shalt  }
0x52: {  	_ =	shalt  }
0x53: {  	_ =	shalt  }
0x54: {  	_ =	shalt  }
0x55: {  	_ =	shalt  }
0x56: {  	_ =	shalt  }
0x57: {  	_ =	shalt  }
0x58: {  	_ =	shalt  }
0x59: {  	_ =	shalt  }
0x5a: {  	_ =	shalt  }
0x5b: {  	_ =	shalt  }
0x5c: {  	_ =	shalt  }
0x5d: {  	_ =	shalt  }
0x5e: {  	_ =	shalt  }
0x5f: {  	_ =	shalt  }
0x60: {  	_ =	shalt  }
0x61: {  	_ =	shalt  }
0x62: {  	_ =	shalt  }
0x63: {  	_ =	shalt  }
0x64: {  	_ =	shalt  }
0x65: {  	_ =	shalt  }
0x66: {  	_ =	shalt  }
0x67: {  	_ =	shalt  }
0x68: {  	_ =	shalt  }
0x69: {  	_ =	shalt  }
0x6a: {  	_ =	shalt  }
0x6b: {  	_ =	shalt  }
0x6c: {  	_ =	shalt  }
0x6d: {  	_ =	shalt  }
0x6e: {  	_ =	shalt  }
0x6f: {  	_ =	shalt  }
0x70: {  	_ =	shalt  }
0x71: {  	_ =	shalt  }
0x72: {  	_ =	shalt  }
0x73: {  	_ =	shalt  }
0x74: {  	_ =	shalt  }
0x75: {  	_ =	shalt  }
0x76: {  	_ =	shalt  }
0x77: {  	_ =	shalt  }
0x78: {  	_ =	shalt  }
0x79: {  	_ =	shalt  }
0x7a: {  	_ =	shalt  }
0x7b: {  	_ =	shalt  }
0x7c: {  	_ =	shalt  }
0x7d: {  	_ =	shalt  }
0x7e: {  	_ =	shalt  }
0x7f: {  	_ =	shalt  }
0x80: {  	_ =	shalt  }
0x81: {  	_ =	shalt  }
0x82: {  	_ =	shalt  }
0x83: {  	_ =	shalt  }
0x84: {  	_ =	shalt  }
0x85: {  	_ =	shalt  }
0x86: {  	_ =	shalt  }
0x87: {  	_ =	shalt  }
.Lfunc_end0:
.L_simem_size_0:
called_computation.1_lowered:
.L_overlay_start_0:
0x88: {  	s2 =	sld [smem:$0x3FD9]  }
0x89: {  	s3 =	sld [smem:$0x3FFE];
	_ =	sdelay $0x1  }
0x8a: {  	s1 =	srdreg.scid  }
0x8b: {  	s0 =	sand.u32 $0x1, s1  }
0x8c: {  	s15 =	sshll.u32 s0, $0xA;
	s2 =	sadd.s32 s3, s2  }
0x8d: {  	s2 =	sadd.s32 s2, s15  }
0x8e: {  	[smem:$0x3FC4] =	sst s2  }
0x8f: {  	_ = 	snop  }
0x90: {  	s2 =	sld [smem:$0x3FD0];
	_ =	sdelay $0x2  }
0x91: {  	s16 =	simm.s32 $0xD;
	s4 =	simm.s32 $0x10  }
0x92: {  	[smem:s4], [sflag:s16] =	dma.local [hbm:s2], $0x1  }
0x93: {  	_ =	swait.eq [sflag:s16], $0x1  }
0x94: {  	[sflag:s16] =	ssyncset.done $0x0  }
0x95: {  	[sflag:s16] =	ssyncadd.s32 $0xFFFFFFFF  }
0x96: {  	s17 =	sld [smem:$0x13];
	(tm) =	ssettm $0x1  }
0x97: {  	s18 =	sld [smem:$0x3FFB];
	_ =	sdelay $0x3  }
0x98: {  	_ =	strace s18  }
0x99: {  	s2 =	sld [smem:$0x3FFC];
	_ =	sdelay $0x3  }
0x9a: {  	_ =	strace s2  }
0x9b: {  	s2 =	sld [smem:$0x3FFD];
	_ =	sdelay $0x3  }
0x9c: {  	_ =	strace s2  }
0x9d: {  	_ =	strace $0x8FFFFFFF  }
0x9e: {  	s19 =	sld [smem:$0x3FDB];
	_ =	sdelay $0x1  }
0x9f: {  	s20 =	simm.s32 $_scs_section_size  }
0xa0: {  	s5 =	simm.s32 $_size__tile_overlayer_lowered;
	s6 =	simm.s32 $_tile_overlayer_lowered  }
0xa1: {  	s7 =	simm.s32 $0x1BFF;
	s21 =	sshll.u32 s6, $0x1;
	s4 =	sadd.s32 s20, s19  }
0xa2: {  	s22 =	simm.s32 $0x0;
	s5 =	sshll.u32 s5, $0x1;
	s6 =	sadd.s32 s21, s4  }
0xa3: {  	[timem:s22], [sflag:s7] =	dma.local [hbm:s6], s5  }
0xa4: {  	_ =	swait.ge [sflag:s7], s5  }
0xa5: {  	s5 =	ssub.s32 $0x0, s5;
	[sflag:s7] =	ssyncset.done $0x0  }
0xa6: {  	[sflag:s7] =	ssyncadd.s32 s5;
	_ =	sdelay $0x1  }
0xa7: {  	s23 =	simm.s32 $0x1B8B  }
0xa8: {  	_ =	swait.ge [sflag:s23], $0x1  }
0xa9: {  	[sflag:s23] =	ssyncset.done $0x0  }
0xaa: {  	[sflag:s23] =	ssyncadd.s32 $0xFFFFFFFF  }
0xab: {  	s5 =	sld [smem:$0x0]  }
0xac: {  	s6 =	sand.u32 $0xFFFFFFFE, s1  }
0xad: {  	p0 =	sne.s32 s1, s6  }
0xae: {  	s6 =	sshll.u32 @p0 s6, $0xE  }
0xaf: {  	s6 =	sadd.s32 @p0 $0x11B8D, s6;
	s7 =	sshll.u32 @p0 s5, $0x11  }
0xb0: {  	s6 =	sor.u32 @p0 s7, s6  }
0xb1: {  	[sflag:s6] =	ssyncadd.remote.s32 @p0 $0x1;
	_ =	sdelay $0x1  }
0xb2: {  	s6 =	simm.s32 @p0 $0x1B8D  }
0xb3: {  	_ =	swait.eq @p0 [sflag:s6], $0x1  }
0xb4: {  	[sflag:s6] =	ssyncadd.s32 @p0 $0xFFFFFFFF  }
0xb5: {  	s7 =	sshll.u32 @!p0 s1, $0xE  }
0xb6: {  	s7 =	sor.u32 @!p0 $0x4000, s7;
	s6 =	simm.s32 @!p0 $0x1B8D  }
0xb7: {  	s5 =	sshll.u32 @!p0 s5, $0x11;
	s7 =	sadd.s32 @!p0 $0x11B8D, s7;
	_ =	swait.eq @!p0 [sflag:s6], $0x1  }
0xb8: {  	s5 =	sor.u32 @!p0 s5, s7;
	[sflag:s6] =	ssyncadd.s32 @!p0 $0xFFFFFFFF  }
0xb9: {  	s25 =	simm.s32 $0x1B8E;
	s24 =	sld [smem:$0x3FFE];
	[sflag:s5] =	ssyncadd.remote.s32 @!p0 $0x1  }
0xba: {  	s26 =	simm.s32 $execute0_lowered;
	[smem:$0x3FD2] =	sst s25  }
0xbb: {  	s6 =	sshll.u32 s26, $0x1;
	_ =	strace $0x80000049;
	[dreg:$0x1] =	wrdreg $0xFFFFFFFF  }
0xbc: {  	s28 =	simm.s32 $_size_execute0_lowered;
	s4 =	sadd.s32 s4, s6;
	[dreg:$0x0] =	wrdreg $0x0  }
0xbd: {  	s6 =	sshll.u32 s28, $0x1;
	[dreg:$0x2] =	wrdreg s4  }
0xbe: {  	[dreg:$0x3] =	wrdreg s6  }
0xbf: {  	[dreg:$0x4] =	wrdreg $0xC0  }
0xc0: {  	_ =	task [dreg:s22], $0x5FFFF  }
0xc1: {  	[dreg:$0x1] =	wrdreg $0xFFFFFFFF  }
0xc2: {  	[dreg:$0x0] =	wrdreg $0x60  }
0xc3: {  	[dreg:$0x2] =	wrdreg s24  }
0xc4: {  	[dreg:$0x3] =	wrdreg s17  }
0xc5: {  	[dreg:$0x4] =	wrdreg $0xA  }
0xc6: {  	_ =	task.clear_ibuf [dreg:s22], $0x5FFFF;
	_ =	strace $0x90000049  }
0xc7: {  	s29 =	simm.s32 $0xA;
	_ =	strace $0x8000004B  }
0xc8: {  	_ =	swait.ge [sflag:s29], $0x1  }
0xc9: {  	[sflag:s29] =	ssyncadd.s32 $0xFFFFFFFF  }
0xca: {  	_ =	strace $0x9000004B  }
0xcb: {  	_ =	sfence  }
0xcc: {  	s30 =	sld [smem:$0x0];
	_ =	sdelay $0x2  }
0xcd: {  	s31 =	sshll.u32 s1, $0xD;
	s1 =	sshrl.u32 s1, $0x2  }
0xce: {  	s4 =	sand.u32 $0x4000, s31;
	s1 =	sadd.s32 s1, s30  }
0xcf: {  	s0 =	sor.u32 s4, s0;
	s1 =	sshll.u32 s1, $0x11  }
0xd0: {  	s0 =	sor.u32 s1, s0  }
0xd1: {  	s0 =	sadd.s32 $0x8F2B, s0  }
0xd2: {  	[sflag:s0] =	ssyncadd.remote.s32 $0x1  }
0xd3: {  	_ =	sfence.sel $0xFFFF  }
0xd4: {  	[dreg:$0x0] =	wrdreg $0xFFFFFFFF;
	(pc) =	sbr.abs _section_cstart, $3  }
0xd5: {  	[dreg:$0x1] =	wrdreg $0xFFFFFFFF  }
0xd6: {  	_ =	task.clear_ibuf [dreg:s22], $0x2FFFF;
	_ =	strace $0x9FFFFFFF  }
0xd7: {  	(tm) =	ssettm $0x7FFFFFFF  }
tec
execute0_lowered:
.L_overlay_start_1:
0x0: {  	(tag) =	ssettag $0x1  }
0x1: {  	s0 =	srdreg.scid  }
0x2: {  	s1 =	sshll.u32 s0, $0x4  }
0x3: {  	s0 =	stileid.u32;
	s1 =	sand.u32 $0x10, s1  }
0x4: {  	s2 =	sor.u32 s0, s1  }
0x5: {  	s1 =	smin.u32 s2, $0xC  }
0x6: {  	s1 =	sadd.s32 s2, s1  }
0x7: {  	p0 =	slt.u32 s2, $0xC;
	s2 =	simm.s32 $0xB0;
	s1 =	smul.u32 $0x58, s1  }
0x8: {  	s2 =	simm.s32 @!p0 $0x58  }
0x9: {  	s2 =	sadd.s32 s2, s1  }
0xa: {  	s3 =	smin.u32 s2, $0xF20  }
0xb: {  	s7 =	ssub.s32 s3, s1  }
0xc: {  	p0 =	sgt.s32 s7, $0x0  }
0xd: {  	s7 =	simm.s32 @!p0 $0x0  }
0xe: {  	s9 =	rddreg [dreg:$0x0];
	s31 =	smul.u32 $0xBA2F, s7  }
0xf: {  	s4 =	rddreg [dreg:$0x1];
	s6 =	simm.s32 $0x1  }
0x10: {  	s11 =	simm.s32 $0x3;
	s13 =	simm.s32 $0x0;
	s8 =	sshrl.u32 s31, $0x16  }
0x11: {  	s12 =	simm.s32 $0x0;
	s5 =	sadd.s32 $0x4400, s9;
	s10 =	smul.u32 $0x58, s8  }
.Ltmp0:
0x12: {  	s9 =	sadd.s32 $0x484400, s9;
	s2 =	rddreg [dreg:$0x2];
	(pc) =	sbr.rel .LBB2_1-.Ltmp0, $4  }
0x13: {  	_ =	strace $0x8000004A;
	p0 =	sne.s32 s7, s10;
	s10 =	simm.s32 $0x1  }
0x14: {  	[sflag:s6] =	ssyncpa.u1 $0x0;
	s7 =	simm.s32 $0x2;
	s10 =	simm.s32 @!p0 $0x0  }
0x15: {  	[sflag:s7] =	ssyncpa.u1 $0x0;
	p0 =	por $0x0, $0x0;
	s8 =	sadd.s32 s8, s10  }
0x16: {  	v0 =	vimm.s32 $0x0;
	vm0 =	vmmov $0xff;
	vm1 =	vcmask $0x3F20;
	[sflag:s11] =	ssyncpa.u1 $0x0;
	s11 =	smov.u32 s1;
	s10 =	sadd.s32 $0x1, s8  }
.LBB2_6:
0x17: {  	[hbm:s17] =	stream.linear.scatter [tilespmem:s14], [sflag:$0x3], $0x400, $0x38;
	[tilespmem:$0x58B0] =	vst v63  }
.LBB2_7:
0x18: {  	s13 =	sadd.s32 $0x58, s11  }
0x19: {  	s15 =	smov.u32 s1;
	p2 =	slt.s32 s13, s3  }
0x1a: {  	s15 =	smov.u32 @p2 s13;
	p2 =	sne.s32 s12, s10  }
.Ltmp1:
0x1b: {  	p1 =	slt.u32 s12, $0x2;
	(pc) =	sbr.rel @!p2 .LBB2_8-.Ltmp1, $4  }
0x1c: {  	s14 =	simm.s32 @!p1 $0x3  }
0x1d: {  	s16 =	sadd.s32 $0x1, s12;
	_ =	swait.ge @!p1 [sflag:s14], $0x2C00  }
0x1e: {  	p0 =	por !p0, !p0;
	s13 =	smov.u32 s11;
	[sflag:s14] =	ssyncset.done @!p1 $0x0  }
0x1f: {  	s12 =	smov.u32 s16;
	s11 =	smov.u32 s15;
	[sflag:s14] =	ssyncadd.s32 @!p1 $0xFFFFD400  }
.LBB2_1:
0x20: {  	p1 =	sge.u32 s12, s8  }
0x21: {  	s14 =	sxor.u32 @!p1 $0xFFFFFFFF, s12  }
0x22: {  	s14 =	sand.u32 @!p1 $0x1, s14  }
0x23: {  	s14 =	smul.u32 @!p1 $0x160, s14  }
0x24: {  	s31 =	sadd.s32 $0xFFFFFFFF, s12;
	s15 =	sshrl.u32 @!p1 s11, $0x3  }
0x25: {  	s16 =	sand.u32 @!p1 $0x7, s11;
	s15 =	sadd.s32 @!p1 s4, s15;
	s14 =	sshrl.u32 @!p1 s14, $0x2  }
0x26: {  	[tilespmem:s14], [sflag:$0x2] =	stream.linear.gather @!p1 [hbm4b:s15+s16], $0x58, $0x38;
	[tilespmem:$0x58B0] =	vst v63  }
0x27: {  	p1 =	sge.u32 s31, s8  }
.Ltmp2:
0x28: {  	_ = 	snop;
	(pc) =	sbr.rel @p1 .LBB2_7-.Ltmp2, $1  }
0x29: {  	_ =	sdelay $0x3  }
0x2a: {  	s14 =	simm.s32 $0x1  }
0x2b: {  	s14 =	simm.s32 @!p0 $0x0  }
0x2c: {  	s15 =	smul.u32 $0x160, s14  }
0x2d: {  	_ =	swait.ge [sflag:s7], $0x58  }
0x2e: {  	[sflag:s7] =	ssyncset.done $0x0;
	s17 =	sshrl.u32 s15, $0x2  }
0x2f: {  	[sflag:s7] =	ssyncadd.s32 $0xFFFFFFA8;
	s15 =	sadd.s32 $0x0, s17  }
0x30: {  	v1 =	vld.msk [tilespmem:s15+$0x0 ss:$0x1], $0xffff;
	_ =	sdelay $0x4  }
0x31: {  	v2 =	vshrl.u32 v1, $0x1  }
0x32: {  	v3 =	vand.u32 $0x1, v1;
	v2 =	vand.u32 $0x1FF, v2  }
0x33: {  	vm2 =	veq.s32 v3, $0x1;
	v3 =	vshrl.u32 v1, $0x3;
	v2 =	vmul.u32 $0xC000, v2  }
0x34: {  	vm3 =	veq.s32 v1, $0x80000000;
	v1 =	vsel vm2, $0x1200000, v0;
	v3 =	vand.u32 $0xFF80, v3  }
0x35: {  	v1 =	vadd.s32 v1, v2;
	v2 =	vsel vm3, $0xFFFFFF80, v3  }
0x36: {  	v1 =	vsel vm3, $0xFEDF4000, v1;
	v3 =	vand.u32 $0xFFFFFC00, v2  }
0x37: {  	v2 =	vand.u32 $0x380, v2;
	v1 =	vadd.s32 v3, v1  }
0x38: {  	v1 =	vor.u32 v2, v1  }
0x39: {  	v1 =	vshrl.u32 v1, $0x3  }
0x3a: {  	s14 =	smul.u32 $0xB000, s14  }
0x3b: {  	s31 =	sand.u32 $0x1, s12  }
0x3c: {  	s16 =	smul.u32 $0x160, s31;
	s14 =	sshrl.u32 s14, $0x2  }
0x3d: {  	s19 =	smul.u32 $0xB000, s31;
	s14 =	sor.u32 $0xB0, s14  }
0x3e: {  	[tilespmem:s14], [sflag:$0x1] =	stream.indirect_vreg.gather [hbm:s5], $0x80, v1, vm0, $0x38;
	[tilespmem:$0x58B0] =	vst v63  }
0x3f: {  	s18 =	sshrl.u32 s16, $0x2;
	s20 =	sadd.s32 $0x10, s17;
	s15 =	sadd.s32 $0x400, s14  }
0x40: {  	[tilespmem:s15], [sflag:$0x1] =	stream.indirect_vreg.gather [hbm:s5], $0x80, v1, vm1, $0x38;
	[tilespmem:$0x58B0] =	vst v63  }
0x41: {  	s16 =	sshrl.u32 s19, $0x2;
	s19 =	smov.u32 s14;
	v1 =	vld.msk [tilespmem:s20+$0x0 ss:$0x1], $0xffff;
	s20 =	simm.s32 $0x80  }
.LBB2_3:
0x42: {  	p1 =	sne.s32 s20, $0x100;
	_ =	sdelay $0x4  }
0x43: {  	v2 =	vshrl.u32 v1, $0x1  }
0x44: {  	v3 =	vand.u32 $0x1, v1;
	v2 =	vand.u32 $0x1FF, v2  }
0x45: {  	vm2 =	veq.s32 v3, $0x1;
	v3 =	vshrl.u32 v1, $0x3;
	v2 =	vmul.u32 $0xC000, v2  }
0x46: {  	vm3 =	veq.s32 v1, $0x80000000;
	v1 =	vsel vm2, $0x1200000, v0;
	v3 =	vand.u32 $0xFF80, v3  }
0x47: {  	v1 =	vadd.s32 v1, v2;
	v2 =	vsel vm3, $0xFFFFFF80, v3  }
0x48: {  	v1 =	vsel vm3, $0xFEDF4000, v1;
	v3 =	vand.u32 $0xFFFFFC00, v2  }
0x49: {  	v2 =	vand.u32 $0x380, v2;
	v1 =	vadd.s32 v3, v1  }
0x4a: {  	v1 =	vor.u32 v2, v1  }
0x4b: {  	v1 =	vshrl.u32 v1, $0x3;
	_ =	sdelay $0x3  }
.Ltmp3:
0x4c: {  	s21 =	sshra.s32 s20, $0x2;
	s19 =	sadd.s32 $0x800, s19;
	(pc) =	sbr.rel @p1 .LBB2_3-.Ltmp3, $4  }
0x4d: {  	[tilespmem:s19], [sflag:$0x1] =	stream.indirect_vreg.gather [hbm:s5], $0x80, v1, vm0, $0x38;
	[tilespmem:$0x58B0] =	vst v63  }
0x4e: {  	s21 =	sadd.s32 s21, s17;
	s22 =	sadd.s32 $0x400, s19  }
0x4f: {  	[tilespmem:s22], [sflag:$0x1] =	stream.indirect_vreg.gather [hbm:s5], $0x80, v1, vm1, $0x38;
	[tilespmem:$0x58B0] =	vst v63  }
0x50: {  	s20 =	sadd.s32 $0x40, s20;
	v1 =	vld.msk [tilespmem:s21+$0x0 ss:$0x1], $0xffff  }
0x51: {  	_ =	sdelay $0x3  }
0x52: {  	v2 =	vshrl.u32 v1, $0x1  }
0x53: {  	v3 =	vand.u32 $0x1, v1;
	v2 =	vand.u32 $0x1FF, v2  }
0x54: {  	vm2 =	veq.s32 v3, $0x1;
	v3 =	vshrl.u32 v1, $0x3;
	v2 =	vmul.u32 $0xC000, v2  }
0x55: {  	vm3 =	veq.s32 v1, $0x80000000;
	v1 =	vsel vm2, $0x1200000, v0;
	v3 =	vand.u32 $0xFF80, v3  }
0x56: {  	v1 =	vadd.s32 v1, v2;
	v2 =	vsel vm3, $0xFFFFFF80, v3  }
0x57: {  	v1 =	vsel vm3, $0xFEDF4000, v1;
	v3 =	vand.u32 $0xFFFFFC00, v2  }
0x58: {  	v2 =	vand.u32 $0x380, v2;
	v1 =	vadd.s32 v3, v1  }
0x59: {  	v1 =	vor.u32 v2, v1  }
0x5a: {  	v1 =	vshrl.u32 v1, $0x3;
	_ =	sdelay $0x3  }
0x5b: {  	s17 =	sadd.s32 $0x800, s19  }
0x5c: {  	[tilespmem:s17], [sflag:$0x1] =	stream.indirect_vreg.gather [hbm:s5], $0x80, v1, vm0, $0x38;
	[tilespmem:$0x58B0] =	vst v63  }
0x5d: {  	s17 =	sadd.s32 $0x400, s17  }
0x5e: {  	[tilespmem:s17], [sflag:$0x1] =	stream.indirect_vreg.gather [hbm:s5], $0x80, v1, vm1, $0x38;
	[tilespmem:$0x58B0] =	vst v63  }
0x5f: {  	v1 =	vld.msk [tilespmem:s18+$0x50 ss:$0x1], $0xff;
	_ =	sdelay $0x4  }
0x60: {  	v2 =	vshrl.u32 v1, $0x1  }
0x61: {  	v3 =	vand.u32 $0x1, v1;
	v2 =	vand.u32 $0x1FF, v2  }
0x62: {  	vm2 =	veq.s32 v3, $0x1;
	v3 =	vshrl.u32 v1, $0x3;
	v2 =	vmul.u32 $0xC000, v2  }
0x63: {  	vm3 =	veq.s32 v1, $0x80000000;
	v1 =	vsel vm2, $0x1200000, v0;
	v3 =	vand.u32 $0xFF80, v3  }
0x64: {  	v1 =	vadd.s32 v1, v2;
	v2 =	vsel vm3, $0xFFFFFF80, v3  }
0x65: {  	v1 =	vsel vm3, $0xFEDF4000, v1;
	v3 =	vand.u32 $0xFFFFFC00, v2  }
0x66: {  	v2 =	vand.u32 $0x380, v2;
	v1 =	vadd.s32 v3, v1  }
0x67: {  	v1 =	vor.u32 v2, v1  }
0x68: {  	v1 =	vshrl.u32 v1, $0x3;
	_ =	sdelay $0x3  }
0x69: {  	s16 =	sadd.s32 $0x28B0, s16  }
0x6a: {  	[tilespmem:s16], [sflag:$0x1] =	stream.indirect_vreg.gather [hbm:s5], $0x80, v1, vm0, $0x38;
	[tilespmem:$0x58B0] =	vst v63  }
0x6b: {  	s13 =	sshll.u32 s13, $0x4;
	_ =	swait.ge [sflag:s6], $0x2C00  }
0x6c: {  	s13 =	sadd.s32 s13, s9;
	[sflag:s6] =	ssyncset.done $0x0  }
0x6d: {  	s17 =	sadd.s32 $0x0, s13;
	s16 =	simm.s32 $0x80;
	[sflag:s6] =	ssyncadd.s32 $0xFFFFD400  }
.LBB2_5:
0x6e: {  	[hbm:s17] =	stream.linear.scatter [tilespmem:s14], [sflag:$0x3], $0x400, $0x38;
	[tilespmem:$0x58B0] =	vst v63  }
0x6f: {  	s17 =	smov.u32 s16;
	s14 =	smov.u32 s15;
	p1 =	sne.s32 s16, $0x500  }
.Ltmp4:
0x70: {  	s16 =	sadd.s32 $0x80, s16;
	(pc) =	sbr.rel @p1 .LBB2_5-.Ltmp4, $2  }
0x71: {  	_ =	sdelay $0x2  }
0x72: {  	s15 =	sadd.s32 $0x400, s15;
	s17 =	sadd.s32 s17, s13  }
.Ltmp5:
0x73: {  	_ = 	snop;
	(pc) =	sbr.rel .LBB2_6-.Ltmp5, $1  }
0x74: {  	_ =	sdelay $0x3  }
.LBB2_8:
0x75: {  	_ =	sfence.sel $0x180000  }
0x76: {  	s1 =	simm.s32 $0x2;
	[bflag:$0x0] =	sbarrier.arrive $0xFFFF  }
0x77: {  	s30 =	simm.s32 $0x3;
	[sflag:s1] =	ssyncpa.u1 $0x1  }
0x78: {  	s31 =	simm.s32 $0x1;
	[sflag:s30] =	ssyncpa.u1 $0x1  }
0x79: {  	[sflag:s31] =	ssyncpa.u1 $0x1  }
0x7a: {  	p0 =	sne.s32 s0, $0x0;
	_ =	strace $0x9000004A  }
0x7b: {  	s0 =	sadd.s32 @!p0 $0x100000, s2;
	[bflag:$0x2] =	sbarrier.arrive $0xFFFF  }
0x7c: {  	[sflag:s0] =	ssyncadd.tile.s32 @!p0 $0x1;
	_ =	shalt  }
.Lfunc_end2:
_tile_overlayer_lowered:
.L_overlay_start_2:
0x7d: {  	(tag) =	ssettag $0x2  }
0x7e: {  	s0 =	rddreg [dreg:$0x0];
	s2 =	stileid.u32  }
0x7f: {  	s1 =	rddreg [dreg:$0x1];
	p0 =	sne.s32 s2, $0x0  }
0x80: {  	s3 =	rddreg [dreg:$0x2];
	[bflag:$0x3] =	sbarrier.arrive $0xFFFF;
	s2 =	simm.s32 @!p0 $0x1C01  }
0x81: {  	[timem:s3], [sflag:s2] =	dma.local @!p0 [hbm:s0], s1  }
0x82: {  	s0 =	simm.s32 @!p0 $0x1  }
0x83: {  	_ =	swait.ge @!p0 [sflag:s0], s1  }
0x84: {  	s1 =	ssub.s32 @!p0 $0x0, s1;
	[sflag:s0] =	ssyncset.done @!p0 $0x0  }
0x85: {  	[sflag:s0] =	ssyncadd.s32 @!p0 s1  }
0x86: {  	[bflag:$0x3] =	sbarrier.arrive $0xFFFF  }
0x87: {  	_ =	shalt  }

// kernel: kernel.4.cloned.1.call-start
scs
__scs_entry_jumppad:
0x0: {  	(pc) =	sbr.rel $0x88, $3  }
0x1: {  	(tag) =	ssettag $0x0;
	lr =	simm.s32 $0x1  }
0x2: {  	[smem:$0x3F9D] =	sst lr;
	_ =	strace $0xD0000000  }
0x3: {  	_ = 	snop  }
0x4: {  	_ = 	snop  }
0x5: {  	_ = 	snop  }
0x6: {  	_ = 	snop  }
0x7: {  	_ = 	snop  }
__scs_overlays_trampoline_lowered:
0x8: {  	[smem:$0x3FAC] =	sst s0  }
0x9: {  	[smem:$0x3FAD] =	sst s1  }
0xa: {  	[smem:$0x3FAE] =	sst s2  }
0xb: {  	[smem:$0x3FAF] =	sst s3  }
0xc: {  	[smem:$0x3FB0] =	sst s4  }
0xd: {  	[smem:$0x3FB1] =	sst s5  }
0xe: {  	[smem:$0x3FB2] =	sst s6  }
0xf: {  	[smem:$0x3FB3] =	sst s7  }
0x10: {  	[smem:$0x3FB4] =	sst s8  }
0x11: {  	[smem:$0x3FB5] =	sst s9;
	s0 =	simm.s32 @!p0 $0x0  }
0x12: {  	s1 =	sld [smem:$0x3F9B];
	s0 =	simm.s32 @p0 $0x1  }
0x13: {  	[smem:$0x3FB6] =	sst s0;
	s0 =	simm.s32 @!p1 $0x0  }
0x14: {  	s2 =	sld [smem:$0x3F9A];
	s0 =	simm.s32 @p1 $0x1  }
0x15: {  	[smem:$0x3FB7] =	sst s0;
	s0 =	simm.s32 @!p2 $0x0  }
0x16: {  	s3 =	sld [smem:$0x3FDB];
	s0 =	simm.s32 @p2 $0x1  }
0x17: {  	s4 =	simm.s32 $0x1BF5;
	[smem:$0x3FB9] =	sst s0  }
0x18: {  	s0 =	sld [smem:$0x3F9C];
	_ =	swait.ge [sflag:s4], $0x0  }
0x19: {  	s7 =	sld [smem:$0x3F9D]  }
0x1a: {  	s8 =	sadd.s32 $0xFFFFE003, lr  }
0x1b: {  	s9 =	sadd.s32 $0xFFFFFEF7, lr;
	s5 =	simm.s32 $0xFFFFFFFF;
	p2 =	slt.u32 s8, $0xFFFFF086  }
0x1c: {  	p1 =	slt.u32 s9, $0xF7A;
	s5 =	simm.s32 @!p2 $0x0  }
0x1d: {  	s5 =	simm.s32 @p1 $0x1;
	p0 =	seq.s32 s7, s2  }
0x1e: {  	s7 =	smul.u32 @!p0 $0xF7A, s2;
	p2 =	seq.s32 @!p0 s5, $0x0  }
0x1f: {  	s9 =	smul.u32 $0xF7A, s1;
	s8 =	simm.s32 @!p0 $0x1BF5;
	p2 =	por !p2, p0  }
0x20: {  	[sflag:s8] =	ssyncset.s32 @!p0 $0xFFFFF086;
	s6 =	sadd.s32 @!p0 s3, s7;
	s7 =	simm.s32 @!p0 $0x108  }
0x21: {  	s3 =	sadd.s32 s3, s9;
	s6 =	sadd.s32 @!p0 $0x88, s6;
	s7 =	simm.s32 @p2 $0x1082  }
0x22: {  	[simem:s7], [sflag:s8] =	dma.local @!p0 [hbm:s6], $0xF7A  }
0x23: {  	s9 =	sor.u32 $0xD0000000, s2;
	s6 =	simm.s32 $0x108;
	_ =	swait.ge @!p0 [sflag:s8], $0x0  }
0x24: {  	s3 =	sadd.s32 $0x88, s3;
	s6 =	simm.s32 @!p1 $0x1082;
	[sflag:s4] =	ssyncset.s32 $0xFFFFF086  }
0x25: {  	[simem:s6], [sflag:s4] =	dma.local [hbm:s3], $0xF7A  }
0x26: {  	[smem:$0x3F9D] =	sst s1;
	(tag) =	ssettag s2;
	_ =	strace s9  }
0x27: {  	s1 =	sld [smem:$0x3FAD]  }
0x28: {  	s2 =	sld [smem:$0x3FAE]  }
0x29: {  	s4 =	sld [smem:$0x3FB0]  }
0x2a: {  	p0 =	seq.s32 s5, $0x0;
	s5 =	sld [smem:$0x3FB1]  }
0x2b: {  	s6 =	sld [smem:$0x3FB2]  }
0x2c: {  	s7 =	sld [smem:$0x3FB3]  }
0x2d: {  	s3 =	simm.s32 $0x108;
	s8 =	sld [smem:$0x3FB4]  }
0x2e: {  	s3 =	simm.s32 @!p0 $0x1082;
	s9 =	sld [smem:$0x3FB5]  }
0x2f: {  	lr =	sadd.s32 s0, s3;
	s0 =	sld [smem:$0x3FAC]  }
0x30: {  	s3 =	sld [smem:$0x3FAF]  }
0x31: {  	[smem:$0x3FB8] =	sst s10  }
0x32: {  	s10 =	sld [smem:$0x3FB6];
	_ =	sdelay $0x3  }
0x33: {  	p0 =	seq.s32 s10, $0x1;
	s10 =	sld [smem:$0x3FB8];
	_ =	sdelay $0x3  }
0x34: {  	[smem:$0x3FB8] =	sst s10  }
0x35: {  	s10 =	sld [smem:$0x3FB7];
	_ =	sdelay $0x3  }
0x36: {  	p1 =	seq.s32 s10, $0x1;
	s10 =	sld [smem:$0x3FB8];
	_ =	sdelay $0x3  }
0x37: {  	[smem:$0x3FB8] =	sst s10  }
0x38: {  	s10 =	sld [smem:$0x3FB9]  }
0x39: {  	_ = 	snop;
	(pc) =	sbr.ind lr, $3  }
0x3a: {  	_ = 	snop  }
0x3b: {  	_ = 	snop  }
0x3c: {  	p2 =	seq.s32 s10, $0x1;
	s10 =	sld [smem:$0x3FB8]  }
0x3d: {  	_ =	shalt  }
0x3e: {  	_ =	shalt  }
0x3f: {  	_ =	shalt  }
0x40: {  	_ =	shalt  }
0x41: {  	_ =	shalt  }
0x42: {  	_ =	shalt  }
0x43: {  	_ =	shalt  }
0x44: {  	_ =	shalt  }
0x45: {  	_ =	shalt  }
0x46: {  	_ =	shalt  }
0x47: {  	_ =	shalt  }
0x48: {  	_ =	shalt  }
0x49: {  	_ =	shalt  }
0x4a: {  	_ =	shalt  }
0x4b: {  	_ =	shalt  }
0x4c: {  	_ =	shalt  }
0x4d: {  	_ =	shalt  }
0x4e: {  	_ =	shalt  }
0x4f: {  	_ =	shalt  }
0x50: {  	_ =	shalt  }
0x51: {  	_ =	shalt  }
0x52: {  	_ =	shalt  }
0x53: {  	_ =	shalt  }
0x54: {  	_ =	shalt  }
0x55: {  	_ =	shalt  }
0x56: {  	_ =	shalt  }
0x57: {  	_ =	shalt  }
0x58: {  	_ =	shalt  }
0x59: {  	_ =	shalt  }
0x5a: {  	_ =	shalt  }
0x5b: {  	_ =	shalt  }
0x5c: {  	_ =	shalt  }
0x5d: {  	_ =	shalt  }
0x5e: {  	_ =	shalt  }
0x5f: {  	_ =	shalt  }
0x60: {  	_ =	shalt  }
0x61: {  	_ =	shalt  }
0x62: {  	_ =	shalt  }
0x63: {  	_ =	shalt  }
0x64: {  	_ =	shalt  }
0x65: {  	_ =	shalt  }
0x66: {  	_ =	shalt  }
0x67: {  	_ =	shalt  }
0x68: {  	_ =	shalt  }
0x69: {  	_ =	shalt  }
0x6a: {  	_ =	shalt  }
0x6b: {  	_ =	shalt  }
0x6c: {  	_ =	shalt  }
0x6d: {  	_ =	shalt  }
0x6e: {  	_ =	shalt  }
0x6f: {  	_ =	shalt  }
0x70: {  	_ =	shalt  }
0x71: {  	_ =	shalt  }
0x72: {  	_ =	shalt  }
0x73: {  	_ =	shalt  }
0x74: {  	_ =	shalt  }
0x75: {  	_ =	shalt  }
0x76: {  	_ =	shalt  }
0x77: {  	_ =	shalt  }
0x78: {  	_ =	shalt  }
0x79: {  	_ =	shalt  }
0x7a: {  	_ =	shalt  }
0x7b: {  	_ =	shalt  }
0x7c: {  	_ =	shalt  }
0x7d: {  	_ =	shalt  }
0x7e: {  	_ =	shalt  }
0x7f: {  	_ =	shalt  }
0x80: {  	_ =	shalt  }
0x81: {  	_ =	shalt  }
0x82: {  	_ =	shalt  }
0x83: {  	_ =	shalt  }
0x84: {  	_ =	shalt  }
0x85: {  	_ =	shalt  }
0x86: {  	_ =	shalt  }
0x87: {  	_ =	shalt  }
.Lfunc_end0:
.L_simem_size_0:
called_computation.5_lowered:
.L_overlay_start_0:
0x88: {  	s2 =	sld [smem:$0x3FD9]  }
0x89: {  	s3 =	sld [smem:$0x3FFE];
	_ =	sdelay $0x1  }
0x8a: {  	s1 =	srdreg.scid  }
0x8b: {  	s0 =	sand.u32 $0x1, s1  }
0x8c: {  	s17 =	sshll.u32 s0, $0xA;
	s2 =	sadd.s32 s3, s2  }
0x8d: {  	s2 =	sadd.s32 s2, s17  }
0x8e: {  	[smem:$0x3FC4] =	sst s2  }
0x8f: {  	_ = 	snop  }
0x90: {  	(tm) =	ssettm $0x1  }
0x91: {  	s18 =	sld [smem:$0x3FFB];
	_ =	sdelay $0x3  }
0x92: {  	_ =	strace s18  }
0x93: {  	s2 =	sld [smem:$0x3FFC];
	_ =	sdelay $0x3  }
0x94: {  	_ =	strace s2  }
0x95: {  	s2 =	sld [smem:$0x3FFD];
	_ =	sdelay $0x3  }
0x96: {  	_ =	strace s2  }
0x97: {  	_ =	strace $0x8FFFFFFF  }
0x98: {  	s19 =	sld [smem:$0x3FDB];
	_ =	sdelay $0x1  }
0x99: {  	s20 =	simm.s32 $_scs_section_size  }
0x9a: {  	s4 =	simm.s32 $_size__tile_overlayer_lowered;
	s5 =	simm.s32 $_tile_overlayer_lowered  }
0x9b: {  	s6 =	simm.s32 $0x1BFF;
	s21 =	sshll.u32 s5, $0x1;
	s3 =	sadd.s32 s20, s19  }
0x9c: {  	s22 =	simm.s32 $0x0;
	s4 =	sshll.u32 s4, $0x1;
	s5 =	sadd.s32 s21, s3  }
0x9d: {  	[timem:s22], [sflag:s6] =	dma.local [hbm:s5], s4  }
0x9e: {  	_ =	swait.ge [sflag:s6], s4  }
0x9f: {  	s4 =	ssub.s32 $0x0, s4;
	[sflag:s6] =	ssyncset.done $0x0  }
0xa0: {  	[sflag:s6] =	ssyncadd.s32 s4;
	_ =	sdelay $0x1  }
0xa1: {  	s23 =	simm.s32 $0x1B8B  }
0xa2: {  	_ =	swait.ge [sflag:s23], $0x1  }
0xa3: {  	[sflag:s23] =	ssyncset.done $0x0  }
0xa4: {  	[sflag:s23] =	ssyncadd.s32 $0xFFFFFFFF  }
0xa5: {  	s4 =	sld [smem:$0x0]  }
0xa6: {  	s5 =	sand.u32 $0xFFFFFFFE, s1  }
0xa7: {  	p0 =	sne.s32 s1, s5  }
0xa8: {  	s5 =	sshll.u32 @p0 s5, $0xE  }
0xa9: {  	s5 =	sadd.s32 @p0 $0x11B8D, s5;
	s6 =	sshll.u32 @p0 s4, $0x11  }
0xaa: {  	s5 =	sor.u32 @p0 s6, s5  }
0xab: {  	[sflag:s5] =	ssyncadd.remote.s32 @p0 $0x1;
	_ =	sdelay $0x1  }
0xac: {  	s5 =	simm.s32 @p0 $0x1B8D  }
0xad: {  	_ =	swait.eq @p0 [sflag:s5], $0x1  }
0xae: {  	[sflag:s5] =	ssyncadd.s32 @p0 $0xFFFFFFFF  }
0xaf: {  	s6 =	sshll.u32 @!p0 s1, $0xE  }
0xb0: {  	s6 =	sor.u32 @!p0 $0x4000, s6;
	s5 =	simm.s32 @!p0 $0x1B8D  }
0xb1: {  	s4 =	sshll.u32 @!p0 s4, $0x11;
	s6 =	sadd.s32 @!p0 $0x11B8D, s6;
	_ =	swait.eq @!p0 [sflag:s5], $0x1  }
0xb2: {  	s4 =	sor.u32 @!p0 s4, s6;
	[sflag:s5] =	ssyncadd.s32 @!p0 $0xFFFFFFFF  }
0xb3: {  	s25 =	simm.s32 $0x1B8E;
	s24 =	sld [smem:$0x3FFE];
	[sflag:s4] =	ssyncadd.remote.s32 @!p0 $0x1  }
0xb4: {  	s26 =	simm.s32 $execute0_lowered;
	[smem:$0x3FD2] =	sst s25  }
0xb5: {  	s5 =	sshll.u32 s26, $0x1;
	_ =	strace $0x80000055;
	[dreg:$0x1] =	wrdreg $0xFFFFFFFF  }
0xb6: {  	s28 =	simm.s32 $_size_execute0_lowered;
	s3 =	sadd.s32 s3, s5;
	[dreg:$0x0] =	wrdreg $0x0  }
0xb7: {  	s5 =	sshll.u32 s28, $0x1;
	[dreg:$0x2] =	wrdreg s3  }
0xb8: {  	[dreg:$0x3] =	wrdreg s5  }
0xb9: {  	[dreg:$0x4] =	wrdreg $0xC0  }
0xba: {  	_ =	task [dreg:s22], $0x5FFFF  }
0xbb: {  	[dreg:$0x1] =	wrdreg $0xFFFFFFFF  }
0xbc: {  	[dreg:$0x0] =	wrdreg $0x60  }
0xbd: {  	[dreg:$0x2] =	wrdreg s24  }
0xbe: {  	[dreg:$0x3] =	wrdreg $0x9  }
0xbf: {  	_ =	task.clear_ibuf [dreg:s22], $0x4FFFF;
	_ =	strace $0x90000055  }
0xc0: {  	s29 =	simm.s32 $0x9;
	_ =	strace $0x80000057  }
0xc1: {  	_ =	swait.ge [sflag:s29], $0x1  }
0xc2: {  	[sflag:s29] =	ssyncadd.s32 $0xFFFFFFFF  }
0xc3: {  	_ =	strace $0x90000057  }
0xc4: {  	_ =	sfence  }
0xc5: {  	s30 =	sld [smem:$0x0];
	_ =	sdelay $0x2  }
0xc6: {  	s31 =	sshll.u32 s1, $0xD;
	s1 =	sshrl.u32 s1, $0x2  }
0xc7: {  	s4 =	sand.u32 $0x4000, s31;
	s1 =	sadd.s32 s1, s30  }
0xc8: {  	s0 =	sor.u32 s4, s0;
	s1 =	sshll.u32 s1, $0x11  }
0xc9: {  	s0 =	sor.u32 s1, s0  }
0xca: {  	s0 =	sadd.s32 $0x8F2B, s0  }
0xcb: {  	[sflag:s0] =	ssyncadd.remote.s32 $0x1  }
0xcc: {  	_ =	sfence.sel $0xFFFF  }
0xcd: {  	[dreg:$0x0] =	wrdreg $0xFFFFFFFF;
	(pc) =	sbr.abs _section_cstart, $3  }
0xce: {  	[dreg:$0x1] =	wrdreg $0xFFFFFFFF  }
0xcf: {  	_ =	task.clear_ibuf [dreg:s22], $0x2FFFF;
	_ =	strace $0x9FFFFFFF  }
0xd0: {  	(tm) =	ssettm $0x7FFFFFFF  }
0xd1: {  	_ =	shalt  }
tec
execute0_lowered:
.L_overlay_start_1:
0x0: {  	(tag) =	ssettag $0x1  }
0x1: {  	v0 =	vlaneseq.u32  }
0x2: {  	v63 =	vmul.u32 $0x10, v0;
	_ =	sdelay $0x1  }
0x3: {  	v1 =	vor.u32 $0x100, v63  }
0x4: {  	v9 =	vor.u32 $0x200, v63;
	[tilespmem:$0x1FC90] =	vst v1  }
0x5: {  	v10 =	vor.u32 $0x300, v63;
	[tilespmem:$0x1FCA0] =	vst v9  }
0x6: {  	v11 =	vor.u32 $0x400, v63;
	[tilespmem:$0x1FCB0] =	vst v10  }
0x7: {  	v12 =	vor.u32 $0x500, v63;
	[tilespmem:$0x1FCC0] =	vst v11  }
0x8: {  	v13 =	vor.u32 $0x600, v63;
	[tilespmem:$0x1FCD0] =	vst v12  }
0x9: {  	v14 =	vor.u32 $0x1, v63;
	[tilespmem:$0x1FCE0] =	vst v13  }
0xa: {  	v15 =	vor.u32 $0x101, v63;
	[tilespmem:$0x1FCF0] =	vst v14  }
0xb: {  	v16 =	vor.u32 $0x201, v63;
	[tilespmem:$0x1FD00] =	vst v15  }
0xc: {  	v17 =	vor.u32 $0x301, v63;
	[tilespmem:$0x1FD10] =	vst v16  }
0xd: {  	v18 =	vor.u32 $0x401, v63;
	[tilespmem:$0x1FD20] =	vst v17  }
0xe: {  	v19 =	vor.u32 $0x501, v63;
	[tilespmem:$0x1FD30] =	vst v18  }
0xf: {  	v20 =	vor.u32 $0x601, v63;
	[tilespmem:$0x1FD40] =	vst v19  }
0x10: {  	v21 =	vor.u32 $0x2, v63;
	[tilespmem:$0x1FD50] =	vst v20  }
0x11: {  	v22 =	vor.u32 $0x102, v63;
	[tilespmem:$0x1FD60] =	vst v21  }
0x12: {  	v23 =	vor.u32 $0x202, v63;
	[tilespmem:$0x1FD70] =	vst v22  }
0x13: {  	v24 =	vor.u32 $0x302, v63;
	[tilespmem:$0x1FD80] =	vst v23  }
0x14: {  	v25 =	vor.u32 $0x402, v63;
	[tilespmem:$0x1FD90] =	vst v24  }
0x15: {  	v26 =	vor.u32 $0x502, v63;
	[tilespmem:$0x1FDA0] =	vst v25  }
0x16: {  	v27 =	vor.u32 $0x602, v63;
	[tilespmem:$0x1FDB0] =	vst v26  }
0x17: {  	v28 =	vor.u32 $0x3, v63;
	[tilespmem:$0x1FDC0] =	vst v27  }
0x18: {  	v29 =	vor.u32 $0x103, v63;
	[tilespmem:$0x1FDD0] =	vst v28  }
0x19: {  	v30 =	vor.u32 $0x203, v63;
	[tilespmem:$0x1FDE0] =	vst v29  }
0x1a: {  	v31 =	vor.u32 $0x303, v63;
	[tilespmem:$0x1FDF0] =	vst v30  }
0x1b: {  	v32 =	vor.u32 $0x403, v63;
	[tilespmem:$0x1FE00] =	vst v31  }
0x1c: {  	v33 =	vor.u32 $0x503, v63;
	[tilespmem:$0x1FE10] =	vst v32  }
0x1d: {  	v34 =	vor.u32 $0x603, v63;
	[tilespmem:$0x1FE20] =	vst v33  }
0x1e: {  	v35 =	vor.u32 $0x4, v63;
	[tilespmem:$0x1FE30] =	vst v34  }
0x1f: {  	v36 =	vor.u32 $0x104, v63;
	[tilespmem:$0x1FE40] =	vst v35  }
0x20: {  	v37 =	vor.u32 $0x204, v63;
	[tilespmem:$0x1FE50] =	vst v36  }
0x21: {  	v38 =	vor.u32 $0x304, v63;
	[tilespmem:$0x1FE60] =	vst v37  }
0x22: {  	v39 =	vor.u32 $0x404, v63;
	[tilespmem:$0x1FE70] =	vst v38  }
0x23: {  	v40 =	vor.u32 $0x504, v63;
	[tilespmem:$0x1FE80] =	vst v39  }
0x24: {  	s5 =	rddreg [dreg:$0x0];
	s2 =	simm.s32 $0x0;
	v41 =	vor.u32 $0x604, v63;
	[tilespmem:$0x1FE90] =	vst v40  }
0x25: {  	s1 =	srdreg.scid;
	[smem:$0x7FF] =	sst s2;
	v42 =	vor.u32 $0x5, v63;
	[tilespmem:$0x1FEA0] =	vst v41  }
0x26: {  	s4 =	sand.u32 $0x1, s1;
	s1 =	rddreg [dreg:$0x1];
	v43 =	vor.u32 $0x105, v63;
	_ =	strace $0x80000056;
	[tilespmem:$0x1FEB0] =	vst v42  }
0x27: {  	v44 =	vor.u32 $0x205, v63;
	[tilespmem:$0x1FEC0] =	vst v43  }
0x28: {  	v45 =	vor.u32 $0x305, v63;
	[tilespmem:$0x1FED0] =	vst v44  }
0x29: {  	v46 =	vor.u32 $0x405, v63;
	[tilespmem:$0x1FEE0] =	vst v45  }
0x2a: {  	v47 =	vor.u32 $0x505, v63;
	[tilespmem:$0x1FEF0] =	vst v46  }
0x2b: {  	v48 =	vor.u32 $0x605, v63;
	[tilespmem:$0x1FF00] =	vst v47  }
0x2c: {  	v49 =	vor.u32 $0x6, v63;
	[tilespmem:$0x1FF10] =	vst v48  }
0x2d: {  	v50 =	vor.u32 $0x106, v63;
	[tilespmem:$0x1FF20] =	vst v49  }
0x2e: {  	v51 =	vor.u32 $0x206, v63;
	[tilespmem:$0x1FF30] =	vst v50  }
0x2f: {  	v52 =	vor.u32 $0x306, v63;
	[tilespmem:$0x1FF40] =	vst v51  }
0x30: {  	v53 =	vor.u32 $0x406, v63;
	[tilespmem:$0x1FF50] =	vst v52  }
0x31: {  	v54 =	vor.u32 $0x506, v63;
	[tilespmem:$0x1FF60] =	vst v53  }
0x32: {  	s0 =	stileid.u32;
	v55 =	vor.u32 $0x606, v63;
	[tilespmem:$0x1FF70] =	vst v54  }
0x33: {  	s9 =	simm.s32 $0x3500;
	s10 =	simm.s32 $0x70;
	s30 =	sshll.u32 s0, $0x1;
	v56 =	vor.u32 $0x7, v63;
	[tilespmem:$0x1FF80] =	vst v55  }
0x34: {  	s11 =	simm.s32 $0x7180;
	s12 =	simm.s32 $0xA980;
	s3 =	sor.u32 s4, s30;
	v57 =	vor.u32 $0x107, v63;
	[tilespmem:$0x1FF90] =	vst v56  }
0x35: {  	s13 =	simm.s32 $0x1;
	s14 =	simm.s32 $0xE180;
	s6 =	smul.u32 $0x790, s3;
	v58 =	vor.u32 $0x207, v63;
	[tilespmem:$0x1FFA0] =	vst v57  }
0x36: {  	s15 =	simm.s32 $0x2;
	s16 =	simm.s32 $0xE880;
	s7 =	smul.u32 $0x69E, s3;
	v59 =	vor.u32 $0x307, v63;
	[tilespmem:$0x1FFB0] =	vst v58  }
0x37: {  	s17 =	simm.s32 $0x0;
	s4 =	ssub.s32 $0x2, s4;
	s3 =	sadd.s32 $0x493600, s5;
	v60 =	vor.u32 $0x407, v63;
	[tilespmem:$0x1FFC0] =	vst v59  }
0x38: {  	s31 =	sshrl.u32 s4, $0x1;
	v61 =	vor.u32 $0x507, v63;
	s6 =	sadd.s32 s6, s5;
	s7 =	sadd.s32 s7, s5;
	[tilespmem:$0x1FFD0] =	vst v60  }
0x39: {  	v62 =	vor.u32 $0x607, v63;
	s8 =	ssub.s32 s4, s31;
	[tilespmem:$0x1FFE0] =	vst v61;
	s4 =	sadd.s32 $0xDA2800, s7;
	s5 =	sadd.s32 $0x484400, s6  }
0x3a: {  	[tilespmem:$0x1FFF0] =	vst v62;
	s6 =	sadd.s32 $0x4200, s7;
	s7 =	smax.u32 s8, $0x1;
	s8 =	simm.s32 $0x3  }
.LBB2_1:
0x3b: {  	[tilespmem:s2], [sflag:$0x3] =	stream.linear.gather [hbm4b:s4+s2], $0x34F0, $0x38;
	[tilespmem:$0x11D80] =	vst v63  }
0x3c: {  	_ =	swait.ge [sflag:s8], $0x34F0  }
0x3d: {  	[sflag:s8] =	ssyncset.done $0x0  }
0x3e: {  	[sflag:s8] =	ssyncadd.s32 $0xFFFFCB10  }
0x3f: {  	[tilespmem:s9], [sflag:$0x3] =	stream.linear.gather [hbm4b:s5+s2], $0x3C80, $0x38;
	[tilespmem:$0x11D80] =	vst v63  }
0x40: {  	_ =	swait.ge [sflag:s8], $0x3C80  }
0x41: {  	[sflag:s8] =	ssyncset.done $0x0  }
0x42: {  	s18 =	simm.s32 $0x0;
	[sflag:s8] =	ssyncadd.s32 $0xFFFFC380  }
0x43: {  	[tilespmem:s11], [sflag:$0x1] =	stream.indirect.gather [hbm4b:s3+s10], $0x80, s2, s10, $0xb8;
	[tilespmem:$0x11D80] =	vst v63  }
.LBB2_2:
0x44: {  	s20 =	sshllo.u32 s18, $0x1  }
0x45: {  	s19 =	smul.u32 $0x70, s20;
	_ =	sdelay $0x1  }
0x46: {  	[tilespmem:s12], [sflag:$0x2] =	stream.indirect.gather [hbm4b:s3+s10], $0x80, s19, s10, $0xb8;
	[tilespmem:$0x11D80] =	vst v63  }
0x47: {  	_ =	swait.ge [sflag:s13], $0x3800  }
0x48: {  	s21 =	sshll.u32 s18, $0x8;
	[sflag:s13] =	ssyncset.done $0x0  }
0x49: {  	s22 =	sand.u32 $0x3FFFFF00, s21;
	[sflag:s13] =	ssyncadd.s32 $0xFFFFC800  }
0x4a: {  	v1 =	vld [tilespmem:s22+$0x3500]  }
0x4b: {  	s21 =	simm.s32 $0x7280;
	v2 =	vld [tilespmem:s22+$0x3510]  }
0x4c: {  	v6 =	vld [tilespmem:s21+$0xFFFFFF10]  }
0x4d: {  	v7 =	vld [tilespmem:s21+$0xFFFFFF00]  }
0x4e: {  	v3 =	vld [tilespmem:s22+$0x3520]  }
0x4f: {  	v8 =	vld [tilespmem:s21+$0xFFFFFF20]  }
0x50: {  	v4 =	vld [tilespmem:s22+$0x3530]  }
0x51: {  	v9 =	vld [tilespmem:s21+$0xFFFFFF30]  }
0x52: {  	v5 =	vld [tilespmem:s22+$0x3540];
	v7 =	vmul.f32 v7, v1;
	v10 =	vmul.f32 v6, v2  }
0x53: {  	v11 =	vld [tilespmem:s21+$0xFFFFFF40]  }
0x54: {  	v12 =	vld [tilespmem:s21+$0xFFFFFF50];
	v8 =	vmul.f32 v8, v3;
	v10 =	vadd.f32 v10, v7  }
0x55: {  	v6 =	vld [tilespmem:s22+$0x3550]  }
0x56: {  	v13 =	vld [tilespmem:s21+$0xFFFFFF60];
	v9 =	vmul.f32 v9, v4;
	v10 =	vadd.f32 v8, v10  }
0x57: {  	v7 =	vld [tilespmem:s22+$0x3560]  }
0x58: {  	v8 =	vld [tilespmem:s22+$0x3570];
	v9 =	vadd.f32 v9, v10;
	v10 =	vmul.f32 v11, v5  }
0x59: {  	v11 =	vld [tilespmem:s21+$0xFFFFFF70]  }
0x5a: {  	v9 =	vadd.f32 v10, v9;
	v10 =	vmul.f32 v12, v6;
	_ =	sdelay $0x1  }
0x5b: {  	v9 =	vadd.f32 v10, v9;
	v10 =	vmul.f32 v13, v7;
	_ =	sdelay $0x1  }
0x5c: {  	v9 =	vadd.f32 v10, v9;
	v10 =	vmul.f32 v11, v8;
	_ =	sdelay $0x1  }
0x5d: {  	v9 =	vadd.f32 v10, v9  }
0x5e: {  	s22 =	simm.s32 $0x30  }
0x5f: {  	[tilespmem:s22+$0xE150] =	vst v9  }
0x60: {  	v9 =	vld [tilespmem:s21+$0xFFFFFF80]  }
0x61: {  	v10 =	vld [tilespmem:s21+$0xFFFFFF90];
	_ =	sdelay $0x1  }
0x62: {  	v11 =	vld [tilespmem:s21+$0xFFFFFFA0];
	_ =	sdelay $0x1  }
0x63: {  	v52 =	vld [tilespmem:s21+$0xFFFFFFB0]  }
0x64: {  	v9 =	vmul.f32 v9, v1;
	v10 =	vmul.f32 v10, v2  }
0x65: {  	v53 =	vld [tilespmem:s21+$0xFFFFFFC0]  }
0x66: {  	v9 =	vadd.f32 v10, v9;
	v10 =	vmul.f32 v11, v3  }
0x67: {  	v11 =	vld [tilespmem:s21+$0xFFFFFFD0]  }
0x68: {  	v9 =	vadd.f32 v10, v9;
	v10 =	vmul.f32 v52, v4  }
0x69: {  	v54 =	vld [tilespmem:s21+$0xFFFFFFE0]  }
0x6a: {  	v9 =	vadd.f32 v10, v9;
	v10 =	vmul.f32 v53, v5  }
0x6b: {  	v55 =	vld [tilespmem:s21+$0xFFFFFFF0]  }
0x6c: {  	v9 =	vadd.f32 v10, v9;
	v10 =	vmul.f32 v11, v6;
	_ =	sdelay $0x1  }
0x6d: {  	v9 =	vadd.f32 v10, v9;
	v10 =	vmul.f32 v54, v7;
	_ =	sdelay $0x1  }
0x6e: {  	v9 =	vadd.f32 v10, v9;
	v10 =	vmul.f32 v55, v8;
	_ =	sdelay $0x1  }
0x6f: {  	v9 =	vadd.f32 v10, v9;
	_ =	sdelay $0x1  }
0x70: {  	[tilespmem:s22+$0xE160] =	vst v9  }
0x71: {  	v9 =	vld [tilespmem:s21+$0x0]  }
0x72: {  	v10 =	vld [tilespmem:s21+$0x10];
	_ =	sdelay $0x1  }
0x73: {  	v11 =	vld [tilespmem:s21+$0x20];
	_ =	sdelay $0x1  }
0x74: {  	v56 =	vld [tilespmem:s21+$0x30]  }
0x75: {  	v9 =	vmul.f32 v9, v1;
	v10 =	vmul.f32 v10, v2  }
0x76: {  	v57 =	vld [tilespmem:s21+$0x40]  }
0x77: {  	v9 =	vadd.f32 v10, v9;
	v10 =	vmul.f32 v11, v3  }
0x78: {  	v11 =	vld [tilespmem:s21+$0x50]  }
0x79: {  	v9 =	vadd.f32 v10, v9;
	v10 =	vmul.f32 v56, v4  }
0x7a: {  	v58 =	vld [tilespmem:s21+$0x60]  }
0x7b: {  	v9 =	vadd.f32 v10, v9;
	v10 =	vmul.f32 v57, v5  }
0x7c: {  	v59 =	vld [tilespmem:s21+$0x70]  }
0x7d: {  	v9 =	vadd.f32 v10, v9;
	v10 =	vmul.f32 v11, v6;
	_ =	sdelay $0x1  }
0x7e: {  	v9 =	vadd.f32 v10, v9;
	v10 =	vmul.f32 v58, v7;
	_ =	sdelay $0x1  }
0x7f: {  	v9 =	vadd.f32 v10, v9;
	v10 =	vmul.f32 v59, v8;
	_ =	sdelay $0x1  }
0x80: {  	v9 =	vadd.f32 v10, v9;
	_ =	sdelay $0x1  }
0x81: {  	[tilespmem:s22+$0xE170] =	vst v9  }
0x82: {  	v9 =	vld [tilespmem:s21+$0x80]  }
0x83: {  	v10 =	vld [tilespmem:s21+$0x90];
	_ =	sdelay $0x1  }
0x84: {  	v11 =	vld [tilespmem:s21+$0xA0];
	_ =	sdelay $0x1  }
0x85: {  	v60 =	vld [tilespmem:s21+$0xB0]  }
0x86: {  	v9 =	vmul.f32 v9, v1;
	v10 =	vmul.f32 v10, v2  }
0x87: {  	v61 =	vld [tilespmem:s21+$0xC0]  }
0x88: {  	v11 =	vmul.f32 v11, v3;
	v9 =	vadd.f32 v10, v9  }
0x89: {  	v10 =	vld [tilespmem:s21+$0xD0]  }
0x8a: {  	v14 =	vld [tilespmem:s21+$0xE0];
	v12 =	vmul.f32 v60, v4;
	v9 =	vadd.f32 v11, v9  }
0x8b: {  	v15 =	vld [tilespmem:s21+$0xF0]  }
0x8c: {  	v11 =	vmul.f32 v61, v5;
	v9 =	vadd.f32 v12, v9;
	_ =	sdelay $0x1  }
0x8d: {  	v62 =	vmul.f32 v10, v6;
	v9 =	vadd.f32 v11, v9;
	_ =	sdelay $0x1  }
0x8e: {  	s23 =	simm.s32 $0x1C0;
	v10 =	vmul.f32 v14, v7;
	v11 =	vadd.f32 v62, v9;
	v9 =	vmul.f32 v15, v8  }
.LBB2_3:
0x8f: {  	p0 =	sne.s32 s23, $0x1BC0  }
0x90: {  	v10 =	vadd.f32 v10, v11;
	s21 =	sadd.s32 $0x200, s21;
	s24 =	smov.u32 s23;
	s23 =	sadd.s32 $0x100, s23  }
0x91: {  	_ = 	snop  }
0x92: {  	v9 =	vadd.f32 v9, v10;
	_ =	sdelay $0x1  }
0x93: {  	[tilespmem:s22+$0xE180] =	vst v9  }
0x94: {  	v9 =	vld [tilespmem:s21+$0xFFFFFF10]  }
0x95: {  	v10 =	vld [tilespmem:s21+$0xFFFFFF00];
	_ =	sdelay $0x1  }
0x96: {  	v11 =	vld [tilespmem:s21+$0xFFFFFF20];
	_ =	sdelay $0x1  }
0x97: {  	v12 =	vld [tilespmem:s21+$0xFFFFFF30]  }
0x98: {  	v9 =	vmul.f32 v9, v2;
	v10 =	vmul.f32 v10, v1  }
0x99: {  	v13 =	vld [tilespmem:s21+$0xFFFFFF40]  }
0x9a: {  	v9 =	vadd.f32 v9, v10;
	v10 =	vmul.f32 v11, v3  }
0x9b: {  	v11 =	vld [tilespmem:s21+$0xFFFFFF50]  }
0x9c: {  	v9 =	vadd.f32 v10, v9;
	v10 =	vmul.f32 v12, v4  }
0x9d: {  	v12 =	vld [tilespmem:s21+$0xFFFFFF60]  }
0x9e: {  	v9 =	vadd.f32 v10, v9;
	v10 =	vmul.f32 v13, v5  }
0x9f: {  	v13 =	vld [tilespmem:s21+$0xFFFFFF70]  }
0xa0: {  	v9 =	vadd.f32 v10, v9;
	v10 =	vmul.f32 v11, v6;
	_ =	sdelay $0x1  }
0xa1: {  	v9 =	vadd.f32 v10, v9;
	v10 =	vmul.f32 v12, v7;
	_ =	sdelay $0x1  }
0xa2: {  	v9 =	vadd.f32 v10, v9;
	v10 =	vmul.f32 v13, v8;
	_ =	sdelay $0x1  }
0xa3: {  	v9 =	vadd.f32 v10, v9  }
0xa4: {  	s22 =	sshra.s32 s24, $0x2  }
0xa5: {  	[tilespmem:s22+$0xE150] =	vst v9  }
0xa6: {  	v9 =	vld [tilespmem:s21+$0xFFFFFF80]  }
0xa7: {  	v10 =	vld [tilespmem:s21+$0xFFFFFF90];
	_ =	sdelay $0x1  }
0xa8: {  	v11 =	vld [tilespmem:s21+$0xFFFFFFA0];
	_ =	sdelay $0x1  }
0xa9: {  	v12 =	vld [tilespmem:s21+$0xFFFFFFB0]  }
0xaa: {  	v9 =	vmul.f32 v9, v1;
	v10 =	vmul.f32 v10, v2  }
0xab: {  	v13 =	vld [tilespmem:s21+$0xFFFFFFC0]  }
0xac: {  	v9 =	vadd.f32 v10, v9;
	v10 =	vmul.f32 v11, v3  }
0xad: {  	v11 =	vld [tilespmem:s21+$0xFFFFFFD0]  }
0xae: {  	v9 =	vadd.f32 v10, v9;
	v10 =	vmul.f32 v12, v4  }
0xaf: {  	v12 =	vld [tilespmem:s21+$0xFFFFFFE0]  }
0xb0: {  	v9 =	vadd.f32 v10, v9;
	v10 =	vmul.f32 v13, v5  }
0xb1: {  	v13 =	vld [tilespmem:s21+$0xFFFFFFF0]  }
0xb2: {  	v9 =	vadd.f32 v10, v9;
	v10 =	vmul.f32 v11, v6;
	_ =	sdelay $0x1  }
0xb3: {  	v9 =	vadd.f32 v10, v9;
	v10 =	vmul.f32 v12, v7;
	_ =	sdelay $0x1  }
0xb4: {  	v9 =	vadd.f32 v10, v9;
	v10 =	vmul.f32 v13, v8;
	_ =	sdelay $0x1  }
0xb5: {  	v9 =	vadd.f32 v10, v9;
	_ =	sdelay $0x1  }
0xb6: {  	[tilespmem:s22+$0xE160] =	vst v9  }
0xb7: {  	v9 =	vld [tilespmem:s21+$0x0]  }
0xb8: {  	v10 =	vld [tilespmem:s21+$0x10];
	_ =	sdelay $0x1  }
0xb9: {  	v11 =	vld [tilespmem:s21+$0x20];
	_ =	sdelay $0x1  }
0xba: {  	v9 =	vmul.f32 v9, v1;
	v12 =	vld [tilespmem:s21+$0x30]  }
0xbb: {  	v10 =	vmul.f32 v10, v2  }
0xbc: {  	v13 =	vld [tilespmem:s21+$0x40]  }
0xbd: {  	v9 =	vadd.f32 v10, v9;
	v10 =	vmul.f32 v11, v3  }
0xbe: {  	v11 =	vld [tilespmem:s21+$0x50]  }
0xbf: {  	v9 =	vadd.f32 v10, v9;
	v10 =	vmul.f32 v12, v4  }
0xc0: {  	v12 =	vld [tilespmem:s21+$0x60]  }
0xc1: {  	v9 =	vadd.f32 v10, v9;
	v10 =	vmul.f32 v13, v5  }
0xc2: {  	v13 =	vld [tilespmem:s21+$0x70]  }
0xc3: {  	v9 =	vadd.f32 v10, v9;
	v10 =	vmul.f32 v11, v6;
	_ =	sdelay $0x1  }
0xc4: {  	v9 =	vadd.f32 v10, v9;
	v10 =	vmul.f32 v12, v7;
	_ =	sdelay $0x1  }
0xc5: {  	v9 =	vadd.f32 v10, v9;
	v10 =	vmul.f32 v13, v8;
	_ =	sdelay $0x1  }
0xc6: {  	v9 =	vadd.f32 v10, v9;
	_ =	sdelay $0x1  }
0xc7: {  	[tilespmem:s22+$0xE170] =	vst v9  }
0xc8: {  	v9 =	vld [tilespmem:s21+$0x80]  }
0xc9: {  	v10 =	vld [tilespmem:s21+$0x90]  }
0xca: {  	v11 =	vld [tilespmem:s21+$0xA0]  }
0xcb: {  	v12 =	vld [tilespmem:s21+$0xB0]  }
0xcc: {  	v13 =	vld [tilespmem:s21+$0xC0]  }
0xcd: {  	v14 =	vld [tilespmem:s21+$0xD0]  }
0xce: {  	v9 =	vmul.f32 v9, v1;
	v10 =	vmul.f32 v10, v2;
	v15 =	vld [tilespmem:s21+$0xE0]  }
0xcf: {  	v11 =	vmul.f32 v11, v3;
	v16 =	vld [tilespmem:s21+$0xF0]  }
0xd0: {  	v9 =	vadd.f32 v10, v9  }
0xd1: {  	v10 =	vmul.f32 v12, v4  }
0xd2: {  	v9 =	vadd.f32 v11, v9  }
0xd3: {  	v11 =	vmul.f32 v13, v5  }
0xd4: {  	v9 =	vadd.f32 v10, v9  }
.Ltmp0:
0xd5: {  	v12 =	vmul.f32 v14, v6;
	(pc) =	sbr.rel @p0 .LBB2_3-.Ltmp0, $4  }
0xd6: {  	v9 =	vadd.f32 v11, v9  }
0xd7: {  	v10 =	vmul.f32 v15, v7  }
0xd8: {  	v11 =	vadd.f32 v12, v9  }
0xd9: {  	v9 =	vmul.f32 v16, v8  }
0xda: {  	v2 =	vld [tilespmem:$0x1FC90]  }
0xdb: {  	v3 =	vld [tilespmem:$0x1FCA0]  }
0xdc: {  	v4 =	vld [tilespmem:$0x1FCB0]  }
0xdd: {  	v5 =	vld [tilespmem:$0x1FCC0]  }
0xde: {  	v6 =	vld [tilespmem:$0x1FCD0]  }
0xdf: {  	v7 =	vld [tilespmem:$0x1FCE0]  }
0xe0: {  	v8 =	vld [tilespmem:$0x1FCF0]  }
0xe1: {  	v49 =	vld [tilespmem:$0x1FD00]  }
0xe2: {  	v50 =	vld [tilespmem:$0x1FD10]  }
0xe3: {  	v51 =	vld [tilespmem:$0x1FD20]  }
0xe4: {  	v12 =	vld [tilespmem:$0x1FD30]  }
0xe5: {  	v13 =	vld [tilespmem:$0x1FD40]  }
0xe6: {  	v14 =	vld [tilespmem:$0x1FD50]  }
0xe7: {  	v15 =	vld [tilespmem:$0x1FD60]  }
0xe8: {  	v16 =	vld [tilespmem:$0x1FD70]  }
0xe9: {  	v17 =	vld [tilespmem:$0x1FD80]  }
0xea: {  	v18 =	vld [tilespmem:$0x1FD90]  }
0xeb: {  	v19 =	vld [tilespmem:$0x1FDA0]  }
0xec: {  	v20 =	vld [tilespmem:$0x1FDB0]  }
0xed: {  	v21 =	vld [tilespmem:$0x1FDC0]  }
0xee: {  	v22 =	vld [tilespmem:$0x1FDD0]  }
0xef: {  	v52 =	vld [tilespmem:$0x1FDE0]  }
0xf0: {  	v53 =	vld [tilespmem:$0x1FDF0]  }
0xf1: {  	v54 =	vld [tilespmem:$0x1FE00]  }
0xf2: {  	v55 =	vld [tilespmem:$0x1FE10]  }
0xf3: {  	v56 =	vld [tilespmem:$0x1FE20]  }
0xf4: {  	v57 =	vld [tilespmem:$0x1FE30]  }
0xf5: {  	v58 =	vld [tilespmem:$0x1FE40]  }
0xf6: {  	v59 =	vld [tilespmem:$0x1FE50]  }
0xf7: {  	v60 =	vld [tilespmem:$0x1FE60]  }
0xf8: {  	v61 =	vld [tilespmem:$0x1FE70]  }
0xf9: {  	v62 =	vld [tilespmem:$0x1FE80]  }
0xfa: {  	v0 =	vld [tilespmem:$0x1FE90]  }
0xfb: {  	v24 =	vld [tilespmem:$0x1FED0]  }
0xfc: {  	v25 =	vld [tilespmem:$0x1FEE0]  }
0xfd: {  	v26 =	vld [tilespmem:$0x1FEF0]  }
0xfe: {  	v27 =	vld [tilespmem:$0x1FF00]  }
0xff: {  	v28 =	vld [tilespmem:$0x1FF10]  }
0x100: {  	v1 =	vadd.f32 v10, v11;
	v29 =	vld [tilespmem:$0x1FF20]  }
0x101: {  	v30 =	vld [tilespmem:$0x1FF30];
	v34 =	vor.u32 $0x8, v63  }
0x102: {  	v32 =	vld [tilespmem:$0x1FF40];
	v1 =	vadd.f32 v9, v1  }
0x103: {  	v23 =	vld [tilespmem:$0x1FF50]  }
0x104: {  	[tilespmem:s22+$0xE180] =	vst v1;
	v1 =	vld [tilespmem:$0x1FEA0]  }
0x105: {  	v37 =	vld.idx.msk [tilespmem:v63+s14+$0x0], $0xffff  }
0x106: {  	[tilespmem:$0x1F8D0] =	vst v34;
	v34 =	vld.idx.msk [tilespmem:v34+s14+$0x0], $0xffff  }
0x107: {  	v41 =	vld.idx.msk [tilespmem:v2+s14+$0x0], $0xffff  }
0x108: {  	v39 =	vld.idx.msk [tilespmem:v3+s14+$0x0], $0xffff  }
0x109: {  	v4 =	vld.idx.msk [tilespmem:v4+s14+$0x0], $0xffff  }
0x10a: {  	v5 =	vld.idx.msk [tilespmem:v5+s14+$0x0], $0xffff  }
0x10b: {  	v6 =	vld.idx.msk [tilespmem:v6+s14+$0x0], $0xffff  }
0x10c: {  	v7 =	vld.idx.msk [tilespmem:v7+s14+$0x0], $0xffff  }
0x10d: {  	v8 =	vld.idx.msk [tilespmem:v8+s14+$0x0], $0xffff  }
0x10e: {  	v9 =	vld.idx.msk [tilespmem:v49+s14+$0x0], $0xffff  }
0x10f: {  	v10 =	vld.idx.msk [tilespmem:v50+s14+$0x0], $0xffff  }
0x110: {  	v11 =	vld.idx.msk [tilespmem:v51+s14+$0x0], $0xffff  }
0x111: {  	v12 =	vld.idx.msk [tilespmem:v12+s14+$0x0], $0xffff  }
0x112: {  	v13 =	vld.idx.msk [tilespmem:v13+s14+$0x0], $0xffff  }
0x113: {  	v14 =	vld.idx.msk [tilespmem:v14+s14+$0x0], $0xffff  }
0x114: {  	v15 =	vld.idx.msk [tilespmem:v15+s14+$0x0], $0xffff  }
0x115: {  	v16 =	vld.idx.msk [tilespmem:v16+s14+$0x0], $0xffff  }
0x116: {  	v17 =	vld.idx.msk [tilespmem:v17+s14+$0x0], $0xffff  }
0x117: {  	v18 =	vld.idx.msk [tilespmem:v18+s14+$0x0], $0xffff  }
0x118: {  	v19 =	vld.idx.msk [tilespmem:v19+s14+$0x0], $0xffff  }
0x119: {  	v20 =	vld.idx.msk [tilespmem:v20+s14+$0x0], $0xffff  }
0x11a: {  	v21 =	vld.idx.msk [tilespmem:v21+s14+$0x0], $0xffff  }
0x11b: {  	v42 =	vld.idx.msk [tilespmem:v22+s14+$0x0], $0xffff  }
0x11c: {  	v44 =	vld.idx.msk [tilespmem:v52+s14+$0x0], $0xffff  }
0x11d: {  	v43 =	vld.idx.msk [tilespmem:v53+s14+$0x0], $0xffff  }
0x11e: {  	v46 =	vld.idx.msk [tilespmem:v54+s14+$0x0], $0xffff  }
0x11f: {  	v45 =	vld.idx.msk [tilespmem:v55+s14+$0x0], $0xffff  }
0x120: {  	v48 =	vld.idx.msk [tilespmem:v56+s14+$0x0], $0xffff  }
0x121: {  	v47 =	vld.idx.msk [tilespmem:v57+s14+$0x0], $0xffff  }
0x122: {  	v50 =	vld.idx.msk [tilespmem:v58+s14+$0x0], $0xffff  }
0x123: {  	v49 =	vld.idx.msk [tilespmem:v59+s14+$0x0], $0xffff  }
0x124: {  	v52 =	vld.idx.msk [tilespmem:v60+s14+$0x0], $0xffff  }
0x125: {  	v51 =	vld.idx.msk [tilespmem:v61+s14+$0x0], $0xffff  }
0x126: {  	v54 =	vld.idx.msk [tilespmem:v62+s14+$0x0], $0xffff  }
0x127: {  	v53 =	vld.idx.msk [tilespmem:v0+s14+$0x0], $0xffff  }
0x128: {  	v2 =	vld [tilespmem:$0x1FEB0]  }
0x129: {  	v3 =	vld [tilespmem:$0x1FEC0]  }
0x12a: {  	v57 =	vld.idx.msk [tilespmem:v24+s14+$0x0], $0xffff  }
0x12b: {  	v60 =	vld.idx.msk [tilespmem:v25+s14+$0x0], $0xffff  }
0x12c: {  	v59 =	vld.idx.msk [tilespmem:v26+s14+$0x0], $0xffff  }
0x12d: {  	v62 =	vld.idx.msk [tilespmem:v27+s14+$0x0], $0xffff  }
0x12e: {  	v61 =	vld.idx.msk [tilespmem:v28+s14+$0x0], $0xffff  }
0x12f: {  	v0 =	vld.idx.msk [tilespmem:v29+s14+$0x0], $0xffff  }
0x130: {  	v31 =	vld.idx.msk [tilespmem:v30+s14+$0x0], $0xffff  }
0x131: {  	v22 =	vld.idx.msk [tilespmem:v32+s14+$0x0], $0xffff  }
0x132: {  	v23 =	vld.idx.msk [tilespmem:v23+s14+$0x0], $0xffff  }
0x133: {  	v24 =	vld [tilespmem:$0x1FF60]  }
0x134: {  	v25 =	vld [tilespmem:$0x1FF70]  }
0x135: {  	v26 =	vld [tilespmem:$0x1FF80]  }
0x136: {  	v35 =	vor.u32 $0x108, v63;
	v27 =	vld [tilespmem:$0x1FF90]  }
0x137: {  	v38 =	vor.u32 $0x308, v63;
	v28 =	vld [tilespmem:$0x1FFA0]  }
0x138: {  	v29 =	vld [tilespmem:$0x1FFB0]  }
0x139: {  	v36 =	vor.u32 $0x208, v63;
	v30 =	vld [tilespmem:$0x1FFC0]  }
0x13a: {  	v40 =	vor.u32 $0x408, v63;
	v32 =	vld [tilespmem:$0x1FFE0]  }
0x13b: {  	[tilespmem:$0x1FAF0] =	vst v34;
	v34 =	vld.idx.msk [tilespmem:v35+s14+$0x0], $0xffff  }
0x13c: {  	[tilespmem:$0x1F8E0] =	vst v35;
	v35 =	vld.idx.msk [tilespmem:v38+s14+$0x0], $0xffff  }
0x13d: {  	v56 =	vld.idx.msk [tilespmem:v1+s14+$0x0], $0xffff  }
0x13e: {  	v1 =	vld.idx.msk [tilespmem:v36+s14+$0x0], $0xffff  }
0x13f: {  	[tilespmem:$0x1F8F0] =	vst v36;
	v36 =	vld.idx.msk [tilespmem:v40+s14+$0x0], $0xffff  }
0x140: {  	[tilespmem:$0x1FA70] =	vst v31;
	v31 =	vld [tilespmem:$0x1FFD0]  }
0x141: {  	v55 =	vld.idx.msk [tilespmem:v2+s14+$0x0], $0xffff  }
0x142: {  	v58 =	vld.idx.msk [tilespmem:v3+s14+$0x0], $0xffff  }
0x143: {  	v24 =	vld.idx.msk [tilespmem:v24+s14+$0x0], $0xffff  }
0x144: {  	v25 =	vld.idx.msk [tilespmem:v25+s14+$0x0], $0xffff  }
0x145: {  	[tilespmem:$0x1F900] =	vst v38;
	v37 =	vadd.f32 $0.0e+00, v37;
	v26 =	vld.idx.msk [tilespmem:v26+s14+$0x0], $0xffff  }
0x146: {  	[tilespmem:$0x1FA60] =	vst v0;
	v0 =	vor.u32 $0x608, v63;
	v38 =	vadd.f32 $0.0e+00, v41;
	v39 =	vadd.f32 $0.0e+00, v39;
	v27 =	vld.idx.msk [tilespmem:v27+s14+$0x0], $0xffff  }
0x147: {  	[tilespmem:$0x1F910] =	vst v40;
	v41 =	vor.u32 $0x209, v63;
	v40 =	vadd.f32 v8, v37;
	v37 =	vadd.f32 $0.0e+00, v4;
	v28 =	vld.idx.msk [tilespmem:v28+s14+$0x0], $0xffff  }
0x148: {  	v9 =	vadd.f32 v9, v38;
	v29 =	vld.idx.msk [tilespmem:v29+s14+$0x0], $0xffff  }
0x149: {  	v10 =	vadd.f32 v10, v39;
	v11 =	vadd.f32 v11, v37;
	v37 =	vor.u32 $0xA, v63;
	v30 =	vld.idx.msk [tilespmem:v30+s14+$0x0], $0xffff  }
0x14a: {  	v38 =	vadd.f32 $0.0e+00, v5;
	v15 =	vadd.f32 v15, v40;
	v40 =	vor.u32 $0x30A, v63;
	v33 =	vld.idx.msk [tilespmem:v32+s14+$0x0], $0xffff  }
0x14b: {  	v10 =	vadd.f32 v17, v10;
	v8 =	vld.idx.msk [tilespmem:v0+s14+$0x0], $0xffff  }
0x14c: {  	v39 =	vadd.f32 $0.0e+00, v6;
	[tilespmem:$0x1FB10] =	vst v1;
	v12 =	vadd.f32 v12, v38;
	v6 =	vld.idx.msk [tilespmem:v41+s14+$0x0], $0xffff  }
0x14d: {  	v7 =	vadd.f32 $0.0e+00, v7;
	v3 =	vor.u32 $0x508, v63;
	v10 =	vadd.f32 v43, v10;
	v43 =	vld [tilespmem:$0x1FB10]  }
0x14e: {  	v2 =	vor.u32 $0x109, v63;
	v12 =	vadd.f32 v19, v12;
	v19 =	vld.idx.msk [tilespmem:v37+s14+$0x0], $0xffff  }
0x14f: {  	v7 =	vadd.f32 v14, v7;
	[tilespmem:$0x1F9B0] =	vst v37;
	v37 =	vld.idx.msk [tilespmem:v40+s14+$0x0], $0xffff  }
0x150: {  	v13 =	vadd.f32 v13, v39;
	v31 =	vld.idx.msk [tilespmem:v31+s14+$0x0], $0xffff  }
0x151: {  	v1 =	vor.u32 $0x9, v63;
	v7 =	vadd.f32 v21, v7;
	[tilespmem:$0x1FAD0] =	vst v33;
	v33 =	vld [tilespmem:$0x1FFF0]  }
0x152: {  	v15 =	vadd.f32 v42, v15;
	v42 =	vor.u32 $0x50A, v63;
	v13 =	vadd.f32 v20, v13;
	v32 =	vld.idx.msk [tilespmem:v3+s14+$0x0], $0xffff  }
0x153: {  	v7 =	vadd.f32 v47, v7;
	v5 =	vld.idx.msk [tilespmem:v2+s14+$0x0], $0xffff  }
0x154: {  	[tilespmem:$0x1F930] =	vst v0;
	v0 =	vor.u32 $0x409, v63;
	v13 =	vadd.f32 v48, v13;
	v48 =	vld [tilespmem:$0x1FA60]  }
0x155: {  	[tilespmem:$0x1F960] =	vst v41;
	v9 =	vadd.f32 v16, v9;
	v41 =	vor.u32 $0x40A, v63;
	v7 =	vadd.f32 v56, v7;
	v56 =	vld [tilespmem:$0x1FA70]  }
0x156: {  	[tilespmem:$0x1F9E0] =	vst v40;
	v11 =	vadd.f32 v18, v11;
	v4 =	vld.idx.msk [tilespmem:v1+s14+$0x0], $0xffff  }
0x157: {  	[tilespmem:$0x1F920] =	vst v3;
	v9 =	vadd.f32 v44, v9;
	v44 =	vor.u32 $0xB, v63;
	v15 =	vadd.f32 v50, v15;
	v50 =	vld.idx.msk [tilespmem:v42+s14+$0x0], $0xffff  }
0x158: {  	[tilespmem:$0x1F950] =	vst v2;
	v11 =	vadd.f32 v46, v11;
	v46 =	vor.u32 $0x20B, v63;
	v39 =	vld [tilespmem:$0x1FAD0]  }
0x159: {  	[tilespmem:$0x1F940] =	vst v1;
	v47 =	vor.u32 $0x30B, v63;
	v16 =	vld.idx.msk [tilespmem:v0+s14+$0x0], $0xffff  }
0x15a: {  	[tilespmem:$0x1FA00] =	vst v42;
	v3 =	vor.u32 $0x309, v63;
	v9 =	vadd.f32 v49, v9;
	v49 =	vld.idx.msk [tilespmem:v41+s14+$0x0], $0xffff  }
0x15b: {  	v38 =	vor.u32 $0x30E, v63;
	[tilespmem:$0x1F9F0] =	vst v41;
	v2 =	vor.u32 $0x609, v63;
	v12 =	vadd.f32 v45, v12;
	v41 =	vld [tilespmem:$0x1FAF0]  }
0x15c: {  	[tilespmem:$0x1FBE0] =	vst v38;
	v45 =	vor.u32 $0x10B, v63;
	v10 =	vadd.f32 v52, v10;
	v52 =	vld.idx.msk [tilespmem:v44+s14+$0x0], $0xffff  }
0x15d: {  	[tilespmem:$0x1F980] =	vst v0;
	v11 =	vadd.f32 v51, v11;
	v1 =	vor.u32 $0x509, v63;
	v12 =	vadd.f32 v54, v12;
	v54 =	vld.idx.msk [tilespmem:v46+s14+$0x0], $0xffff  }
0x15e: {  	[tilespmem:$0x1FA20] =	vst v44;
	v15 =	vadd.f32 v55, v15;
	v42 =	vor.u32 $0x20D, v63;
	v55 =	vld.idx.msk [tilespmem:v47+s14+$0x0], $0xffff  }
0x15f: {  	[tilespmem:$0x1FA40] =	vst v46;
	v40 =	vor.u32 $0x10D, v63;
	v0 =	vor.u32 $0x20A, v63;
	v11 =	vadd.f32 v60, v11;
	v14 =	vld.idx.msk [tilespmem:v3+s14+$0x0], $0xffff  }
0x160: {  	[tilespmem:$0x1FA50] =	vst v47;
	v13 =	vadd.f32 v53, v13;
	v10 =	vadd.f32 v57, v10;
	v57 =	vor.u32 $0x20C, v63;
	v18 =	vld.idx.msk [tilespmem:v2+s14+$0x0], $0xffff  }
0x161: {  	[tilespmem:$0x1FB50] =	vst v40;
	v7 =	vadd.f32 v61, v7;
	v61 =	vor.u32 $0x60C, v63;
	v11 =	vadd.f32 v23, v11;
	v53 =	vld.idx.msk [tilespmem:v45+s14+$0x0], $0xffff  }
0x162: {  	[tilespmem:$0x1F970] =	vst v3;
	v17 =	vld.idx.msk [tilespmem:v1+s14+$0x0], $0xffff  }
0x163: {  	[tilespmem:$0x1F9A0] =	vst v2;
	v44 =	vor.u32 $0x50B, v63;
	v11 =	vadd.f32 v30, v11;
	v30 =	vld.idx.msk [tilespmem:v42+s14+$0x0], $0xffff  }
0x164: {  	[tilespmem:$0x1FA30] =	vst v45;
	v46 =	vor.u32 $0xC, v63;
	v21 =	vld.idx.msk [tilespmem:v0+s14+$0x0], $0xffff  }
0x165: {  	[tilespmem:$0x1F990] =	vst v1;
	v47 =	vor.u32 $0x10C, v63;
	v7 =	vadd.f32 v26, v7;
	v26 =	vld.idx.msk [tilespmem:v57+s14+$0x0], $0xffff  }
0x166: {  	v9 =	vadd.f32 v58, v9;
	v60 =	vor.u32 $0x50C, v63;
	v15 =	vadd.f32 v48, v15;
	v48 =	vmovc v57;
	v57 =	vld.idx.msk [tilespmem:v61+s14+$0x0], $0xffff  }
0x167: {  	[tilespmem:$0x1FB60] =	vst v42;
	v12 =	vadd.f32 v59, v12;
	v13 =	vadd.f32 v62, v13;
	v59 =	vor.u32 $0x40C, v63;
	v33 =	vld.idx.msk [tilespmem:v33+s14+$0x0], $0xffff  }
0x168: {  	v58 =	vor.u32 $0x30C, v63;
	[tilespmem:$0x1F9D0] =	vst v0;
	v10 =	vadd.f32 v22, v10;
	v9 =	vadd.f32 v56, v9;
	v22 =	vld.idx.msk [tilespmem:v44+s14+$0x0], $0xffff  }
0x169: {  	[tilespmem:$0x1FAE0] =	vst v58;
	v3 =	vor.u32 $0x10A, v63;
	v12 =	vadd.f32 v24, v12;
	v24 =	vld.idx.msk [tilespmem:v46+s14+$0x0], $0xffff  }
0x16a: {  	[tilespmem:$0x1FB20] =	vst v60;
	v45 =	vor.u32 $0x60B, v63;
	v13 =	vadd.f32 v25, v13;
	v9 =	vadd.f32 v28, v9;
	v25 =	vld.idx.msk [tilespmem:v47+s14+$0x0], $0xffff  }
0x16b: {  	[tilespmem:$0x1FA90] =	vst v44;
	v10 =	vadd.f32 v29, v10;
	v29 =	vor.u32 $0x60D, v63;
	v44 =	vadd.f32 v35, v11;
	v35 =	vld.idx.msk [tilespmem:v60+s14+$0x0], $0xffff  }
0x16c: {  	[tilespmem:$0x1FB30] =	vst v61;
	v28 =	vor.u32 $0x50D, v63;
	v9 =	vadd.f32 v34, v9;
	v34 =	vld.idx.msk [tilespmem:v59+s14+$0x0], $0xffff  }
0x16d: {  	[tilespmem:$0x1FB00] =	vst v59;
	v15 =	vadd.f32 v27, v15;
	v12 =	vadd.f32 v31, v12;
	v59 =	vld.idx.msk [tilespmem:v40+s14+$0x0], $0xffff  }
0x16e: {  	[tilespmem:$0x1FAB0] =	vst v46;
	v62 =	vor.u32 $0xD, v63;
	v13 =	vadd.f32 v39, v13;
	v10 =	vadd.f32 v43, v10;
	v20 =	vld.idx.msk [tilespmem:v3+s14+$0x0], $0xffff  }
0x16f: {  	[tilespmem:$0x1FAC0] =	vst v47;
	v27 =	vor.u32 $0x40D, v63;
	v15 =	vadd.f32 v41, v15;
	v23 =	vld.idx.msk [tilespmem:v45+s14+$0x0], $0xffff;
	v46 =	vadd.f32 v36, v12  }
0x170: {  	[tilespmem:$0x1FB40] =	vst v62;
	v31 =	vor.u32 $0xE, v63;
	v47 =	vadd.f32 v32, v13;
	v6 =	vadd.f32 v6, v10;
	v39 =	vld.idx.msk [tilespmem:v29+s14+$0x0], $0xffff  }
0x171: {  	[tilespmem:$0x1F9C0] =	vst v3;
	v3 =	vor.u32 $0x60A, v63;
	v1 =	vadd.f32 v14, v44;
	v4 =	vadd.f32 v4, v15;
	v41 =	vld.idx.msk [tilespmem:v28+s14+$0x0], $0xffff  }
0x172: {  	[tilespmem:$0x1FAA0] =	vst v45;
	v42 =	vor.u32 $0x40E, v63;
	v5 =	vadd.f32 v5, v9;
	v7 =	vadd.f32 v33, v7;
	v33 =	vld.idx.msk [tilespmem:v58+s14+$0x0], $0xffff  }
0x173: {  	[tilespmem:$0x1FBA0] =	vst v29;
	v45 =	vor.u32 $0x30D, v63;
	v2 =	vadd.f32 v16, v46;
	v6 =	vadd.f32 v21, v6;
	v58 =	vld.idx.msk [tilespmem:v62+s14+$0x0], $0xffff  }
0x174: {  	[tilespmem:$0x1FBF0] =	vst v42;
	v32 =	vor.u32 $0x10E, v63;
	v1 =	vadd.f32 v37, v1;
	v4 =	vadd.f32 v19, v4;
	v62 =	vld.idx.msk [tilespmem:v27+s14+$0x0], $0xffff  }
0x175: {  	[tilespmem:$0x1FB80] =	vst v27;
	v46 =	vor.u32 $0x60E, v63;
	v43 =	vld.idx.msk [tilespmem:v31+s14+$0x0], $0xffff;
	v2 =	vadd.f32 v49, v2;
	v6 =	vadd.f32 v54, v6  }
0x176: {  	[tilespmem:$0x1FA10] =	vst v3;
	v1 =	vadd.f32 v55, v1;
	v51 =	vld.idx.msk [tilespmem:v3+s14+$0x0], $0xffff;
	v3 =	vor.u32 $0x40B, v63;
	v8 =	vadd.f32 v8, v7  }
0x177: {  	[tilespmem:$0x1FB90] =	vst v28;
	v40 =	vor.u32 $0x20E, v63;
	v54 =	vld.idx.msk [tilespmem:v38+s14+$0x0], $0xffff;
	v5 =	vadd.f32 v20, v5;
	v4 =	vadd.f32 v52, v4  }
0x178: {  	[tilespmem:$0x1FBB0] =	vst v31;
	v55 =	vor.u32 $0x10F, v63;
	v61 =	vld.idx.msk [tilespmem:v45+s14+$0x0], $0xffff;
	v6 =	vadd.f32 v26, v6;
	v8 =	vadd.f32 v18, v8  }
0x179: {  	v44 =	vor.u32 $0x50E, v63;
	[tilespmem:$0x1FB70] =	vst v45;
	v45 =	vld.idx.msk [tilespmem:v32+s14+$0x0], $0xffff;
	v5 =	vadd.f32 v53, v5;
	v4 =	vadd.f32 v24, v4  }
0x17a: {  	[tilespmem:$0x1FBD0] =	vst v40;
	v53 =	vor.u32 $0xF, v63;
	v19 =	vld.idx.msk [tilespmem:v46+s14+$0x0], $0xffff;
	v1 =	vadd.f32 v33, v1;
	v6 =	vadd.f32 v30, v6  }
0x17b: {  	[tilespmem:$0x1FBC0] =	vst v32;
	v16 =	vor.u32 $0x20F, v63;
	v5 =	vadd.f32 v25, v5;
	v4 =	vadd.f32 v58, v4;
	v56 =	vld.idx.msk [tilespmem:v3+s14+$0x0], $0xffff  }
0x17c: {  	v31 =	vor.u32 $0x60F, v63;
	[tilespmem:$0x1FA80] =	vst v3;
	v3 =	vadd.f32 v17, v47;
	v8 =	vadd.f32 v51, v8;
	v47 =	vld.idx.msk [tilespmem:v40+s14+$0x0], $0xffff  }
0x17d: {  	[tilespmem:$0x1FC00] =	vst v44;
	v29 =	vor.u32 $0x50F, v63;
	v30 =	vld.idx.msk [tilespmem:v55+s14+$0x0], $0xffff;
	v1 =	vadd.f32 v61, v1;
	v5 =	vadd.f32 v59, v5  }
0x17e: {  	[tilespmem:$0x1FC70] =	vst v29;
	v17 =	vld.idx.msk [tilespmem:v44+s14+$0x0], $0xffff;
	v3 =	vadd.f32 v50, v3;
	v8 =	vadd.f32 v23, v8  }
0x17f: {  	[tilespmem:$0x1FC10] =	vst v46;
	v18 =	vor.u32 $0x30F, v63;
	v4 =	vadd.f32 v43, v4;
	v28 =	vld.idx.msk [tilespmem:v53+s14+$0x0], $0xffff;
	v5 =	vadd.f32 v45, v5  }
0x180: {  	v21 =	vor.u32 $0x40F, v63;
	[tilespmem:$0x1FC40] =	vst v16;
	v40 =	vld.idx.msk [tilespmem:v16+s14+$0x0], $0xffff;
	v3 =	vadd.f32 v22, v3;
	v8 =	vadd.f32 v57, v8  }
0x181: {  	[tilespmem:$0x1FC60] =	vst v21;
	v44 =	vld.idx.msk [tilespmem:v31+s14+$0x0], $0xffff;
	v2 =	vadd.f32 v56, v2;
	v6 =	vadd.f32 v47, v6  }
0x182: {  	[tilespmem:$0x1FC80] =	vst v31;
	v43 =	vld.idx.msk [tilespmem:v29+s14+$0x0], $0xffff;
	v5 =	vadd.f32 v30, v5;
	v3 =	vadd.f32 v35, v3  }
0x183: {  	s21 =	smul.u32 $0x380, s18;
	[tilespmem:$0x1FC30] =	vst v55;
	v56 =	vld.idx.msk [tilespmem:v42+s14+$0x0], $0xffff;
	v8 =	vadd.f32 v39, v8;
	v2 =	vadd.f32 v34, v2  }
0x184: {  	[tilespmem:$0x1FC20] =	vst v53;
	v4 =	vadd.f32 v28, v4;
	v3 =	vadd.f32 v41, v3;
	v41 =	vld.idx.msk [tilespmem:v18+s14+$0x0], $0xffff  }
0x185: {  	s21 =	sshra.s32 s21, $0x2;
	[tilespmem:$0x1FC50] =	vst v18;
	v42 =	vld.idx.msk [tilespmem:v21+s14+$0x0], $0xffff;
	v6 =	vadd.f32 v40, v6;
	v45 =	vadd.f32 v19, v8  }
0x186: {  	[tilespmem:s21+$0xE890] =	vst v5;
	v2 =	vadd.f32 v62, v2;
	v3 =	vadd.f32 v17, v3  }
0x187: {  	v1 =	vadd.f32 v54, v1;
	[tilespmem:s21+$0xE880] =	vst v4;
	v46 =	vadd.f32 v44, v45  }
0x188: {  	[tilespmem:s21+$0xE8A0] =	vst v6;
	v2 =	vadd.f32 v56, v2;
	v3 =	vadd.f32 v43, v3  }
0x189: {  	[tilespmem:s21+$0xE8E0] =	vst v46;
	v1 =	vadd.f32 v41, v1  }
0x18a: {  	v2 =	vadd.f32 v42, v2;
	[tilespmem:s21+$0xE8D0] =	vst v3  }
0x18b: {  	[tilespmem:s21+$0xE8B0] =	vst v1  }
0x18c: {  	[tilespmem:s21+$0xE8C0] =	vst v2;
	s21 =	sadd.s32 $0xE0, s21  }
0x18d: {  	[tilespmem:s11], [sflag:$0x1] =	stream.indirect.gather [hbm4b:s3+s10], $0x80, s21, s10, $0xb8;
	[tilespmem:$0x11D80] =	vst v63  }
0x18e: {  	_ =	swait.ge [sflag:s15], $0x3800  }
0x18f: {  	s20 =	sshll.u32 s20, $0x7;
	[sflag:s15] =	ssyncset.done $0x0  }
0x190: {  	s31 =	sand.u32 $0x3FFFFF80, s20;
	[sflag:s15] =	ssyncadd.s32 $0xFFFFC800  }
0x191: {  	v49 =	vld [tilespmem:s31+$0x3500]  }
0x192: {  	s20 =	simm.s32 $0xAA80;
	v50 =	vld [tilespmem:s31+$0x3510]  }
0x193: {  	v47 =	vld [tilespmem:s20+$0xFFFFFF10]  }
0x194: {  	v56 =	vld [tilespmem:s20+$0xFFFFFF00]  }
0x195: {  	v51 =	vld [tilespmem:s31+$0x3520]  }
0x196: {  	v57 =	vld [tilespmem:s20+$0xFFFFFF20]  }
0x197: {  	v52 =	vld [tilespmem:s31+$0x3530]  }
0x198: {  	v58 =	vld [tilespmem:s20+$0xFFFFFF30]  }
0x199: {  	v53 =	vld [tilespmem:s31+$0x3540];
	v2 =	vmul.f32 v56, v49;
	v1 =	vmul.f32 v47, v50  }
0x19a: {  	v59 =	vld [tilespmem:s20+$0xFFFFFF40]  }
0x19b: {  	v54 =	vld [tilespmem:s31+$0x3550];
	v60 =	vmul.f32 v57, v51;
	v1 =	vadd.f32 v1, v2  }
0x19c: {  	v61 =	vld [tilespmem:s20+$0xFFFFFF50]  }
0x19d: {  	v55 =	vld [tilespmem:s31+$0x3560];
	v62 =	vmul.f32 v58, v52;
	v1 =	vadd.f32 v60, v1  }
0x19e: {  	v8 =	vld [tilespmem:s20+$0xFFFFFF60]  }
0x19f: {  	v10 =	vld [tilespmem:s20+$0xFFFFFF70];
	v9 =	vmul.f32 v59, v53;
	v1 =	vadd.f32 v62, v1  }
0x1a0: {  	v56 =	vld [tilespmem:s31+$0x3570]  }
0x1a1: {  	v11 =	vmul.f32 v61, v54;
	v1 =	vadd.f32 v9, v1;
	_ =	sdelay $0x1  }
0x1a2: {  	v12 =	vmul.f32 v8, v55;
	v1 =	vadd.f32 v11, v1;
	_ =	sdelay $0x1  }
0x1a3: {  	v13 =	vmul.f32 v10, v56;
	v1 =	vadd.f32 v12, v1;
	_ =	sdelay $0x1  }
0x1a4: {  	v1 =	vadd.f32 v13, v1  }
0x1a5: {  	s21 =	simm.s32 $0x30  }
0x1a6: {  	[tilespmem:s21+$0xE150] =	vst v1  }
0x1a7: {  	v1 =	vld [tilespmem:s20+$0xFFFFFF80]  }
0x1a8: {  	v14 =	vld [tilespmem:s20+$0xFFFFFF90];
	_ =	sdelay $0x1  }
0x1a9: {  	v15 =	vld [tilespmem:s20+$0xFFFFFFA0];
	_ =	sdelay $0x1  }
0x1aa: {  	v16 =	vld [tilespmem:s20+$0xFFFFFFB0]  }
0x1ab: {  	v1 =	vmul.f32 v1, v49;
	v2 =	vmul.f32 v14, v50  }
0x1ac: {  	v17 =	vld [tilespmem:s20+$0xFFFFFFC0]  }
0x1ad: {  	v18 =	vmul.f32 v15, v51;
	v1 =	vadd.f32 v2, v1  }
0x1ae: {  	v19 =	vld [tilespmem:s20+$0xFFFFFFD0]  }
0x1af: {  	v20 =	vmul.f32 v16, v52;
	v1 =	vadd.f32 v18, v1  }
0x1b0: {  	v21 =	vld [tilespmem:s20+$0xFFFFFFE0]  }
0x1b1: {  	v22 =	vmul.f32 v17, v53;
	v1 =	vadd.f32 v20, v1  }
0x1b2: {  	v23 =	vld [tilespmem:s20+$0xFFFFFFF0]  }
0x1b3: {  	v24 =	vmul.f32 v19, v54;
	v1 =	vadd.f32 v22, v1;
	_ =	sdelay $0x1  }
0x1b4: {  	v25 =	vmul.f32 v21, v55;
	v1 =	vadd.f32 v24, v1;
	_ =	sdelay $0x1  }
0x1b5: {  	v26 =	vmul.f32 v23, v56;
	v1 =	vadd.f32 v25, v1;
	_ =	sdelay $0x1  }
0x1b6: {  	v1 =	vadd.f32 v26, v1;
	_ =	sdelay $0x1  }
0x1b7: {  	[tilespmem:s21+$0xE160] =	vst v1  }
0x1b8: {  	v1 =	vld [tilespmem:s20+$0x0]  }
0x1b9: {  	v27 =	vld [tilespmem:s20+$0x10];
	_ =	sdelay $0x1  }
0x1ba: {  	v28 =	vld [tilespmem:s20+$0x20];
	_ =	sdelay $0x1  }
0x1bb: {  	v29 =	vld [tilespmem:s20+$0x30]  }
0x1bc: {  	v1 =	vmul.f32 v1, v49;
	v2 =	vmul.f32 v27, v50  }
0x1bd: {  	v30 =	vld [tilespmem:s20+$0x40]  }
0x1be: {  	v31 =	vmul.f32 v28, v51;
	v1 =	vadd.f32 v2, v1  }
0x1bf: {  	v32 =	vld [tilespmem:s20+$0x50]  }
0x1c0: {  	v33 =	vmul.f32 v29, v52;
	v1 =	vadd.f32 v31, v1  }
0x1c1: {  	v34 =	vld [tilespmem:s20+$0x60]  }
0x1c2: {  	v35 =	vmul.f32 v30, v53;
	v1 =	vadd.f32 v33, v1  }
0x1c3: {  	v36 =	vld [tilespmem:s20+$0x70]  }
0x1c4: {  	v37 =	vmul.f32 v32, v54;
	v1 =	vadd.f32 v35, v1;
	_ =	sdelay $0x1  }
0x1c5: {  	v38 =	vmul.f32 v34, v55;
	v1 =	vadd.f32 v37, v1;
	_ =	sdelay $0x1  }
0x1c6: {  	v39 =	vmul.f32 v36, v56;
	v1 =	vadd.f32 v38, v1;
	_ =	sdelay $0x1  }
0x1c7: {  	v1 =	vadd.f32 v39, v1;
	_ =	sdelay $0x1  }
0x1c8: {  	[tilespmem:s21+$0xE170] =	vst v1  }
0x1c9: {  	v1 =	vld [tilespmem:s20+$0x80]  }
0x1ca: {  	v40 =	vld [tilespmem:s20+$0x90];
	_ =	sdelay $0x1  }
0x1cb: {  	v41 =	vld [tilespmem:s20+$0xA0];
	_ =	sdelay $0x1  }
0x1cc: {  	v42 =	vld [tilespmem:s20+$0xB0]  }
0x1cd: {  	v1 =	vmul.f32 v1, v49;
	v2 =	vmul.f32 v40, v50  }
0x1ce: {  	v43 =	vld [tilespmem:s20+$0xC0]  }
0x1cf: {  	v44 =	vmul.f32 v41, v51;
	v1 =	vadd.f32 v2, v1  }
0x1d0: {  	v45 =	vld [tilespmem:s20+$0xD0]  }
0x1d1: {  	v47 =	vld [tilespmem:s20+$0xE0];
	v46 =	vmul.f32 v42, v52;
	v1 =	vadd.f32 v44, v1  }
0x1d2: {  	v60 =	vld [tilespmem:s20+$0xF0]  }
0x1d3: {  	v61 =	vmul.f32 v43, v53;
	v1 =	vadd.f32 v46, v1;
	_ =	sdelay $0x1  }
0x1d4: {  	v62 =	vmul.f32 v45, v54;
	v1 =	vadd.f32 v61, v1;
	_ =	sdelay $0x1  }
0x1d5: {  	s22 =	simm.s32 $0x1C0;
	v59 =	vmul.f32 v47, v55;
	v57 =	vmul.f32 v60, v56;
	v58 =	vadd.f32 v62, v1  }
.LBB2_5:
0x1d6: {  	p0 =	sne.s32 s22, $0x1BC0  }
0x1d7: {  	v1 =	vadd.f32 v59, v58;
	s20 =	sadd.s32 $0x200, s20;
	s23 =	smov.u32 s22;
	s22 =	sadd.s32 $0x100, s22  }
0x1d8: {  	_ = 	snop  }
0x1d9: {  	v1 =	vadd.f32 v57, v1;
	_ =	sdelay $0x1  }
0x1da: {  	[tilespmem:s21+$0xE180] =	vst v1  }
0x1db: {  	v1 =	vld [tilespmem:s20+$0xFFFFFF10]  }
0x1dc: {  	v2 =	vld [tilespmem:s20+$0xFFFFFF00];
	_ =	sdelay $0x1  }
0x1dd: {  	v3 =	vld [tilespmem:s20+$0xFFFFFF20];
	_ =	sdelay $0x1  }
0x1de: {  	v4 =	vld [tilespmem:s20+$0xFFFFFF30]  }
0x1df: {  	v1 =	vmul.f32 v1, v50;
	v2 =	vmul.f32 v2, v49  }
0x1e0: {  	v5 =	vld [tilespmem:s20+$0xFFFFFF40]  }
0x1e1: {  	v1 =	vadd.f32 v1, v2;
	v2 =	vmul.f32 v3, v51  }
0x1e2: {  	v3 =	vld [tilespmem:s20+$0xFFFFFF50]  }
0x1e3: {  	v1 =	vadd.f32 v2, v1;
	v2 =	vmul.f32 v4, v52  }
0x1e4: {  	v4 =	vld [tilespmem:s20+$0xFFFFFF60]  }
0x1e5: {  	v1 =	vadd.f32 v2, v1;
	v2 =	vmul.f32 v5, v53  }
0x1e6: {  	v5 =	vld [tilespmem:s20+$0xFFFFFF70]  }
0x1e7: {  	v1 =	vadd.f32 v2, v1;
	v2 =	vmul.f32 v3, v54;
	_ =	sdelay $0x1  }
0x1e8: {  	v1 =	vadd.f32 v2, v1;
	v2 =	vmul.f32 v4, v55;
	_ =	sdelay $0x1  }
0x1e9: {  	v1 =	vadd.f32 v2, v1;
	v2 =	vmul.f32 v5, v56;
	_ =	sdelay $0x1  }
0x1ea: {  	v1 =	vadd.f32 v2, v1  }
0x1eb: {  	s21 =	sshra.s32 s23, $0x2  }
0x1ec: {  	[tilespmem:s21+$0xE150] =	vst v1  }
0x1ed: {  	v1 =	vld [tilespmem:s20+$0xFFFFFF80]  }
0x1ee: {  	v2 =	vld [tilespmem:s20+$0xFFFFFF90];
	_ =	sdelay $0x1  }
0x1ef: {  	v3 =	vld [tilespmem:s20+$0xFFFFFFA0];
	_ =	sdelay $0x1  }
0x1f0: {  	v4 =	vld [tilespmem:s20+$0xFFFFFFB0]  }
0x1f1: {  	v1 =	vmul.f32 v1, v49;
	v2 =	vmul.f32 v2, v50  }
0x1f2: {  	v5 =	vld [tilespmem:s20+$0xFFFFFFC0]  }
0x1f3: {  	v1 =	vadd.f32 v2, v1;
	v2 =	vmul.f32 v3, v51  }
0x1f4: {  	v3 =	vld [tilespmem:s20+$0xFFFFFFD0]  }
0x1f5: {  	v1 =	vadd.f32 v2, v1;
	v2 =	vmul.f32 v4, v52  }
0x1f6: {  	v4 =	vld [tilespmem:s20+$0xFFFFFFE0]  }
0x1f7: {  	v1 =	vadd.f32 v2, v1;
	v2 =	vmul.f32 v5, v53  }
0x1f8: {  	v5 =	vld [tilespmem:s20+$0xFFFFFFF0]  }
0x1f9: {  	v1 =	vadd.f32 v2, v1;
	v2 =	vmul.f32 v3, v54;
	_ =	sdelay $0x1  }
0x1fa: {  	v1 =	vadd.f32 v2, v1;
	v2 =	vmul.f32 v4, v55;
	_ =	sdelay $0x1  }
0x1fb: {  	v1 =	vadd.f32 v2, v1;
	v2 =	vmul.f32 v5, v56;
	_ =	sdelay $0x1  }
0x1fc: {  	v1 =	vadd.f32 v2, v1;
	_ =	sdelay $0x1  }
0x1fd: {  	[tilespmem:s21+$0xE160] =	vst v1  }
0x1fe: {  	v1 =	vld [tilespmem:s20+$0x0]  }
0x1ff: {  	v2 =	vld [tilespmem:s20+$0x10];
	_ =	sdelay $0x1  }
0x200: {  	v3 =	vld [tilespmem:s20+$0x20];
	_ =	sdelay $0x1  }
0x201: {  	v1 =	vmul.f32 v1, v49;
	v4 =	vld [tilespmem:s20+$0x30]  }
0x202: {  	v2 =	vmul.f32 v2, v50  }
0x203: {  	v5 =	vld [tilespmem:s20+$0x40]  }
0x204: {  	v1 =	vadd.f32 v2, v1;
	v2 =	vmul.f32 v3, v51  }
0x205: {  	v3 =	vld [tilespmem:s20+$0x50]  }
0x206: {  	v1 =	vadd.f32 v2, v1;
	v2 =	vmul.f32 v4, v52  }
0x207: {  	v4 =	vld [tilespmem:s20+$0x60]  }
0x208: {  	v1 =	vadd.f32 v2, v1;
	v2 =	vmul.f32 v5, v53  }
0x209: {  	v5 =	vld [tilespmem:s20+$0x70]  }
0x20a: {  	v1 =	vadd.f32 v2, v1;
	v2 =	vmul.f32 v3, v54;
	_ =	sdelay $0x1  }
0x20b: {  	v1 =	vadd.f32 v2, v1;
	v2 =	vmul.f32 v4, v55;
	_ =	sdelay $0x1  }
0x20c: {  	v1 =	vadd.f32 v2, v1;
	v2 =	vmul.f32 v5, v56;
	_ =	sdelay $0x1  }
0x20d: {  	v1 =	vadd.f32 v2, v1;
	_ =	sdelay $0x1  }
0x20e: {  	[tilespmem:s21+$0xE170] =	vst v1  }
0x20f: {  	v1 =	vld [tilespmem:s20+$0x80]  }
0x210: {  	v2 =	vld [tilespmem:s20+$0x90]  }
0x211: {  	v3 =	vld [tilespmem:s20+$0xA0]  }
0x212: {  	v4 =	vld [tilespmem:s20+$0xB0]  }
0x213: {  	v5 =	vld [tilespmem:s20+$0xC0]  }
0x214: {  	v6 =	vld [tilespmem:s20+$0xD0]  }
0x215: {  	v1 =	vmul.f32 v1, v49;
	v2 =	vmul.f32 v2, v50;
	v8 =	vld [tilespmem:s20+$0xE0]  }
0x216: {  	v3 =	vmul.f32 v3, v51;
	v22 =	vld [tilespmem:s20+$0xF0]  }
0x217: {  	v1 =	vadd.f32 v2, v1  }
0x218: {  	v2 =	vmul.f32 v4, v52  }
0x219: {  	v1 =	vadd.f32 v3, v1  }
0x21a: {  	v3 =	vmul.f32 v5, v53  }
0x21b: {  	v1 =	vadd.f32 v2, v1  }
.Ltmp1:
0x21c: {  	v2 =	vmul.f32 v6, v54;
	(pc) =	sbr.rel @p0 .LBB2_5-.Ltmp1, $4  }
0x21d: {  	v1 =	vadd.f32 v3, v1  }
0x21e: {  	v59 =	vmul.f32 v8, v55  }
0x21f: {  	v58 =	vadd.f32 v2, v1  }
0x220: {  	v57 =	vmul.f32 v22, v56  }
0x221: {  	v2 =	vld [tilespmem:$0x1FC90]  }
0x222: {  	v3 =	vld [tilespmem:$0x1FCA0]  }
0x223: {  	v4 =	vld [tilespmem:$0x1FCB0]  }
0x224: {  	v5 =	vld [tilespmem:$0x1FCC0]  }
0x225: {  	v6 =	vld [tilespmem:$0x1FCD0]  }
0x226: {  	v7 =	vld [tilespmem:$0x1FCE0]  }
0x227: {  	v44 =	vld [tilespmem:$0x1FCF0]  }
0x228: {  	v45 =	vld [tilespmem:$0x1FD00]  }
0x229: {  	v46 =	vld [tilespmem:$0x1FD10]  }
0x22a: {  	v47 =	vld [tilespmem:$0x1FD20]  }
0x22b: {  	v49 =	vld [tilespmem:$0x1FD30]  }
0x22c: {  	v50 =	vld [tilespmem:$0x1FD40]  }
0x22d: {  	v51 =	vld [tilespmem:$0x1FD50]  }
0x22e: {  	v52 =	vld [tilespmem:$0x1FD60]  }
0x22f: {  	v53 =	vld [tilespmem:$0x1FD70]  }
0x230: {  	v54 =	vld [tilespmem:$0x1FD80]  }
0x231: {  	v55 =	vld [tilespmem:$0x1FD90]  }
0x232: {  	v56 =	vld [tilespmem:$0x1FDA0]  }
0x233: {  	v1 =	vadd.f32 v59, v58;
	v58 =	vld [tilespmem:$0x1FDC0]  }
0x234: {  	v59 =	vld [tilespmem:$0x1FDD0]  }
0x235: {  	v60 =	vld [tilespmem:$0x1FDE0]  }
0x236: {  	v61 =	vld [tilespmem:$0x1FDF0]  }
0x237: {  	v62 =	vld [tilespmem:$0x1FE00]  }
0x238: {  	v0 =	vld [tilespmem:$0x1FE10]  }
0x239: {  	v9 =	vld [tilespmem:$0x1FE20]  }
0x23a: {  	v10 =	vld [tilespmem:$0x1FE30]  }
0x23b: {  	v11 =	vld [tilespmem:$0x1FE40]  }
0x23c: {  	v12 =	vld [tilespmem:$0x1FE50]  }
0x23d: {  	v13 =	vld [tilespmem:$0x1FE60]  }
0x23e: {  	v14 =	vld [tilespmem:$0x1FE70]  }
0x23f: {  	v15 =	vld [tilespmem:$0x1FE80]  }
0x240: {  	v16 =	vld [tilespmem:$0x1FE90]  }
0x241: {  	v17 =	vld [tilespmem:$0x1FEA0]  }
0x242: {  	v18 =	vld [tilespmem:$0x1FEB0]  }
0x243: {  	v19 =	vld [tilespmem:$0x1FEC0]  }
0x244: {  	v20 =	vld [tilespmem:$0x1FED0]  }
0x245: {  	v21 =	vld [tilespmem:$0x1FEF0]  }
0x246: {  	v38 =	vld [tilespmem:$0x1FFC0]  }
0x247: {  	v39 =	vld [tilespmem:$0x1FFD0]  }
0x248: {  	v40 =	vld [tilespmem:$0x1FFE0]  }
0x249: {  	v41 =	vld [tilespmem:$0x1FFF0]  }
0x24a: {  	v42 =	vld [tilespmem:$0x1F8D0];
	v1 =	vadd.f32 v57, v1  }
0x24b: {  	v43 =	vld [tilespmem:$0x1F8E0]  }
0x24c: {  	v57 =	vld [tilespmem:$0x1FDB0];
	[tilespmem:s21+$0xE180] =	vst v1  }
0x24d: {  	v1 =	vld.idx.msk [tilespmem:v63+s14+$0x0], $0xffff  }
0x24e: {  	v2 =	vld.idx.msk [tilespmem:v2+s14+$0x0], $0xffff  }
0x24f: {  	v3 =	vld.idx.msk [tilespmem:v3+s14+$0x0], $0xffff  }
0x250: {  	v4 =	vld.idx.msk [tilespmem:v4+s14+$0x0], $0xffff  }
0x251: {  	v5 =	vld.idx.msk [tilespmem:v5+s14+$0x0], $0xffff  }
0x252: {  	v6 =	vld.idx.msk [tilespmem:v6+s14+$0x0], $0xffff  }
0x253: {  	v8 =	vld.idx.msk [tilespmem:v7+s14+$0x0], $0xffff  }
0x254: {  	v22 =	vld.idx.msk [tilespmem:v44+s14+$0x0], $0xffff  }
0x255: {  	v23 =	vld.idx.msk [tilespmem:v45+s14+$0x0], $0xffff  }
0x256: {  	v24 =	vld.idx.msk [tilespmem:v46+s14+$0x0], $0xffff  }
0x257: {  	v25 =	vld.idx.msk [tilespmem:v47+s14+$0x0], $0xffff  }
0x258: {  	v26 =	vld.idx.msk [tilespmem:v49+s14+$0x0], $0xffff  }
0x259: {  	v33 =	vld.idx.msk [tilespmem:v50+s14+$0x0], $0xffff  }
0x25a: {  	v34 =	vld.idx.msk [tilespmem:v51+s14+$0x0], $0xffff  }
0x25b: {  	v35 =	vld.idx.msk [tilespmem:v52+s14+$0x0], $0xffff  }
0x25c: {  	v37 =	vld.idx.msk [tilespmem:v53+s14+$0x0], $0xffff  }
0x25d: {  	v49 =	vld.idx.msk [tilespmem:v54+s14+$0x0], $0xffff  }
0x25e: {  	v50 =	vld.idx.msk [tilespmem:v55+s14+$0x0], $0xffff  }
0x25f: {  	v51 =	vld.idx.msk [tilespmem:v56+s14+$0x0], $0xffff  }
0x260: {  	v53 =	vld.idx.msk [tilespmem:v58+s14+$0x0], $0xffff  }
0x261: {  	v54 =	vld.idx.msk [tilespmem:v59+s14+$0x0], $0xffff  }
0x262: {  	v55 =	vld.idx.msk [tilespmem:v60+s14+$0x0], $0xffff  }
0x263: {  	v56 =	vld.idx.msk [tilespmem:v61+s14+$0x0], $0xffff  }
0x264: {  	v58 =	vld.idx.msk [tilespmem:v0+s14+$0x0], $0xffff  }
0x265: {  	v59 =	vld.idx.msk [tilespmem:v9+s14+$0x0], $0xffff  }
0x266: {  	v60 =	vld.idx.msk [tilespmem:v10+s14+$0x0], $0xffff  }
0x267: {  	v61 =	vld.idx.msk [tilespmem:v11+s14+$0x0], $0xffff  }
0x268: {  	v0 =	vld.idx.msk [tilespmem:v13+s14+$0x0], $0xffff  }
0x269: {  	v27 =	vld.idx.msk [tilespmem:v14+s14+$0x0], $0xffff  }
0x26a: {  	v28 =	vld.idx.msk [tilespmem:v15+s14+$0x0], $0xffff  }
0x26b: {  	v29 =	vld.idx.msk [tilespmem:v16+s14+$0x0], $0xffff  }
0x26c: {  	v31 =	vld.idx.msk [tilespmem:v17+s14+$0x0], $0xffff  }
0x26d: {  	v32 =	vld.idx.msk [tilespmem:v18+s14+$0x0], $0xffff  }
0x26e: {  	v36 =	vld.idx.msk [tilespmem:v19+s14+$0x0], $0xffff  }
0x26f: {  	v7 =	vld.idx.msk [tilespmem:v20+s14+$0x0], $0xffff  }
0x270: {  	v9 =	vld [tilespmem:$0x1FEE0]  }
0x271: {  	v10 =	vld [tilespmem:$0x1FF00]  }
0x272: {  	v11 =	vld [tilespmem:$0x1FF10]  }
0x273: {  	v13 =	vld [tilespmem:$0x1FF30]  }
0x274: {  	v14 =	vld [tilespmem:$0x1FF40]  }
0x275: {  	v15 =	vld [tilespmem:$0x1FF50]  }
0x276: {  	v16 =	vld [tilespmem:$0x1FF60]  }
0x277: {  	v17 =	vld [tilespmem:$0x1FF70]  }
0x278: {  	v18 =	vld [tilespmem:$0x1FF80]  }
0x279: {  	v19 =	vld [tilespmem:$0x1FF90]  }
0x27a: {  	v20 =	vld [tilespmem:$0x1FFA0]  }
0x27b: {  	v38 =	vld.idx.msk [tilespmem:v38+s14+$0x0], $0xffff  }
0x27c: {  	v39 =	vld.idx.msk [tilespmem:v39+s14+$0x0], $0xffff  }
0x27d: {  	v40 =	vld.idx.msk [tilespmem:v40+s14+$0x0], $0xffff  }
0x27e: {  	v41 =	vld.idx.msk [tilespmem:v41+s14+$0x0], $0xffff  }
0x27f: {  	v42 =	vld.idx.msk [tilespmem:v42+s14+$0x0], $0xffff  }
0x280: {  	v43 =	vld.idx.msk [tilespmem:v43+s14+$0x0], $0xffff  }
0x281: {  	v44 =	vld [tilespmem:$0x1F8F0]  }
0x282: {  	v45 =	vld [tilespmem:$0x1F900]  }
0x283: {  	v46 =	vld [tilespmem:$0x1F910]  }
0x284: {  	v47 =	vld [tilespmem:$0x1F920]  }
0x285: {  	v52 =	vld.idx.msk [tilespmem:v57+s14+$0x0], $0xffff  }
0x286: {  	v57 =	vld.idx.msk [tilespmem:v62+s14+$0x0], $0xffff  }
0x287: {  	v62 =	vld.idx.msk [tilespmem:v12+s14+$0x0], $0xffff;
	v1 =	vadd.f32 $0.0e+00, v1  }
0x288: {  	v12 =	vld [tilespmem:$0x1FF20];
	v2 =	vadd.f32 $0.0e+00, v2  }
0x289: {  	v3 =	vadd.f32 $0.0e+00, v3;
	v1 =	vadd.f32 v22, v1;
	v22 =	vld [tilespmem:$0x1F930]  }
0x28a: {  	v4 =	vadd.f32 $0.0e+00, v4;
	v2 =	vadd.f32 v23, v2;
	v23 =	vld [tilespmem:$0x1F940]  }
0x28b: {  	v8 =	vadd.f32 $0.0e+00, v8;
	v3 =	vadd.f32 v24, v3;
	v24 =	vld [tilespmem:$0x1F950]  }
0x28c: {  	v4 =	vadd.f32 v25, v4;
	v25 =	vld [tilespmem:$0x1F960]  }
0x28d: {  	v8 =	vadd.f32 v34, v8;
	v34 =	vld [tilespmem:$0x1F970]  }
0x28e: {  	v30 =	vld.idx.msk [tilespmem:v9+s14+$0x0], $0xffff  }
0x28f: {  	v9 =	vld.idx.msk [tilespmem:v21+s14+$0x0], $0xffff  }
0x290: {  	v10 =	vld.idx.msk [tilespmem:v10+s14+$0x0], $0xffff  }
0x291: {  	v11 =	vld.idx.msk [tilespmem:v11+s14+$0x0], $0xffff  }
0x292: {  	v13 =	vld.idx.msk [tilespmem:v13+s14+$0x0], $0xffff  }
0x293: {  	v14 =	vld.idx.msk [tilespmem:v14+s14+$0x0], $0xffff  }
0x294: {  	v15 =	vld.idx.msk [tilespmem:v15+s14+$0x0], $0xffff  }
0x295: {  	v16 =	vld.idx.msk [tilespmem:v16+s14+$0x0], $0xffff  }
0x296: {  	v17 =	vld.idx.msk [tilespmem:v17+s14+$0x0], $0xffff  }
0x297: {  	v18 =	vld.idx.msk [tilespmem:v18+s14+$0x0], $0xffff  }
0x298: {  	v19 =	vld.idx.msk [tilespmem:v19+s14+$0x0], $0xffff  }
0x299: {  	v20 =	vld.idx.msk [tilespmem:v20+s14+$0x0], $0xffff  }
0x29a: {  	v21 =	vld [tilespmem:$0x1FFB0]  }
0x29b: {  	v44 =	vld.idx.msk [tilespmem:v44+s14+$0x0], $0xffff  }
0x29c: {  	v45 =	vld.idx.msk [tilespmem:v45+s14+$0x0], $0xffff  }
0x29d: {  	v6 =	vadd.f32 $0.0e+00, v6;
	v46 =	vld.idx.msk [tilespmem:v46+s14+$0x0], $0xffff  }
0x29e: {  	v5 =	vadd.f32 $0.0e+00, v5;
	v47 =	vld.idx.msk [tilespmem:v47+s14+$0x0], $0xffff  }
0x29f: {  	v6 =	vadd.f32 v33, v6;
	v2 =	vadd.f32 v37, v2;
	v37 =	vld [tilespmem:$0x1F980]  }
0x2a0: {  	v1 =	vadd.f32 v35, v1;
	v4 =	vadd.f32 v50, v4;
	v50 =	vld [tilespmem:$0x1F990]  }
0x2a1: {  	v6 =	vadd.f32 v52, v6;
	v52 =	vld [tilespmem:$0x1F9A0]  }
0x2a2: {  	v5 =	vadd.f32 v26, v5;
	v1 =	vadd.f32 v54, v1;
	v54 =	vld [tilespmem:$0x1F9B0]  }
0x2a3: {  	v3 =	vadd.f32 v49, v3;
	v8 =	vadd.f32 v53, v8;
	v53 =	vld [tilespmem:$0x1FAB0]  }
0x2a4: {  	v5 =	vadd.f32 v51, v5;
	v12 =	vld.idx.msk [tilespmem:v12+s14+$0x0], $0xffff  }
0x2a5: {  	v3 =	vadd.f32 v56, v3;
	v56 =	vld [tilespmem:$0x1F9C0]  }
0x2a6: {  	v5 =	vadd.f32 v58, v5;
	v58 =	vld [tilespmem:$0x1F9D0]  }
0x2a7: {  	v8 =	vadd.f32 v60, v8;
	v60 =	vld [tilespmem:$0x1F9E0]  }
0x2a8: {  	v1 =	vadd.f32 v61, v1;
	v61 =	vld [tilespmem:$0x1F9F0]  }
0x2a9: {  	v6 =	vadd.f32 v59, v6;
	v59 =	vld [tilespmem:$0x1FA10]  }
0x2aa: {  	v2 =	vadd.f32 v55, v2;
	v55 =	vld.idx.msk [tilespmem:v48+s14+$0x0], $0xffff  }
0x2ab: {  	v4 =	vadd.f32 v57, v4;
	v57 =	vld [tilespmem:$0x1FB00]  }
0x2ac: {  	v22 =	vld.idx.msk [tilespmem:v22+s14+$0x0], $0xffff  }
0x2ad: {  	v2 =	vadd.f32 v62, v2;
	v62 =	vld [tilespmem:$0x1FA00]  }
0x2ae: {  	v8 =	vadd.f32 v31, v8;
	v31 =	vld [tilespmem:$0x1FA20]  }
0x2af: {  	v1 =	vadd.f32 v32, v1;
	v32 =	vld [tilespmem:$0x1FA30]  }
0x2b0: {  	v3 =	vadd.f32 v0, v3;
	v0 =	vld [tilespmem:$0x1FB40]  }
0x2b1: {  	v23 =	vld.idx.msk [tilespmem:v23+s14+$0x0], $0xffff  }
0x2b2: {  	v24 =	vld.idx.msk [tilespmem:v24+s14+$0x0], $0xffff  }
0x2b3: {  	v4 =	vadd.f32 v27, v4;
	v25 =	vld.idx.msk [tilespmem:v25+s14+$0x0], $0xffff  }
0x2b4: {  	v26 =	vld.idx.msk [tilespmem:v34+s14+$0x0], $0xffff  }
0x2b5: {  	v4 =	vadd.f32 v30, v4;
	v30 =	vld [tilespmem:$0x1FA40]  }
0x2b6: {  	v2 =	vadd.f32 v36, v2;
	v36 =	vld [tilespmem:$0x1FA50]  }
0x2b7: {  	v21 =	vld.idx.msk [tilespmem:v21+s14+$0x0], $0xffff  }
0x2b8: {  	v33 =	vld.idx.msk [tilespmem:v37+s14+$0x0], $0xffff  }
0x2b9: {  	v34 =	vld.idx.msk [tilespmem:v50+s14+$0x0], $0xffff  }
0x2ba: {  	v6 =	vadd.f32 v29, v6;
	v35 =	vld.idx.msk [tilespmem:v52+s14+$0x0], $0xffff  }
0x2bb: {  	v37 =	vld.idx.msk [tilespmem:v54+s14+$0x0], $0xffff  }
0x2bc: {  	v6 =	vadd.f32 v10, v6;
	v2 =	vadd.f32 v13, v2;
	v13 =	vld [tilespmem:$0x1FA80]  }
0x2bd: {  	v3 =	vadd.f32 v7, v3;
	v4 =	vadd.f32 v15, v4;
	v15 =	vld [tilespmem:$0x1FA90]  }
0x2be: {  	v6 =	vadd.f32 v17, v6;
	v17 =	vld [tilespmem:$0x1FAA0]  }
0x2bf: {  	v3 =	vadd.f32 v14, v3;
	v14 =	vld.idx.msk [tilespmem:v53+s14+$0x0], $0xffff  }
0x2c0: {  	v54 =	vld [tilespmem:$0x1FAC0]  }
0x2c1: {  	v53 =	vld [tilespmem:$0x1FC40]  }
0x2c2: {  	v49 =	vld.idx.msk [tilespmem:v56+s14+$0x0], $0xffff  }
0x2c3: {  	v50 =	vld.idx.msk [tilespmem:v58+s14+$0x0], $0xffff  }
0x2c4: {  	v51 =	vld.idx.msk [tilespmem:v60+s14+$0x0], $0xffff  }
0x2c5: {  	v52 =	vld.idx.msk [tilespmem:v61+s14+$0x0], $0xffff  }
0x2c6: {  	v5 =	vadd.f32 v28, v5;
	v8 =	vadd.f32 v11, v8;
	v28 =	vld.idx.msk [tilespmem:v59+s14+$0x0], $0xffff  }
0x2c7: {  	v56 =	vld [tilespmem:$0x1FAE0]  }
0x2c8: {  	v5 =	vadd.f32 v9, v5;
	v8 =	vadd.f32 v18, v8;
	v18 =	vld.idx.msk [tilespmem:v57+s14+$0x0], $0xffff  }
0x2c9: {  	v58 =	vld [tilespmem:$0x1FB20]  }
0x2ca: {  	v5 =	vadd.f32 v16, v5;
	v59 =	vld [tilespmem:$0x1FB30]  }
0x2cb: {  	v1 =	vadd.f32 v12, v1;
	v4 =	vadd.f32 v38, v4;
	v38 =	vld [tilespmem:$0x1FB50]  }
0x2cc: {  	v5 =	vadd.f32 v39, v5;
	v39 =	vld [tilespmem:$0x1FB60]  }
0x2cd: {  	v1 =	vadd.f32 v19, v1;
	v6 =	vadd.f32 v40, v6;
	v40 =	vld [tilespmem:$0x1FB70]  }
0x2ce: {  	v8 =	vadd.f32 v41, v8;
	v41 =	vld [tilespmem:$0x1FB80]  }
0x2cf: {  	v1 =	vadd.f32 v42, v1;
	v42 =	vld [tilespmem:$0x1FB90]  }
0x2d0: {  	v57 =	vld [tilespmem:$0x1FC80]  }
0x2d1: {  	v27 =	vld.idx.msk [tilespmem:v62+s14+$0x0], $0xffff  }
0x2d2: {  	v29 =	vld.idx.msk [tilespmem:v31+s14+$0x0], $0xffff  }
0x2d3: {  	v2 =	vadd.f32 v20, v2;
	v7 =	vld.idx.msk [tilespmem:v32+s14+$0x0], $0xffff  }
0x2d4: {  	v3 =	vadd.f32 v21, v3;
	v21 =	vld.idx.msk [tilespmem:v0+s14+$0x0], $0xffff  }
0x2d5: {  	v2 =	vadd.f32 v43, v2;
	v43 =	vld [tilespmem:$0x1FBA0]  }
0x2d6: {  	v4 =	vadd.f32 v45, v4;
	v45 =	vld [tilespmem:$0x1FBD0]  }
0x2d7: {  	v5 =	vadd.f32 v46, v5;
	v46 =	vld [tilespmem:$0x1FBE0]  }
0x2d8: {  	v6 =	vadd.f32 v47, v6;
	v47 =	vld [tilespmem:$0x1FBF0]  }
0x2d9: {  	v9 =	vld.idx.msk [tilespmem:v30+s14+$0x0], $0xffff  }
0x2da: {  	v10 =	vld.idx.msk [tilespmem:v36+s14+$0x0], $0xffff  }
0x2db: {  	v3 =	vadd.f32 v44, v3;
	v44 =	vld [tilespmem:$0x1FBC0]  }
0x2dc: {  	v8 =	vadd.f32 v22, v8;
	v11 =	vld.idx.msk [tilespmem:v13+s14+$0x0], $0xffff  }
0x2dd: {  	v12 =	vld.idx.msk [tilespmem:v15+s14+$0x0], $0xffff  }
0x2de: {  	v8 =	vadd.f32 v35, v8;
	v13 =	vld.idx.msk [tilespmem:v17+s14+$0x0], $0xffff  }
0x2df: {  	v2 =	vadd.f32 v24, v2;
	v15 =	vld.idx.msk [tilespmem:v54+s14+$0x0], $0xffff  }
0x2e0: {  	v4 =	vadd.f32 v26, v4;
	v8 =	vadd.f32 v28, v8;
	v28 =	vld [tilespmem:$0x1FBB0]  }
0x2e1: {  	v5 =	vadd.f32 v33, v5;
	v2 =	vadd.f32 v49, v2;
	v49 =	vld [tilespmem:$0x1FC00]  }
0x2e2: {  	v4 =	vadd.f32 v51, v4;
	v51 =	vld [tilespmem:$0x1FC20]  }
0x2e3: {  	v5 =	vadd.f32 v52, v5;
	v52 =	vld [tilespmem:$0x1FC30]  }
0x2e4: {  	v16 =	vld.idx.msk [tilespmem:v53+s14+$0x0], $0xffff  }
0x2e5: {  	v54 =	vld [tilespmem:$0x1FC50]  }
0x2e6: {  	v17 =	vld.idx.msk [tilespmem:v56+s14+$0x0], $0xffff  }
0x2e7: {  	v19 =	vld.idx.msk [tilespmem:v58+s14+$0x0], $0xffff  }
0x2e8: {  	v20 =	vld.idx.msk [tilespmem:v59+s14+$0x0], $0xffff  }
0x2e9: {  	v22 =	vld.idx.msk [tilespmem:v38+s14+$0x0], $0xffff  }
0x2ea: {  	v1 =	vadd.f32 v23, v1;
	v23 =	vld.idx.msk [tilespmem:v39+s14+$0x0], $0xffff  }
0x2eb: {  	v24 =	vld.idx.msk [tilespmem:v40+s14+$0x0], $0xffff  }
0x2ec: {  	v3 =	vadd.f32 v25, v3;
	v25 =	vld.idx.msk [tilespmem:v41+s14+$0x0], $0xffff  }
0x2ed: {  	v26 =	vld.idx.msk [tilespmem:v42+s14+$0x0], $0xffff  }
0x2ee: {  	v6 =	vadd.f32 v34, v6;
	v3 =	vadd.f32 v50, v3;
	v50 =	vld [tilespmem:$0x1FC10]  }
0x2ef: {  	v56 =	vld [tilespmem:$0x1FC70]  }
0x2f0: {  	v1 =	vadd.f32 v37, v1;
	v6 =	vadd.f32 v27, v6;
	v27 =	vld.idx.msk [tilespmem:v43+s14+$0x0], $0xffff  }
0x2f1: {  	v3 =	vadd.f32 v9, v3;
	v9 =	vld.idx.msk [tilespmem:v45+s14+$0x0], $0xffff  }
0x2f2: {  	v1 =	vadd.f32 v29, v1;
	v4 =	vadd.f32 v10, v4;
	v10 =	vld.idx.msk [tilespmem:v46+s14+$0x0], $0xffff  }
0x2f3: {  	v2 =	vadd.f32 v7, v2;
	v5 =	vadd.f32 v11, v5;
	v11 =	vld.idx.msk [tilespmem:v47+s14+$0x0], $0xffff  }
0x2f4: {  	v1 =	vadd.f32 v14, v1;
	v6 =	vadd.f32 v12, v6;
	v7 =	vld.idx.msk [tilespmem:v44+s14+$0x0], $0xffff  }
0x2f5: {  	v8 =	vadd.f32 v13, v8;
	v3 =	vadd.f32 v55, v3;
	v55 =	vld [tilespmem:$0x1FC60]  }
0x2f6: {  	v2 =	vadd.f32 v15, v2;
	v1 =	vadd.f32 v21, v1;
	v28 =	vld.idx.msk [tilespmem:v28+s14+$0x0], $0xffff  }
0x2f7: {  	v4 =	vadd.f32 v17, v4;
	v5 =	vadd.f32 v18, v5;
	v12 =	vld.idx.msk [tilespmem:v49+s14+$0x0], $0xffff  }
0x2f8: {  	v6 =	vadd.f32 v19, v6;
	v8 =	vadd.f32 v20, v8;
	v14 =	vld.idx.msk [tilespmem:v51+s14+$0x0], $0xffff  }
0x2f9: {  	v2 =	vadd.f32 v22, v2;
	v3 =	vadd.f32 v23, v3;
	v15 =	vld.idx.msk [tilespmem:v52+s14+$0x0], $0xffff  }
0x2fa: {  	v17 =	vld.idx.msk [tilespmem:v54+s14+$0x0], $0xffff;
	v4 =	vadd.f32 v24, v4;
	v5 =	vadd.f32 v25, v5  }
0x2fb: {  	v6 =	vadd.f32 v26, v6;
	v13 =	vld.idx.msk [tilespmem:v50+s14+$0x0], $0xffff;
	v3 =	vadd.f32 v9, v3  }
0x2fc: {  	v9 =	vld.idx.msk [tilespmem:v56+s14+$0x0], $0xffff;
	v2 =	vadd.f32 v7, v2;
	v4 =	vadd.f32 v10, v4  }
0x2fd: {  	v10 =	vld.idx.msk [tilespmem:v57+s14+$0x0], $0xffff;
	v3 =	vadd.f32 v16, v3;
	v1 =	vadd.f32 v28, v1  }
0x2fe: {  	v8 =	vadd.f32 v27, v8;
	v2 =	vadd.f32 v15, v2;
	v7 =	vld.idx.msk [tilespmem:v55+s14+$0x0], $0xffff  }
0x2ff: {  	s18 =	sadd.s32 $0x1, s18;
	v58 =	vadd.f32 v12, v6;
	[tilespmem:s19+$0xE8A0] =	vst v3;
	v1 =	vadd.f32 v14, v1  }
0x300: {  	p0 =	sne.s32 s18, $0x3C;
	v4 =	vadd.f32 v17, v4;
	[tilespmem:s19+$0xE890] =	vst v2;
	v59 =	vadd.f32 v13, v8  }
.Ltmp2:
0x301: {  	v5 =	vadd.f32 v11, v5;
	[tilespmem:s19+$0xE880] =	vst v1;
	v1 =	vadd.f32 v9, v58;
	(pc) =	sbr.rel @p0 .LBB2_2-.Ltmp2, $4  }
0x302: {  	[tilespmem:s19+$0xE8B0] =	vst v4;
	v2 =	vadd.f32 v10, v59  }
0x303: {  	v5 =	vadd.f32 v7, v5;
	[tilespmem:s19+$0xE8D0] =	vst v1  }
0x304: {  	[tilespmem:s19+$0xE8E0] =	vst v2  }
0x305: {  	[tilespmem:s19+$0xE8C0] =	vst v5  }
0x306: {  	_ =	swait.ge [sflag:s13], $0x3800  }
0x307: {  	[sflag:s13] =	ssyncset.done $0x0  }
0x308: {  	[sflag:s13] =	ssyncadd.s32 $0xFFFFC800  }
0x309: {  	v49 =	vld [tilespmem:$0x7100]  }
0x30a: {  	s18 =	simm.s32 $0x7280;
	v50 =	vld [tilespmem:$0x7110]  }
0x30b: {  	v1 =	vld [tilespmem:s18+$0xFFFFFF10]  }
0x30c: {  	v2 =	vld [tilespmem:s18+$0xFFFFFF00]  }
0x30d: {  	v51 =	vld [tilespmem:$0x7120]  }
0x30e: {  	v3 =	vld [tilespmem:s18+$0xFFFFFF20]  }
0x30f: {  	v52 =	vld [tilespmem:$0x7130]  }
0x310: {  	v4 =	vld [tilespmem:s18+$0xFFFFFF30]  }
0x311: {  	v53 =	vld [tilespmem:$0x7140];
	v2 =	vmul.f32 v2, v49;
	v1 =	vmul.f32 v1, v50  }
0x312: {  	v5 =	vld [tilespmem:s18+$0xFFFFFF40]  }
0x313: {  	v54 =	vld [tilespmem:$0x7150];
	v1 =	vadd.f32 v1, v2;
	v2 =	vmul.f32 v3, v51  }
0x314: {  	v3 =	vld [tilespmem:s18+$0xFFFFFF50]  }
0x315: {  	v55 =	vld [tilespmem:$0x7160];
	v1 =	vadd.f32 v2, v1;
	v2 =	vmul.f32 v4, v52  }
0x316: {  	v40 =	vld [tilespmem:s18+$0xFFFFFF60]  }
0x317: {  	v56 =	vld [tilespmem:$0x7170];
	v1 =	vadd.f32 v2, v1;
	v2 =	vmul.f32 v5, v53  }
0x318: {  	v41 =	vld [tilespmem:s18+$0xFFFFFF70]  }
0x319: {  	v1 =	vadd.f32 v2, v1;
	v2 =	vmul.f32 v3, v54;
	_ =	sdelay $0x1  }
0x31a: {  	v1 =	vadd.f32 v2, v1;
	v2 =	vmul.f32 v40, v55;
	_ =	sdelay $0x1  }
0x31b: {  	v1 =	vadd.f32 v2, v1;
	v2 =	vmul.f32 v41, v56;
	_ =	sdelay $0x1  }
0x31c: {  	v1 =	vadd.f32 v2, v1  }
0x31d: {  	s19 =	simm.s32 $0x30  }
0x31e: {  	[tilespmem:s19+$0xE150] =	vst v1  }
0x31f: {  	v1 =	vld [tilespmem:s18+$0xFFFFFF80]  }
0x320: {  	v2 =	vld [tilespmem:s18+$0xFFFFFF90];
	_ =	sdelay $0x1  }
0x321: {  	v3 =	vld [tilespmem:s18+$0xFFFFFFA0];
	_ =	sdelay $0x1  }
0x322: {  	v42 =	vld [tilespmem:s18+$0xFFFFFFB0]  }
0x323: {  	v1 =	vmul.f32 v1, v49;
	v2 =	vmul.f32 v2, v50  }
0x324: {  	v43 =	vld [tilespmem:s18+$0xFFFFFFC0]  }
0x325: {  	v1 =	vadd.f32 v2, v1;
	v2 =	vmul.f32 v3, v51  }
0x326: {  	v3 =	vld [tilespmem:s18+$0xFFFFFFD0]  }
0x327: {  	v1 =	vadd.f32 v2, v1;
	v2 =	vmul.f32 v42, v52  }
0x328: {  	v44 =	vld [tilespmem:s18+$0xFFFFFFE0]  }
0x329: {  	v1 =	vadd.f32 v2, v1;
	v2 =	vmul.f32 v43, v53  }
0x32a: {  	v45 =	vld [tilespmem:s18+$0xFFFFFFF0]  }
0x32b: {  	v1 =	vadd.f32 v2, v1;
	v2 =	vmul.f32 v3, v54;
	_ =	sdelay $0x1  }
0x32c: {  	v1 =	vadd.f32 v2, v1;
	v2 =	vmul.f32 v44, v55;
	_ =	sdelay $0x1  }
0x32d: {  	v1 =	vadd.f32 v2, v1;
	v2 =	vmul.f32 v45, v56;
	_ =	sdelay $0x1  }
0x32e: {  	v1 =	vadd.f32 v2, v1;
	_ =	sdelay $0x1  }
0x32f: {  	[tilespmem:s19+$0xE160] =	vst v1  }
0x330: {  	v1 =	vld [tilespmem:s18+$0x0]  }
0x331: {  	v2 =	vld [tilespmem:s18+$0x10];
	_ =	sdelay $0x1  }
0x332: {  	v3 =	vld [tilespmem:s18+$0x20];
	_ =	sdelay $0x1  }
0x333: {  	v46 =	vld [tilespmem:s18+$0x30]  }
0x334: {  	v1 =	vmul.f32 v1, v49;
	v2 =	vmul.f32 v2, v50  }
0x335: {  	v47 =	vld [tilespmem:s18+$0x40]  }
0x336: {  	v1 =	vadd.f32 v2, v1;
	v2 =	vmul.f32 v3, v51  }
0x337: {  	v3 =	vld [tilespmem:s18+$0x50]  }
0x338: {  	v1 =	vadd.f32 v2, v1;
	v2 =	vmul.f32 v46, v52  }
0x339: {  	v0 =	vmov v48;
	v48 =	vld [tilespmem:s18+$0x60]  }
0x33a: {  	v1 =	vadd.f32 v2, v1;
	v2 =	vmul.f32 v47, v53  }
0x33b: {  	v57 =	vld [tilespmem:s18+$0x70]  }
0x33c: {  	v1 =	vadd.f32 v2, v1;
	v2 =	vmul.f32 v3, v54;
	_ =	sdelay $0x1  }
0x33d: {  	v1 =	vadd.f32 v2, v1;
	v2 =	vmul.f32 v48, v55;
	_ =	sdelay $0x1  }
0x33e: {  	v1 =	vadd.f32 v2, v1;
	v2 =	vmul.f32 v57, v56;
	_ =	sdelay $0x1  }
0x33f: {  	v1 =	vadd.f32 v2, v1;
	_ =	sdelay $0x1  }
0x340: {  	[tilespmem:s19+$0xE170] =	vst v1  }
0x341: {  	v1 =	vld [tilespmem:s18+$0x80]  }
0x342: {  	v2 =	vld [tilespmem:s18+$0x90];
	_ =	sdelay $0x1  }
0x343: {  	v3 =	vld [tilespmem:s18+$0xA0];
	_ =	sdelay $0x1  }
0x344: {  	v58 =	vld [tilespmem:s18+$0xB0]  }
0x345: {  	v1 =	vmul.f32 v1, v49;
	v2 =	vmul.f32 v2, v50  }
0x346: {  	v59 =	vld [tilespmem:s18+$0xC0]  }
0x347: {  	v3 =	vmul.f32 v3, v51;
	v1 =	vadd.f32 v2, v1  }
0x348: {  	v2 =	vld [tilespmem:s18+$0xD0]  }
0x349: {  	v6 =	vld [tilespmem:s18+$0xE0];
	v4 =	vmul.f32 v58, v52;
	v1 =	vadd.f32 v3, v1  }
0x34a: {  	v3 =	vld [tilespmem:s18+$0xF0]  }
0x34b: {  	v5 =	vmul.f32 v59, v53;
	v1 =	vadd.f32 v4, v1;
	_ =	sdelay $0x1  }
0x34c: {  	v2 =	vmul.f32 v2, v54;
	v1 =	vadd.f32 v5, v1;
	_ =	sdelay $0x1  }
0x34d: {  	s20 =	simm.s32 $0x1C0;
	v58 =	vmul.f32 v6, v55;
	v57 =	vmul.f32 v3, v56;
	v59 =	vadd.f32 v2, v1  }
.LBB2_8:
0x34e: {  	p0 =	sne.s32 s20, $0x1BC0  }
0x34f: {  	v1 =	vadd.f32 v58, v59;
	s18 =	sadd.s32 $0x200, s18;
	s21 =	smov.u32 s20;
	s20 =	sadd.s32 $0x100, s20  }
0x350: {  	_ = 	snop  }
0x351: {  	v1 =	vadd.f32 v57, v1;
	_ =	sdelay $0x1  }
0x352: {  	[tilespmem:s19+$0xE180] =	vst v1  }
0x353: {  	v1 =	vld [tilespmem:s18+$0xFFFFFF10]  }
0x354: {  	v2 =	vld [tilespmem:s18+$0xFFFFFF00];
	_ =	sdelay $0x1  }
0x355: {  	v3 =	vld [tilespmem:s18+$0xFFFFFF20];
	_ =	sdelay $0x1  }
0x356: {  	v4 =	vld [tilespmem:s18+$0xFFFFFF30]  }
0x357: {  	v1 =	vmul.f32 v1, v50;
	v2 =	vmul.f32 v2, v49  }
0x358: {  	v5 =	vld [tilespmem:s18+$0xFFFFFF40]  }
0x359: {  	v1 =	vadd.f32 v1, v2;
	v2 =	vmul.f32 v3, v51  }
0x35a: {  	v3 =	vld [tilespmem:s18+$0xFFFFFF50]  }
0x35b: {  	v1 =	vadd.f32 v2, v1;
	v2 =	vmul.f32 v4, v52  }
0x35c: {  	v4 =	vld [tilespmem:s18+$0xFFFFFF60]  }
0x35d: {  	v1 =	vadd.f32 v2, v1;
	v2 =	vmul.f32 v5, v53  }
0x35e: {  	v5 =	vld [tilespmem:s18+$0xFFFFFF70]  }
0x35f: {  	v1 =	vadd.f32 v2, v1;
	v2 =	vmul.f32 v3, v54;
	_ =	sdelay $0x1  }
0x360: {  	v1 =	vadd.f32 v2, v1;
	v2 =	vmul.f32 v4, v55;
	_ =	sdelay $0x1  }
0x361: {  	v1 =	vadd.f32 v2, v1;
	v2 =	vmul.f32 v5, v56;
	_ =	sdelay $0x1  }
0x362: {  	v1 =	vadd.f32 v2, v1  }
0x363: {  	s19 =	sshra.s32 s21, $0x2  }
0x364: {  	[tilespmem:s19+$0xE150] =	vst v1  }
0x365: {  	v1 =	vld [tilespmem:s18+$0xFFFFFF80]  }
0x366: {  	v2 =	vld [tilespmem:s18+$0xFFFFFF90];
	_ =	sdelay $0x1  }
0x367: {  	v3 =	vld [tilespmem:s18+$0xFFFFFFA0];
	_ =	sdelay $0x1  }
0x368: {  	v4 =	vld [tilespmem:s18+$0xFFFFFFB0]  }
0x369: {  	v1 =	vmul.f32 v1, v49;
	v2 =	vmul.f32 v2, v50  }
0x36a: {  	v5 =	vld [tilespmem:s18+$0xFFFFFFC0]  }
0x36b: {  	v1 =	vadd.f32 v2, v1;
	v2 =	vmul.f32 v3, v51  }
0x36c: {  	v3 =	vld [tilespmem:s18+$0xFFFFFFD0]  }
0x36d: {  	v1 =	vadd.f32 v2, v1;
	v2 =	vmul.f32 v4, v52  }
0x36e: {  	v4 =	vld [tilespmem:s18+$0xFFFFFFE0]  }
0x36f: {  	v1 =	vadd.f32 v2, v1;
	v2 =	vmul.f32 v5, v53  }
0x370: {  	v5 =	vld [tilespmem:s18+$0xFFFFFFF0]  }
0x371: {  	v1 =	vadd.f32 v2, v1;
	v2 =	vmul.f32 v3, v54;
	_ =	sdelay $0x1  }
0x372: {  	v1 =	vadd.f32 v2, v1;
	v2 =	vmul.f32 v4, v55;
	_ =	sdelay $0x1  }
0x373: {  	v1 =	vadd.f32 v2, v1;
	v2 =	vmul.f32 v5, v56;
	_ =	sdelay $0x1  }
0x374: {  	v1 =	vadd.f32 v2, v1;
	_ =	sdelay $0x1  }
0x375: {  	[tilespmem:s19+$0xE160] =	vst v1  }
0x376: {  	v1 =	vld [tilespmem:s18+$0x0]  }
0x377: {  	v2 =	vld [tilespmem:s18+$0x10];
	_ =	sdelay $0x1  }
0x378: {  	v3 =	vld [tilespmem:s18+$0x20];
	_ =	sdelay $0x1  }
0x379: {  	v1 =	vmul.f32 v1, v49;
	v4 =	vld [tilespmem:s18+$0x30]  }
0x37a: {  	v2 =	vmul.f32 v2, v50  }
0x37b: {  	v5 =	vld [tilespmem:s18+$0x40]  }
0x37c: {  	v1 =	vadd.f32 v2, v1;
	v2 =	vmul.f32 v3, v51  }
0x37d: {  	v3 =	vld [tilespmem:s18+$0x50]  }
0x37e: {  	v1 =	vadd.f32 v2, v1;
	v2 =	vmul.f32 v4, v52  }
0x37f: {  	v4 =	vld [tilespmem:s18+$0x60]  }
0x380: {  	v1 =	vadd.f32 v2, v1;
	v2 =	vmul.f32 v5, v53  }
0x381: {  	v5 =	vld [tilespmem:s18+$0x70]  }
0x382: {  	v1 =	vadd.f32 v2, v1;
	v2 =	vmul.f32 v3, v54;
	_ =	sdelay $0x1  }
0x383: {  	v1 =	vadd.f32 v2, v1;
	v2 =	vmul.f32 v4, v55;
	_ =	sdelay $0x1  }
0x384: {  	v1 =	vadd.f32 v2, v1;
	v2 =	vmul.f32 v5, v56;
	_ =	sdelay $0x1  }
0x385: {  	v1 =	vadd.f32 v2, v1;
	_ =	sdelay $0x1  }
0x386: {  	[tilespmem:s19+$0xE170] =	vst v1  }
0x387: {  	v1 =	vld [tilespmem:s18+$0x80]  }
0x388: {  	v2 =	vld [tilespmem:s18+$0x90]  }
0x389: {  	v3 =	vld [tilespmem:s18+$0xA0]  }
0x38a: {  	v4 =	vld [tilespmem:s18+$0xB0]  }
0x38b: {  	v5 =	vld [tilespmem:s18+$0xC0]  }
0x38c: {  	v6 =	vld [tilespmem:s18+$0xD0]  }
0x38d: {  	v1 =	vmul.f32 v1, v49;
	v2 =	vmul.f32 v2, v50;
	v7 =	vld [tilespmem:s18+$0xE0]  }
0x38e: {  	v3 =	vmul.f32 v3, v51;
	v8 =	vld [tilespmem:s18+$0xF0]  }
0x38f: {  	v1 =	vadd.f32 v2, v1  }
0x390: {  	v2 =	vmul.f32 v4, v52  }
0x391: {  	v1 =	vadd.f32 v3, v1  }
0x392: {  	v3 =	vmul.f32 v5, v53  }
0x393: {  	v1 =	vadd.f32 v2, v1  }
.Ltmp3:
0x394: {  	v2 =	vmul.f32 v6, v54;
	(pc) =	sbr.rel @p0 .LBB2_8-.Ltmp3, $4  }
0x395: {  	v1 =	vadd.f32 v3, v1  }
0x396: {  	v58 =	vmul.f32 v7, v55  }
0x397: {  	v59 =	vadd.f32 v2, v1  }
0x398: {  	v57 =	vmul.f32 v8, v56  }
0x399: {  	v20 =	vld [tilespmem:$0x1FC90]  }
0x39a: {  	v21 =	vld [tilespmem:$0x1FCA0]  }
0x39b: {  	v22 =	vld [tilespmem:$0x1FCB0]  }
0x39c: {  	v23 =	vld [tilespmem:$0x1FCC0]  }
0x39d: {  	v24 =	vld [tilespmem:$0x1FCD0]  }
0x39e: {  	v25 =	vld [tilespmem:$0x1FCE0]  }
0x39f: {  	v26 =	vld [tilespmem:$0x1FCF0]  }
0x3a0: {  	v27 =	vld [tilespmem:$0x1F8D0]  }
0x3a1: {  	v28 =	vld [tilespmem:$0x1F8E0]  }
0x3a2: {  	v29 =	vld [tilespmem:$0x1F8F0]  }
0x3a3: {  	v33 =	vld [tilespmem:$0x1F900]  }
0x3a4: {  	v34 =	vld [tilespmem:$0x1F910]  }
0x3a5: {  	v35 =	vld [tilespmem:$0x1F920]  }
0x3a6: {  	v37 =	vld [tilespmem:$0x1F930]  }
0x3a7: {  	v38 =	vld [tilespmem:$0x1F940]  }
0x3a8: {  	v39 =	vld [tilespmem:$0x1F950]  }
0x3a9: {  	v40 =	vld [tilespmem:$0x1F960]  }
0x3aa: {  	v41 =	vld [tilespmem:$0x1F970]  }
0x3ab: {  	v42 =	vld [tilespmem:$0x1F980]  }
0x3ac: {  	v43 =	vld [tilespmem:$0x1F990]  }
0x3ad: {  	v44 =	vld [tilespmem:$0x1F9A0]  }
0x3ae: {  	v45 =	vld [tilespmem:$0x1F9B0]  }
0x3af: {  	v46 =	vld [tilespmem:$0x1F9C0]  }
0x3b0: {  	v47 =	vld [tilespmem:$0x1F9D0]  }
0x3b1: {  	v48 =	vld [tilespmem:$0x1FA10]  }
0x3b2: {  	v6 =	vld [tilespmem:$0x1FA80]  }
0x3b3: {  	v16 =	vld [tilespmem:$0x1FD00]  }
0x3b4: {  	v17 =	vld [tilespmem:$0x1FD10]  }
0x3b5: {  	v1 =	vadd.f32 v58, v59;
	v18 =	vld [tilespmem:$0x1FD20]  }
0x3b6: {  	v19 =	vld [tilespmem:$0x1FD30]  }
0x3b7: {  	v58 =	vld [tilespmem:$0x1FD90];
	v1 =	vadd.f32 v57, v1  }
0x3b8: {  	v59 =	vld [tilespmem:$0x1FDA0]  }
0x3b9: {  	v57 =	vld [tilespmem:$0x1FA90];
	[tilespmem:s19+$0xE180] =	vst v1  }
0x3ba: {  	v7 =	vld.idx.msk [tilespmem:v63+s14+$0x0], $0xffff  }
0x3bb: {  	v5 =	vld.idx.msk [tilespmem:v60+s14+$0x0], $0xffff  }
0x3bc: {  	v3 =	vld.idx.msk [tilespmem:v61+s14+$0x0], $0xffff  }
0x3bd: {  	v8 =	vld.idx.msk [tilespmem:v62+s14+$0x0], $0xffff  }
0x3be: {  	v2 =	vld.idx.msk [tilespmem:v31+s14+$0x0], $0xffff  }
0x3bf: {  	v60 =	vld [tilespmem:$0x1FDB0]  }
0x3c0: {  	v61 =	vld [tilespmem:$0x1FDC0]  }
0x3c1: {  	v62 =	vld [tilespmem:$0x1FE50]  }
0x3c2: {  	v9 =	vld.idx.msk [tilespmem:v20+s14+$0x0], $0xffff  }
0x3c3: {  	v10 =	vld.idx.msk [tilespmem:v21+s14+$0x0], $0xffff  }
0x3c4: {  	v11 =	vld.idx.msk [tilespmem:v22+s14+$0x0], $0xffff  }
0x3c5: {  	v12 =	vld.idx.msk [tilespmem:v23+s14+$0x0], $0xffff  }
0x3c6: {  	v13 =	vld.idx.msk [tilespmem:v24+s14+$0x0], $0xffff  }
0x3c7: {  	v14 =	vld.idx.msk [tilespmem:v25+s14+$0x0], $0xffff  }
0x3c8: {  	v15 =	vld.idx.msk [tilespmem:v26+s14+$0x0], $0xffff  }
0x3c9: {  	v22 =	vld.idx.msk [tilespmem:v27+s14+$0x0], $0xffff  }
0x3ca: {  	v23 =	vld.idx.msk [tilespmem:v28+s14+$0x0], $0xffff  }
0x3cb: {  	v49 =	vld.idx.msk [tilespmem:v29+s14+$0x0], $0xffff  }
0x3cc: {  	v24 =	vld.idx.msk [tilespmem:v33+s14+$0x0], $0xffff  }
0x3cd: {  	v56 =	vld.idx.msk [tilespmem:v34+s14+$0x0], $0xffff  }
0x3ce: {  	v25 =	vld.idx.msk [tilespmem:v35+s14+$0x0], $0xffff  }
0x3cf: {  	v54 =	vld.idx.msk [tilespmem:v37+s14+$0x0], $0xffff  }
0x3d0: {  	v55 =	vld.idx.msk [tilespmem:v38+s14+$0x0], $0xffff  }
0x3d1: {  	v52 =	vld.idx.msk [tilespmem:v39+s14+$0x0], $0xffff  }
0x3d2: {  	v53 =	vld.idx.msk [tilespmem:v40+s14+$0x0], $0xffff  }
0x3d3: {  	v50 =	vld.idx.msk [tilespmem:v41+s14+$0x0], $0xffff  }
0x3d4: {  	v51 =	vld.idx.msk [tilespmem:v42+s14+$0x0], $0xffff  }
0x3d5: {  	v26 =	vld.idx.msk [tilespmem:v43+s14+$0x0], $0xffff  }
0x3d6: {  	v35 =	vld.idx.msk [tilespmem:v44+s14+$0x0], $0xffff  }
0x3d7: {  	v33 =	vld.idx.msk [tilespmem:v45+s14+$0x0], $0xffff  }
0x3d8: {  	v34 =	vld.idx.msk [tilespmem:v46+s14+$0x0], $0xffff  }
0x3d9: {  	v4 =	vld.idx.msk [tilespmem:v47+s14+$0x0], $0xffff  }
0x3da: {  	v1 =	vld.idx.msk [tilespmem:v48+s14+$0x0], $0xffff  }
0x3db: {  	v39 =	vld.idx.msk [tilespmem:v32+s14+$0x0], $0xffff  }
0x3dc: {  	v40 =	vld.idx.msk [tilespmem:v30+s14+$0x0], $0xffff  }
0x3dd: {  	v37 =	vld.idx.msk [tilespmem:v36+s14+$0x0], $0xffff  }
0x3de: {  	v38 =	vld.idx.msk [tilespmem:v6+s14+$0x0], $0xffff  }
0x3df: {  	v16 =	vld.idx.msk [tilespmem:v16+s14+$0x0], $0xffff  }
0x3e0: {  	v17 =	vld.idx.msk [tilespmem:v17+s14+$0x0], $0xffff  }
0x3e1: {  	v18 =	vld.idx.msk [tilespmem:v18+s14+$0x0], $0xffff  }
0x3e2: {  	v19 =	vld.idx.msk [tilespmem:v19+s14+$0x0], $0xffff  }
0x3e3: {  	v20 =	vld [tilespmem:$0x1FD40]  }
0x3e4: {  	v21 =	vld [tilespmem:$0x1FD50]  }
0x3e5: {  	v27 =	vld [tilespmem:$0x1FD60]  }
0x3e6: {  	v28 =	vld [tilespmem:$0x1FD70]  }
0x3e7: {  	v29 =	vld [tilespmem:$0x1FD80]  }
0x3e8: {  	v30 =	vld.idx.msk [tilespmem:v58+s14+$0x0], $0xffff  }
0x3e9: {  	v31 =	vld.idx.msk [tilespmem:v59+s14+$0x0], $0xffff  }
0x3ea: {  	v41 =	vld [tilespmem:$0x1FDD0]  }
0x3eb: {  	v42 =	vld [tilespmem:$0x1FDE0]  }
0x3ec: {  	v43 =	vld [tilespmem:$0x1FDF0]  }
0x3ed: {  	v44 =	vld [tilespmem:$0x1FE00]  }
0x3ee: {  	v45 =	vld [tilespmem:$0x1FE10]  }
0x3ef: {  	v46 =	vld [tilespmem:$0x1FE20]  }
0x3f0: {  	v47 =	vld [tilespmem:$0x1FE30]  }
0x3f1: {  	v48 =	vld [tilespmem:$0x1FE40]  }
0x3f2: {  	v6 =	vld.idx.msk [tilespmem:v57+s14+$0x0], $0xffff  }
0x3f3: {  	v32 =	vld.idx.msk [tilespmem:v60+s14+$0x0], $0xffff  }
0x3f4: {  	v36 =	vld.idx.msk [tilespmem:v61+s14+$0x0], $0xffff  }
0x3f5: {  	v57 =	vld.idx.msk [tilespmem:v62+s14+$0x0], $0xffff  }
0x3f6: {  	v60 =	vld [tilespmem:$0x1FE60]  }
0x3f7: {  	v61 =	vld [tilespmem:$0x1FE70];
	v11 =	vadd.f32 $0.0e+00, v11  }
0x3f8: {  	v62 =	vld [tilespmem:$0x1FEA0]  }
0x3f9: {  	v11 =	vadd.f32 v18, v11;
	v18 =	vld [tilespmem:$0x1FEE0]  }
0x3fa: {  	v20 =	vld.idx.msk [tilespmem:v20+s14+$0x0], $0xffff  }
0x3fb: {  	v21 =	vld.idx.msk [tilespmem:v21+s14+$0x0], $0xffff  }
0x3fc: {  	v27 =	vld.idx.msk [tilespmem:v27+s14+$0x0], $0xffff  }
0x3fd: {  	v28 =	vld.idx.msk [tilespmem:v28+s14+$0x0], $0xffff  }
0x3fe: {  	v29 =	vld.idx.msk [tilespmem:v29+s14+$0x0], $0xffff  }
0x3ff: {  	v41 =	vld.idx.msk [tilespmem:v41+s14+$0x0], $0xffff  }
0x400: {  	v42 =	vld.idx.msk [tilespmem:v42+s14+$0x0], $0xffff  }
0x401: {  	v43 =	vld.idx.msk [tilespmem:v43+s14+$0x0], $0xffff  }
0x402: {  	v44 =	vld.idx.msk [tilespmem:v44+s14+$0x0], $0xffff  }
0x403: {  	v45 =	vld.idx.msk [tilespmem:v45+s14+$0x0], $0xffff  }
0x404: {  	v12 =	vadd.f32 $0.0e+00, v12;
	v46 =	vld.idx.msk [tilespmem:v46+s14+$0x0], $0xffff  }
0x405: {  	v47 =	vld.idx.msk [tilespmem:v47+s14+$0x0], $0xffff  }
0x406: {  	v12 =	vadd.f32 v19, v12;
	v48 =	vld.idx.msk [tilespmem:v48+s14+$0x0], $0xffff  }
0x407: {  	v11 =	vadd.f32 v30, v11;
	v30 =	vld [tilespmem:$0x1FF10]  }
0x408: {  	v12 =	vadd.f32 v31, v12;
	v31 =	vld [tilespmem:$0x1FF20]  }
0x409: {  	v58 =	vld.idx.msk [tilespmem:v60+s14+$0x0], $0xffff  }
0x40a: {  	v59 =	vld.idx.msk [tilespmem:v61+s14+$0x0], $0xffff  }
0x40b: {  	v7 =	vadd.f32 $0.0e+00, v7;
	v60 =	vld [tilespmem:$0x1FE80]  }
0x40c: {  	v9 =	vadd.f32 $0.0e+00, v9;
	v61 =	vld [tilespmem:$0x1FE90]  }
0x40d: {  	v7 =	vadd.f32 v15, v7;
	v14 =	vadd.f32 $0.0e+00, v14;
	v15 =	vld.idx.msk [tilespmem:v62+s14+$0x0], $0xffff  }
0x40e: {  	v9 =	vadd.f32 v16, v9;
	v62 =	vld [tilespmem:$0x1FEB0]  }
0x40f: {  	v14 =	vadd.f32 v21, v14;
	v21 =	vld [tilespmem:$0x1FEF0]  }
0x410: {  	v13 =	vadd.f32 $0.0e+00, v13;
	v9 =	vadd.f32 v28, v9;
	v28 =	vld [tilespmem:$0x1FF00]  }
0x411: {  	v10 =	vadd.f32 $0.0e+00, v10;
	v11 =	vadd.f32 v44, v11;
	v44 =	vld [tilespmem:$0x1FF80]  }
0x412: {  	v13 =	vadd.f32 v20, v13;
	v12 =	vadd.f32 v45, v12;
	v45 =	vld [tilespmem:$0x1FF90]  }
0x413: {  	v10 =	vadd.f32 v17, v10;
	v18 =	vld.idx.msk [tilespmem:v18+s14+$0x0], $0xffff  }
0x414: {  	v7 =	vadd.f32 v27, v7;
	v13 =	vadd.f32 v32, v13;
	v32 =	vld [tilespmem:$0x1FF30]  }
0x415: {  	v14 =	vadd.f32 v36, v14;
	v36 =	vld [tilespmem:$0x1FF40]  }
0x416: {  	v10 =	vadd.f32 v29, v10;
	v7 =	vadd.f32 v41, v7;
	v41 =	vld [tilespmem:$0x1FF50]  }
0x417: {  	v9 =	vadd.f32 v42, v9;
	v42 =	vld [tilespmem:$0x1FF60]  }
0x418: {  	v10 =	vadd.f32 v43, v10;
	v43 =	vld [tilespmem:$0x1FF70]  }
0x419: {  	v27 =	vld.idx.msk [tilespmem:v31+s14+$0x0], $0xffff  }
0x41a: {  	v13 =	vadd.f32 v46, v13;
	v46 =	vld [tilespmem:$0x1FFA0]  }
0x41b: {  	v14 =	vadd.f32 v47, v14;
	v47 =	vld [tilespmem:$0x1FFB0]  }
0x41c: {  	v7 =	vadd.f32 v48, v7;
	v48 =	vld [tilespmem:$0x1FFC0]  }
0x41d: {  	v9 =	vadd.f32 v57, v9;
	v57 =	vld [tilespmem:$0x1FFD0]  }
0x41e: {  	v10 =	vadd.f32 v58, v10;
	v58 =	vld [tilespmem:$0x1FFE0]  }
0x41f: {  	v11 =	vadd.f32 v59, v11;
	v59 =	vld [tilespmem:$0x1FFF0]  }
0x420: {  	v60 =	vld.idx.msk [tilespmem:v60+s14+$0x0], $0xffff  }
0x421: {  	v61 =	vld.idx.msk [tilespmem:v61+s14+$0x0], $0xffff  }
0x422: {  	v16 =	vld.idx.msk [tilespmem:v62+s14+$0x0], $0xffff  }
0x423: {  	v62 =	vld [tilespmem:$0x1FEC0]  }
0x424: {  	v19 =	vld.idx.msk [tilespmem:v21+s14+$0x0], $0xffff  }
0x425: {  	v20 =	vld.idx.msk [tilespmem:v28+s14+$0x0], $0xffff  }
0x426: {  	v21 =	vld.idx.msk [tilespmem:v30+s14+$0x0], $0xffff  }
0x427: {  	v28 =	vld.idx.msk [tilespmem:v32+s14+$0x0], $0xffff  }
0x428: {  	v29 =	vld.idx.msk [tilespmem:v36+s14+$0x0], $0xffff  }
0x429: {  	v30 =	vld.idx.msk [tilespmem:v41+s14+$0x0], $0xffff  }
0x42a: {  	v31 =	vld.idx.msk [tilespmem:v42+s14+$0x0], $0xffff  }
0x42b: {  	v32 =	vld.idx.msk [tilespmem:v43+s14+$0x0], $0xffff  }
0x42c: {  	v36 =	vld.idx.msk [tilespmem:v44+s14+$0x0], $0xffff  }
0x42d: {  	v41 =	vld.idx.msk [tilespmem:v45+s14+$0x0], $0xffff  }
0x42e: {  	v42 =	vld [tilespmem:$0x1FB60]  }
0x42f: {  	v43 =	vld [tilespmem:$0x1FB70]  }
0x430: {  	v44 =	vld [tilespmem:$0x1FB80]  }
0x431: {  	v45 =	vld [tilespmem:$0x1FB90]  }
0x432: {  	v14 =	vadd.f32 v15, v14;
	v15 =	vld.idx.msk [tilespmem:v46+s14+$0x0], $0xffff  }
0x433: {  	v11 =	vadd.f32 v18, v11;
	v18 =	vld.idx.msk [tilespmem:v57+s14+$0x0], $0xffff  }
0x434: {  	v46 =	vld [tilespmem:$0x1FBA0]  }
0x435: {  	v57 =	vld [tilespmem:$0x1FC50]  }
0x436: {  	v7 =	vadd.f32 v16, v7;
	v16 =	vld.idx.msk [tilespmem:v47+s14+$0x0], $0xffff  }
0x437: {  	v12 =	vadd.f32 v60, v12;
	v60 =	vld [tilespmem:$0x1FAA0]  }
0x438: {  	v13 =	vadd.f32 v61, v13;
	v61 =	vld [tilespmem:$0x1FAB0]  }
0x439: {  	v47 =	vld [tilespmem:$0x1FBB0]  }
0x43a: {  	v12 =	vadd.f32 v19, v12;
	v19 =	vld.idx.msk [tilespmem:v58+s14+$0x0], $0xffff  }
0x43b: {  	v14 =	vadd.f32 v21, v14;
	v13 =	vadd.f32 v20, v13;
	v20 =	vld.idx.msk [tilespmem:v59+s14+$0x0], $0xffff  }
0x43c: {  	v11 =	vadd.f32 v30, v11;
	v30 =	vld [tilespmem:$0x1FB00]  }
0x43d: {  	v14 =	vadd.f32 v36, v14;
	v36 =	vld [tilespmem:$0x1FB40]  }
0x43e: {  	v58 =	vld [tilespmem:$0x1FC60]  }
0x43f: {  	v59 =	vld [tilespmem:$0x1FC70]  }
0x440: {  	v17 =	vld.idx.msk [tilespmem:v62+s14+$0x0], $0xffff  }
0x441: {  	v62 =	vld [tilespmem:$0x1FED0]  }
0x442: {  	v7 =	vadd.f32 v27, v7;
	v12 =	vadd.f32 v31, v12;
	v31 =	vld [tilespmem:$0x1FB20]  }
0x443: {  	v13 =	vadd.f32 v32, v13;
	v32 =	vld [tilespmem:$0x1FB30]  }
0x444: {  	v7 =	vadd.f32 v41, v7;
	v41 =	vld [tilespmem:$0x1FB50]  }
0x445: {  	v9 =	vadd.f32 v17, v9;
	v17 =	vld.idx.msk [tilespmem:v48+s14+$0x0], $0xffff  }
0x446: {  	v21 =	vld.idx.msk [tilespmem:v60+s14+$0x0], $0xffff  }
0x447: {  	v7 =	vadd.f32 v22, v7;
	v27 =	vld.idx.msk [tilespmem:v61+s14+$0x0], $0xffff  }
0x448: {  	v12 =	vadd.f32 v18, v12;
	v48 =	vld [tilespmem:$0x1FBC0]  }
0x449: {  	v7 =	vadd.f32 v55, v7;
	v55 =	vld [tilespmem:$0x1FC30]  }
0x44a: {  	v13 =	vadd.f32 v19, v13;
	v12 =	vadd.f32 v56, v12;
	v56 =	vld [tilespmem:$0x1FC40]  }
0x44b: {  	v14 =	vadd.f32 v20, v14;
	v61 =	vld [tilespmem:$0x1FC80]  }
0x44c: {  	v13 =	vadd.f32 v25, v13;
	v25 =	vld.idx.msk [tilespmem:v43+s14+$0x0], $0xffff  }
0x44d: {  	v14 =	vadd.f32 v54, v14;
	v54 =	vld [tilespmem:$0x1FC20]  }
0x44e: {  	v9 =	vadd.f32 v28, v9;
	v28 =	vld.idx.msk [tilespmem:v0+s14+$0x0], $0xffff  }
0x44f: {  	v18 =	vld.idx.msk [tilespmem:v30+s14+$0x0], $0xffff  }
0x450: {  	v22 =	vld.idx.msk [tilespmem:v36+s14+$0x0], $0xffff  }
0x451: {  	v12 =	vadd.f32 v51, v12;
	v51 =	vld [tilespmem:$0x1FBF0]  }
0x452: {  	v62 =	vld.idx.msk [tilespmem:v62+s14+$0x0], $0xffff  }
0x453: {  	v13 =	vadd.f32 v26, v13;
	v26 =	vld.idx.msk [tilespmem:v44+s14+$0x0], $0xffff  }
0x454: {  	v7 =	vadd.f32 v33, v7;
	v19 =	vld.idx.msk [tilespmem:v31+s14+$0x0], $0xffff  }
0x455: {  	v9 =	vadd.f32 v15, v9;
	v20 =	vld.idx.msk [tilespmem:v32+s14+$0x0], $0xffff  }
0x456: {  	v2 =	vadd.f32 v2, v7;
	v7 =	vld.idx.msk [tilespmem:v47+s14+$0x0], $0xffff;
	v11 =	vadd.f32 v17, v11  }
0x457: {  	v9 =	vadd.f32 v23, v9;
	v23 =	vld.idx.msk [tilespmem:v41+s14+$0x0], $0xffff  }
0x458: {  	v3 =	vadd.f32 v3, v12;
	v11 =	vadd.f32 v24, v11;
	v24 =	vld.idx.msk [tilespmem:v42+s14+$0x0], $0xffff  }
0x459: {  	v10 =	vadd.f32 v62, v10;
	v62 =	vld [tilespmem:$0x1FAC0]  }
0x45a: {  	v3 =	vadd.f32 v38, v3;
	v12 =	vld.idx.msk [tilespmem:v48+s14+$0x0], $0xffff  }
0x45b: {  	v8 =	vadd.f32 v8, v13;
	v9 =	vadd.f32 v52, v9;
	v52 =	vld [tilespmem:$0x1FC00]  }
0x45c: {  	v14 =	vadd.f32 v35, v14;
	v3 =	vadd.f32 v18, v3;
	v18 =	vld.idx.msk [tilespmem:v55+s14+$0x0], $0xffff  }
0x45d: {  	v6 =	vadd.f32 v6, v8;
	v10 =	vadd.f32 v29, v10;
	v29 =	vld [tilespmem:$0x1FAE0]  }
0x45e: {  	v2 =	vadd.f32 v27, v2;
	v11 =	vadd.f32 v50, v11;
	v50 =	vld [tilespmem:$0x1FBE0]  }
0x45f: {  	v6 =	vadd.f32 v19, v6;
	v19 =	vld.idx.msk [tilespmem:v56+s14+$0x0], $0xffff;
	v10 =	vadd.f32 v16, v10  }
0x460: {  	v1 =	vadd.f32 v1, v14;
	v2 =	vadd.f32 v22, v2;
	v14 =	vld.idx.msk [tilespmem:v51+s14+$0x0], $0xffff  }
0x461: {  	v10 =	vadd.f32 v49, v10;
	v49 =	vld [tilespmem:$0x1FBD0]  }
0x462: {  	v2 =	vadd.f32 v7, v2;
	v7 =	vld.idx.msk [tilespmem:v57+s14+$0x0], $0xffff  }
0x463: {  	v15 =	vld.idx.msk [tilespmem:v62+s14+$0x0], $0xffff  }
0x464: {  	v9 =	vadd.f32 v34, v9;
	v10 =	vadd.f32 v53, v10;
	v53 =	vld [tilespmem:$0x1FC10]  }
0x465: {  	v1 =	vadd.f32 v21, v1;
	v5 =	vadd.f32 v5, v11;
	v17 =	vld.idx.msk [tilespmem:v29+s14+$0x0], $0xffff  }
0x466: {  	v9 =	vadd.f32 v39, v9;
	v4 =	vadd.f32 v4, v10;
	v10 =	vld.idx.msk [tilespmem:v45+s14+$0x0], $0xffff  }
0x467: {  	v1 =	vadd.f32 v20, v1;
	v11 =	vld.idx.msk [tilespmem:v46+s14+$0x0], $0xffff  }
0x468: {  	v5 =	vadd.f32 v37, v5;
	v8 =	vld.idx.msk [tilespmem:v50+s14+$0x0], $0xffff;
	v9 =	vadd.f32 v15, v9  }
0x469: {  	v3 =	vadd.f32 v26, v3;
	v4 =	vadd.f32 v40, v4;
	v13 =	vld.idx.msk [tilespmem:v49+s14+$0x0], $0xffff  }
0x46a: {  	v5 =	vadd.f32 v17, v5;
	v17 =	vld.idx.msk [tilespmem:v54+s14+$0x0], $0xffff;
	v9 =	vadd.f32 v23, v9  }
0x46b: {  	v4 =	vadd.f32 v28, v4;
	v6 =	vadd.f32 v10, v6;
	v10 =	vld.idx.msk [tilespmem:v58+s14+$0x0], $0xffff  }
0x46c: {  	v3 =	vadd.f32 v14, v3;
	v15 =	vld.idx.msk [tilespmem:v52+s14+$0x0], $0xffff;
	v9 =	vadd.f32 v12, v9  }
0x46d: {  	v1 =	vadd.f32 v11, v1;
	v16 =	vld.idx.msk [tilespmem:v53+s14+$0x0], $0xffff;
	v4 =	vadd.f32 v24, v4  }
0x46e: {  	v11 =	vld.idx.msk [tilespmem:v59+s14+$0x0], $0xffff;
	v5 =	vadd.f32 v25, v5;
	v60 =	vadd.f32 v18, v9  }
0x46f: {  	v4 =	vadd.f32 v13, v4;
	v9 =	vld.idx.msk [tilespmem:v61+s14+$0x0], $0xffff;
	v2 =	vadd.f32 v17, v2  }
0x470: {  	v5 =	vadd.f32 v8, v5;
	v3 =	vadd.f32 v10, v3;
	[tilespmem:$0x11D10] =	vst v60  }
0x471: {  	v62 =	vadd.f32 v15, v6;
	v4 =	vadd.f32 v19, v4;
	[tilespmem:$0x11D00] =	vst v2  }
0x472: {  	v5 =	vadd.f32 v7, v5;
	v1 =	vadd.f32 v16, v1;
	[tilespmem:$0x11D40] =	vst v3  }
0x473: {  	v2 =	vadd.f32 v11, v62;
	[tilespmem:$0x11D20] =	vst v4  }
0x474: {  	s17 =	sadd.s32 $0x1, s17;
	[tilespmem:$0x11D30] =	vst v5;
	v1 =	vadd.f32 v9, v1  }
0x475: {  	p0 =	sne.s32 s17, s7;
	[tilespmem:$0x11D50] =	vst v2  }
.Ltmp4:
0x476: {  	[tilespmem:$0x11D60] =	vst v1;
	(pc) =	sbr.rel @p0 .LBB2_1-.Ltmp4, $4  }
0x477: {  	[hbm4b:s6+s2] =	stream.linear.scatter [tilespmem:s16], [sflag:$0x3], $0x34F0, $0x38;
	[tilespmem:$0x11D80] =	vst v63  }
0x478: {  	_ =	swait.ge [sflag:s8], $0x34F0  }
0x479: {  	[sflag:s8] =	ssyncset.done $0x0  }
0x47a: {  	[sflag:s8] =	ssyncadd.s32 $0xFFFFCB10  }
0x47b: {  	_ =	sfence.sel $0x180000  }
0x47c: {  	[bflag:$0x0] =	sbarrier.arrive $0xFFFF  }
0x47d: {  	p0 =	sne.s32 s0, $0x0;
	_ =	strace $0x90000056  }
0x47e: {  	s0 =	sadd.s32 @!p0 $0x100000, s1;
	[bflag:$0x2] =	sbarrier.arrive $0xFFFF  }
0x47f: {  	[sflag:s0] =	ssyncadd.tile.s32 @!p0 $0x1;
	_ =	shalt  }
.Lfunc_end2:
_tile_overlayer_lowered:
.L_overlay_start_2:
0x480: {  	(tag) =	ssettag $0x2  }
0x481: {  	s0 =	rddreg [dreg:$0x0];
	s2 =	stileid.u32  }
0x482: {  	s1 =	rddreg [dreg:$0x1];
	p0 =	sne.s32 s2, $0x0  }
0x483: {  	s3 =	rddreg [dreg:$0x2];
	[bflag:$0x3] =	sbarrier.arrive $0xFFFF;
	s2 =	simm.s32 @!p0 $0x1C03  }
0x484: {  	[timem:s3], [sflag:s2] =	dma.local @!p0 [hbm:s0], s1  }
0x485: {  	s0 =	simm.s32 @!p0 $0x3  }
0x486: {  	_ =	swait.ge @!p0 [sflag:s0], s1  }
0x487: {  	s1 =	ssub.s32 @!p0 $0x0, s1;
	[sflag:s0] =	ssyncset.done @!p0 $0x0  }
0x488: {  	[sflag:s0] =	ssyncadd.s32 @!p0 s1  }
0x489: {  	[bflag:$0x3] =	sbarrier.arrive $0xFFFF  }
0x48a: {  	_ =	shalt  }

// kernel: sparse-core-data-format-call.cloned.1.call-start
scs
called_computation_lowered:
.L_overlay_start_0:
0x0: {  	s2 =	sld [smem:$0x3FD9]  }
0x1: {  	s3 =	sld [smem:$0x3FFE];
	_ =	sdelay $0x1  }
0x2: {  	s1 =	srdreg.scid  }
0x3: {  	s0 =	sand.u32 $0x1, s1  }
0x4: {  	s18 =	sshll.u32 s0, $0xA;
	s2 =	sadd.s32 s3, s2  }
0x5: {  	s2 =	sadd.s32 s2, s18  }
0x6: {  	[smem:$0x3FC4] =	sst s2  }
0x7: {  	_ = 	snop  }
0x8: {  	s19 =	sld [smem:$0x3FC8];
	(tm) =	ssettm $0x1  }
0x9: {  	s20 =	sld [smem:$0x3FFB];
	_ =	sdelay $0x3  }
0xa: {  	_ =	strace s20  }
0xb: {  	s2 =	sld [smem:$0x3FFC];
	_ =	sdelay $0x3  }
0xc: {  	_ =	strace s2  }
0xd: {  	s2 =	sld [smem:$0x3FFD];
	_ =	sdelay $0x3  }
0xe: {  	_ =	strace s2  }
0xf: {  	_ =	strace $0x8FFFFFFF  }
0x10: {  	s21 =	sld [smem:$0x3FDB];
	_ =	sdelay $0x1  }
0x11: {  	s4 =	simm.s32 $_scs_section_size  }
0x12: {  	s5 =	simm.s32 $_size__tile_overlayer_lowered;
	s6 =	simm.s32 $_tile_overlayer_lowered  }
0x13: {  	s7 =	simm.s32 $0x1BFF;
	s22 =	sshll.u32 s6, $0x1;
	s4 =	sadd.s32 s4, s21  }
0x14: {  	s23 =	simm.s32 $0x0;
	s5 =	sshll.u32 s5, $0x1;
	s6 =	sadd.s32 s22, s4  }
0x15: {  	[timem:s23], [sflag:s7] =	dma.local [hbm:s6], s5  }
0x16: {  	_ =	swait.ge [sflag:s7], s5  }
0x17: {  	s5 =	ssub.s32 $0x0, s5;
	[sflag:s7] =	ssyncset.done $0x0  }
0x18: {  	[sflag:s7] =	ssyncadd.s32 s5;
	_ =	sdelay $0x1  }
0x19: {  	s24 =	simm.s32 $0x1B8B  }
0x1a: {  	_ =	swait.ge [sflag:s24], $0x1  }
0x1b: {  	[sflag:s24] =	ssyncset.done $0x0  }
0x1c: {  	[sflag:s24] =	ssyncadd.s32 $0xFFFFFFFF  }
0x1d: {  	s5 =	sld [smem:$0x0]  }
0x1e: {  	s6 =	sand.u32 $0xFFFFFFFE, s1  }
0x1f: {  	p0 =	sne.s32 s1, s6  }
0x20: {  	s6 =	sshll.u32 @p0 s6, $0xE  }
0x21: {  	s6 =	sadd.s32 @p0 $0x11B8D, s6;
	s7 =	sshll.u32 @p0 s5, $0x11  }
0x22: {  	s6 =	sor.u32 @p0 s7, s6  }
0x23: {  	[sflag:s6] =	ssyncadd.remote.s32 @p0 $0x1;
	_ =	sdelay $0x1  }
0x24: {  	s6 =	simm.s32 @p0 $0x1B8D  }
0x25: {  	_ =	swait.eq @p0 [sflag:s6], $0x1  }
0x26: {  	[sflag:s6] =	ssyncadd.s32 @p0 $0xFFFFFFFF  }
0x27: {  	s7 =	sshll.u32 @!p0 s1, $0xE  }
0x28: {  	s7 =	sor.u32 @!p0 $0x4000, s7;
	s6 =	simm.s32 @!p0 $0x1B8D  }
0x29: {  	s5 =	sshll.u32 @!p0 s5, $0x11;
	s7 =	sadd.s32 @!p0 $0x11B8D, s7;
	_ =	swait.eq @!p0 [sflag:s6], $0x1  }
0x2a: {  	s5 =	sor.u32 @!p0 s5, s7;
	[sflag:s6] =	ssyncadd.s32 @!p0 $0xFFFFFFFF  }
0x2b: {  	s26 =	simm.s32 $0x1B8E;
	s25 =	sld [smem:$0x3FFE];
	[sflag:s5] =	ssyncadd.remote.s32 @!p0 $0x1  }
0x2c: {  	s27 =	simm.s32 $execute0_lowered;
	[smem:$0x3FD2] =	sst s26  }
0x2d: {  	s6 =	sshll.u32 s27, $0x1;
	_ =	strace $0x8000004C;
	[dreg:$0x1] =	wrdreg $0xFFFFFFFF  }
0x2e: {  	s28 =	simm.s32 $_size_execute0_lowered;
	s4 =	sadd.s32 s4, s6;
	[dreg:$0x0] =	wrdreg $0x0  }
0x2f: {  	s6 =	sshll.u32 s28, $0x1;
	[dreg:$0x2] =	wrdreg s4  }
0x30: {  	[dreg:$0x3] =	wrdreg s6  }
0x31: {  	[dreg:$0x4] =	wrdreg $0xC0  }
0x32: {  	_ =	task [dreg:s23], $0x5FFFF  }
0x33: {  	[dreg:$0x1] =	wrdreg $0xFFFFFFFF  }
0x34: {  	[dreg:$0x0] =	wrdreg $0x60  }
0x35: {  	[dreg:$0x2] =	wrdreg s19  }
0x36: {  	[dreg:$0x3] =	wrdreg s25  }
0x37: {  	[dreg:$0x4] =	wrdreg $0x9  }
0x38: {  	_ =	task.clear_ibuf [dreg:s23], $0x5FFFF;
	_ =	strace $0x9000004C  }
0x39: {  	s29 =	simm.s32 $0x9;
	_ =	strace $0x8000004E  }
0x3a: {  	_ =	swait.ge [sflag:s29], $0x1  }
0x3b: {  	[sflag:s29] =	ssyncadd.s32 $0xFFFFFFFF  }
0x3c: {  	_ =	strace $0x9000004E  }
0x3d: {  	_ =	sfence  }
0x3e: {  	s30 =	sld [smem:$0x0];
	_ =	sdelay $0x2  }
0x3f: {  	s31 =	sshll.u32 s1, $0xD;
	s1 =	sshrl.u32 s1, $0x2  }
0x40: {  	s4 =	sand.u32 $0x4000, s31;
	s1 =	sadd.s32 s1, s30  }
0x41: {  	s0 =	sor.u32 s4, s0;
	s1 =	sshll.u32 s1, $0x11  }
0x42: {  	s0 =	sor.u32 s1, s0  }
0x43: {  	s0 =	sadd.s32 $0x8F2B, s0  }
0x44: {  	[sflag:s0] =	ssyncadd.remote.s32 $0x1  }
0x45: {  	_ =	sfence.sel $0xFFFF  }
0x46: {  	[dreg:$0x0] =	wrdreg $0xFFFFFFFF;
	(pc) =	sbr.abs _section_cstart, $3  }
0x47: {  	[dreg:$0x1] =	wrdreg $0xFFFFFFFF  }
0x48: {  	_ =	task.clear_ibuf [dreg:s23], $0x2FFFF;
	_ =	strace $0x9FFFFFFF  }
0x49: {  	(tm) =	ssettm $0x7FFFFFFF  }
tec
execute0_lowered:
.L_overlay_start_1:
0x0: {  	(tag) =	ssettag $0x1  }
0x1: {  	s2 =	rddreg [dreg:$0x0]  }
0x2: {  	s6 =	rddreg [dreg:$0x1];
	s1 =	stileid.u32  }
0x3: {  	s0 =	rddreg [dreg:$0x2];
	s4 =	srdreg.scid;
	_ =	strace $0x8000004D  }
0x4: {  	s9 =	simm.s32 $0x2;
	s17 =	simm.s32 $0x0;
	p0 =	por $0x0, $0x0  }
0x5: {  	s15 =	simm.s32 $0x0;
	s14 =	simm.s32 $0x0;
	s16 =	simm.s32 $0x0  }
0x6: {  	s11 =	simm.s32 $0x0;
	s3 =	sand.u32 $0x1, s1;
	s4 =	sshll.u32 s4, $0x4  }
0x7: {  	s13 =	simm.s32 $0x0;
	s5 =	ssub.s32 $0x2, s3;
	s4 =	sand.u32 $0x10, s4  }
.Ltmp0:
0x8: {  	s7 =	sshrl.u32 s5, $0x1;
	s5 =	sand.u32 $0x1, s5;
	(pc) =	sbr.rel .LBB1_1-.Ltmp0, $4  }
0x9: {  	s8 =	sor.u32 s1, s4;
	s4 =	simm.s32 $0x1;
	s5 =	sadd.s32 s5, s7  }
0xa: {  	s6 =	sadd.s32 $0x493600, s6;
	[sflag:s4] =	ssyncpa.u1 $0x0;
	s5 =	smul.u32 $0x48, s5  }
0xb: {  	s12 =	smov.u32 s3;
	s7 =	sshrl.u32 s8, $0x1;
	[sflag:s9] =	ssyncpa.u1 $0x0  }
0xc: {  	s9 =	simm.s32 $0x0;
	s10 =	smov.u32 s7;
	s8 =	sor.u32 $0x1, s5  }
.LBB1_4:
0xd: {  	s17 =	sshll.u32 s17, $0x7;
	s23 =	sshll.u32 s14, $0x3;
	v5 =	vld [tilespmem:s21+$0xFFFFFFD0];
	[tilespmem:s20+$0x2040 ss:$0x81] =	vst.msk $0xffff, v4  }
0xe: {  	v58 =	vld [tilespmem:s21+$0xFFFFFFE0];
	[tilespmem:s20+$0x2850 ss:$0x81] =	vst.msk $0xffff, v2;
	s24 =	sand.u32 $0xFFFFFC00, s17;
	s23 =	sand.u32 $0xFFFFFC00, s23  }
0xf: {  	s22 =	sshra.s32 s22, $0x2;
	v59 =	vld [tilespmem:s21+$0xFFFFFFF0];
	[tilespmem:s20+$0x3060 ss:$0x81] =	vst.msk $0xffff, v3;
	s17 =	sand.u32 $0x380, s17;
	s23 =	sadd.s32 s23, s24  }
0x10: {  	v60 =	vld [tilespmem:s21+$0x0];
	[tilespmem:s20+$0x0 ss:$0x81] =	vst.msk $0xffff, v0;
	s19 =	sadd.s32 s22, s19;
	s17 =	sor.u32 s17, s23  }
0x11: {  	v61 =	vld [tilespmem:s21+$0x10];
	s16 =	smul.u32 $0x240000, s16;
	[tilespmem:s19+$0x3870 ss:$0x81] =	vst.msk $0xffff, v1;
	s17 =	sshrl.u32 s17, $0x7  }
0x12: {  	v62 =	vld [tilespmem:s21+$0x20];
	s27 =	smulhi.u32 $0xAAAAAB, s17;
	[tilespmem:s19+$0x810 ss:$0x81] =	vst.msk $0xffff, v5  }
0x13: {  	v63 =	vld [tilespmem:s21+$0xFFFFFFC0];
	s15 =	smul.u32 $0x1800, s15;
	[tilespmem:s19+$0x1020 ss:$0x81] =	vst.msk $0xffff, v58  }
0x14: {  	[tilespmem:s19+$0x1830 ss:$0x81] =	vst.msk $0xffff, v59;
	s20 =	smul.u32 $0x180, s27  }
0x15: {  	s28 =	sshrl.u32 s14, $0x3;
	s16 =	sadd.s32 s6, s16;
	[tilespmem:s19+$0x2040 ss:$0x81] =	vst.msk $0xffff, v60  }
0x16: {  	s29 =	sand.u32 $0xF, s28;
	s15 =	sadd.s32 s15, s16;
	[tilespmem:s19+$0x2850 ss:$0x81] =	vst.msk $0xffff, v61;
	s17 =	ssub.s32 s17, s20  }
0x17: {  	s15 =	sadd.s32 s29, s15;
	[tilespmem:s19+$0x3060 ss:$0x81] =	vst.msk $0xffff, v62;
	s30 =	sshll.u32 s17, $0x4  }
0x18: {  	s31 =	sand.u32 $0x7, s14;
	[tilespmem:s19+$0x0 ss:$0x81] =	vst.msk $0xffff, v63;
	s15 =	sadd.s32 s30, s15  }
0x19: {  	[hbm4b:s15+s31] =	stream.linear.scatter [tilespmem:s18], [sflag:$0x2], $0x4000, $0x20;
	[tilespmem:$0x10100] =	vst v63  }
.LBB1_5:
0x1a: {  	s18 =	sadd.s32 $0x80, s9  }
0x1b: {  	s14 =	sadd.s32 $0x10, s10;
	s19 =	smov.u32 s10;
	p2 =	sgt.s32 s18, $0x17F  }
0x1c: {  	s19 =	smov.u32 @p2 s14  }
0x1d: {  	s20 =	smov.u32 s11;
	s14 =	sadd.s32 $0x80, s11;
	p3 =	sgt.s32 s19, $0x17F  }
0x1e: {  	s20 =	smov.u32 @p3 s14  }
0x1f: {  	s21 =	smov.u32 s12;
	s14 =	sadd.s32 $0x2, s12;
	p4 =	sgt.s32 s20, $0x7F  }
0x20: {  	p1 =	slt.u32 s13, $0x2;
	s21 =	smov.u32 @p4 s14  }
0x21: {  	s17 =	smov.u32 s9;
	s18 =	simm.s32 @p2 $0x0;
	p2 =	sgt.s32 s21, $0x1  }
0x22: {  	s22 =	simm.s32 @!p1 $0x2;
	s21 =	smov.u32 @p2 s3;
	p2 =	sne.s32 s13, s8  }
.Ltmp1:
0x23: {  	s15 =	smov.u32 s10;
	_ =	swait.ge @!p1 [sflag:s22], $0x4000;
	(pc) =	sbr.rel @!p2 .LBB1_6-.Ltmp1, $4  }
0x24: {  	s16 =	smov.u32 s12;
	p0 =	por !p0, !p0;
	[sflag:s22] =	ssyncset.done @!p1 $0x0  }
0x25: {  	s9 =	smov.u32 s18;
	s19 =	smov.u32 @p3 s7;
	[sflag:s22] =	ssyncadd.s32 @!p1 $0xFFFFC000  }
0x26: {  	s10 =	smov.u32 s19;
	s20 =	simm.s32 @p4 $0x0;
	s14 =	smov.u32 s11  }
0x27: {  	s11 =	smov.u32 s20;
	s13 =	sadd.s32 $0x1, s13;
	s12 =	smov.u32 s21  }
.LBB1_1:
0x28: {  	p1 =	sge.u32 s13, s5  }
0x29: {  	s18 =	sshrl.u32 @!p1 s10, $0x3  }
0x2a: {  	s19 =	sshll.u32 @!p1 s9, $0x3;
	s18 =	smul.u32 @!p1 $0xC00, s18  }
0x2b: {  	s20 =	sshll.u32 @!p1 s10, $0x7;
	s19 =	sand.u32 @!p1 $0xFFFFFC00, s19  }
0x2c: {  	s18 =	sadd.s32 @!p1 s18, s19;
	s19 =	sand.u32 @!p1 $0x380, s20  }
0x2d: {  	s20 =	sand.u32 @!p1 $0x7F, s9;
	s18 =	sor.u32 @!p1 s19, s18  }
0x2e: {  	s19 =	sor.u32 @!p1 s20, s18;
	s18 =	smulhi.u32 @!p1 $0xAAAAAAAB, s18;
	_ =	sdelay $0x1  }
0x2f: {  	s20 =	smulhi.u32 @!p1 $0xAAAAAAAB, s19;
	s18 =	sshrl.u32 @!p1 s18, $0x8  }
0x30: {  	s21 =	smulhi.u32 @!p1 $0xAAAAAB, s18  }
0x31: {  	s23 =	smul.u32 @!p1 $0x240000, s12  }
0x32: {  	s20 =	sshrl.u32 @!p1 s20, $0x8;
	s21 =	smul.u32 @!p1 $0x180, s21  }
0x33: {  	s31 =	sadd.s32 $0xFFFFFFFF, s13;
	s22 =	sxor.u32 @!p1 $0xFFFFFFFF, s13;
	s20 =	smul.u32 @!p1 $0x180, s20  }
0x34: {  	s22 =	sshll.u32 @!p1 s22, $0xE;
	s18 =	ssub.s32 @!p1 s18, s21;
	s21 =	smul.u32 @!p1 $0x4800, s11  }
0x35: {  	s19 =	ssub.s32 @!p1 s19, s20;
	s20 =	sadd.s32 @!p1 s2, s23;
	s18 =	smul.u32 @!p1 $0x30, s18  }
0x36: {  	s22 =	sand.u32 @!p1 $0x4000, s22;
	s20 =	sadd.s32 @!p1 s21, s20;
	s21 =	sand.u32 @!p1 $0x7, s19  }
0x37: {  	s19 =	sshrl.u32 @!p1 s19, $0x3;
	s18 =	sadd.s32 @!p1 s18, s20;
	s20 =	sshll.u32 @!p1 s21, $0x12  }
0x38: {  	s18 =	sadd.s32 @!p1 s19, s18;
	s19 =	sor.u32 @!p1 $0x80, s20;
	s20 =	simm.s32 @!p1 $0x24000  }
0x39: {  	[tilespmem:s22], [sflag:$0x1] =	stream.strided.gather @!p1 [hbm4b:s18+s19], $0x4000, s20, s19, $0x38;
	[tilespmem:$0x10100] =	vst v63  }
0x3a: {  	p1 =	sge.u32 s31, s5  }
.Ltmp2:
0x3b: {  	_ = 	snop;
	(pc) =	sbr.rel @p1 .LBB1_5-.Ltmp2, $1  }
0x3c: {  	_ =	sdelay $0x3  }
0x3d: {  	s18 =	simm.s32 $0x1  }
0x3e: {  	_ =	swait.ge [sflag:s4], $0x4000;
	s18 =	simm.s32 @!p0 $0x0  }
0x3f: {  	[sflag:s4] =	ssyncset.done $0x0;
	s19 =	sshll.u32 s18, $0xE  }
0x40: {  	[sflag:s4] =	ssyncadd.s32 $0xFFFFC000;
	s21 =	sor.u32 $0x40, s19  }
0x41: {  	s18 =	smul.u32 $0x10200, s18;
	v0 =	vld [tilespmem:s21+$0x30]  }
0x42: {  	v1 =	vld [tilespmem:s21+$0xFFFFFFD0]  }
0x43: {  	s18 =	sshrl.u32 s18, $0x2;
	v5 =	vld [tilespmem:s21+$0xFFFFFFE0]  }
0x44: {  	v6 =	vld [tilespmem:s21+$0xFFFFFFF0];
	s19 =	sor.u32 $0x8000, s18  }
0x45: {  	s31 =	sand.u32 $0x1, s13;
	v4 =	vld [tilespmem:s21+$0x0];
	s20 =	sadd.s32 $0x0, s19  }
0x46: {  	v2 =	vld [tilespmem:s21+$0x10];
	s18 =	smul.u32 $0x10200, s31;
	[tilespmem:s20+$0x3870 ss:$0x81] =	vst.msk $0xffff, v0  }
0x47: {  	v3 =	vld [tilespmem:s21+$0x20];
	[tilespmem:s20+$0x810 ss:$0x81] =	vst.msk $0xffff, v1  }
0x48: {  	s18 =	sshrl.u32 s18, $0x2;
	v0 =	vld [tilespmem:s21+$0xFFFFFFC0];
	[tilespmem:s20+$0x1020 ss:$0x81] =	vst.msk $0xffff, v5;
	s21 =	sadd.s32 $0x80, s21  }
0x49: {  	s22 =	simm.s32 $0x4;
	s23 =	simm.s32 $0x8;
	s18 =	sor.u32 $0x8000, s18;
	[tilespmem:s20+$0x1830 ss:$0x81] =	vst.msk $0xffff, v6;
	v1 =	vld [tilespmem:s21+$0x30]  }
.LBB1_3:
0x4a: {  	p1 =	sne.s32 s23, $0x1FC;
	v5 =	vld [tilespmem:s21+$0xFFFFFFD0];
	[tilespmem:s20+$0x2040 ss:$0x81] =	vst.msk $0xffff, v4  }
0x4b: {  	v6 =	vld [tilespmem:s21+$0xFFFFFFE0];
	[tilespmem:s20+$0x2850 ss:$0x81] =	vst.msk $0xffff, v2  }
0x4c: {  	s24 =	sshra.s32 s22, $0x2;
	s22 =	smov.u32 s23;
	v7 =	vld [tilespmem:s21+$0xFFFFFFF0];
	[tilespmem:s20+$0x3060 ss:$0x81] =	vst.msk $0xffff, v3  }
.Ltmp3:
0x4d: {  	v4 =	vld [tilespmem:s21+$0x0];
	[tilespmem:s20+$0x0 ss:$0x81] =	vst.msk $0xffff, v0;
	s20 =	sadd.s32 s24, s19;
	(pc) =	sbr.rel @p1 .LBB1_3-.Ltmp3, $4  }
0x4e: {  	v2 =	vld [tilespmem:s21+$0x10];
	[tilespmem:s20+$0x3870 ss:$0x81] =	vst.msk $0xffff, v1  }
0x4f: {  	[tilespmem:s20+$0x810 ss:$0x81] =	vst.msk $0xffff, v5;
	v3 =	vld [tilespmem:s21+$0x20]  }
0x50: {  	v0 =	vld [tilespmem:s21+$0xFFFFFFC0];
	[tilespmem:s20+$0x1020 ss:$0x81] =	vst.msk $0xffff, v6;
	s21 =	sadd.s32 $0x80, s21  }
0x51: {  	s23 =	sadd.s32 $0x4, s23;
	v1 =	vld [tilespmem:s21+$0x30];
	[tilespmem:s20+$0x1830 ss:$0x81] =	vst.msk $0xffff, v7  }
.Ltmp4:
0x52: {  	_ = 	snop;
	(pc) =	sbr.rel .LBB1_4-.Ltmp4, $1  }
0x53: {  	_ =	sdelay $0x3  }
.LBB1_6:
0x54: {  	_ =	sfence.sel $0x180000  }
0x55: {  	s2 =	simm.s32 $0x1;
	[bflag:$0x0] =	sbarrier.arrive $0xFFFF  }
0x56: {  	s31 =	simm.s32 $0x2;
	[sflag:s2] =	ssyncpa.u1 $0x1  }
0x57: {  	[sflag:s31] =	ssyncpa.u1 $0x1  }
0x58: {  	p0 =	sne.s32 s1, $0x0;
	_ =	strace $0x9000004D  }
0x59: {  	s0 =	sadd.s32 @!p0 $0x100000, s0;
	[bflag:$0x2] =	sbarrier.arrive $0xFFFF  }
0x5a: {  	[sflag:s0] =	ssyncadd.tile.s32 @!p0 $0x1;
	_ =	shalt  }
.Lfunc_end1:
_tile_overlayer_lowered:
.L_overlay_start_2:
0x5b: {  	(tag) =	ssettag $0x2  }
0x5c: {  	s0 =	rddreg [dreg:$0x0];
	s2 =	stileid.u32  }
0x5d: {  	s1 =	rddreg [dreg:$0x1];
	p0 =	sne.s32 s2, $0x0  }
0x5e: {  	s3 =	rddreg [dreg:$0x2];
	[bflag:$0x3] =	sbarrier.arrive $0xFFFF;
	s2 =	simm.s32 @!p0 $0x1C01  }
0x5f: {  	[timem:s3], [sflag:s2] =	dma.local @!p0 [hbm:s0], s1  }
0x60: {  	s0 =	simm.s32 @!p0 $0x1  }
0x61: {  	_ =	swait.ge @!p0 [sflag:s0], s1  }
0x62: {  	s1 =	ssub.s32 @!p0 $0x0, s1;
	[sflag:s0] =	ssyncset.done @!p0 $0x0  }
0x63: {  	[sflag:s0] =	ssyncadd.s32 @!p0 s1  }
0x64: {  	[bflag:$0x3] =	sbarrier.arrive $0xFFFF  }
0x65: {  	_ =	shalt  }

</sc_bundles>
